<compile_context>
chip_gen: v7x
topology: tpu7x:2x2x1
jax: 0.10.2.dev20260603
libtpu: 0.0.44.dev20260713+nightly
codegen_flags: <defaults>
</compile_context>

<pallas_src>
import functools

import jax
import jax.numpy as jnp
from jax import lax
from jax.experimental import pallas as pl
from jax.experimental.pallas import tpu as pltpu
from jax.experimental.pallas import tpu_sc as plsc

_B, _S, _D = 4, 8192, 1024
_NC, _NS = 2, 16
_NW = _NC * _NS
_ROWS_W = _S // _NW
_R = 32
_NCH = _ROWS_W // _R
_LANES = 16
_VPR = _D // _LANES

_mesh = plsc.VectorSubcoreMesh(core_axis_name="c", subcore_axis_name="s")


@functools.partial(
    pl.kernel,
    mesh=_mesh,
    out_type=jax.ShapeDtypeStruct((_B, _S, _D), jnp.float32),
    scratch_types=[
        pltpu.VMEM((_R, _D), jnp.float32),
        pltpu.VMEM((_R, _D), jnp.float32),
        pltpu.VMEM((_R, _D), jnp.float32),
        pltpu.SemaphoreType.DMA,
        pltpu.SemaphoreType.DMA,
        pltpu.SemaphoreType.DMA,
        pltpu.SemaphoreType.DMA,
    ],
)
def _sc_add(x_hbm, pos_hbm, out_hbm, pos_v, xv0, xv1, in0, in1, ou0, ou1):
    wid = lax.axis_index("s") * _NC + lax.axis_index("c")
    base = wid * _ROWS_W
    xv = (xv0, xv1)
    in_sem = (in0, in1)
    out_sem = (ou0, ou1)

    def add_chunk(buf):
        def row_body(r, carry):
            for j in range(_VPR):
                sl = pl.ds(j * _LANES, _LANES)
                buf[r, sl] = buf[r, sl] + pos_v[r, sl]
            return carry

        lax.fori_loop(0, _R, row_body, 0)

    def chunk_body(c, carry):
        row0 = base + c * _R
        sl_rows = pl.ds(row0, _R)
        pltpu.sync_copy(pos_hbm.at[sl_rows], pos_v)

        in_h = [None] * _B
        out_h = [None] * _B
        in_h[0] = pltpu.async_copy(x_hbm.at[0, sl_rows], xv[0], in_sem[0])
        for b in range(_B):
            if b + 1 < _B:
                if b >= 1:
                    out_h[b - 1].wait()
                in_h[b + 1] = pltpu.async_copy(
                    x_hbm.at[b + 1, sl_rows], xv[(b + 1) % 2], in_sem[(b + 1) % 2]
                )
            in_h[b].wait()
            add_chunk(xv[b % 2])
            out_h[b] = pltpu.async_copy(
                xv[b % 2], out_hbm.at[b, sl_rows], out_sem[b % 2]
            )
        out_h[_B - 2].wait()
        out_h[_B - 1].wait()
        return carry

    lax.fori_loop(0, _NCH, chunk_body, 0)


def kernel(x, pos_embedding):
    return _sc_add(x, pos_embedding)

# --- scband reference (transcript-rebuilt; emitter-appended) ---
"""Pipeline reference for scband-learnable-positional-encoding-12429635355145 (READ-ONLY COPY).

The authoritative reference and input builder live on the scoring server;
editing this copy changes nothing except your own understanding.
"""

import jax, jax.numpy as jnp
import numpy as np

D_MODEL = 1024
SEQ_LEN = 8192
BATCH = 4

def setup_inputs(seed: int = 0) -> dict:
    key = jax.random.key(seed)
    k1, k2 = jax.random.split(key)
    x = jax.random.normal(k1, (BATCH, SEQ_LEN, D_MODEL), dtype=jnp.float32)
    pos_embedding = jax.random.normal(k2, (SEQ_LEN, D_MODEL), dtype=jnp.float32) * 0.02
    return {"x": x, "pos_embedding": pos_embedding}

def reference(x, pos_embedding):
    # positions buffer: arange(seq_len)[None, :], sliced to x.shape[1]
    positions = jnp.arange(SEQ_LEN)[None, :][:, : x.shape[1]]
    pos_emb = jnp.take(pos_embedding, positions, axis=0)  # [1, S, d_model]
    return x + pos_emb

if __name__ == "__main__":
    import jax
    _d = setup_inputs()
    print(jax.jit(kernel)(*tuple(_d.values())))

</pallas_src>

<mosaic_0001>
#map = affine_map<(d0, d1) -> (0, 0, 0)>
#map1 = affine_map<(d0, d1) -> (0, 0)>
module attributes {stable_mosaic.version = 14 : i64} {
  func.func @_sc_add(%arg0: i32, %arg1: i32, %arg2: memref<4x8192x1024xf32, #tpu.memory_space<hbm>>, %arg3: memref<8192x1024xf32, #tpu.memory_space<hbm>>, %arg4: memref<4x8192x1024xf32, #tpu.memory_space<hbm>>, %arg5: memref<32x1024xf32, #tpu.memory_space<vmem>>, %arg6: memref<32x1024xf32, #tpu.memory_space<vmem>>, %arg7: memref<32x1024xf32, #tpu.memory_space<vmem>>, %arg8: memref<!tpu.dma_semaphore, #tpu.memory_space<semaphore_mem>>, %arg9: memref<!tpu.dma_semaphore, #tpu.memory_space<semaphore_mem>>, %arg10: memref<!tpu.dma_semaphore, #tpu.memory_space<semaphore_mem>>, %arg11: memref<!tpu.dma_semaphore, #tpu.memory_space<semaphore_mem>>) attributes {dimension_semantics = [#tpu.dimension_semantics<core_parallel>, #tpu.dimension_semantics<subcore_parallel>], iteration_bounds = array<i64: 2, 16>, scalar_prefetch = 0 : i64, scratch_operands = 7 : i64, tpu.core_type = #tpu.core_type<sc_vector_subcore>, window_params = [{transform_indices = #map}, {transform_indices = #map1}, {transform_indices = #map}]} {
    %mul3A = arith.constant 2 : i32
    %mul3A_0 = arith.muli %arg1, %mul3A : i32
    %add3A = arith.addi %mul3A_0, %arg0 : i32
    %mul3A_1 = arith.constant 256 : i32
    %mul3A_2 = arith.muli %add3A, %mul3A_1 : i32
    %scan3A = arith.constant 0 : i32
    %scan3A_3 = arith.constant 0 : i32
    %scan3A_4 = arith.constant 8 : i32
    %scan3A_5 = arith.addi %scan3A_3, %scan3A_4 : i32
    %scan3A_6 = arith.constant 1 : i32
    scf.for %scan3A_8 = %scan3A_3 to %scan3A_5 step %scan3A_6  : i32 {
      %mul3A_9 = arith.constant 32 : i32
      %mul3A_10 = arith.muli %scan3A_8, %mul3A_9 : i32
      %add3A_11 = arith.addi %mul3A_2, %mul3A_10 : i32
      "tpu.region"() ({
        %run_scoped3A = tpu.sem_alloc : memref<!tpu.dma_semaphore, #tpu.memory_space<semaphore_mem>>
        %dma_start3A_146 = arith.constant 0 : i32
        %dma_start3A_147 = tpu.memref_slice %arg3[%add3A_11, %dma_start3A_146] : memref<8192x1024xf32, #tpu.memory_space<hbm>> -> memref<32x1024xf32, #tpu.memory_space<hbm>>
        %dma_start3A_148 = arith.constant 0 : i32
        %dma_start3A_149 = tpu.memref_slice %arg3[%add3A_11, %dma_start3A_148] : memref<8192x1024xf32, #tpu.memory_space<hbm>> -> memref<32x1024xf32, #tpu.memory_space<hbm>>
        tpu.enqueue_dma source(%dma_start3A_149 : memref<32x1024xf32, #tpu.memory_space<hbm>>) target(%arg5 : memref<32x1024xf32, #tpu.memory_space<vmem>>) target_semaphore(%run_scoped3A : memref<!tpu.dma_semaphore, #tpu.memory_space<semaphore_mem>>)
        %dma_wait3A_150 = arith.constant 0 : i32
        %dma_wait3A_151 = tpu.memref_slice %arg3[%add3A_11, %dma_wait3A_150] : memref<8192x1024xf32, #tpu.memory_space<hbm>> -> memref<32x1024xf32, #tpu.memory_space<hbm>>
        %dma_wait3A_152 = arith.constant 0 : i32
        %dma_wait3A_153 = tpu.memref_slice %arg3[%add3A_11, %dma_wait3A_152] : memref<8192x1024xf32, #tpu.memory_space<hbm>> -> memref<32x1024xf32, #tpu.memory_space<hbm>>
        tpu.wait_dma2 semaphore(%run_scoped3A : memref<!tpu.dma_semaphore, #tpu.memory_space<semaphore_mem>>) src(%dma_wait3A_153 : memref<32x1024xf32, #tpu.memory_space<hbm>>) dst(%arg5 : memref<32x1024xf32, #tpu.memory_space<vmem>>)
        tpu.yield
      }) : () -> ()
      %dma_start3A = arith.constant 0 : i32
      %dma_start3A_12 = arith.constant 0 : i32
      %dma_start3A_13 = tpu.memref_slice %arg2[%dma_start3A, %add3A_11, %dma_start3A_12] : memref<4x8192x1024xf32, #tpu.memory_space<hbm>> -> memref<1x32x1024xf32, #tpu.memory_space<hbm>>
      %dma_start3A_14 = tpu.memref_squeeze %dma_start3A_13 : memref<1x32x1024xf32, #tpu.memory_space<hbm>> -> memref<32x1024xf32, #tpu.memory_space<hbm>>
      %dma_start3A_15 = arith.constant 0 : i32
      %dma_start3A_16 = tpu.memref_slice %arg2[%dma_start3A, %add3A_11, %dma_start3A_15] : memref<4x8192x1024xf32, #tpu.memory_space<hbm>> -> memref<1x32x1024xf32, #tpu.memory_space<hbm>>
      %dma_start3A_17 = tpu.memref_squeeze %dma_start3A_16 : memref<1x32x1024xf32, #tpu.memory_space<hbm>> -> memref<32x1024xf32, #tpu.memory_space<hbm>>
      tpu.enqueue_dma source(%dma_start3A_17 : memref<32x1024xf32, #tpu.memory_space<hbm>>) target(%arg6 : memref<32x1024xf32, #tpu.memory_space<vmem>>) target_semaphore(%arg8 : memref<!tpu.dma_semaphore, #tpu.memory_space<semaphore_mem>>)
      %dma_start3A_18 = arith.constant 1 : i32
      %dma_start3A_19 = arith.constant 0 : i32
      %dma_start3A_20 = tpu.memref_slice %arg2[%dma_start3A_18, %add3A_11, %dma_start3A_19] : memref<4x8192x1024xf32, #tpu.memory_space<hbm>> -> memref<1x32x1024xf32, #tpu.memory_space<hbm>>
      %dma_start3A_21 = tpu.memref_squeeze %dma_start3A_20 : memref<1x32x1024xf32, #tpu.memory_space<hbm>> -> memref<32x1024xf32, #tpu.memory_space<hbm>>
      %dma_start3A_22 = arith.constant 0 : i32
      %dma_start3A_23 = tpu.memref_slice %arg2[%dma_start3A_18, %add3A_11, %dma_start3A_22] : memref<4x8192x1024xf32, #tpu.memory_space<hbm>> -> memref<1x32x1024xf32, #tpu.memory_space<hbm>>
      %dma_start3A_24 = tpu.memref_squeeze %dma_start3A_23 : memref<1x32x1024xf32, #tpu.memory_space<hbm>> -> memref<32x1024xf32, #tpu.memory_space<hbm>>
      tpu.enqueue_dma source(%dma_start3A_24 : memref<32x1024xf32, #tpu.memory_space<hbm>>) target(%arg7 : memref<32x1024xf32, #tpu.memory_space<vmem>>) target_semaphore(%arg9 : memref<!tpu.dma_semaphore, #tpu.memory_space<semaphore_mem>>)
      %dma_wait3A = arith.constant 0 : i32
      %dma_wait3A_25 = arith.constant 0 : i32
      %dma_wait3A_26 = tpu.memref_slice %arg2[%dma_wait3A, %add3A_11, %dma_wait3A_25] : memref<4x8192x1024xf32, #tpu.memory_space<hbm>> -> memref<1x32x1024xf32, #tpu.memory_space<hbm>>
      %dma_wait3A_27 = tpu.memref_squeeze %dma_wait3A_26 : memref<1x32x1024xf32, #tpu.memory_space<hbm>> -> memref<32x1024xf32, #tpu.memory_space<hbm>>
      %dma_wait3A_28 = arith.constant 0 : i32
      %dma_wait3A_29 = tpu.memref_slice %arg2[%dma_wait3A, %add3A_11, %dma_wait3A_28] : memref<4x8192x1024xf32, #tpu.memory_space<hbm>> -> memref<1x32x1024xf32, #tpu.memory_space<hbm>>
      %dma_wait3A_30 = tpu.memref_squeeze %dma_wait3A_29 : memref<1x32x1024xf32, #tpu.memory_space<hbm>> -> memref<32x1024xf32, #tpu.memory_space<hbm>>
      tpu.wait_dma2 semaphore(%arg8 : memref<!tpu.dma_semaphore, #tpu.memory_space<semaphore_mem>>) src(%dma_wait3A_30 : memref<32x1024xf32, #tpu.memory_space<hbm>>) dst(%arg6 : memref<32x1024xf32, #tpu.memory_space<vmem>>)
      %scan3A_31 = arith.constant 0 : i32
      %scan3A_32 = arith.constant 0 : i32
      %scan3A_33 = arith.constant 32 : i32
      %scan3A_34 = arith.addi %scan3A_32, %scan3A_33 : i32
      %scan3A_35 = arith.constant 1 : i32
      scf.for %scan3A_146 = %scan3A_32 to %scan3A_34 step %scan3A_35  : i32 {
        %get3A = arith.index_cast %scan3A_146 : i32 to index
        %get3A_147 = arith.constant 0 : index
        %get3A_148 = tpu.vector_load %arg6[%get3A, %get3A_147] {strides = array<i32>} : memref<32x1024xf32, #tpu.memory_space<vmem>>, vector<1x16xf32>,
        %get3A_149 = vector.shape_cast %get3A_148 : vector<1x16xf32> to vector<16xf32>
        %get3A_150 = arith.index_cast %scan3A_146 : i32 to index
        %get3A_151 = arith.constant 0 : index
        %get3A_152 = tpu.vector_load %arg5[%get3A_150, %get3A_151] {strides = array<i32>} : memref<32x1024xf32, #tpu.memory_space<vmem>>, vector<1x16xf32>,
        %get3A_153 = vector.shape_cast %get3A_152 : vector<1x16xf32> to vector<16xf32>
        %add3A_154 = arith.addf %get3A_149, %get3A_153 : vector<16xf32>
        %swap3A = arith.index_cast %scan3A_146 : i32 to index
        %swap3A_155 = arith.constant 0 : index
        %swap3A_156 = tpu.vector_load %arg6[%swap3A, %swap3A_155] {strides = array<i32>} : memref<32x1024xf32, #tpu.memory_space<vmem>>, vector<1x16xf32>,
        %swap3A_157 = vector.shape_cast %swap3A_156 : vector<1x16xf32> to vector<16xf32>
        %swap3A_158 = vector.shape_cast %add3A_154 : vector<16xf32> to vector<1x16xf32>
        tpu.vector_store %arg6[%swap3A, %swap3A_155], %swap3A_158 {strides = array<i32>} : memref<32x1024xf32, #tpu.memory_space<vmem>>, vector<1x16xf32>,
        %get3A_159 = arith.index_cast %scan3A_146 : i32 to index
        %get3A_160 = arith.constant 16 : index
        %get3A_161 = tpu.vector_load %arg6[%get3A_159, %get3A_160] {strides = array<i32>} : memref<32x1024xf32, #tpu.memory_space<vmem>>, vector<1x16xf32>,
        %get3A_162 = vector.shape_cast %get3A_161 : vector<1x16xf32> to vector<16xf32>
        %get3A_163 = arith.index_cast %scan3A_146 : i32 to index
        %get3A_164 = arith.constant 16 : index
        %get3A_165 = tpu.vector_load %arg5[%get3A_163, %get3A_164] {strides = array<i32>} : memref<32x1024xf32, #tpu.memory_space<vmem>>, vector<1x16xf32>,
        %get3A_166 = vector.shape_cast %get3A_165 : vector<1x16xf32> to vector<16xf32>
        %add3A_167 = arith.addf %get3A_162, %get3A_166 : vector<16xf32>
        %swap3A_168 = arith.index_cast %scan3A_146 : i32 to index
        %swap3A_169 = arith.constant 16 : index
        %swap3A_170 = tpu.vector_load %arg6[%swap3A_168, %swap3A_169] {strides = array<i32>} : memref<32x1024xf32, #tpu.memory_space<vmem>>, vector<1x16xf32>,
        %swap3A_171 = vector.shape_cast %swap3A_170 : vector<1x16xf32> to vector<16xf32>
        %swap3A_172 = vector.shape_cast %add3A_167 : vector<16xf32> to vector<1x16xf32>
        tpu.vector_store %arg6[%swap3A_168, %swap3A_169], %swap3A_172 {strides = array<i32>} : memref<32x1024xf32, #tpu.memory_space<vmem>>, vector<1x16xf32>,
        %get3A_173 = arith.index_cast %scan3A_146 : i32 to index
        %get3A_174 = arith.constant 32 : index
        %get3A_175 = tpu.vector_load %arg6[%get3A_173, %get3A_174] {strides = array<i32>} : memref<32x1024xf32, #tpu.memory_space<vmem>>, vector<1x16xf32>,
        %get3A_176 = vector.shape_cast %get3A_175 : vector<1x16xf32> to vector<16xf32>
        %get3A_177 = arith.index_cast %scan3A_146 : i32 to index
        %get3A_178 = arith.constant 32 : index
        %get3A_179 = tpu.vector_load %arg5[%get3A_177, %get3A_178] {strides = array<i32>} : memref<32x1024xf32, #tpu.memory_space<vmem>>, vector<1x16xf32>,
        %get3A_180 = vector.shape_cast %get3A_179 : vector<1x16xf32> to vector<16xf32>
        %add3A_181 = arith.addf %get3A_176, %get3A_180 : vector<16xf32>
        %swap3A_182 = arith.index_cast %scan3A_146 : i32 to index
        %swap3A_183 = arith.constant 32 : index
        %swap3A_184 = tpu.vector_load %arg6[%swap3A_182, %swap3A_183] {strides = array<i32>} : memref<32x1024xf32, #tpu.memory_space<vmem>>, vector<1x16xf32>,
        %swap3A_185 = vector.shape_cast %swap3A_184 : vector<1x16xf32> to vector<16xf32>
        %swap3A_186 = vector.shape_cast %add3A_181 : vector<16xf32> to vector<1x16xf32>
        tpu.vector_store %arg6[%swap3A_182, %swap3A_183], %swap3A_186 {strides = array<i32>} : memref<32x1024xf32, #tpu.memory_space<vmem>>, vector<1x16xf32>,
        %get3A_187 = arith.index_cast %scan3A_146 : i32 to index
        %get3A_188 = arith.constant 48 : index
        %get3A_189 = tpu.vector_load %arg6[%get3A_187, %get3A_188] {strides = array<i32>} : memref<32x1024xf32, #tpu.memory_space<vmem>>, vector<1x16xf32>,
        %get3A_190 = vector.shape_cast %get3A_189 : vector<1x16xf32> to vector<16xf32>
        %get3A_191 = arith.index_cast %scan3A_146 : i32 to index
        %get3A_192 = arith.constant 48 : index
        %get3A_193 = tpu.vector_load %arg5[%get3A_191, %get3A_192] {strides = array<i32>} : memref<32x1024xf32, #tpu.memory_space<vmem>>, vector<1x16xf32>,
        %get3A_194 = vector.shape_cast %get3A_193 : vector<1x16xf32> to vector<16xf32>
        %add3A_195 = arith.addf %get3A_190, %get3A_194 : vector<16xf32>
        %swap3A_196 = arith.index_cast %scan3A_146 : i32 to index
        %swap3A_197 = arith.constant 48 : index
        %swap3A_198 = tpu.vector_load %arg6[%swap3A_196, %swap3A_197] {strides = array<i32>} : memref<32x1024xf32, #tpu.memory_space<vmem>>, vector<1x16xf32>,
        %swap3A_199 = vector.shape_cast %swap3A_198 : vector<1x16xf32> to vector<16xf32>
        %swap3A_200 = vector.shape_cast %add3A_195 : vector<16xf32> to vector<1x16xf32>
        tpu.vector_store %arg6[%swap3A_196, %swap3A_197], %swap3A_200 {strides = array<i32>} : memref<32x1024xf32, #tpu.memory_space<vmem>>, vector<1x16xf32>,
        %get3A_201 = arith.index_cast %scan3A_146 : i32 to index
        %get3A_202 = arith.constant 64 : index
        %get3A_203 = tpu.vector_load %arg6[%get3A_201, %get3A_202] {strides = array<i32>} : memref<32x1024xf32, #tpu.memory_space<vmem>>, vector<1x16xf32>,
        %get3A_204 = vector.shape_cast %get3A_203 : vector<1x16xf32> to vector<16xf32>
        %get3A_205 = arith.index_cast %scan3A_146 : i32 to index
        %get3A_206 = arith.constant 64 : index
        %get3A_207 = tpu.vector_load %arg5[%get3A_205, %get3A_206] {strides = array<i32>} : memref<32x1024xf32, #tpu.memory_space<vmem>>, vector<1x16xf32>,
        %get3A_208 = vector.shape_cast %get3A_207 : vector<1x16xf32> to vector<16xf32>
        %add3A_209 = arith.addf %get3A_204, %get3A_208 : vector<16xf32>
        %swap3A_210 = arith.index_cast %scan3A_146 : i32 to index
        %swap3A_211 = arith.constant 64 : index
        %swap3A_212 = tpu.vector_load %arg6[%swap3A_210, %swap3A_211] {strides = array<i32>} : memref<32x1024xf32, #tpu.memory_space<vmem>>, vector<1x16xf32>,
        %swap3A_213 = vector.shape_cast %swap3A_212 : vector<1x16xf32> to vector<16xf32>
        %swap3A_214 = vector.shape_cast %add3A_209 : vector<16xf32> to vector<1x16xf32>
        tpu.vector_store %arg6[%swap3A_210, %swap3A_211], %swap3A_214 {strides = array<i32>} : memref<32x1024xf32, #tpu.memory_space<vmem>>, vector<1x16xf32>,
        %get3A_215 = arith.index_cast %scan3A_146 : i32 to index
        %get3A_216 = arith.constant 80 : index
        %get3A_217 = tpu.vector_load %arg6[%get3A_215, %get3A_216] {strides = array<i32>} : memref<32x1024xf32, #tpu.memory_space<vmem>>, vector<1x16xf32>,
        %get3A_218 = vector.shape_cast %get3A_217 : vector<1x16xf32> to vector<16xf32>
        %get3A_219 = arith.index_cast %scan3A_146 : i32 to index
        %get3A_220 = arith.constant 80 : index
        %get3A_221 = tpu.vector_load %arg5[%get3A_219, %get3A_220] {strides = array<i32>} : memref<32x1024xf32, #tpu.memory_space<vmem>>, vector<1x16xf32>,
        %get3A_222 = vector.shape_cast %get3A_221 : vector<1x16xf32> to vector<16xf32>
        %add3A_223 = arith.addf %get3A_218, %get3A_222 : vector<16xf32>
        %swap3A_224 = arith.index_cast %scan3A_146 : i32 to index
        %swap3A_225 = arith.constant 80 : index
        %swap3A_226 = tpu.vector_load %arg6[%swap3A_224, %swap3A_225] {strides = array<i32>} : memref<32x1024xf32, #tpu.memory_space<vmem>>, vector<1x16xf32>,
        %swap3A_227 = vector.shape_cast %swap3A_226 : vector<1x16xf32> to vector<16xf32>
        %swap3A_228 = vector.shape_cast %add3A_223 : vector<16xf32> to vector<1x16xf32>
        tpu.vector_store %arg6[%swap3A_224, %swap3A_225], %swap3A_228 {strides = array<i32>} : memref<32x1024xf32, #tpu.memory_space<vmem>>, vector<1x16xf32>,
        %get3A_229 = arith.index_cast %scan3A_146 : i32 to index
        %get3A_230 = arith.constant 96 : index
        %get3A_231 = tpu.vector_load %arg6[%get3A_229, %get3A_230] {strides = array<i32>} : memref<32x1024xf32, #tpu.memory_space<vmem>>, vector<1x16xf32>,
        %get3A_232 = vector.shape_cast %get3A_231 : vector<1x16xf32> to vector<16xf32>
        %get3A_233 = arith.index_cast %scan3A_146 : i32 to index
        %get3A_234 = arith.constant 96 : index
        %get3A_235 = tpu.vector_load %arg5[%get3A_233, %get3A_234] {strides = array<i32>} : memref<32x1024xf32, #tpu.memory_space<vmem>>, vector<1x16xf32>,
        %get3A_236 = vector.shape_cast %get3A_235 : vector<1x16xf32> to vector<16xf32>
        %add3A_237 = arith.addf %get3A_232, %get3A_236 : vector<16xf32>
        %swap3A_238 = arith.index_cast %scan3A_146 : i32 to index
        %swap3A_239 = arith.constant 96 : index
        %swap3A_240 = tpu.vector_load %arg6[%swap3A_238, %swap3A_239] {strides = array<i32>} : memref<32x1024xf32, #tpu.memory_space<vmem>>, vector<1x16xf32>,
        %swap3A_241 = vector.shape_cast %swap3A_240 : vector<1x16xf32> to vector<16xf32>
        %swap3A_242 = vector.shape_cast %add3A_237 : vector<16xf32> to vector<1x16xf32>
        tpu.vector_store %arg6[%swap3A_238, %swap3A_239], %swap3A_242 {strides = array<i32>} : memref<32x1024xf32, #tpu.memory_space<vmem>>, vector<1x16xf32>,
        %get3A_243 = arith.index_cast %scan3A_146 : i32 to index
        %get3A_244 = arith.constant 112 : index
        %get3A_245 = tpu.vector_load %arg6[%get3A_243, %get3A_244] {strides = array<i32>} : memref<32x1024xf32, #tpu.memory_space<vmem>>, vector<1x16xf32>,
        %get3A_246 = vector.shape_cast %get3A_245 : vector<1x16xf32> to vector<16xf32>
        %get3A_247 = arith.index_cast %scan3A_146 : i32 to index
        %get3A_248 = arith.constant 112 : index
        %get3A_249 = tpu.vector_load %arg5[%get3A_247, %get3A_248] {strides = array<i32>} : memref<32x1024xf32, #tpu.memory_space<vmem>>, vector<1x16xf32>,
        %get3A_250 = vector.shape_cast %get3A_249 : vector<1x16xf32> to vector<16xf32>
        %add3A_251 = arith.addf %get3A_246, %get3A_250 : vector<16xf32>
        %swap3A_252 = arith.index_cast %scan3A_146 : i32 to index
        %swap3A_253 = arith.constant 112 : index
        %swap3A_254 = tpu.vector_load %arg6[%swap3A_252, %swap3A_253] {strides = array<i32>} : memref<32x1024xf32, #tpu.memory_space<vmem>>, vector<1x16xf32>,
        %swap3A_255 = vector.shape_cast %swap3A_254 : vector<1x16xf32> to vector<16xf32>
        %swap3A_256 = vector.shape_cast %add3A_251 : vector<16xf32> to vector<1x16xf32>
        tpu.vector_store %arg6[%swap3A_252, %swap3A_253], %swap3A_256 {strides = array<i32>} : memref<32x1024xf32, #tpu.memory_space<vmem>>, vector<1x16xf32>,
        %get3A_257 = arith.index_cast %scan3A_146 : i32 to index
        %get3A_258 = arith.constant 128 : index
        %get3A_259 = tpu.vector_load %arg6[%get3A_257, %get3A_258] {strides = array<i32>} : memref<32x1024xf32, #tpu.memory_space<vmem>>, vector<1x16xf32>,
        %get3A_260 = vector.shape_cast %get3A_259 : vector<1x16xf32> to vector<16xf32>
        %get3A_261 = arith.index_cast %scan3A_146 : i32 to index
        %get3A_262 = arith.constant 128 : index
        %get3A_263 = tpu.vector_load %arg5[%get3A_261, %get3A_262] {strides = array<i32>} : memref<32x1024xf32, #tpu.memory_space<vmem>>, vector<1x16xf32>,
        %get3A_264 = vector.shape_cast %get3A_263 : vector<1x16xf32> to vector<16xf32>
        %add3A_265 = arith.addf %get3A_260, %get3A_264 : vector<16xf32>
        %swap3A_266 = arith.index_cast %scan3A_146 : i32 to index
        %swap3A_267 = arith.constant 128 : index
        %swap3A_268 = tpu.vector_load %arg6[%swap3A_266, %swap3A_267] {strides = array<i32>} : memref<32x1024xf32, #tpu.memory_space<vmem>>, vector<1x16xf32>,
        %swap3A_269 = vector.shape_cast %swap3A_268 : vector<1x16xf32> to vector<16xf32>
        %swap3A_270 = vector.shape_cast %add3A_265 : vector<16xf32> to vector<1x16xf32>
        tpu.vector_store %arg6[%swap3A_266, %swap3A_267], %swap3A_270 {strides = array<i32>} : memref<32x1024xf32, #tpu.memory_space<vmem>>, vector<1x16xf32>,
        %get3A_271 = arith.index_cast %scan3A_146 : i32 to index
        %get3A_272 = arith.constant 144 : index
        %get3A_273 = tpu.vector_load %arg6[%get3A_271, %get3A_272] {strides = array<i32>} : memref<32x1024xf32, #tpu.memory_space<vmem>>, vector<1x16xf32>,
        %get3A_274 = vector.shape_cast %get3A_273 : vector<1x16xf32> to vector<16xf32>
        %get3A_275 = arith.index_cast %scan3A_146 : i32 to index
        %get3A_276 = arith.constant 144 : index
        %get3A_277 = tpu.vector_load %arg5[%get3A_275, %get3A_276] {strides = array<i32>} : memref<32x1024xf32, #tpu.memory_space<vmem>>, vector<1x16xf32>,
        %get3A_278 = vector.shape_cast %get3A_277 : vector<1x16xf32> to vector<16xf32>
        %add3A_279 = arith.addf %get3A_274, %get3A_278 : vector<16xf32>
        %swap3A_280 = arith.index_cast %scan3A_146 : i32 to index
        %swap3A_281 = arith.constant 144 : index
        %swap3A_282 = tpu.vector_load %arg6[%swap3A_280, %swap3A_281] {strides = array<i32>} : memref<32x1024xf32, #tpu.memory_space<vmem>>, vector<1x16xf32>,
        %swap3A_283 = vector.shape_cast %swap3A_282 : vector<1x16xf32> to vector<16xf32>
        %swap3A_284 = vector.shape_cast %add3A_279 : vector<16xf32> to vector<1x16xf32>
        tpu.vector_store %arg6[%swap3A_280, %swap3A_281], %swap3A_284 {strides = array<i32>} : memref<32x1024xf32, #tpu.memory_space<vmem>>, vector<1x16xf32>,
        %get3A_285 = arith.index_cast %scan3A_146 : i32 to index
        %get3A_286 = arith.constant 160 : index
        %get3A_287 = tpu.vector_load %arg6[%get3A_285, %get3A_286] {strides = array<i32>} : memref<32x1024xf32, #tpu.memory_space<vmem>>, vector<1x16xf32>,
        %get3A_288 = vector.shape_cast %get3A_287 : vector<1x16xf32> to vector<16xf32>
        %get3A_289 = arith.index_cast %scan3A_146 : i32 to index
        %get3A_290 = arith.constant 160 : index
        %get3A_291 = tpu.vector_load %arg5[%get3A_289, %get3A_290] {strides = array<i32>} : memref<32x1024xf32, #tpu.memory_space<vmem>>, vector<1x16xf32>,
        %get3A_292 = vector.shape_cast %get3A_291 : vector<1x16xf32> to vector<16xf32>
        %add3A_293 = arith.addf %get3A_288, %get3A_292 : vector<16xf32>
        %swap3A_294 = arith.index_cast %scan3A_146 : i32 to index
        %swap3A_295 = arith.constant 160 : index
        %swap3A_296 = tpu.vector_load %arg6[%swap3A_294, %swap3A_295] {strides = array<i32>} : memref<32x1024xf32, #tpu.memory_space<vmem>>, vector<1x16xf32>,
        %swap3A_297 = vector.shape_cast %swap3A_296 : vector<1x16xf32> to vector<16xf32>
        %swap3A_298 = vector.shape_cast %add3A_293 : vector<16xf32> to vector<1x16xf32>
        tpu.vector_store %arg6[%swap3A_294, %swap3A_295], %swap3A_298 {strides = array<i32>} : memref<32x1024xf32, #tpu.memory_space<vmem>>, vector<1x16xf32>,
        %get3A_299 = arith.index_cast %scan3A_146 : i32 to index
        %get3A_300 = arith.constant 176 : index
        %get3A_301 = tpu.vector_load %arg6[%get3A_299, %get3A_300] {strides = array<i32>} : memref<32x1024xf32, #tpu.memory_space<vmem>>, vector<1x16xf32>,
        %get3A_302 = vector.shape_cast %get3A_301 : vector<1x16xf32> to vector<16xf32>
        %get3A_303 = arith.index_cast %scan3A_146 : i32 to index
        %get3A_304 = arith.constant 176 : index
        %get3A_305 = tpu.vector_load %arg5[%get3A_303, %get3A_304] {strides = array<i32>} : memref<32x1024xf32, #tpu.memory_space<vmem>>, vector<1x16xf32>,
        %get3A_306 = vector.shape_cast %get3A_305 : vector<1x16xf32> to vector<16xf32>
        %add3A_307 = arith.addf %get3A_302, %get3A_306 : vector<16xf32>
        %swap3A_308 = arith.index_cast %scan3A_146 : i32 to index
        %swap3A_309 = arith.constant 176 : index
        %swap3A_310 = tpu.vector_load %arg6[%swap3A_308, %swap3A_309] {strides = array<i32>} : memref<32x1024xf32, #tpu.memory_space<vmem>>, vector<1x16xf32>,
        %swap3A_311 = vector.shape_cast %swap3A_310 : vector<1x16xf32> to vector<16xf32>
        %swap3A_312 = vector.shape_cast %add3A_307 : vector<16xf32> to vector<1x16xf32>
        tpu.vector_store %arg6[%swap3A_308, %swap3A_309], %swap3A_312 {strides = array<i32>} : memref<32x1024xf32, #tpu.memory_space<vmem>>, vector<1x16xf32>,
        %get3A_313 = arith.index_cast %scan3A_146 : i32 to index
        %get3A_314 = arith.constant 192 : index
        %get3A_315 = tpu.vector_load %arg6[%get3A_313, %get3A_314] {strides = array<i32>} : memref<32x1024xf32, #tpu.memory_space<vmem>>, vector<1x16xf32>,
        %get3A_316 = vector.shape_cast %get3A_315 : vector<1x16xf32> to vector<16xf32>
        %get3A_317 = arith.index_cast %scan3A_146 : i32 to index
        %get3A_318 = arith.constant 192 : index
        %get3A_319 = tpu.vector_load %arg5[%get3A_317, %get3A_318] {strides = array<i32>} : memref<32x1024xf32, #tpu.memory_space<vmem>>, vector<1x16xf32>,
        %get3A_320 = vector.shape_cast %get3A_319 : vector<1x16xf32> to vector<16xf32>
        %add3A_321 = arith.addf %get3A_316, %get3A_320 : vector<16xf32>
        %swap3A_322 = arith.index_cast %scan3A_146 : i32 to index
        %swap3A_323 = arith.constant 192 : index
        %swap3A_324 = tpu.vector_load %arg6[%swap3A_322, %swap3A_323] {strides = array<i32>} : memref<32x1024xf32, #tpu.memory_space<vmem>>, vector<1x16xf32>,
        %swap3A_325 = vector.shape_cast %swap3A_324 : vector<1x16xf32> to vector<16xf32>
        %swap3A_326 = vector.shape_cast %add3A_321 : vector<16xf32> to vector<1x16xf32>
        tpu.vector_store %arg6[%swap3A_322, %swap3A_323], %swap3A_326 {strides = array<i32>} : memref<32x1024xf32, #tpu.memory_space<vmem>>, vector<1x16xf32>,
        %get3A_327 = arith.index_cast %scan3A_146 : i32 to index
        %get3A_328 = arith.constant 208 : index
        %get3A_329 = tpu.vector_load %arg6[%get3A_327, %get3A_328] {strides = array<i32>} : memref<32x1024xf32, #tpu.memory_space<vmem>>, vector<1x16xf32>,
        %get3A_330 = vector.shape_cast %get3A_329 : vector<1x16xf32> to vector<16xf32>
        %get3A_331 = arith.index_cast %scan3A_146 : i32 to index
        %get3A_332 = arith.constant 208 : index
        %get3A_333 = tpu.vector_load %arg5[%get3A_331, %get3A_332] {strides = array<i32>} : memref<32x1024xf32, #tpu.memory_space<vmem>>, vector<1x16xf32>,
        %get3A_334 = vector.shape_cast %get3A_333 : vector<1x16xf32> to vector<16xf32>
        %add3A_335 = arith.addf %get3A_330, %get3A_334 : vector<16xf32>
        %swap3A_336 = arith.index_cast %scan3A_146 : i32 to index
        %swap3A_337 = arith.constant 208 : index
        %swap3A_338 = tpu.vector_load %arg6[%swap3A_336, %swap3A_337] {strides = array<i32>} : memref<32x1024xf32, #tpu.memory_space<vmem>>, vector<1x16xf32>,
        %swap3A_339 = vector.shape_cast %swap3A_338 : vector<1x16xf32> to vector<16xf32>
        %swap3A_340 = vector.shape_cast %add3A_335 : vector<16xf32> to vector<1x16xf32>
        tpu.vector_store %arg6[%swap3A_336, %swap3A_337], %swap3A_340 {strides = array<i32>} : memref<32x1024xf32, #tpu.memory_space<vmem>>, vector<1x16xf32>,
        %get3A_341 = arith.index_cast %scan3A_146 : i32 to index
        %get3A_342 = arith.constant 224 : index
        %get3A_343 = tpu.vector_load %arg6[%get3A_341, %get3A_342] {strides = array<i32>} : memref<32x1024xf32, #tpu.memory_space<vmem>>, vector<1x16xf32>,
        %get3A_344 = vector.shape_cast %get3A_343 : vector<1x16xf32> to vector<16xf32>
        %get3A_345 = arith.index_cast %scan3A_146 : i32 to index
        %get3A_346 = arith.constant 224 : index
        %get3A_347 = tpu.vector_load %arg5[%get3A_345, %get3A_346] {strides = array<i32>} : memref<32x1024xf32, #tpu.memory_space<vmem>>, vector<1x16xf32>,
        %get3A_348 = vector.shape_cast %get3A_347 : vector<1x16xf32> to vector<16xf32>
        %add3A_349 = arith.addf %get3A_344, %get3A_348 : vector<16xf32>
        %swap3A_350 = arith.index_cast %scan3A_146 : i32 to index
        %swap3A_351 = arith.constant 224 : index
        %swap3A_352 = tpu.vector_load %arg6[%swap3A_350, %swap3A_351] {strides = array<i32>} : memref<32x1024xf32, #tpu.memory_space<vmem>>, vector<1x16xf32>,
        %swap3A_353 = vector.shape_cast %swap3A_352 : vector<1x16xf32> to vector<16xf32>
        %swap3A_354 = vector.shape_cast %add3A_349 : vector<16xf32> to vector<1x16xf32>
        tpu.vector_store %arg6[%swap3A_350, %swap3A_351], %swap3A_354 {strides = array<i32>} : memref<32x1024xf32, #tpu.memory_space<vmem>>, vector<1x16xf32>,
        %get3A_355 = arith.index_cast %scan3A_146 : i32 to index
        %get3A_356 = arith.constant 240 : index
        %get3A_357 = tpu.vector_load %arg6[%get3A_355, %get3A_356] {strides = array<i32>} : memref<32x1024xf32, #tpu.memory_space<vmem>>, vector<1x16xf32>,
        %get3A_358 = vector.shape_cast %get3A_357 : vector<1x16xf32> to vector<16xf32>
        %get3A_359 = arith.index_cast %scan3A_146 : i32 to index
        %get3A_360 = arith.constant 240 : index
        %get3A_361 = tpu.vector_load %arg5[%get3A_359, %get3A_360] {strides = array<i32>} : memref<32x1024xf32, #tpu.memory_space<vmem>>, vector<1x16xf32>,
        %get3A_362 = vector.shape_cast %get3A_361 : vector<1x16xf32> to vector<16xf32>
        %add3A_363 = arith.addf %get3A_358, %get3A_362 : vector<16xf32>
        %swap3A_364 = arith.index_cast %scan3A_146 : i32 to index
        %swap3A_365 = arith.constant 240 : index
        %swap3A_366 = tpu.vector_load %arg6[%swap3A_364, %swap3A_365] {strides = array<i32>} : memref<32x1024xf32, #tpu.memory_space<vmem>>, vector<1x16xf32>,
        %swap3A_367 = vector.shape_cast %swap3A_366 : vector<1x16xf32> to vector<16xf32>
        %swap3A_368 = vector.shape_cast %add3A_363 : vector<16xf32> to vector<1x16xf32>
        tpu.vector_store %arg6[%swap3A_364, %swap3A_365], %swap3A_368 {strides = array<i32>} : memref<32x1024xf32, #tpu.memory_space<vmem>>, vector<1x16xf32>,
        %get3A_369 = arith.index_cast %scan3A_146 : i32 to index
        %get3A_370 = arith.constant 256 : index
        %get3A_371 = tpu.vector_load %arg6[%get3A_369, %get3A_370] {strides = array<i32>} : memref<32x1024xf32, #tpu.memory_space<vmem>>, vector<1x16xf32>,
        %get3A_372 = vector.shape_cast %get3A_371 : vector<1x16xf32> to vector<16xf32>
        %get3A_373 = arith.index_cast %scan3A_146 : i32 to index
        %get3A_374 = arith.constant 256 : index
        %get3A_375 = tpu.vector_load %arg5[%get3A_373, %get3A_374] {strides = array<i32>} : memref<32x1024xf32, #tpu.memory_space<vmem>>, vector<1x16xf32>,
        %get3A_376 = vector.shape_cast %get3A_375 : vector<1x16xf32> to vector<16xf32>
        %add3A_377 = arith.addf %get3A_372, %get3A_376 : vector<16xf32>
        %swap3A_378 = arith.index_cast %scan3A_146 : i32 to index
        %swap3A_379 = arith.constant 256 : index
        %swap3A_380 = tpu.vector_load %arg6[%swap3A_378, %swap3A_379] {strides = array<i32>} : memref<32x1024xf32, #tpu.memory_space<vmem>>, vector<1x16xf32>,
        %swap3A_381 = vector.shape_cast %swap3A_380 : vector<1x16xf32> to vector<16xf32>
        %swap3A_382 = vector.shape_cast %add3A_377 : vector<16xf32> to vector<1x16xf32>
        tpu.vector_store %arg6[%swap3A_378, %swap3A_379], %swap3A_382 {strides = array<i32>} : memref<32x1024xf32, #tpu.memory_space<vmem>>, vector<1x16xf32>,
        %get3A_383 = arith.index_cast %scan3A_146 : i32 to index
        %get3A_384 = arith.constant 272 : index
        %get3A_385 = tpu.vector_load %arg6[%get3A_383, %get3A_384] {strides = array<i32>} : memref<32x1024xf32, #tpu.memory_space<vmem>>, vector<1x16xf32>,
        %get3A_386 = vector.shape_cast %get3A_385 : vector<1x16xf32> to vector<16xf32>
        %get3A_387 = arith.index_cast %scan3A_146 : i32 to index
        %get3A_388 = arith.constant 272 : index
        %get3A_389 = tpu.vector_load %arg5[%get3A_387, %get3A_388] {strides = array<i32>} : memref<32x1024xf32, #tpu.memory_space<vmem>>, vector<1x16xf32>,
        %get3A_390 = vector.shape_cast %get3A_389 : vector<1x16xf32> to vector<16xf32>
        %add3A_391 = arith.addf %get3A_386, %get3A_390 : vector<16xf32>
        %swap3A_392 = arith.index_cast %scan3A_146 : i32 to index
        %swap3A_393 = arith.constant 272 : index
        %swap3A_394 = tpu.vector_load %arg6[%swap3A_392, %swap3A_393] {strides = array<i32>} : memref<32x1024xf32, #tpu.memory_space<vmem>>, vector<1x16xf32>,
        %swap3A_395 = vector.shape_cast %swap3A_394 : vector<1x16xf32> to vector<16xf32>
        %swap3A_396 = vector.shape_cast %add3A_391 : vector<16xf32> to vector<1x16xf32>
        tpu.vector_store %arg6[%swap3A_392, %swap3A_393], %swap3A_396 {strides = array<i32>} : memref<32x1024xf32, #tpu.memory_space<vmem>>, vector<1x16xf32>,
        %get3A_397 = arith.index_cast %scan3A_146 : i32 to index
        %get3A_398 = arith.constant 288 : index
        %get3A_399 = tpu.vector_load %arg6[%get3A_397, %get3A_398] {strides = array<i32>} : memref<32x1024xf32, #tpu.memory_space<vmem>>, vector<1x16xf32>,
        %get3A_400 = vector.shape_cast %get3A_399 : vector<1x16xf32> to vector<16xf32>
        %get3A_401 = arith.index_cast %scan3A_146 : i32 to index
        %get3A_402 = arith.constant 288 : index
        %get3A_403 = tpu.vector_load %arg5[%get3A_401, %get3A_402] {strides = array<i32>} : memref<32x1024xf32, #tpu.memory_space<vmem>>, vector<1x16xf32>,
        %get3A_404 = vector.shape_cast %get3A_403 : vector<1x16xf32> to vector<16xf32>
        %add3A_405 = arith.addf %get3A_400, %get3A_404 : vector<16xf32>
        %swap3A_406 = arith.index_cast %scan3A_146 : i32 to index
        %swap3A_407 = arith.constant 288 : index
        %swap3A_408 = tpu.vector_load %arg6[%swap3A_406, %swap3A_407] {strides = array<i32>} : memref<32x1024xf32, #tpu.memory_space<vmem>>, vector<1x16xf32>,
        %swap3A_409 = vector.shape_cast %swap3A_408 : vector<1x16xf32> to vector<16xf32>
        %swap3A_410 = vector.shape_cast %add3A_405 : vector<16xf32> to vector<1x16xf32>
        tpu.vector_store %arg6[%swap3A_406, %swap3A_407], %swap3A_410 {strides = array<i32>} : memref<32x1024xf32, #tpu.memory_space<vmem>>, vector<1x16xf32>,
        %get3A_411 = arith.index_cast %scan3A_146 : i32 to index
        %get3A_412 = arith.constant 304 : index
        %get3A_413 = tpu.vector_load %arg6[%get3A_411, %get3A_412] {strides = array<i32>} : memref<32x1024xf32, #tpu.memory_space<vmem>>, vector<1x16xf32>,
        %get3A_414 = vector.shape_cast %get3A_413 : vector<1x16xf32> to vector<16xf32>
        %get3A_415 = arith.index_cast %scan3A_146 : i32 to index
        %get3A_416 = arith.constant 304 : index
        %get3A_417 = tpu.vector_load %arg5[%get3A_415, %get3A_416] {strides = array<i32>} : memref<32x1024xf32, #tpu.memory_space<vmem>>, vector<1x16xf32>,
        %get3A_418 = vector.shape_cast %get3A_417 : vector<1x16xf32> to vector<16xf32>
        %add3A_419 = arith.addf %get3A_414, %get3A_418 : vector<16xf32>
        %swap3A_420 = arith.index_cast %scan3A_146 : i32 to index
        %swap3A_421 = arith.constant 304 : index
        %swap3A_422 = tpu.vector_load %arg6[%swap3A_420, %swap3A_421] {strides = array<i32>} : memref<32x1024xf32, #tpu.memory_space<vmem>>, vector<1x16xf32>,
        %swap3A_423 = vector.shape_cast %swap3A_422 : vector<1x16xf32> to vector<16xf32>
        %swap3A_424 = vector.shape_cast %add3A_419 : vector<16xf32> to vector<1x16xf32>
        tpu.vector_store %arg6[%swap3A_420, %swap3A_421], %swap3A_424 {strides = array<i32>} : memref<32x1024xf32, #tpu.memory_space<vmem>>, vector<1x16xf32>,
        %get3A_425 = arith.index_cast %scan3A_146 : i32 to index
        %get3A_426 = arith.constant 320 : index
        %get3A_427 = tpu.vector_load %arg6[%get3A_425, %get3A_426] {strides = array<i32>} : memref<32x1024xf32, #tpu.memory_space<vmem>>, vector<1x16xf32>,
        %get3A_428 = vector.shape_cast %get3A_427 : vector<1x16xf32> to vector<16xf32>
        %get3A_429 = arith.index_cast %scan3A_146 : i32 to index
        %get3A_430 = arith.constant 320 : index
        %get3A_431 = tpu.vector_load %arg5[%get3A_429, %get3A_430] {strides = array<i32>} : memref<32x1024xf32, #tpu.memory_space<vmem>>, vector<1x16xf32>,
        %get3A_432 = vector.shape_cast %get3A_431 : vector<1x16xf32> to vector<16xf32>
        %add3A_433 = arith.addf %get3A_428, %get3A_432 : vector<16xf32>
        %swap3A_434 = arith.index_cast %scan3A_146 : i32 to index
        %swap3A_435 = arith.constant 320 : index
        %swap3A_436 = tpu.vector_load %arg6[%swap3A_434, %swap3A_435] {strides = array<i32>} : memref<32x1024xf32, #tpu.memory_space<vmem>>, vector<1x16xf32>,
        %swap3A_437 = vector.shape_cast %swap3A_436 : vector<1x16xf32> to vector<16xf32>
        %swap3A_438 = vector.shape_cast %add3A_433 : vector<16xf32> to vector<1x16xf32>
        tpu.vector_store %arg6[%swap3A_434, %swap3A_435], %swap3A_438 {strides = array<i32>} : memref<32x1024xf32, #tpu.memory_space<vmem>>, vector<1x16xf32>,
        %get3A_439 = arith.index_cast %scan3A_146 : i32 to index
        %get3A_440 = arith.constant 336 : index
        %get3A_441 = tpu.vector_load %arg6[%get3A_439, %get3A_440] {strides = array<i32>} : memref<32x1024xf32, #tpu.memory_space<vmem>>, vector<1x16xf32>,
        %get3A_442 = vector.shape_cast %get3A_441 : vector<1x16xf32> to vector<16xf32>
        %get3A_443 = arith.index_cast %scan3A_146 : i32 to index
        %get3A_444 = arith.constant 336 : index
        %get3A_445 = tpu.vector_load %arg5[%get3A_443, %get3A_444] {strides = array<i32>} : memref<32x1024xf32, #tpu.memory_space<vmem>>, vector<1x16xf32>,
        %get3A_446 = vector.shape_cast %get3A_445 : vector<1x16xf32> to vector<16xf32>
        %add3A_447 = arith.addf %get3A_442, %get3A_446 : vector<16xf32>
        %swap3A_448 = arith.index_cast %scan3A_146 : i32 to index
        %swap3A_449 = arith.constant 336 : index
        %swap3A_450 = tpu.vector_load %arg6[%swap3A_448, %swap3A_449] {strides = array<i32>} : memref<32x1024xf32, #tpu.memory_space<vmem>>, vector<1x16xf32>,
        %swap3A_451 = vector.shape_cast %swap3A_450 : vector<1x16xf32> to vector<16xf32>
        %swap3A_452 = vector.shape_cast %add3A_447 : vector<16xf32> to vector<1x16xf32>
        tpu.vector_store %arg6[%swap3A_448, %swap3A_449], %swap3A_452 {strides = array<i32>} : memref<32x1024xf32, #tpu.memory_space<vmem>>, vector<1x16xf32>,
        %get3A_453 = arith.index_cast %scan3A_146 : i32 to index
        %get3A_454 = arith.constant 352 : index
        %get3A_455 = tpu.vector_load %arg6[%get3A_453, %get3A_454] {strides = array<i32>} : memref<32x1024xf32, #tpu.memory_space<vmem>>, vector<1x16xf32>,
        %get3A_456 = vector.shape_cast %get3A_455 : vector<1x16xf32> to vector<16xf32>
        %get3A_457 = arith.index_cast %scan3A_146 : i32 to index
        %get3A_458 = arith.constant 352 : index
        %get3A_459 = tpu.vector_load %arg5[%get3A_457, %get3A_458] {strides = array<i32>} : memref<32x1024xf32, #tpu.memory_space<vmem>>, vector<1x16xf32>,
        %get3A_460 = vector.shape_cast %get3A_459 : vector<1x16xf32> to vector<16xf32>
        %add3A_461 = arith.addf %get3A_456, %get3A_460 : vector<16xf32>
        %swap3A_462 = arith.index_cast %scan3A_146 : i32 to index
        %swap3A_463 = arith.constant 352 : index
        %swap3A_464 = tpu.vector_load %arg6[%swap3A_462, %swap3A_463] {strides = array<i32>} : memref<32x1024xf32, #tpu.memory_space<vmem>>, vector<1x16xf32>,
        %swap3A_465 = vector.shape_cast %swap3A_464 : vector<1x16xf32> to vector<16xf32>
        %swap3A_466 = vector.shape_cast %add3A_461 : vector<16xf32> to vector<1x16xf32>
        tpu.vector_store %arg6[%swap3A_462, %swap3A_463], %swap3A_466 {strides = array<i32>} : memref<32x1024xf32, #tpu.memory_space<vmem>>, vector<1x16xf32>,
        %get3A_467 = arith.index_cast %scan3A_146 : i32 to index
        %get3A_468 = arith.constant 368 : index
        %get3A_469 = tpu.vector_load %arg6[%get3A_467, %get3A_468] {strides = array<i32>} : memref<32x1024xf32, #tpu.memory_space<vmem>>, vector<1x16xf32>,
        %get3A_470 = vector.shape_cast %get3A_469 : vector<1x16xf32> to vector<16xf32>
        %get3A_471 = arith.index_cast %scan3A_146 : i32 to index
        %get3A_472 = arith.constant 368 : index
        %get3A_473 = tpu.vector_load %arg5[%get3A_471, %get3A_472] {strides = array<i32>} : memref<32x1024xf32, #tpu.memory_space<vmem>>, vector<1x16xf32>,
        %get3A_474 = vector.shape_cast %get3A_473 : vector<1x16xf32> to vector<16xf32>
        %add3A_475 = arith.addf %get3A_470, %get3A_474 : vector<16xf32>
        %swap3A_476 = arith.index_cast %scan3A_146 : i32 to index
        %swap3A_477 = arith.constant 368 : index
        %swap3A_478 = tpu.vector_load %arg6[%swap3A_476, %swap3A_477] {strides = array<i32>} : memref<32x1024xf32, #tpu.memory_space<vmem>>, vector<1x16xf32>,
        %swap3A_479 = vector.shape_cast %swap3A_478 : vector<1x16xf32> to vector<16xf32>
        %swap3A_480 = vector.shape_cast %add3A_475 : vector<16xf32> to vector<1x16xf32>
        tpu.vector_store %arg6[%swap3A_476, %swap3A_477], %swap3A_480 {strides = array<i32>} : memref<32x1024xf32, #tpu.memory_space<vmem>>, vector<1x16xf32>,
        %get3A_481 = arith.index_cast %scan3A_146 : i32 to index
        %get3A_482 = arith.constant 384 : index
        %get3A_483 = tpu.vector_load %arg6[%get3A_481, %get3A_482] {strides = array<i32>} : memref<32x1024xf32, #tpu.memory_space<vmem>>, vector<1x16xf32>,
        %get3A_484 = vector.shape_cast %get3A_483 : vector<1x16xf32> to vector<16xf32>
        %get3A_485 = arith.index_cast %scan3A_146 : i32 to index
        %get3A_486 = arith.constant 384 : index
        %get3A_487 = tpu.vector_load %arg5[%get3A_485, %get3A_486] {strides = array<i32>} : memref<32x1024xf32, #tpu.memory_space<vmem>>, vector<1x16xf32>,
        %get3A_488 = vector.shape_cast %get3A_487 : vector<1x16xf32> to vector<16xf32>
        %add3A_489 = arith.addf %get3A_484, %get3A_488 : vector<16xf32>
        %swap3A_490 = arith.index_cast %scan3A_146 : i32 to index
        %swap3A_491 = arith.constant 384 : index
        %swap3A_492 = tpu.vector_load %arg6[%swap3A_490, %swap3A_491] {strides = array<i32>} : memref<32x1024xf32, #tpu.memory_space<vmem>>, vector<1x16xf32>,
        %swap3A_493 = vector.shape_cast %swap3A_492 : vector<1x16xf32> to vector<16xf32>
        %swap3A_494 = vector.shape_cast %add3A_489 : vector<16xf32> to vector<1x16xf32>
        tpu.vector_store %arg6[%swap3A_490, %swap3A_491], %swap3A_494 {strides = array<i32>} : memref<32x1024xf32, #tpu.memory_space<vmem>>, vector<1x16xf32>,
        %get3A_495 = arith.index_cast %scan3A_146 : i32 to index
        %get3A_496 = arith.constant 400 : index
        %get3A_497 = tpu.vector_load %arg6[%get3A_495, %get3A_496] {strides = array<i32>} : memref<32x1024xf32, #tpu.memory_space<vmem>>, vector<1x16xf32>,
        %get3A_498 = vector.shape_cast %get3A_497 : vector<1x16xf32> to vector<16xf32>
        %get3A_499 = arith.index_cast %scan3A_146 : i32 to index
        %get3A_500 = arith.constant 400 : index
        %get3A_501 = tpu.vector_load %arg5[%get3A_499, %get3A_500] {strides = array<i32>} : memref<32x1024xf32, #tpu.memory_space<vmem>>, vector<1x16xf32>,
        %get3A_502 = vector.shape_cast %get3A_501 : vector<1x16xf32> to vector<16xf32>
        %add3A_503 = arith.addf %get3A_498, %get3A_502 : vector<16xf32>
        %swap3A_504 = arith.index_cast %scan3A_146 : i32 to index
        %swap3A_505 = arith.constant 400 : index
        %swap3A_506 = tpu.vector_load %arg6[%swap3A_504, %swap3A_505] {strides = array<i32>} : memref<32x1024xf32, #tpu.memory_space<vmem>>, vector<1x16xf32>,
        %swap3A_507 = vector.shape_cast %swap3A_506 : vector<1x16xf32> to vector<16xf32>
        %swap3A_508 = vector.shape_cast %add3A_503 : vector<16xf32> to vector<1x16xf32>
        tpu.vector_store %arg6[%swap3A_504, %swap3A_505], %swap3A_508 {strides = array<i32>} : memref<32x1024xf32, #tpu.memory_space<vmem>>, vector<1x16xf32>,
        %get3A_509 = arith.index_cast %scan3A_146 : i32 to index
        %get3A_510 = arith.constant 416 : index
        %get3A_511 = tpu.vector_load %arg6[%get3A_509, %get3A_510] {strides = array<i32>} : memref<32x1024xf32, #tpu.memory_space<vmem>>, vector<1x16xf32>,
        %get3A_512 = vector.shape_cast %get3A_511 : vector<1x16xf32> to vector<16xf32>
        %get3A_513 = arith.index_cast %scan3A_146 : i32 to index
        %get3A_514 = arith.constant 416 : index
        %get3A_515 = tpu.vector_load %arg5[%get3A_513, %get3A_514] {strides = array<i32>} : memref<32x1024xf32, #tpu.memory_space<vmem>>, vector<1x16xf32>,
        %get3A_516 = vector.shape_cast %get3A_515 : vector<1x16xf32> to vector<16xf32>
        %add3A_517 = arith.addf %get3A_512, %get3A_516 : vector<16xf32>
        %swap3A_518 = arith.index_cast %scan3A_146 : i32 to index
        %swap3A_519 = arith.constant 416 : index
        %swap3A_520 = tpu.vector_load %arg6[%swap3A_518, %swap3A_519] {strides = array<i32>} : memref<32x1024xf32, #tpu.memory_space<vmem>>, vector<1x16xf32>,
        %swap3A_521 = vector.shape_cast %swap3A_520 : vector<1x16xf32> to vector<16xf32>
        %swap3A_522 = vector.shape_cast %add3A_517 : vector<16xf32> to vector<1x16xf32>
        tpu.vector_store %arg6[%swap3A_518, %swap3A_519], %swap3A_522 {strides = array<i32>} : memref<32x1024xf32, #tpu.memory_space<vmem>>, vector<1x16xf32>,
        %get3A_523 = arith.index_cast %scan3A_146 : i32 to index
        %get3A_524 = arith.constant 432 : index
        %get3A_525 = tpu.vector_load %arg6[%get3A_523, %get3A_524] {strides = array<i32>} : memref<32x1024xf32, #tpu.memory_space<vmem>>, vector<1x16xf32>,
        %get3A_526 = vector.shape_cast %get3A_525 : vector<1x16xf32> to vector<16xf32>
        %get3A_527 = arith.index_cast %scan3A_146 : i32 to index
        %get3A_528 = arith.constant 432 : index
        %get3A_529 = tpu.vector_load %arg5[%get3A_527, %get3A_528] {strides = array<i32>} : memref<32x1024xf32, #tpu.memory_space<vmem>>, vector<1x16xf32>,
        %get3A_530 = vector.shape_cast %get3A_529 : vector<1x16xf32> to vector<16xf32>
        %add3A_531 = arith.addf %get3A_526, %get3A_530 : vector<16xf32>
        %swap3A_532 = arith.index_cast %scan3A_146 : i32 to index
        %swap3A_533 = arith.constant 432 : index
        %swap3A_534 = tpu.vector_load %arg6[%swap3A_532, %swap3A_533] {strides = array<i32>} : memref<32x1024xf32, #tpu.memory_space<vmem>>, vector<1x16xf32>,
        %swap3A_535 = vector.shape_cast %swap3A_534 : vector<1x16xf32> to vector<16xf32>
        %swap3A_536 = vector.shape_cast %add3A_531 : vector<16xf32> to vector<1x16xf32>
        tpu.vector_store %arg6[%swap3A_532, %swap3A_533], %swap3A_536 {strides = array<i32>} : memref<32x1024xf32, #tpu.memory_space<vmem>>, vector<1x16xf32>,
        %get3A_537 = arith.index_cast %scan3A_146 : i32 to index
        %get3A_538 = arith.constant 448 : index
        %get3A_539 = tpu.vector_load %arg6[%get3A_537, %get3A_538] {strides = array<i32>} : memref<32x1024xf32, #tpu.memory_space<vmem>>, vector<1x16xf32>,
        %get3A_540 = vector.shape_cast %get3A_539 : vector<1x16xf32> to vector<16xf32>
        %get3A_541 = arith.index_cast %scan3A_146 : i32 to index
        %get3A_542 = arith.constant 448 : index
        %get3A_543 = tpu.vector_load %arg5[%get3A_541, %get3A_542] {strides = array<i32>} : memref<32x1024xf32, #tpu.memory_space<vmem>>, vector<1x16xf32>,
        %get3A_544 = vector.shape_cast %get3A_543 : vector<1x16xf32> to vector<16xf32>
        %add3A_545 = arith.addf %get3A_540, %get3A_544 : vector<16xf32>
        %swap3A_546 = arith.index_cast %scan3A_146 : i32 to index
        %swap3A_547 = arith.constant 448 : index
        %swap3A_548 = tpu.vector_load %arg6[%swap3A_546, %swap3A_547] {strides = array<i32>} : memref<32x1024xf32, #tpu.memory_space<vmem>>, vector<1x16xf32>,
        %swap3A_549 = vector.shape_cast %swap3A_548 : vector<1x16xf32> to vector<16xf32>
        %swap3A_550 = vector.shape_cast %add3A_545 : vector<16xf32> to vector<1x16xf32>
        tpu.vector_store %arg6[%swap3A_546, %swap3A_547], %swap3A_550 {strides = array<i32>} : memref<32x1024xf32, #tpu.memory_space<vmem>>, vector<1x16xf32>,
        %get3A_551 = arith.index_cast %scan3A_146 : i32 to index
        %get3A_552 = arith.constant 464 : index
        %get3A_553 = tpu.vector_load %arg6[%get3A_551, %get3A_552] {strides = array<i32>} : memref<32x1024xf32, #tpu.memory_space<vmem>>, vector<1x16xf32>,
        %get3A_554 = vector.shape_cast %get3A_553 : vector<1x16xf32> to vector<16xf32>
        %get3A_555 = arith.index_cast %scan3A_146 : i32 to index
        %get3A_556 = arith.constant 464 : index
        %get3A_557 = tpu.vector_load %arg5[%get3A_555, %get3A_556] {strides = array<i32>} : memref<32x1024xf32, #tpu.memory_space<vmem>>, vector<1x16xf32>,
        %get3A_558 = vector.shape_cast %get3A_557 : vector<1x16xf32> to vector<16xf32>
        %add3A_559 = arith.addf %get3A_554, %get3A_558 : vector<16xf32>
        %swap3A_560 = arith.index_cast %scan3A_146 : i32 to index
        %swap3A_561 = arith.constant 464 : index
        %swap3A_562 = tpu.vector_load %arg6[%swap3A_560, %swap3A_561] {strides = array<i32>} : memref<32x1024xf32, #tpu.memory_space<vmem>>, vector<1x16xf32>,
        %swap3A_563 = vector.shape_cast %swap3A_562 : vector<1x16xf32> to vector<16xf32>
        %swap3A_564 = vector.shape_cast %add3A_559 : vector<16xf32> to vector<1x16xf32>
        tpu.vector_store %arg6[%swap3A_560, %swap3A_561], %swap3A_564 {strides = array<i32>} : memref<32x1024xf32, #tpu.memory_space<vmem>>, vector<1x16xf32>,
        %get3A_565 = arith.index_cast %scan3A_146 : i32 to index
        %get3A_566 = arith.constant 480 : index
        %get3A_567 = tpu.vector_load %arg6[%get3A_565, %get3A_566] {strides = array<i32>} : memref<32x1024xf32, #tpu.memory_space<vmem>>, vector<1x16xf32>,
        %get3A_568 = vector.shape_cast %get3A_567 : vector<1x16xf32> to vector<16xf32>
        %get3A_569 = arith.index_cast %scan3A_146 : i32 to index
        %get3A_570 = arith.constant 480 : index
        %get3A_571 = tpu.vector_load %arg5[%get3A_569, %get3A_570] {strides = array<i32>} : memref<32x1024xf32, #tpu.memory_space<vmem>>, vector<1x16xf32>,
        %get3A_572 = vector.shape_cast %get3A_571 : vector<1x16xf32> to vector<16xf32>
        %add3A_573 = arith.addf %get3A_568, %get3A_572 : vector<16xf32>
        %swap3A_574 = arith.index_cast %scan3A_146 : i32 to index
        %swap3A_575 = arith.constant 480 : index
        %swap3A_576 = tpu.vector_load %arg6[%swap3A_574, %swap3A_575] {strides = array<i32>} : memref<32x1024xf32, #tpu.memory_space<vmem>>, vector<1x16xf32>,
        %swap3A_577 = vector.shape_cast %swap3A_576 : vector<1x16xf32> to vector<16xf32>
        %swap3A_578 = vector.shape_cast %add3A_573 : vector<16xf32> to vector<1x16xf32>
        tpu.vector_store %arg6[%swap3A_574, %swap3A_575], %swap3A_578 {strides = array<i32>} : memref<32x1024xf32, #tpu.memory_space<vmem>>, vector<1x16xf32>,
        %get3A_579 = arith.index_cast %scan3A_146 : i32 to index
        %get3A_580 = arith.constant 496 : index
        %get3A_581 = tpu.vector_load %arg6[%get3A_579, %get3A_580] {strides = array<i32>} : memref<32x1024xf32, #tpu.memory_space<vmem>>, vector<1x16xf32>,
        %get3A_582 = vector.shape_cast %get3A_581 : vector<1x16xf32> to vector<16xf32>
        %get3A_583 = arith.index_cast %scan3A_146 : i32 to index
        %get3A_584 = arith.constant 496 : index
        %get3A_585 = tpu.vector_load %arg5[%get3A_583, %get3A_584] {strides = array<i32>} : memref<32x1024xf32, #tpu.memory_space<vmem>>, vector<1x16xf32>,
        %get3A_586 = vector.shape_cast %get3A_585 : vector<1x16xf32> to vector<16xf32>
        %add3A_587 = arith.addf %get3A_582, %get3A_586 : vector<16xf32>
        %swap3A_588 = arith.index_cast %scan3A_146 : i32 to index
        %swap3A_589 = arith.constant 496 : index
        %swap3A_590 = tpu.vector_load %arg6[%swap3A_588, %swap3A_589] {strides = array<i32>} : memref<32x1024xf32, #tpu.memory_space<vmem>>, vector<1x16xf32>,
        %swap3A_591 = vector.shape_cast %swap3A_590 : vector<1x16xf32> to vector<16xf32>
        %swap3A_592 = vector.shape_cast %add3A_587 : vector<16xf32> to vector<1x16xf32>
        tpu.vector_store %arg6[%swap3A_588, %swap3A_589], %swap3A_592 {strides = array<i32>} : memref<32x1024xf32, #tpu.memory_space<vmem>>, vector<1x16xf32>,
        %get3A_593 = arith.index_cast %scan3A_146 : i32 to index
        %get3A_594 = arith.constant 512 : index
        %get3A_595 = tpu.vector_load %arg6[%get3A_593, %get3A_594] {strides = array<i32>} : memref<32x1024xf32, #tpu.memory_space<vmem>>, vector<1x16xf32>,
        %get3A_596 = vector.shape_cast %get3A_595 : vector<1x16xf32> to vector<16xf32>
        %get3A_597 = arith.index_cast %scan3A_146 : i32 to index
        %get3A_598 = arith.constant 512 : index
        %get3A_599 = tpu.vector_load %arg5[%get3A_597, %get3A_598] {strides = array<i32>} : memref<32x1024xf32, #tpu.memory_space<vmem>>, vector<1x16xf32>,
        %get3A_600 = vector.shape_cast %get3A_599 : vector<1x16xf32> to vector<16xf32>
        %add3A_601 = arith.addf %get3A_596, %get3A_600 : vector<16xf32>
        %swap3A_602 = arith.index_cast %scan3A_146 : i32 to index
        %swap3A_603 = arith.constant 512 : index
        %swap3A_604 = tpu.vector_load %arg6[%swap3A_602, %swap3A_603] {strides = array<i32>} : memref<32x1024xf32, #tpu.memory_space<vmem>>, vector<1x16xf32>,
        %swap3A_605 = vector.shape_cast %swap3A_604 : vector<1x16xf32> to vector<16xf32>
        %swap3A_606 = vector.shape_cast %add3A_601 : vector<16xf32> to vector<1x16xf32>
        tpu.vector_store %arg6[%swap3A_602, %swap3A_603], %swap3A_606 {strides = array<i32>} : memref<32x1024xf32, #tpu.memory_space<vmem>>, vector<1x16xf32>,
        %get3A_607 = arith.index_cast %scan3A_146 : i32 to index
        %get3A_608 = arith.constant 528 : index
        %get3A_609 = tpu.vector_load %arg6[%get3A_607, %get3A_608] {strides = array<i32>} : memref<32x1024xf32, #tpu.memory_space<vmem>>, vector<1x16xf32>,
        %get3A_610 = vector.shape_cast %get3A_609 : vector<1x16xf32> to vector<16xf32>
        %get3A_611 = arith.index_cast %scan3A_146 : i32 to index
        %get3A_612 = arith.constant 528 : index
        %get3A_613 = tpu.vector_load %arg5[%get3A_611, %get3A_612] {strides = array<i32>} : memref<32x1024xf32, #tpu.memory_space<vmem>>, vector<1x16xf32>,
        %get3A_614 = vector.shape_cast %get3A_613 : vector<1x16xf32> to vector<16xf32>
        %add3A_615 = arith.addf %get3A_610, %get3A_614 : vector<16xf32>
        %swap3A_616 = arith.index_cast %scan3A_146 : i32 to index
        %swap3A_617 = arith.constant 528 : index
        %swap3A_618 = tpu.vector_load %arg6[%swap3A_616, %swap3A_617] {strides = array<i32>} : memref<32x1024xf32, #tpu.memory_space<vmem>>, vector<1x16xf32>,
        %swap3A_619 = vector.shape_cast %swap3A_618 : vector<1x16xf32> to vector<16xf32>
        %swap3A_620 = vector.shape_cast %add3A_615 : vector<16xf32> to vector<1x16xf32>
        tpu.vector_store %arg6[%swap3A_616, %swap3A_617], %swap3A_620 {strides = array<i32>} : memref<32x1024xf32, #tpu.memory_space<vmem>>, vector<1x16xf32>,
        %get3A_621 = arith.index_cast %scan3A_146 : i32 to index
        %get3A_622 = arith.constant 544 : index
        %get3A_623 = tpu.vector_load %arg6[%get3A_621, %get3A_622] {strides = array<i32>} : memref<32x1024xf32, #tpu.memory_space<vmem>>, vector<1x16xf32>,
        %get3A_624 = vector.shape_cast %get3A_623 : vector<1x16xf32> to vector<16xf32>
        %get3A_625 = arith.index_cast %scan3A_146 : i32 to index
        %get3A_626 = arith.constant 544 : index
        %get3A_627 = tpu.vector_load %arg5[%get3A_625, %get3A_626] {strides = array<i32>} : memref<32x1024xf32, #tpu.memory_space<vmem>>, vector<1x16xf32>,
        %get3A_628 = vector.shape_cast %get3A_627 : vector<1x16xf32> to vector<16xf32>
        %add3A_629 = arith.addf %get3A_624, %get3A_628 : vector<16xf32>
        %swap3A_630 = arith.index_cast %scan3A_146 : i32 to index
        %swap3A_631 = arith.constant 544 : index
        %swap3A_632 = tpu.vector_load %arg6[%swap3A_630, %swap3A_631] {strides = array<i32>} : memref<32x1024xf32, #tpu.memory_space<vmem>>, vector<1x16xf32>,
        %swap3A_633 = vector.shape_cast %swap3A_632 : vector<1x16xf32> to vector<16xf32>
        %swap3A_634 = vector.shape_cast %add3A_629 : vector<16xf32> to vector<1x16xf32>
        tpu.vector_store %arg6[%swap3A_630, %swap3A_631], %swap3A_634 {strides = array<i32>} : memref<32x1024xf32, #tpu.memory_space<vmem>>, vector<1x16xf32>,
        %get3A_635 = arith.index_cast %scan3A_146 : i32 to index
        %get3A_636 = arith.constant 560 : index
        %get3A_637 = tpu.vector_load %arg6[%get3A_635, %get3A_636] {strides = array<i32>} : memref<32x1024xf32, #tpu.memory_space<vmem>>, vector<1x16xf32>,
        %get3A_638 = vector.shape_cast %get3A_637 : vector<1x16xf32> to vector<16xf32>
        %get3A_639 = arith.index_cast %scan3A_146 : i32 to index
        %get3A_640 = arith.constant 560 : index
        %get3A_641 = tpu.vector_load %arg5[%get3A_639, %get3A_640] {strides = array<i32>} : memref<32x1024xf32, #tpu.memory_space<vmem>>, vector<1x16xf32>,
        %get3A_642 = vector.shape_cast %get3A_641 : vector<1x16xf32> to vector<16xf32>
        %add3A_643 = arith.addf %get3A_638, %get3A_642 : vector<16xf32>
        %swap3A_644 = arith.index_cast %scan3A_146 : i32 to index
        %swap3A_645 = arith.constant 560 : index
        %swap3A_646 = tpu.vector_load %arg6[%swap3A_644, %swap3A_645] {strides = array<i32>} : memref<32x1024xf32, #tpu.memory_space<vmem>>, vector<1x16xf32>,
        %swap3A_647 = vector.shape_cast %swap3A_646 : vector<1x16xf32> to vector<16xf32>
        %swap3A_648 = vector.shape_cast %add3A_643 : vector<16xf32> to vector<1x16xf32>
        tpu.vector_store %arg6[%swap3A_644, %swap3A_645], %swap3A_648 {strides = array<i32>} : memref<32x1024xf32, #tpu.memory_space<vmem>>, vector<1x16xf32>,
        %get3A_649 = arith.index_cast %scan3A_146 : i32 to index
        %get3A_650 = arith.constant 576 : index
        %get3A_651 = tpu.vector_load %arg6[%get3A_649, %get3A_650] {strides = array<i32>} : memref<32x1024xf32, #tpu.memory_space<vmem>>, vector<1x16xf32>,
        %get3A_652 = vector.shape_cast %get3A_651 : vector<1x16xf32> to vector<16xf32>
        %get3A_653 = arith.index_cast %scan3A_146 : i32 to index
        %get3A_654 = arith.constant 576 : index
        %get3A_655 = tpu.vector_load %arg5[%get3A_653, %get3A_654] {strides = array<i32>} : memref<32x1024xf32, #tpu.memory_space<vmem>>, vector<1x16xf32>,
        %get3A_656 = vector.shape_cast %get3A_655 : vector<1x16xf32> to vector<16xf32>
        %add3A_657 = arith.addf %get3A_652, %get3A_656 : vector<16xf32>
        %swap3A_658 = arith.index_cast %scan3A_146 : i32 to index
        %swap3A_659 = arith.constant 576 : index
        %swap3A_660 = tpu.vector_load %arg6[%swap3A_658, %swap3A_659] {strides = array<i32>} : memref<32x1024xf32, #tpu.memory_space<vmem>>, vector<1x16xf32>,
        %swap3A_661 = vector.shape_cast %swap3A_660 : vector<1x16xf32> to vector<16xf32>
        %swap3A_662 = vector.shape_cast %add3A_657 : vector<16xf32> to vector<1x16xf32>
        tpu.vector_store %arg6[%swap3A_658, %swap3A_659], %swap3A_662 {strides = array<i32>} : memref<32x1024xf32, #tpu.memory_space<vmem>>, vector<1x16xf32>,
        %get3A_663 = arith.index_cast %scan3A_146 : i32 to index
        %get3A_664 = arith.constant 592 : index
        %get3A_665 = tpu.vector_load %arg6[%get3A_663, %get3A_664] {strides = array<i32>} : memref<32x1024xf32, #tpu.memory_space<vmem>>, vector<1x16xf32>,
        %get3A_666 = vector.shape_cast %get3A_665 : vector<1x16xf32> to vector<16xf32>
        %get3A_667 = arith.index_cast %scan3A_146 : i32 to index
        %get3A_668 = arith.constant 592 : index
        %get3A_669 = tpu.vector_load %arg5[%get3A_667, %get3A_668] {strides = array<i32>} : memref<32x1024xf32, #tpu.memory_space<vmem>>, vector<1x16xf32>,
        %get3A_670 = vector.shape_cast %get3A_669 : vector<1x16xf32> to vector<16xf32>
        %add3A_671 = arith.addf %get3A_666, %get3A_670 : vector<16xf32>
        %swap3A_672 = arith.index_cast %scan3A_146 : i32 to index
        %swap3A_673 = arith.constant 592 : index
        %swap3A_674 = tpu.vector_load %arg6[%swap3A_672, %swap3A_673] {strides = array<i32>} : memref<32x1024xf32, #tpu.memory_space<vmem>>, vector<1x16xf32>,
        %swap3A_675 = vector.shape_cast %swap3A_674 : vector<1x16xf32> to vector<16xf32>
        %swap3A_676 = vector.shape_cast %add3A_671 : vector<16xf32> to vector<1x16xf32>
        tpu.vector_store %arg6[%swap3A_672, %swap3A_673], %swap3A_676 {strides = array<i32>} : memref<32x1024xf32, #tpu.memory_space<vmem>>, vector<1x16xf32>,
        %get3A_677 = arith.index_cast %scan3A_146 : i32 to index
        %get3A_678 = arith.constant 608 : index
        %get3A_679 = tpu.vector_load %arg6[%get3A_677, %get3A_678] {strides = array<i32>} : memref<32x1024xf32, #tpu.memory_space<vmem>>, vector<1x16xf32>,
        %get3A_680 = vector.shape_cast %get3A_679 : vector<1x16xf32> to vector<16xf32>
        %get3A_681 = arith.index_cast %scan3A_146 : i32 to index
        %get3A_682 = arith.constant 608 : index
        %get3A_683 = tpu.vector_load %arg5[%get3A_681, %get3A_682] {strides = array<i32>} : memref<32x1024xf32, #tpu.memory_space<vmem>>, vector<1x16xf32>,
        %get3A_684 = vector.shape_cast %get3A_683 : vector<1x16xf32> to vector<16xf32>
        %add3A_685 = arith.addf %get3A_680, %get3A_684 : vector<16xf32>
        %swap3A_686 = arith.index_cast %scan3A_146 : i32 to index
        %swap3A_687 = arith.constant 608 : index
        %swap3A_688 = tpu.vector_load %arg6[%swap3A_686, %swap3A_687] {strides = array<i32>} : memref<32x1024xf32, #tpu.memory_space<vmem>>, vector<1x16xf32>,
        %swap3A_689 = vector.shape_cast %swap3A_688 : vector<1x16xf32> to vector<16xf32>
        %swap3A_690 = vector.shape_cast %add3A_685 : vector<16xf32> to vector<1x16xf32>
        tpu.vector_store %arg6[%swap3A_686, %swap3A_687], %swap3A_690 {strides = array<i32>} : memref<32x1024xf32, #tpu.memory_space<vmem>>, vector<1x16xf32>,
        %get3A_691 = arith.index_cast %scan3A_146 : i32 to index
        %get3A_692 = arith.constant 624 : index
        %get3A_693 = tpu.vector_load %arg6[%get3A_691, %get3A_692] {strides = array<i32>} : memref<32x1024xf32, #tpu.memory_space<vmem>>, vector<1x16xf32>,
        %get3A_694 = vector.shape_cast %get3A_693 : vector<1x16xf32> to vector<16xf32>
        %get3A_695 = arith.index_cast %scan3A_146 : i32 to index
        %get3A_696 = arith.constant 624 : index
        %get3A_697 = tpu.vector_load %arg5[%get3A_695, %get3A_696] {strides = array<i32>} : memref<32x1024xf32, #tpu.memory_space<vmem>>, vector<1x16xf32>,
        %get3A_698 = vector.shape_cast %get3A_697 : vector<1x16xf32> to vector<16xf32>
        %add3A_699 = arith.addf %get3A_694, %get3A_698 : vector<16xf32>
        %swap3A_700 = arith.index_cast %scan3A_146 : i32 to index
        %swap3A_701 = arith.constant 624 : index
        %swap3A_702 = tpu.vector_load %arg6[%swap3A_700, %swap3A_701] {strides = array<i32>} : memref<32x1024xf32, #tpu.memory_space<vmem>>, vector<1x16xf32>,
        %swap3A_703 = vector.shape_cast %swap3A_702 : vector<1x16xf32> to vector<16xf32>
        %swap3A_704 = vector.shape_cast %add3A_699 : vector<16xf32> to vector<1x16xf32>
        tpu.vector_store %arg6[%swap3A_700, %swap3A_701], %swap3A_704 {strides = array<i32>} : memref<32x1024xf32, #tpu.memory_space<vmem>>, vector<1x16xf32>,
        %get3A_705 = arith.index_cast %scan3A_146 : i32 to index
        %get3A_706 = arith.constant 640 : index
        %get3A_707 = tpu.vector_load %arg6[%get3A_705, %get3A_706] {strides = array<i32>} : memref<32x1024xf32, #tpu.memory_space<vmem>>, vector<1x16xf32>,
        %get3A_708 = vector.shape_cast %get3A_707 : vector<1x16xf32> to vector<16xf32>
        %get3A_709 = arith.index_cast %scan3A_146 : i32 to index
        %get3A_710 = arith.constant 640 : index
        %get3A_711 = tpu.vector_load %arg5[%get3A_709, %get3A_710] {strides = array<i32>} : memref<32x1024xf32, #tpu.memory_space<vmem>>, vector<1x16xf32>,
        %get3A_712 = vector.shape_cast %get3A_711 : vector<1x16xf32> to vector<16xf32>
        %add3A_713 = arith.addf %get3A_708, %get3A_712 : vector<16xf32>
        %swap3A_714 = arith.index_cast %scan3A_146 : i32 to index
        %swap3A_715 = arith.constant 640 : index
        %swap3A_716 = tpu.vector_load %arg6[%swap3A_714, %swap3A_715] {strides = array<i32>} : memref<32x1024xf32, #tpu.memory_space<vmem>>, vector<1x16xf32>,
        %swap3A_717 = vector.shape_cast %swap3A_716 : vector<1x16xf32> to vector<16xf32>
        %swap3A_718 = vector.shape_cast %add3A_713 : vector<16xf32> to vector<1x16xf32>
        tpu.vector_store %arg6[%swap3A_714, %swap3A_715], %swap3A_718 {strides = array<i32>} : memref<32x1024xf32, #tpu.memory_space<vmem>>, vector<1x16xf32>,
        %get3A_719 = arith.index_cast %scan3A_146 : i32 to index
        %get3A_720 = arith.constant 656 : index
        %get3A_721 = tpu.vector_load %arg6[%get3A_719, %get3A_720] {strides = array<i32>} : memref<32x1024xf32, #tpu.memory_space<vmem>>, vector<1x16xf32>,
        %get3A_722 = vector.shape_cast %get3A_721 : vector<1x16xf32> to vector<16xf32>
        %get3A_723 = arith.index_cast %scan3A_146 : i32 to index
        %get3A_724 = arith.constant 656 : index
        %get3A_725 = tpu.vector_load %arg5[%get3A_723, %get3A_724] {strides = array<i32>} : memref<32x1024xf32, #tpu.memory_space<vmem>>, vector<1x16xf32>,
        %get3A_726 = vector.shape_cast %get3A_725 : vector<1x16xf32> to vector<16xf32>
        %add3A_727 = arith.addf %get3A_722, %get3A_726 : vector<16xf32>
        %swap3A_728 = arith.index_cast %scan3A_146 : i32 to index
        %swap3A_729 = arith.constant 656 : index
        %swap3A_730 = tpu.vector_load %arg6[%swap3A_728, %swap3A_729] {strides = array<i32>} : memref<32x1024xf32, #tpu.memory_space<vmem>>, vector<1x16xf32>,
        %swap3A_731 = vector.shape_cast %swap3A_730 : vector<1x16xf32> to vector<16xf32>
        %swap3A_732 = vector.shape_cast %add3A_727 : vector<16xf32> to vector<1x16xf32>
        tpu.vector_store %arg6[%swap3A_728, %swap3A_729], %swap3A_732 {strides = array<i32>} : memref<32x1024xf32, #tpu.memory_space<vmem>>, vector<1x16xf32>,
        %get3A_733 = arith.index_cast %scan3A_146 : i32 to index
        %get3A_734 = arith.constant 672 : index
        %get3A_735 = tpu.vector_load %arg6[%get3A_733, %get3A_734] {strides = array<i32>} : memref<32x1024xf32, #tpu.memory_space<vmem>>, vector<1x16xf32>,
        %get3A_736 = vector.shape_cast %get3A_735 : vector<1x16xf32> to vector<16xf32>
        %get3A_737 = arith.index_cast %scan3A_146 : i32 to index
        %get3A_738 = arith.constant 672 : index
        %get3A_739 = tpu.vector_load %arg5[%get3A_737, %get3A_738] {strides = array<i32>} : memref<32x1024xf32, #tpu.memory_space<vmem>>, vector<1x16xf32>,
        %get3A_740 = vector.shape_cast %get3A_739 : vector<1x16xf32> to vector<16xf32>
        %add3A_741 = arith.addf %get3A_736, %get3A_740 : vector<16xf32>
        %swap3A_742 = arith.index_cast %scan3A_146 : i32 to index
        %swap3A_743 = arith.constant 672 : index
        %swap3A_744 = tpu.vector_load %arg6[%swap3A_742, %swap3A_743] {strides = array<i32>} : memref<32x1024xf32, #tpu.memory_space<vmem>>, vector<1x16xf32>,
        %swap3A_745 = vector.shape_cast %swap3A_744 : vector<1x16xf32> to vector<16xf32>
        %swap3A_746 = vector.shape_cast %add3A_741 : vector<16xf32> to vector<1x16xf32>
        tpu.vector_store %arg6[%swap3A_742, %swap3A_743], %swap3A_746 {strides = array<i32>} : memref<32x1024xf32, #tpu.memory_space<vmem>>, vector<1x16xf32>,
        %get3A_747 = arith.index_cast %scan3A_146 : i32 to index
        %get3A_748 = arith.constant 688 : index
        %get3A_749 = tpu.vector_load %arg6[%get3A_747, %get3A_748] {strides = array<i32>} : memref<32x1024xf32, #tpu.memory_space<vmem>>, vector<1x16xf32>,
        %get3A_750 = vector.shape_cast %get3A_749 : vector<1x16xf32> to vector<16xf32>
        %get3A_751 = arith.index_cast %scan3A_146 : i32 to index
        %get3A_752 = arith.constant 688 : index
        %get3A_753 = tpu.vector_load %arg5[%get3A_751, %get3A_752] {strides = array<i32>} : memref<32x1024xf32, #tpu.memory_space<vmem>>, vector<1x16xf32>,
        %get3A_754 = vector.shape_cast %get3A_753 : vector<1x16xf32> to vector<16xf32>
        %add3A_755 = arith.addf %get3A_750, %get3A_754 : vector<16xf32>
        %swap3A_756 = arith.index_cast %scan3A_146 : i32 to index
        %swap3A_757 = arith.constant 688 : index
        %swap3A_758 = tpu.vector_load %arg6[%swap3A_756, %swap3A_757] {strides = array<i32>} : memref<32x1024xf32, #tpu.memory_space<vmem>>, vector<1x16xf32>,
        %swap3A_759 = vector.shape_cast %swap3A_758 : vector<1x16xf32> to vector<16xf32>
        %swap3A_760 = vector.shape_cast %add3A_755 : vector<16xf32> to vector<1x16xf32>
        tpu.vector_store %arg6[%swap3A_756, %swap3A_757], %swap3A_760 {strides = array<i32>} : memref<32x1024xf32, #tpu.memory_space<vmem>>, vector<1x16xf32>,
        %get3A_761 = arith.index_cast %scan3A_146 : i32 to index
        %get3A_762 = arith.constant 704 : index
        %get3A_763 = tpu.vector_load %arg6[%get3A_761, %get3A_762] {strides = array<i32>} : memref<32x1024xf32, #tpu.memory_space<vmem>>, vector<1x16xf32>,
        %get3A_764 = vector.shape_cast %get3A_763 : vector<1x16xf32> to vector<16xf32>
        %get3A_765 = arith.index_cast %scan3A_146 : i32 to index
        %get3A_766 = arith.constant 704 : index
        %get3A_767 = tpu.vector_load %arg5[%get3A_765, %get3A_766] {strides = array<i32>} : memref<32x1024xf32, #tpu.memory_space<vmem>>, vector<1x16xf32>,
        %get3A_768 = vector.shape_cast %get3A_767 : vector<1x16xf32> to vector<16xf32>
        %add3A_769 = arith.addf %get3A_764, %get3A_768 : vector<16xf32>
        %swap3A_770 = arith.index_cast %scan3A_146 : i32 to index
        %swap3A_771 = arith.constant 704 : index
        %swap3A_772 = tpu.vector_load %arg6[%swap3A_770, %swap3A_771] {strides = array<i32>} : memref<32x1024xf32, #tpu.memory_space<vmem>>, vector<1x16xf32>,
        %swap3A_773 = vector.shape_cast %swap3A_772 : vector<1x16xf32> to vector<16xf32>
        %swap3A_774 = vector.shape_cast %add3A_769 : vector<16xf32> to vector<1x16xf32>
        tpu.vector_store %arg6[%swap3A_770, %swap3A_771], %swap3A_774 {strides = array<i32>} : memref<32x1024xf32, #tpu.memory_space<vmem>>, vector<1x16xf32>,
        %get3A_775 = arith.index_cast %scan3A_146 : i32 to index
        %get3A_776 = arith.constant 720 : index
        %get3A_777 = tpu.vector_load %arg6[%get3A_775, %get3A_776] {strides = array<i32>} : memref<32x1024xf32, #tpu.memory_space<vmem>>, vector<1x16xf32>,
        %get3A_778 = vector.shape_cast %get3A_777 : vector<1x16xf32> to vector<16xf32>
        %get3A_779 = arith.index_cast %scan3A_146 : i32 to index
        %get3A_780 = arith.constant 720 : index
        %get3A_781 = tpu.vector_load %arg5[%get3A_779, %get3A_780] {strides = array<i32>} : memref<32x1024xf32, #tpu.memory_space<vmem>>, vector<1x16xf32>,
        %get3A_782 = vector.shape_cast %get3A_781 : vector<1x16xf32> to vector<16xf32>
        %add3A_783 = arith.addf %get3A_778, %get3A_782 : vector<16xf32>
        %swap3A_784 = arith.index_cast %scan3A_146 : i32 to index
        %swap3A_785 = arith.constant 720 : index
        %swap3A_786 = tpu.vector_load %arg6[%swap3A_784, %swap3A_785] {strides = array<i32>} : memref<32x1024xf32, #tpu.memory_space<vmem>>, vector<1x16xf32>,
        %swap3A_787 = vector.shape_cast %swap3A_786 : vector<1x16xf32> to vector<16xf32>
        %swap3A_788 = vector.shape_cast %add3A_783 : vector<16xf32> to vector<1x16xf32>
        tpu.vector_store %arg6[%swap3A_784, %swap3A_785], %swap3A_788 {strides = array<i32>} : memref<32x1024xf32, #tpu.memory_space<vmem>>, vector<1x16xf32>,
        %get3A_789 = arith.index_cast %scan3A_146 : i32 to index
        %get3A_790 = arith.constant 736 : index
        %get3A_791 = tpu.vector_load %arg6[%get3A_789, %get3A_790] {strides = array<i32>} : memref<32x1024xf32, #tpu.memory_space<vmem>>, vector<1x16xf32>,
        %get3A_792 = vector.shape_cast %get3A_791 : vector<1x16xf32> to vector<16xf32>
        %get3A_793 = arith.index_cast %scan3A_146 : i32 to index
        %get3A_794 = arith.constant 736 : index
        %get3A_795 = tpu.vector_load %arg5[%get3A_793, %get3A_794] {strides = array<i32>} : memref<32x1024xf32, #tpu.memory_space<vmem>>, vector<1x16xf32>,
        %get3A_796 = vector.shape_cast %get3A_795 : vector<1x16xf32> to vector<16xf32>
        %add3A_797 = arith.addf %get3A_792, %get3A_796 : vector<16xf32>
        %swap3A_798 = arith.index_cast %scan3A_146 : i32 to index
        %swap3A_799 = arith.constant 736 : index
        %swap3A_800 = tpu.vector_load %arg6[%swap3A_798, %swap3A_799] {strides = array<i32>} : memref<32x1024xf32, #tpu.memory_space<vmem>>, vector<1x16xf32>,
        %swap3A_801 = vector.shape_cast %swap3A_800 : vector<1x16xf32> to vector<16xf32>
        %swap3A_802 = vector.shape_cast %add3A_797 : vector<16xf32> to vector<1x16xf32>
        tpu.vector_store %arg6[%swap3A_798, %swap3A_799], %swap3A_802 {strides = array<i32>} : memref<32x1024xf32, #tpu.memory_space<vmem>>, vector<1x16xf32>,
        %get3A_803 = arith.index_cast %scan3A_146 : i32 to index
        %get3A_804 = arith.constant 752 : index
        %get3A_805 = tpu.vector_load %arg6[%get3A_803, %get3A_804] {strides = array<i32>} : memref<32x1024xf32, #tpu.memory_space<vmem>>, vector<1x16xf32>,
        %get3A_806 = vector.shape_cast %get3A_805 : vector<1x16xf32> to vector<16xf32>
        %get3A_807 = arith.index_cast %scan3A_146 : i32 to index
        %get3A_808 = arith.constant 752 : index
        %get3A_809 = tpu.vector_load %arg5[%get3A_807, %get3A_808] {strides = array<i32>} : memref<32x1024xf32, #tpu.memory_space<vmem>>, vector<1x16xf32>,
        %get3A_810 = vector.shape_cast %get3A_809 : vector<1x16xf32> to vector<16xf32>
        %add3A_811 = arith.addf %get3A_806, %get3A_810 : vector<16xf32>
        %swap3A_812 = arith.index_cast %scan3A_146 : i32 to index
        %swap3A_813 = arith.constant 752 : index
        %swap3A_814 = tpu.vector_load %arg6[%swap3A_812, %swap3A_813] {strides = array<i32>} : memref<32x1024xf32, #tpu.memory_space<vmem>>, vector<1x16xf32>,
        %swap3A_815 = vector.shape_cast %swap3A_814 : vector<1x16xf32> to vector<16xf32>
        %swap3A_816 = vector.shape_cast %add3A_811 : vector<16xf32> to vector<1x16xf32>
        tpu.vector_store %arg6[%swap3A_812, %swap3A_813], %swap3A_816 {strides = array<i32>} : memref<32x1024xf32, #tpu.memory_space<vmem>>, vector<1x16xf32>,
        %get3A_817 = arith.index_cast %scan3A_146 : i32 to index
        %get3A_818 = arith.constant 768 : index
        %get3A_819 = tpu.vector_load %arg6[%get3A_817, %get3A_818] {strides = array<i32>} : memref<32x1024xf32, #tpu.memory_space<vmem>>, vector<1x16xf32>,
        %get3A_820 = vector.shape_cast %get3A_819 : vector<1x16xf32> to vector<16xf32>
        %get3A_821 = arith.index_cast %scan3A_146 : i32 to index
        %get3A_822 = arith.constant 768 : index
        %get3A_823 = tpu.vector_load %arg5[%get3A_821, %get3A_822] {strides = array<i32>} : memref<32x1024xf32, #tpu.memory_space<vmem>>, vector<1x16xf32>,
        %get3A_824 = vector.shape_cast %get3A_823 : vector<1x16xf32> to vector<16xf32>
        %add3A_825 = arith.addf %get3A_820, %get3A_824 : vector<16xf32>
        %swap3A_826 = arith.index_cast %scan3A_146 : i32 to index
        %swap3A_827 = arith.constant 768 : index
        %swap3A_828 = tpu.vector_load %arg6[%swap3A_826, %swap3A_827] {strides = array<i32>} : memref<32x1024xf32, #tpu.memory_space<vmem>>, vector<1x16xf32>,
        %swap3A_829 = vector.shape_cast %swap3A_828 : vector<1x16xf32> to vector<16xf32>
        %swap3A_830 = vector.shape_cast %add3A_825 : vector<16xf32> to vector<1x16xf32>
        tpu.vector_store %arg6[%swap3A_826, %swap3A_827], %swap3A_830 {strides = array<i32>} : memref<32x1024xf32, #tpu.memory_space<vmem>>, vector<1x16xf32>,
        %get3A_831 = arith.index_cast %scan3A_146 : i32 to index
        %get3A_832 = arith.constant 784 : index
        %get3A_833 = tpu.vector_load %arg6[%get3A_831, %get3A_832] {strides = array<i32>} : memref<32x1024xf32, #tpu.memory_space<vmem>>, vector<1x16xf32>,
        %get3A_834 = vector.shape_cast %get3A_833 : vector<1x16xf32> to vector<16xf32>
        %get3A_835 = arith.index_cast %scan3A_146 : i32 to index
        %get3A_836 = arith.constant 784 : index
        %get3A_837 = tpu.vector_load %arg5[%get3A_835, %get3A_836] {strides = array<i32>} : memref<32x1024xf32, #tpu.memory_space<vmem>>, vector<1x16xf32>,
        %get3A_838 = vector.shape_cast %get3A_837 : vector<1x16xf32> to vector<16xf32>
        %add3A_839 = arith.addf %get3A_834, %get3A_838 : vector<16xf32>
        %swap3A_840 = arith.index_cast %scan3A_146 : i32 to index
        %swap3A_841 = arith.constant 784 : index
        %swap3A_842 = tpu.vector_load %arg6[%swap3A_840, %swap3A_841] {strides = array<i32>} : memref<32x1024xf32, #tpu.memory_space<vmem>>, vector<1x16xf32>,
        %swap3A_843 = vector.shape_cast %swap3A_842 : vector<1x16xf32> to vector<16xf32>
        %swap3A_844 = vector.shape_cast %add3A_839 : vector<16xf32> to vector<1x16xf32>
        tpu.vector_store %arg6[%swap3A_840, %swap3A_841], %swap3A_844 {strides = array<i32>} : memref<32x1024xf32, #tpu.memory_space<vmem>>, vector<1x16xf32>,
        %get3A_845 = arith.index_cast %scan3A_146 : i32 to index
        %get3A_846 = arith.constant 800 : index
        %get3A_847 = tpu.vector_load %arg6[%get3A_845, %get3A_846] {strides = array<i32>} : memref<32x1024xf32, #tpu.memory_space<vmem>>, vector<1x16xf32>,
        %get3A_848 = vector.shape_cast %get3A_847 : vector<1x16xf32> to vector<16xf32>
        %get3A_849 = arith.index_cast %scan3A_146 : i32 to index
        %get3A_850 = arith.constant 800 : index
        %get3A_851 = tpu.vector_load %arg5[%get3A_849, %get3A_850] {strides = array<i32>} : memref<32x1024xf32, #tpu.memory_space<vmem>>, vector<1x16xf32>,
        %get3A_852 = vector.shape_cast %get3A_851 : vector<1x16xf32> to vector<16xf32>
        %add3A_853 = arith.addf %get3A_848, %get3A_852 : vector<16xf32>
        %swap3A_854 = arith.index_cast %scan3A_146 : i32 to index
        %swap3A_855 = arith.constant 800 : index
        %swap3A_856 = tpu.vector_load %arg6[%swap3A_854, %swap3A_855] {strides = array<i32>} : memref<32x1024xf32, #tpu.memory_space<vmem>>, vector<1x16xf32>,
        %swap3A_857 = vector.shape_cast %swap3A_856 : vector<1x16xf32> to vector<16xf32>
        %swap3A_858 = vector.shape_cast %add3A_853 : vector<16xf32> to vector<1x16xf32>
        tpu.vector_store %arg6[%swap3A_854, %swap3A_855], %swap3A_858 {strides = array<i32>} : memref<32x1024xf32, #tpu.memory_space<vmem>>, vector<1x16xf32>,
        %get3A_859 = arith.index_cast %scan3A_146 : i32 to index
        %get3A_860 = arith.constant 816 : index
        %get3A_861 = tpu.vector_load %arg6[%get3A_859, %get3A_860] {strides = array<i32>} : memref<32x1024xf32, #tpu.memory_space<vmem>>, vector<1x16xf32>,
        %get3A_862 = vector.shape_cast %get3A_861 : vector<1x16xf32> to vector<16xf32>
        %get3A_863 = arith.index_cast %scan3A_146 : i32 to index
        %get3A_864 = arith.constant 816 : index
        %get3A_865 = tpu.vector_load %arg5[%get3A_863, %get3A_864] {strides = array<i32>} : memref<32x1024xf32, #tpu.memory_space<vmem>>, vector<1x16xf32>,
        %get3A_866 = vector.shape_cast %get3A_865 : vector<1x16xf32> to vector<16xf32>
        %add3A_867 = arith.addf %get3A_862, %get3A_866 : vector<16xf32>
        %swap3A_868 = arith.index_cast %scan3A_146 : i32 to index
        %swap3A_869 = arith.constant 816 : index
        %swap3A_870 = tpu.vector_load %arg6[%swap3A_868, %swap3A_869] {strides = array<i32>} : memref<32x1024xf32, #tpu.memory_space<vmem>>, vector<1x16xf32>,
        %swap3A_871 = vector.shape_cast %swap3A_870 : vector<1x16xf32> to vector<16xf32>
        %swap3A_872 = vector.shape_cast %add3A_867 : vector<16xf32> to vector<1x16xf32>
        tpu.vector_store %arg6[%swap3A_868, %swap3A_869], %swap3A_872 {strides = array<i32>} : memref<32x1024xf32, #tpu.memory_space<vmem>>, vector<1x16xf32>,
        %get3A_873 = arith.index_cast %scan3A_146 : i32 to index
        %get3A_874 = arith.constant 832 : index
        %get3A_875 = tpu.vector_load %arg6[%get3A_873, %get3A_874] {strides = array<i32>} : memref<32x1024xf32, #tpu.memory_space<vmem>>, vector<1x16xf32>,
        %get3A_876 = vector.shape_cast %get3A_875 : vector<1x16xf32> to vector<16xf32>
        %get3A_877 = arith.index_cast %scan3A_146 : i32 to index
        %get3A_878 = arith.constant 832 : index
        %get3A_879 = tpu.vector_load %arg5[%get3A_877, %get3A_878] {strides = array<i32>} : memref<32x1024xf32, #tpu.memory_space<vmem>>, vector<1x16xf32>,
        %get3A_880 = vector.shape_cast %get3A_879 : vector<1x16xf32> to vector<16xf32>
        %add3A_881 = arith.addf %get3A_876, %get3A_880 : vector<16xf32>
        %swap3A_882 = arith.index_cast %scan3A_146 : i32 to index
        %swap3A_883 = arith.constant 832 : index
        %swap3A_884 = tpu.vector_load %arg6[%swap3A_882, %swap3A_883] {strides = array<i32>} : memref<32x1024xf32, #tpu.memory_space<vmem>>, vector<1x16xf32>,
        %swap3A_885 = vector.shape_cast %swap3A_884 : vector<1x16xf32> to vector<16xf32>
        %swap3A_886 = vector.shape_cast %add3A_881 : vector<16xf32> to vector<1x16xf32>
        tpu.vector_store %arg6[%swap3A_882, %swap3A_883], %swap3A_886 {strides = array<i32>} : memref<32x1024xf32, #tpu.memory_space<vmem>>, vector<1x16xf32>,
        %get3A_887 = arith.index_cast %scan3A_146 : i32 to index
        %get3A_888 = arith.constant 848 : index
        %get3A_889 = tpu.vector_load %arg6[%get3A_887, %get3A_888] {strides = array<i32>} : memref<32x1024xf32, #tpu.memory_space<vmem>>, vector<1x16xf32>,
        %get3A_890 = vector.shape_cast %get3A_889 : vector<1x16xf32> to vector<16xf32>
        %get3A_891 = arith.index_cast %scan3A_146 : i32 to index
        %get3A_892 = arith.constant 848 : index
        %get3A_893 = tpu.vector_load %arg5[%get3A_891, %get3A_892] {strides = array<i32>} : memref<32x1024xf32, #tpu.memory_space<vmem>>, vector<1x16xf32>,
        %get3A_894 = vector.shape_cast %get3A_893 : vector<1x16xf32> to vector<16xf32>
        %add3A_895 = arith.addf %get3A_890, %get3A_894 : vector<16xf32>
        %swap3A_896 = arith.index_cast %scan3A_146 : i32 to index
        %swap3A_897 = arith.constant 848 : index
        %swap3A_898 = tpu.vector_load %arg6[%swap3A_896, %swap3A_897] {strides = array<i32>} : memref<32x1024xf32, #tpu.memory_space<vmem>>, vector<1x16xf32>,
        %swap3A_899 = vector.shape_cast %swap3A_898 : vector<1x16xf32> to vector<16xf32>
        %swap3A_900 = vector.shape_cast %add3A_895 : vector<16xf32> to vector<1x16xf32>
        tpu.vector_store %arg6[%swap3A_896, %swap3A_897], %swap3A_900 {strides = array<i32>} : memref<32x1024xf32, #tpu.memory_space<vmem>>, vector<1x16xf32>,
        %get3A_901 = arith.index_cast %scan3A_146 : i32 to index
        %get3A_902 = arith.constant 864 : index
        %get3A_903 = tpu.vector_load %arg6[%get3A_901, %get3A_902] {strides = array<i32>} : memref<32x1024xf32, #tpu.memory_space<vmem>>, vector<1x16xf32>,
        %get3A_904 = vector.shape_cast %get3A_903 : vector<1x16xf32> to vector<16xf32>
        %get3A_905 = arith.index_cast %scan3A_146 : i32 to index
        %get3A_906 = arith.constant 864 : index
        %get3A_907 = tpu.vector_load %arg5[%get3A_905, %get3A_906] {strides = array<i32>} : memref<32x1024xf32, #tpu.memory_space<vmem>>, vector<1x16xf32>,
        %get3A_908 = vector.shape_cast %get3A_907 : vector<1x16xf32> to vector<16xf32>
        %add3A_909 = arith.addf %get3A_904, %get3A_908 : vector<16xf32>
        %swap3A_910 = arith.index_cast %scan3A_146 : i32 to index
        %swap3A_911 = arith.constant 864 : index
        %swap3A_912 = tpu.vector_load %arg6[%swap3A_910, %swap3A_911] {strides = array<i32>} : memref<32x1024xf32, #tpu.memory_space<vmem>>, vector<1x16xf32>,
        %swap3A_913 = vector.shape_cast %swap3A_912 : vector<1x16xf32> to vector<16xf32>
        %swap3A_914 = vector.shape_cast %add3A_909 : vector<16xf32> to vector<1x16xf32>
        tpu.vector_store %arg6[%swap3A_910, %swap3A_911], %swap3A_914 {strides = array<i32>} : memref<32x1024xf32, #tpu.memory_space<vmem>>, vector<1x16xf32>,
        %get3A_915 = arith.index_cast %scan3A_146 : i32 to index
        %get3A_916 = arith.constant 880 : index
        %get3A_917 = tpu.vector_load %arg6[%get3A_915, %get3A_916] {strides = array<i32>} : memref<32x1024xf32, #tpu.memory_space<vmem>>, vector<1x16xf32>,
        %get3A_918 = vector.shape_cast %get3A_917 : vector<1x16xf32> to vector<16xf32>
        %get3A_919 = arith.index_cast %scan3A_146 : i32 to index
        %get3A_920 = arith.constant 880 : index
        %get3A_921 = tpu.vector_load %arg5[%get3A_919, %get3A_920] {strides = array<i32>} : memref<32x1024xf32, #tpu.memory_space<vmem>>, vector<1x16xf32>,
        %get3A_922 = vector.shape_cast %get3A_921 : vector<1x16xf32> to vector<16xf32>
        %add3A_923 = arith.addf %get3A_918, %get3A_922 : vector<16xf32>
        %swap3A_924 = arith.index_cast %scan3A_146 : i32 to index
        %swap3A_925 = arith.constant 880 : index
        %swap3A_926 = tpu.vector_load %arg6[%swap3A_924, %swap3A_925] {strides = array<i32>} : memref<32x1024xf32, #tpu.memory_space<vmem>>, vector<1x16xf32>,
        %swap3A_927 = vector.shape_cast %swap3A_926 : vector<1x16xf32> to vector<16xf32>
        %swap3A_928 = vector.shape_cast %add3A_923 : vector<16xf32> to vector<1x16xf32>
        tpu.vector_store %arg6[%swap3A_924, %swap3A_925], %swap3A_928 {strides = array<i32>} : memref<32x1024xf32, #tpu.memory_space<vmem>>, vector<1x16xf32>,
        %get3A_929 = arith.index_cast %scan3A_146 : i32 to index
        %get3A_930 = arith.constant 896 : index
        %get3A_931 = tpu.vector_load %arg6[%get3A_929, %get3A_930] {strides = array<i32>} : memref<32x1024xf32, #tpu.memory_space<vmem>>, vector<1x16xf32>,
        %get3A_932 = vector.shape_cast %get3A_931 : vector<1x16xf32> to vector<16xf32>
        %get3A_933 = arith.index_cast %scan3A_146 : i32 to index
        %get3A_934 = arith.constant 896 : index
        %get3A_935 = tpu.vector_load %arg5[%get3A_933, %get3A_934] {strides = array<i32>} : memref<32x1024xf32, #tpu.memory_space<vmem>>, vector<1x16xf32>,
        %get3A_936 = vector.shape_cast %get3A_935 : vector<1x16xf32> to vector<16xf32>
        %add3A_937 = arith.addf %get3A_932, %get3A_936 : vector<16xf32>
        %swap3A_938 = arith.index_cast %scan3A_146 : i32 to index
        %swap3A_939 = arith.constant 896 : index
        %swap3A_940 = tpu.vector_load %arg6[%swap3A_938, %swap3A_939] {strides = array<i32>} : memref<32x1024xf32, #tpu.memory_space<vmem>>, vector<1x16xf32>,
        %swap3A_941 = vector.shape_cast %swap3A_940 : vector<1x16xf32> to vector<16xf32>
        %swap3A_942 = vector.shape_cast %add3A_937 : vector<16xf32> to vector<1x16xf32>
        tpu.vector_store %arg6[%swap3A_938, %swap3A_939], %swap3A_942 {strides = array<i32>} : memref<32x1024xf32, #tpu.memory_space<vmem>>, vector<1x16xf32>,
        %get3A_943 = arith.index_cast %scan3A_146 : i32 to index
        %get3A_944 = arith.constant 912 : index
        %get3A_945 = tpu.vector_load %arg6[%get3A_943, %get3A_944] {strides = array<i32>} : memref<32x1024xf32, #tpu.memory_space<vmem>>, vector<1x16xf32>,
        %get3A_946 = vector.shape_cast %get3A_945 : vector<1x16xf32> to vector<16xf32>
        %get3A_947 = arith.index_cast %scan3A_146 : i32 to index
        %get3A_948 = arith.constant 912 : index
        %get3A_949 = tpu.vector_load %arg5[%get3A_947, %get3A_948] {strides = array<i32>} : memref<32x1024xf32, #tpu.memory_space<vmem>>, vector<1x16xf32>,
        %get3A_950 = vector.shape_cast %get3A_949 : vector<1x16xf32> to vector<16xf32>
        %add3A_951 = arith.addf %get3A_946, %get3A_950 : vector<16xf32>
        %swap3A_952 = arith.index_cast %scan3A_146 : i32 to index
        %swap3A_953 = arith.constant 912 : index
        %swap3A_954 = tpu.vector_load %arg6[%swap3A_952, %swap3A_953] {strides = array<i32>} : memref<32x1024xf32, #tpu.memory_space<vmem>>, vector<1x16xf32>,
        %swap3A_955 = vector.shape_cast %swap3A_954 : vector<1x16xf32> to vector<16xf32>
        %swap3A_956 = vector.shape_cast %add3A_951 : vector<16xf32> to vector<1x16xf32>
        tpu.vector_store %arg6[%swap3A_952, %swap3A_953], %swap3A_956 {strides = array<i32>} : memref<32x1024xf32, #tpu.memory_space<vmem>>, vector<1x16xf32>,
        %get3A_957 = arith.index_cast %scan3A_146 : i32 to index
        %get3A_958 = arith.constant 928 : index
        %get3A_959 = tpu.vector_load %arg6[%get3A_957, %get3A_958] {strides = array<i32>} : memref<32x1024xf32, #tpu.memory_space<vmem>>, vector<1x16xf32>,
        %get3A_960 = vector.shape_cast %get3A_959 : vector<1x16xf32> to vector<16xf32>
        %get3A_961 = arith.index_cast %scan3A_146 : i32 to index
        %get3A_962 = arith.constant 928 : index
        %get3A_963 = tpu.vector_load %arg5[%get3A_961, %get3A_962] {strides = array<i32>} : memref<32x1024xf32, #tpu.memory_space<vmem>>, vector<1x16xf32>,
        %get3A_964 = vector.shape_cast %get3A_963 : vector<1x16xf32> to vector<16xf32>
        %add3A_965 = arith.addf %get3A_960, %get3A_964 : vector<16xf32>
        %swap3A_966 = arith.index_cast %scan3A_146 : i32 to index
        %swap3A_967 = arith.constant 928 : index
        %swap3A_968 = tpu.vector_load %arg6[%swap3A_966, %swap3A_967] {strides = array<i32>} : memref<32x1024xf32, #tpu.memory_space<vmem>>, vector<1x16xf32>,
        %swap3A_969 = vector.shape_cast %swap3A_968 : vector<1x16xf32> to vector<16xf32>
        %swap3A_970 = vector.shape_cast %add3A_965 : vector<16xf32> to vector<1x16xf32>
        tpu.vector_store %arg6[%swap3A_966, %swap3A_967], %swap3A_970 {strides = array<i32>} : memref<32x1024xf32, #tpu.memory_space<vmem>>, vector<1x16xf32>,
        %get3A_971 = arith.index_cast %scan3A_146 : i32 to index
        %get3A_972 = arith.constant 944 : index
        %get3A_973 = tpu.vector_load %arg6[%get3A_971, %get3A_972] {strides = array<i32>} : memref<32x1024xf32, #tpu.memory_space<vmem>>, vector<1x16xf32>,
        %get3A_974 = vector.shape_cast %get3A_973 : vector<1x16xf32> to vector<16xf32>
        %get3A_975 = arith.index_cast %scan3A_146 : i32 to index
        %get3A_976 = arith.constant 944 : index
        %get3A_977 = tpu.vector_load %arg5[%get3A_975, %get3A_976] {strides = array<i32>} : memref<32x1024xf32, #tpu.memory_space<vmem>>, vector<1x16xf32>,
        %get3A_978 = vector.shape_cast %get3A_977 : vector<1x16xf32> to vector<16xf32>
        %add3A_979 = arith.addf %get3A_974, %get3A_978 : vector<16xf32>
        %swap3A_980 = arith.index_cast %scan3A_146 : i32 to index
        %swap3A_981 = arith.constant 944 : index
        %swap3A_982 = tpu.vector_load %arg6[%swap3A_980, %swap3A_981] {strides = array<i32>} : memref<32x1024xf32, #tpu.memory_space<vmem>>, vector<1x16xf32>,
        %swap3A_983 = vector.shape_cast %swap3A_982 : vector<1x16xf32> to vector<16xf32>
        %swap3A_984 = vector.shape_cast %add3A_979 : vector<16xf32> to vector<1x16xf32>
        tpu.vector_store %arg6[%swap3A_980, %swap3A_981], %swap3A_984 {strides = array<i32>} : memref<32x1024xf32, #tpu.memory_space<vmem>>, vector<1x16xf32>,
        %get3A_985 = arith.index_cast %scan3A_146 : i32 to index
        %get3A_986 = arith.constant 960 : index
        %get3A_987 = tpu.vector_load %arg6[%get3A_985, %get3A_986] {strides = array<i32>} : memref<32x1024xf32, #tpu.memory_space<vmem>>, vector<1x16xf32>,
        %get3A_988 = vector.shape_cast %get3A_987 : vector<1x16xf32> to vector<16xf32>
        %get3A_989 = arith.index_cast %scan3A_146 : i32 to index
        %get3A_990 = arith.constant 960 : index
        %get3A_991 = tpu.vector_load %arg5[%get3A_989, %get3A_990] {strides = array<i32>} : memref<32x1024xf32, #tpu.memory_space<vmem>>, vector<1x16xf32>,
        %get3A_992 = vector.shape_cast %get3A_991 : vector<1x16xf32> to vector<16xf32>
        %add3A_993 = arith.addf %get3A_988, %get3A_992 : vector<16xf32>
        %swap3A_994 = arith.index_cast %scan3A_146 : i32 to index
        %swap3A_995 = arith.constant 960 : index
        %swap3A_996 = tpu.vector_load %arg6[%swap3A_994, %swap3A_995] {strides = array<i32>} : memref<32x1024xf32, #tpu.memory_space<vmem>>, vector<1x16xf32>,
        %swap3A_997 = vector.shape_cast %swap3A_996 : vector<1x16xf32> to vector<16xf32>
        %swap3A_998 = vector.shape_cast %add3A_993 : vector<16xf32> to vector<1x16xf32>
        tpu.vector_store %arg6[%swap3A_994, %swap3A_995], %swap3A_998 {strides = array<i32>} : memref<32x1024xf32, #tpu.memory_space<vmem>>, vector<1x16xf32>,
        %get3A_999 = arith.index_cast %scan3A_146 : i32 to index
        %get3A_1000 = arith.constant 976 : index
        %get3A_1001 = tpu.vector_load %arg6[%get3A_999, %get3A_1000] {strides = array<i32>} : memref<32x1024xf32, #tpu.memory_space<vmem>>, vector<1x16xf32>,
        %get3A_1002 = vector.shape_cast %get3A_1001 : vector<1x16xf32> to vector<16xf32>
        %get3A_1003 = arith.index_cast %scan3A_146 : i32 to index
        %get3A_1004 = arith.constant 976 : index
        %get3A_1005 = tpu.vector_load %arg5[%get3A_1003, %get3A_1004] {strides = array<i32>} : memref<32x1024xf32, #tpu.memory_space<vmem>>, vector<1x16xf32>,
        %get3A_1006 = vector.shape_cast %get3A_1005 : vector<1x16xf32> to vector<16xf32>
        %add3A_1007 = arith.addf %get3A_1002, %get3A_1006 : vector<16xf32>
        %swap3A_1008 = arith.index_cast %scan3A_146 : i32 to index
        %swap3A_1009 = arith.constant 976 : index
        %swap3A_1010 = tpu.vector_load %arg6[%swap3A_1008, %swap3A_1009] {strides = array<i32>} : memref<32x1024xf32, #tpu.memory_space<vmem>>, vector<1x16xf32>,
        %swap3A_1011 = vector.shape_cast %swap3A_1010 : vector<1x16xf32> to vector<16xf32>
        %swap3A_1012 = vector.shape_cast %add3A_1007 : vector<16xf32> to vector<1x16xf32>
        tpu.vector_store %arg6[%swap3A_1008, %swap3A_1009], %swap3A_1012 {strides = array<i32>} : memref<32x1024xf32, #tpu.memory_space<vmem>>, vector<1x16xf32>,
        %get3A_1013 = arith.index_cast %scan3A_146 : i32 to index
        %get3A_1014 = arith.constant 992 : index
        %get3A_1015 = tpu.vector_load %arg6[%get3A_1013, %get3A_1014] {strides = array<i32>} : memref<32x1024xf32, #tpu.memory_space<vmem>>, vector<1x16xf32>,
        %get3A_1016 = vector.shape_cast %get3A_1015 : vector<1x16xf32> to vector<16xf32>
        %get3A_1017 = arith.index_cast %scan3A_146 : i32 to index
        %get3A_1018 = arith.constant 992 : index
        %get3A_1019 = tpu.vector_load %arg5[%get3A_1017, %get3A_1018] {strides = array<i32>} : memref<32x1024xf32, #tpu.memory_space<vmem>>, vector<1x16xf32>,
        %get3A_1020 = vector.shape_cast %get3A_1019 : vector<1x16xf32> to vector<16xf32>
        %add3A_1021 = arith.addf %get3A_1016, %get3A_1020 : vector<16xf32>
        %swap3A_1022 = arith.index_cast %scan3A_146 : i32 to index
        %swap3A_1023 = arith.constant 992 : index
        %swap3A_1024 = tpu.vector_load %arg6[%swap3A_1022, %swap3A_1023] {strides = array<i32>} : memref<32x1024xf32, #tpu.memory_space<vmem>>, vector<1x16xf32>,
        %swap3A_1025 = vector.shape_cast %swap3A_1024 : vector<1x16xf32> to vector<16xf32>
        %swap3A_1026 = vector.shape_cast %add3A_1021 : vector<16xf32> to vector<1x16xf32>
        tpu.vector_store %arg6[%swap3A_1022, %swap3A_1023], %swap3A_1026 {strides = array<i32>} : memref<32x1024xf32, #tpu.memory_space<vmem>>, vector<1x16xf32>,
        %get3A_1027 = arith.index_cast %scan3A_146 : i32 to index
        %get3A_1028 = arith.constant 1008 : index
        %get3A_1029 = tpu.vector_load %arg6[%get3A_1027, %get3A_1028] {strides = array<i32>} : memref<32x1024xf32, #tpu.memory_space<vmem>>, vector<1x16xf32>,
        %get3A_1030 = vector.shape_cast %get3A_1029 : vector<1x16xf32> to vector<16xf32>
        %get3A_1031 = arith.index_cast %scan3A_146 : i32 to index
        %get3A_1032 = arith.constant 1008 : index
        %get3A_1033 = tpu.vector_load %arg5[%get3A_1031, %get3A_1032] {strides = array<i32>} : memref<32x1024xf32, #tpu.memory_space<vmem>>, vector<1x16xf32>,
        %get3A_1034 = vector.shape_cast %get3A_1033 : vector<1x16xf32> to vector<16xf32>
        %add3A_1035 = arith.addf %get3A_1030, %get3A_1034 : vector<16xf32>
        %swap3A_1036 = arith.index_cast %scan3A_146 : i32 to index
        %swap3A_1037 = arith.constant 1008 : index
        %swap3A_1038 = tpu.vector_load %arg6[%swap3A_1036, %swap3A_1037] {strides = array<i32>} : memref<32x1024xf32, #tpu.memory_space<vmem>>, vector<1x16xf32>,
        %swap3A_1039 = vector.shape_cast %swap3A_1038 : vector<1x16xf32> to vector<16xf32>
        %swap3A_1040 = vector.shape_cast %add3A_1035 : vector<16xf32> to vector<1x16xf32>
        tpu.vector_store %arg6[%swap3A_1036, %swap3A_1037], %swap3A_1040 {strides = array<i32>} : memref<32x1024xf32, #tpu.memory_space<vmem>>, vector<1x16xf32>,
      }
      %scan3A_36 = arith.constant 32 : i32
      %dma_start3A_37 = arith.constant 0 : i32
      %dma_start3A_38 = arith.constant 0 : i32
      %dma_start3A_39 = tpu.memref_slice %arg4[%dma_start3A_37, %add3A_11, %dma_start3A_38] : memref<4x8192x1024xf32, #tpu.memory_space<hbm>> -> memref<1x32x1024xf32, #tpu.memory_space<hbm>>
      %dma_start3A_40 = tpu.memref_squeeze %dma_start3A_39 : memref<1x32x1024xf32, #tpu.memory_space<hbm>> -> memref<32x1024xf32, #tpu.memory_space<hbm>>
      %dma_start3A_41 = arith.constant 0 : i32
      %dma_start3A_42 = tpu.memref_slice %arg4[%dma_start3A_37, %add3A_11, %dma_start3A_41] : memref<4x8192x1024xf32, #tpu.memory_space<hbm>> -> memref<1x32x1024xf32, #tpu.memory_space<hbm>>
      %dma_start3A_43 = tpu.memref_squeeze %dma_start3A_42 : memref<1x32x1024xf32, #tpu.memory_space<hbm>> -> memref<32x1024xf32, #tpu.memory_space<hbm>>
      tpu.enqueue_dma source(%arg6 : memref<32x1024xf32, #tpu.memory_space<vmem>>) target(%dma_start3A_43 : memref<32x1024xf32, #tpu.memory_space<hbm>>) target_semaphore(%arg10 : memref<!tpu.dma_semaphore, #tpu.memory_space<semaphore_mem>>)
      %dma_wait3A_44 = arith.constant 0 : i32
      %dma_wait3A_45 = arith.constant 0 : i32
      %dma_wait3A_46 = tpu.memref_slice %arg4[%dma_wait3A_44, %add3A_11, %dma_wait3A_45] : memref<4x8192x1024xf32, #tpu.memory_space<hbm>> -> memref<1x32x1024xf32, #tpu.memory_space<hbm>>
      %dma_wait3A_47 = tpu.memref_squeeze %dma_wait3A_46 : memref<1x32x1024xf32, #tpu.memory_space<hbm>> -> memref<32x1024xf32, #tpu.memory_space<hbm>>
      %dma_wait3A_48 = arith.constant 0 : i32
      %dma_wait3A_49 = tpu.memref_slice %arg4[%dma_wait3A_44, %add3A_11, %dma_wait3A_48] : memref<4x8192x1024xf32, #tpu.memory_space<hbm>> -> memref<1x32x1024xf32, #tpu.memory_space<hbm>>
      %dma_wait3A_50 = tpu.memref_squeeze %dma_wait3A_49 : memref<1x32x1024xf32, #tpu.memory_space<hbm>> -> memref<32x1024xf32, #tpu.memory_space<hbm>>
      tpu.wait_dma2 semaphore(%arg10 : memref<!tpu.dma_semaphore, #tpu.memory_space<semaphore_mem>>) src(%arg6 : memref<32x1024xf32, #tpu.memory_space<vmem>>) dst(%dma_wait3A_50 : memref<32x1024xf32, #tpu.memory_space<hbm>>)
      %dma_start3A_51 = arith.constant 2 : i32
      %dma_start3A_52 = arith.constant 0 : i32
      %dma_start3A_53 = tpu.memref_slice %arg2[%dma_start3A_51, %add3A_11, %dma_start3A_52] : memref<4x8192x1024xf32, #tpu.memory_space<hbm>> -> memref<1x32x1024xf32, #tpu.memory_space<hbm>>
      %dma_start3A_54 = tpu.memref_squeeze %dma_start3A_53 : memref<1x32x1024xf32, #tpu.memory_space<hbm>> -> memref<32x1024xf32, #tpu.memory_space<hbm>>
      %dma_start3A_55 = arith.constant 0 : i32
      %dma_start3A_56 = tpu.memref_slice %arg2[%dma_start3A_51, %add3A_11, %dma_start3A_55] : memref<4x8192x1024xf32, #tpu.memory_space<hbm>> -> memref<1x32x1024xf32, #tpu.memory_space<hbm>>
      %dma_start3A_57 = tpu.memref_squeeze %dma_start3A_56 : memref<1x32x1024xf32, #tpu.memory_space<hbm>> -> memref<32x1024xf32, #tpu.memory_space<hbm>>
      tpu.enqueue_dma source(%dma_start3A_57 : memref<32x1024xf32, #tpu.memory_space<hbm>>) target(%arg6 : memref<32x1024xf32, #tpu.memory_space<vmem>>) target_semaphore(%arg8 : memref<!tpu.dma_semaphore, #tpu.memory_space<semaphore_mem>>)
      %dma_wait3A_58 = arith.constant 1 : i32
      %dma_wait3A_59 = arith.constant 0 : i32
      %dma_wait3A_60 = tpu.memref_slice %arg2[%dma_wait3A_58, %add3A_11, %dma_wait3A_59] : memref<4x8192x1024xf32, #tpu.memory_space<hbm>> -> memref<1x32x1024xf32, #tpu.memory_space<hbm>>
      %dma_wait3A_61 = tpu.memref_squeeze %dma_wait3A_60 : memref<1x32x1024xf32, #tpu.memory_space<hbm>> -> memref<32x1024xf32, #tpu.memory_space<hbm>>
      %dma_wait3A_62 = arith.constant 0 : i32
      %dma_wait3A_63 = tpu.memref_slice %arg2[%dma_wait3A_58, %add3A_11, %dma_wait3A_62] : memref<4x8192x1024xf32, #tpu.memory_space<hbm>> -> memref<1x32x1024xf32, #tpu.memory_space<hbm>>
      %dma_wait3A_64 = tpu.memref_squeeze %dma_wait3A_63 : memref<1x32x1024xf32, #tpu.memory_space<hbm>> -> memref<32x1024xf32, #tpu.memory_space<hbm>>
      tpu.wait_dma2 semaphore(%arg9 : memref<!tpu.dma_semaphore, #tpu.memory_space<semaphore_mem>>) src(%dma_wait3A_64 : memref<32x1024xf32, #tpu.memory_space<hbm>>) dst(%arg7 : memref<32x1024xf32, #tpu.memory_space<vmem>>)
      %scan3A_65 = arith.constant 0 : i32
      %scan3A_66 = arith.constant 0 : i32
      %scan3A_67 = arith.constant 32 : i32
      %scan3A_68 = arith.addi %scan3A_66, %scan3A_67 : i32
      %scan3A_69 = arith.constant 1 : i32
      scf.for %scan3A_146 = %scan3A_66 to %scan3A_68 step %scan3A_69  : i32 {
        %get3A = arith.index_cast %scan3A_146 : i32 to index
        %get3A_147 = arith.constant 0 : index
        %get3A_148 = tpu.vector_load %arg7[%get3A, %get3A_147] {strides = array<i32>} : memref<32x1024xf32, #tpu.memory_space<vmem>>, vector<1x16xf32>,
        %get3A_149 = vector.shape_cast %get3A_148 : vector<1x16xf32> to vector<16xf32>
        %get3A_150 = arith.index_cast %scan3A_146 : i32 to index
        %get3A_151 = arith.constant 0 : index
        %get3A_152 = tpu.vector_load %arg5[%get3A_150, %get3A_151] {strides = array<i32>} : memref<32x1024xf32, #tpu.memory_space<vmem>>, vector<1x16xf32>,
        %get3A_153 = vector.shape_cast %get3A_152 : vector<1x16xf32> to vector<16xf32>
        %add3A_154 = arith.addf %get3A_149, %get3A_153 : vector<16xf32>
        %swap3A = arith.index_cast %scan3A_146 : i32 to index
        %swap3A_155 = arith.constant 0 : index
        %swap3A_156 = tpu.vector_load %arg7[%swap3A, %swap3A_155] {strides = array<i32>} : memref<32x1024xf32, #tpu.memory_space<vmem>>, vector<1x16xf32>,
        %swap3A_157 = vector.shape_cast %swap3A_156 : vector<1x16xf32> to vector<16xf32>
        %swap3A_158 = vector.shape_cast %add3A_154 : vector<16xf32> to vector<1x16xf32>
        tpu.vector_store %arg7[%swap3A, %swap3A_155], %swap3A_158 {strides = array<i32>} : memref<32x1024xf32, #tpu.memory_space<vmem>>, vector<1x16xf32>,
        %get3A_159 = arith.index_cast %scan3A_146 : i32 to index
        %get3A_160 = arith.constant 16 : index
        %get3A_161 = tpu.vector_load %arg7[%get3A_159, %get3A_160] {strides = array<i32>} : memref<32x1024xf32, #tpu.memory_space<vmem>>, vector<1x16xf32>,
        %get3A_162 = vector.shape_cast %get3A_161 : vector<1x16xf32> to vector<16xf32>
        %get3A_163 = arith.index_cast %scan3A_146 : i32 to index
        %get3A_164 = arith.constant 16 : index
        %get3A_165 = tpu.vector_load %arg5[%get3A_163, %get3A_164] {strides = array<i32>} : memref<32x1024xf32, #tpu.memory_space<vmem>>, vector<1x16xf32>,
        %get3A_166 = vector.shape_cast %get3A_165 : vector<1x16xf32> to vector<16xf32>
        %add3A_167 = arith.addf %get3A_162, %get3A_166 : vector<16xf32>
        %swap3A_168 = arith.index_cast %scan3A_146 : i32 to index
        %swap3A_169 = arith.constant 16 : index
        %swap3A_170 = tpu.vector_load %arg7[%swap3A_168, %swap3A_169] {strides = array<i32>} : memref<32x1024xf32, #tpu.memory_space<vmem>>, vector<1x16xf32>,
        %swap3A_171 = vector.shape_cast %swap3A_170 : vector<1x16xf32> to vector<16xf32>
        %swap3A_172 = vector.shape_cast %add3A_167 : vector<16xf32> to vector<1x16xf32>
        tpu.vector_store %arg7[%swap3A_168, %swap3A_169], %swap3A_172 {strides = array<i32>} : memref<32x1024xf32, #tpu.memory_space<vmem>>, vector<1x16xf32>,
        %get3A_173 = arith.index_cast %scan3A_146 : i32 to index
        %get3A_174 = arith.constant 32 : index
        %get3A_175 = tpu.vector_load %arg7[%get3A_173, %get3A_174] {strides = array<i32>} : memref<32x1024xf32, #tpu.memory_space<vmem>>, vector<1x16xf32>,
        %get3A_176 = vector.shape_cast %get3A_175 : vector<1x16xf32> to vector<16xf32>
        %get3A_177 = arith.index_cast %scan3A_146 : i32 to index
        %get3A_178 = arith.constant 32 : index
        %get3A_179 = tpu.vector_load %arg5[%get3A_177, %get3A_178] {strides = array<i32>} : memref<32x1024xf32, #tpu.memory_space<vmem>>, vector<1x16xf32>,
        %get3A_180 = vector.shape_cast %get3A_179 : vector<1x16xf32> to vector<16xf32>
        %add3A_181 = arith.addf %get3A_176, %get3A_180 : vector<16xf32>
        %swap3A_182 = arith.index_cast %scan3A_146 : i32 to index
        %swap3A_183 = arith.constant 32 : index
        %swap3A_184 = tpu.vector_load %arg7[%swap3A_182, %swap3A_183] {strides = array<i32>} : memref<32x1024xf32, #tpu.memory_space<vmem>>, vector<1x16xf32>,
        %swap3A_185 = vector.shape_cast %swap3A_184 : vector<1x16xf32> to vector<16xf32>
        %swap3A_186 = vector.shape_cast %add3A_181 : vector<16xf32> to vector<1x16xf32>
        tpu.vector_store %arg7[%swap3A_182, %swap3A_183], %swap3A_186 {strides = array<i32>} : memref<32x1024xf32, #tpu.memory_space<vmem>>, vector<1x16xf32>,
        %get3A_187 = arith.index_cast %scan3A_146 : i32 to index
        %get3A_188 = arith.constant 48 : index
        %get3A_189 = tpu.vector_load %arg7[%get3A_187, %get3A_188] {strides = array<i32>} : memref<32x1024xf32, #tpu.memory_space<vmem>>, vector<1x16xf32>,
        %get3A_190 = vector.shape_cast %get3A_189 : vector<1x16xf32> to vector<16xf32>
        %get3A_191 = arith.index_cast %scan3A_146 : i32 to index
        %get3A_192 = arith.constant 48 : index
        %get3A_193 = tpu.vector_load %arg5[%get3A_191, %get3A_192] {strides = array<i32>} : memref<32x1024xf32, #tpu.memory_space<vmem>>, vector<1x16xf32>,
        %get3A_194 = vector.shape_cast %get3A_193 : vector<1x16xf32> to vector<16xf32>
        %add3A_195 = arith.addf %get3A_190, %get3A_194 : vector<16xf32>
        %swap3A_196 = arith.index_cast %scan3A_146 : i32 to index
        %swap3A_197 = arith.constant 48 : index
        %swap3A_198 = tpu.vector_load %arg7[%swap3A_196, %swap3A_197] {strides = array<i32>} : memref<32x1024xf32, #tpu.memory_space<vmem>>, vector<1x16xf32>,
        %swap3A_199 = vector.shape_cast %swap3A_198 : vector<1x16xf32> to vector<16xf32>
        %swap3A_200 = vector.shape_cast %add3A_195 : vector<16xf32> to vector<1x16xf32>
        tpu.vector_store %arg7[%swap3A_196, %swap3A_197], %swap3A_200 {strides = array<i32>} : memref<32x1024xf32, #tpu.memory_space<vmem>>, vector<1x16xf32>,
        %get3A_201 = arith.index_cast %scan3A_146 : i32 to index
        %get3A_202 = arith.constant 64 : index
        %get3A_203 = tpu.vector_load %arg7[%get3A_201, %get3A_202] {strides = array<i32>} : memref<32x1024xf32, #tpu.memory_space<vmem>>, vector<1x16xf32>,
        %get3A_204 = vector.shape_cast %get3A_203 : vector<1x16xf32> to vector<16xf32>
        %get3A_205 = arith.index_cast %scan3A_146 : i32 to index
        %get3A_206 = arith.constant 64 : index
        %get3A_207 = tpu.vector_load %arg5[%get3A_205, %get3A_206] {strides = array<i32>} : memref<32x1024xf32, #tpu.memory_space<vmem>>, vector<1x16xf32>,
        %get3A_208 = vector.shape_cast %get3A_207 : vector<1x16xf32> to vector<16xf32>
        %add3A_209 = arith.addf %get3A_204, %get3A_208 : vector<16xf32>
        %swap3A_210 = arith.index_cast %scan3A_146 : i32 to index
        %swap3A_211 = arith.constant 64 : index
        %swap3A_212 = tpu.vector_load %arg7[%swap3A_210, %swap3A_211] {strides = array<i32>} : memref<32x1024xf32, #tpu.memory_space<vmem>>, vector<1x16xf32>,
        %swap3A_213 = vector.shape_cast %swap3A_212 : vector<1x16xf32> to vector<16xf32>
        %swap3A_214 = vector.shape_cast %add3A_209 : vector<16xf32> to vector<1x16xf32>
        tpu.vector_store %arg7[%swap3A_210, %swap3A_211], %swap3A_214 {strides = array<i32>} : memref<32x1024xf32, #tpu.memory_space<vmem>>, vector<1x16xf32>,
        %get3A_215 = arith.index_cast %scan3A_146 : i32 to index
        %get3A_216 = arith.constant 80 : index
        %get3A_217 = tpu.vector_load %arg7[%get3A_215, %get3A_216] {strides = array<i32>} : memref<32x1024xf32, #tpu.memory_space<vmem>>, vector<1x16xf32>,
        %get3A_218 = vector.shape_cast %get3A_217 : vector<1x16xf32> to vector<16xf32>
        %get3A_219 = arith.index_cast %scan3A_146 : i32 to index
        %get3A_220 = arith.constant 80 : index
        %get3A_221 = tpu.vector_load %arg5[%get3A_219, %get3A_220] {strides = array<i32>} : memref<32x1024xf32, #tpu.memory_space<vmem>>, vector<1x16xf32>,
        %get3A_222 = vector.shape_cast %get3A_221 : vector<1x16xf32> to vector<16xf32>
        %add3A_223 = arith.addf %get3A_218, %get3A_222 : vector<16xf32>
        %swap3A_224 = arith.index_cast %scan3A_146 : i32 to index
        %swap3A_225 = arith.constant 80 : index
        %swap3A_226 = tpu.vector_load %arg7[%swap3A_224, %swap3A_225] {strides = array<i32>} : memref<32x1024xf32, #tpu.memory_space<vmem>>, vector<1x16xf32>,
        %swap3A_227 = vector.shape_cast %swap3A_226 : vector<1x16xf32> to vector<16xf32>
        %swap3A_228 = vector.shape_cast %add3A_223 : vector<16xf32> to vector<1x16xf32>
        tpu.vector_store %arg7[%swap3A_224, %swap3A_225], %swap3A_228 {strides = array<i32>} : memref<32x1024xf32, #tpu.memory_space<vmem>>, vector<1x16xf32>,
        %get3A_229 = arith.index_cast %scan3A_146 : i32 to index
        %get3A_230 = arith.constant 96 : index
        %get3A_231 = tpu.vector_load %arg7[%get3A_229, %get3A_230] {strides = array<i32>} : memref<32x1024xf32, #tpu.memory_space<vmem>>, vector<1x16xf32>,
        %get3A_232 = vector.shape_cast %get3A_231 : vector<1x16xf32> to vector<16xf32>
        %get3A_233 = arith.index_cast %scan3A_146 : i32 to index
        %get3A_234 = arith.constant 96 : index
        %get3A_235 = tpu.vector_load %arg5[%get3A_233, %get3A_234] {strides = array<i32>} : memref<32x1024xf32, #tpu.memory_space<vmem>>, vector<1x16xf32>,
        %get3A_236 = vector.shape_cast %get3A_235 : vector<1x16xf32> to vector<16xf32>
        %add3A_237 = arith.addf %get3A_232, %get3A_236 : vector<16xf32>
        %swap3A_238 = arith.index_cast %scan3A_146 : i32 to index
        %swap3A_239 = arith.constant 96 : index
        %swap3A_240 = tpu.vector_load %arg7[%swap3A_238, %swap3A_239] {strides = array<i32>} : memref<32x1024xf32, #tpu.memory_space<vmem>>, vector<1x16xf32>,
        %swap3A_241 = vector.shape_cast %swap3A_240 : vector<1x16xf32> to vector<16xf32>
        %swap3A_242 = vector.shape_cast %add3A_237 : vector<16xf32> to vector<1x16xf32>
        tpu.vector_store %arg7[%swap3A_238, %swap3A_239], %swap3A_242 {strides = array<i32>} : memref<32x1024xf32, #tpu.memory_space<vmem>>, vector<1x16xf32>,
        %get3A_243 = arith.index_cast %scan3A_146 : i32 to index
        %get3A_244 = arith.constant 112 : index
        %get3A_245 = tpu.vector_load %arg7[%get3A_243, %get3A_244] {strides = array<i32>} : memref<32x1024xf32, #tpu.memory_space<vmem>>, vector<1x16xf32>,
        %get3A_246 = vector.shape_cast %get3A_245 : vector<1x16xf32> to vector<16xf32>
        %get3A_247 = arith.index_cast %scan3A_146 : i32 to index
        %get3A_248 = arith.constant 112 : index
        %get3A_249 = tpu.vector_load %arg5[%get3A_247, %get3A_248] {strides = array<i32>} : memref<32x1024xf32, #tpu.memory_space<vmem>>, vector<1x16xf32>,
        %get3A_250 = vector.shape_cast %get3A_249 : vector<1x16xf32> to vector<16xf32>
        %add3A_251 = arith.addf %get3A_246, %get3A_250 : vector<16xf32>
        %swap3A_252 = arith.index_cast %scan3A_146 : i32 to index
        %swap3A_253 = arith.constant 112 : index
        %swap3A_254 = tpu.vector_load %arg7[%swap3A_252, %swap3A_253] {strides = array<i32>} : memref<32x1024xf32, #tpu.memory_space<vmem>>, vector<1x16xf32>,
        %swap3A_255 = vector.shape_cast %swap3A_254 : vector<1x16xf32> to vector<16xf32>
        %swap3A_256 = vector.shape_cast %add3A_251 : vector<16xf32> to vector<1x16xf32>
        tpu.vector_store %arg7[%swap3A_252, %swap3A_253], %swap3A_256 {strides = array<i32>} : memref<32x1024xf32, #tpu.memory_space<vmem>>, vector<1x16xf32>,
        %get3A_257 = arith.index_cast %scan3A_146 : i32 to index
        %get3A_258 = arith.constant 128 : index
        %get3A_259 = tpu.vector_load %arg7[%get3A_257, %get3A_258] {strides = array<i32>} : memref<32x1024xf32, #tpu.memory_space<vmem>>, vector<1x16xf32>,
        %get3A_260 = vector.shape_cast %get3A_259 : vector<1x16xf32> to vector<16xf32>
        %get3A_261 = arith.index_cast %scan3A_146 : i32 to index
        %get3A_262 = arith.constant 128 : index
        %get3A_263 = tpu.vector_load %arg5[%get3A_261, %get3A_262] {strides = array<i32>} : memref<32x1024xf32, #tpu.memory_space<vmem>>, vector<1x16xf32>,
        %get3A_264 = vector.shape_cast %get3A_263 : vector<1x16xf32> to vector<16xf32>
        %add3A_265 = arith.addf %get3A_260, %get3A_264 : vector<16xf32>
        %swap3A_266 = arith.index_cast %scan3A_146 : i32 to index
        %swap3A_267 = arith.constant 128 : index
        %swap3A_268 = tpu.vector_load %arg7[%swap3A_266, %swap3A_267] {strides = array<i32>} : memref<32x1024xf32, #tpu.memory_space<vmem>>, vector<1x16xf32>,
        %swap3A_269 = vector.shape_cast %swap3A_268 : vector<1x16xf32> to vector<16xf32>
        %swap3A_270 = vector.shape_cast %add3A_265 : vector<16xf32> to vector<1x16xf32>
        tpu.vector_store %arg7[%swap3A_266, %swap3A_267], %swap3A_270 {strides = array<i32>} : memref<32x1024xf32, #tpu.memory_space<vmem>>, vector<1x16xf32>,
        %get3A_271 = arith.index_cast %scan3A_146 : i32 to index
        %get3A_272 = arith.constant 144 : index
        %get3A_273 = tpu.vector_load %arg7[%get3A_271, %get3A_272] {strides = array<i32>} : memref<32x1024xf32, #tpu.memory_space<vmem>>, vector<1x16xf32>,
        %get3A_274 = vector.shape_cast %get3A_273 : vector<1x16xf32> to vector<16xf32>
        %get3A_275 = arith.index_cast %scan3A_146 : i32 to index
        %get3A_276 = arith.constant 144 : index
        %get3A_277 = tpu.vector_load %arg5[%get3A_275, %get3A_276] {strides = array<i32>} : memref<32x1024xf32, #tpu.memory_space<vmem>>, vector<1x16xf32>,
        %get3A_278 = vector.shape_cast %get3A_277 : vector<1x16xf32> to vector<16xf32>
        %add3A_279 = arith.addf %get3A_274, %get3A_278 : vector<16xf32>
        %swap3A_280 = arith.index_cast %scan3A_146 : i32 to index
        %swap3A_281 = arith.constant 144 : index
        %swap3A_282 = tpu.vector_load %arg7[%swap3A_280, %swap3A_281] {strides = array<i32>} : memref<32x1024xf32, #tpu.memory_space<vmem>>, vector<1x16xf32>,
        %swap3A_283 = vector.shape_cast %swap3A_282 : vector<1x16xf32> to vector<16xf32>
        %swap3A_284 = vector.shape_cast %add3A_279 : vector<16xf32> to vector<1x16xf32>
        tpu.vector_store %arg7[%swap3A_280, %swap3A_281], %swap3A_284 {strides = array<i32>} : memref<32x1024xf32, #tpu.memory_space<vmem>>, vector<1x16xf32>,
        %get3A_285 = arith.index_cast %scan3A_146 : i32 to index
        %get3A_286 = arith.constant 160 : index
        %get3A_287 = tpu.vector_load %arg7[%get3A_285, %get3A_286] {strides = array<i32>} : memref<32x1024xf32, #tpu.memory_space<vmem>>, vector<1x16xf32>,
        %get3A_288 = vector.shape_cast %get3A_287 : vector<1x16xf32> to vector<16xf32>
        %get3A_289 = arith.index_cast %scan3A_146 : i32 to index
        %get3A_290 = arith.constant 160 : index
        %get3A_291 = tpu.vector_load %arg5[%get3A_289, %get3A_290] {strides = array<i32>} : memref<32x1024xf32, #tpu.memory_space<vmem>>, vector<1x16xf32>,
        %get3A_292 = vector.shape_cast %get3A_291 : vector<1x16xf32> to vector<16xf32>
        %add3A_293 = arith.addf %get3A_288, %get3A_292 : vector<16xf32>
        %swap3A_294 = arith.index_cast %scan3A_146 : i32 to index
        %swap3A_295 = arith.constant 160 : index
        %swap3A_296 = tpu.vector_load %arg7[%swap3A_294, %swap3A_295] {strides = array<i32>} : memref<32x1024xf32, #tpu.memory_space<vmem>>, vector<1x16xf32>,
        %swap3A_297 = vector.shape_cast %swap3A_296 : vector<1x16xf32> to vector<16xf32>
        %swap3A_298 = vector.shape_cast %add3A_293 : vector<16xf32> to vector<1x16xf32>
        tpu.vector_store %arg7[%swap3A_294, %swap3A_295], %swap3A_298 {strides = array<i32>} : memref<32x1024xf32, #tpu.memory_space<vmem>>, vector<1x16xf32>,
        %get3A_299 = arith.index_cast %scan3A_146 : i32 to index
        %get3A_300 = arith.constant 176 : index
        %get3A_301 = tpu.vector_load %arg7[%get3A_299, %get3A_300] {strides = array<i32>} : memref<32x1024xf32, #tpu.memory_space<vmem>>, vector<1x16xf32>,
        %get3A_302 = vector.shape_cast %get3A_301 : vector<1x16xf32> to vector<16xf32>
        %get3A_303 = arith.index_cast %scan3A_146 : i32 to index
        %get3A_304 = arith.constant 176 : index
        %get3A_305 = tpu.vector_load %arg5[%get3A_303, %get3A_304] {strides = array<i32>} : memref<32x1024xf32, #tpu.memory_space<vmem>>, vector<1x16xf32>,
        %get3A_306 = vector.shape_cast %get3A_305 : vector<1x16xf32> to vector<16xf32>
        %add3A_307 = arith.addf %get3A_302, %get3A_306 : vector<16xf32>
        %swap3A_308 = arith.index_cast %scan3A_146 : i32 to index
        %swap3A_309 = arith.constant 176 : index
        %swap3A_310 = tpu.vector_load %arg7[%swap3A_308, %swap3A_309] {strides = array<i32>} : memref<32x1024xf32, #tpu.memory_space<vmem>>, vector<1x16xf32>,
        %swap3A_311 = vector.shape_cast %swap3A_310 : vector<1x16xf32> to vector<16xf32>
        %swap3A_312 = vector.shape_cast %add3A_307 : vector<16xf32> to vector<1x16xf32>
        tpu.vector_store %arg7[%swap3A_308, %swap3A_309], %swap3A_312 {strides = array<i32>} : memref<32x1024xf32, #tpu.memory_space<vmem>>, vector<1x16xf32>,
        %get3A_313 = arith.index_cast %scan3A_146 : i32 to index
        %get3A_314 = arith.constant 192 : index
        %get3A_315 = tpu.vector_load %arg7[%get3A_313, %get3A_314] {strides = array<i32>} : memref<32x1024xf32, #tpu.memory_space<vmem>>, vector<1x16xf32>,
        %get3A_316 = vector.shape_cast %get3A_315 : vector<1x16xf32> to vector<16xf32>
        %get3A_317 = arith.index_cast %scan3A_146 : i32 to index
        %get3A_318 = arith.constant 192 : index
        %get3A_319 = tpu.vector_load %arg5[%get3A_317, %get3A_318] {strides = array<i32>} : memref<32x1024xf32, #tpu.memory_space<vmem>>, vector<1x16xf32>,
        %get3A_320 = vector.shape_cast %get3A_319 : vector<1x16xf32> to vector<16xf32>
        %add3A_321 = arith.addf %get3A_316, %get3A_320 : vector<16xf32>
        %swap3A_322 = arith.index_cast %scan3A_146 : i32 to index
        %swap3A_323 = arith.constant 192 : index
        %swap3A_324 = tpu.vector_load %arg7[%swap3A_322, %swap3A_323] {strides = array<i32>} : memref<32x1024xf32, #tpu.memory_space<vmem>>, vector<1x16xf32>,
        %swap3A_325 = vector.shape_cast %swap3A_324 : vector<1x16xf32> to vector<16xf32>
        %swap3A_326 = vector.shape_cast %add3A_321 : vector<16xf32> to vector<1x16xf32>
        tpu.vector_store %arg7[%swap3A_322, %swap3A_323], %swap3A_326 {strides = array<i32>} : memref<32x1024xf32, #tpu.memory_space<vmem>>, vector<1x16xf32>,
        %get3A_327 = arith.index_cast %scan3A_146 : i32 to index
        %get3A_328 = arith.constant 208 : index
        %get3A_329 = tpu.vector_load %arg7[%get3A_327, %get3A_328] {strides = array<i32>} : memref<32x1024xf32, #tpu.memory_space<vmem>>, vector<1x16xf32>,
        %get3A_330 = vector.shape_cast %get3A_329 : vector<1x16xf32> to vector<16xf32>
        %get3A_331 = arith.index_cast %scan3A_146 : i32 to index
        %get3A_332 = arith.constant 208 : index
        %get3A_333 = tpu.vector_load %arg5[%get3A_331, %get3A_332] {strides = array<i32>} : memref<32x1024xf32, #tpu.memory_space<vmem>>, vector<1x16xf32>,
        %get3A_334 = vector.shape_cast %get3A_333 : vector<1x16xf32> to vector<16xf32>
        %add3A_335 = arith.addf %get3A_330, %get3A_334 : vector<16xf32>
        %swap3A_336 = arith.index_cast %scan3A_146 : i32 to index
        %swap3A_337 = arith.constant 208 : index
        %swap3A_338 = tpu.vector_load %arg7[%swap3A_336, %swap3A_337] {strides = array<i32>} : memref<32x1024xf32, #tpu.memory_space<vmem>>, vector<1x16xf32>,
        %swap3A_339 = vector.shape_cast %swap3A_338 : vector<1x16xf32> to vector<16xf32>
        %swap3A_340 = vector.shape_cast %add3A_335 : vector<16xf32> to vector<1x16xf32>
        tpu.vector_store %arg7[%swap3A_336, %swap3A_337], %swap3A_340 {strides = array<i32>} : memref<32x1024xf32, #tpu.memory_space<vmem>>, vector<1x16xf32>,
        %get3A_341 = arith.index_cast %scan3A_146 : i32 to index
        %get3A_342 = arith.constant 224 : index
        %get3A_343 = tpu.vector_load %arg7[%get3A_341, %get3A_342] {strides = array<i32>} : memref<32x1024xf32, #tpu.memory_space<vmem>>, vector<1x16xf32>,
        %get3A_344 = vector.shape_cast %get3A_343 : vector<1x16xf32> to vector<16xf32>
        %get3A_345 = arith.index_cast %scan3A_146 : i32 to index
        %get3A_346 = arith.constant 224 : index
        %get3A_347 = tpu.vector_load %arg5[%get3A_345, %get3A_346] {strides = array<i32>} : memref<32x1024xf32, #tpu.memory_space<vmem>>, vector<1x16xf32>,
        %get3A_348 = vector.shape_cast %get3A_347 : vector<1x16xf32> to vector<16xf32>
        %add3A_349 = arith.addf %get3A_344, %get3A_348 : vector<16xf32>
        %swap3A_350 = arith.index_cast %scan3A_146 : i32 to index
        %swap3A_351 = arith.constant 224 : index
        %swap3A_352 = tpu.vector_load %arg7[%swap3A_350, %swap3A_351] {strides = array<i32>} : memref<32x1024xf32, #tpu.memory_space<vmem>>, vector<1x16xf32>,
        %swap3A_353 = vector.shape_cast %swap3A_352 : vector<1x16xf32> to vector<16xf32>
        %swap3A_354 = vector.shape_cast %add3A_349 : vector<16xf32> to vector<1x16xf32>
        tpu.vector_store %arg7[%swap3A_350, %swap3A_351], %swap3A_354 {strides = array<i32>} : memref<32x1024xf32, #tpu.memory_space<vmem>>, vector<1x16xf32>,
        %get3A_355 = arith.index_cast %scan3A_146 : i32 to index
        %get3A_356 = arith.constant 240 : index
        %get3A_357 = tpu.vector_load %arg7[%get3A_355, %get3A_356] {strides = array<i32>} : memref<32x1024xf32, #tpu.memory_space<vmem>>, vector<1x16xf32>,
        %get3A_358 = vector.shape_cast %get3A_357 : vector<1x16xf32> to vector<16xf32>
        %get3A_359 = arith.index_cast %scan3A_146 : i32 to index
        %get3A_360 = arith.constant 240 : index
        %get3A_361 = tpu.vector_load %arg5[%get3A_359, %get3A_360] {strides = array<i32>} : memref<32x1024xf32, #tpu.memory_space<vmem>>, vector<1x16xf32>,
        %get3A_362 = vector.shape_cast %get3A_361 : vector<1x16xf32> to vector<16xf32>
        %add3A_363 = arith.addf %get3A_358, %get3A_362 : vector<16xf32>
        %swap3A_364 = arith.index_cast %scan3A_146 : i32 to index
        %swap3A_365 = arith.constant 240 : index
        %swap3A_366 = tpu.vector_load %arg7[%swap3A_364, %swap3A_365] {strides = array<i32>} : memref<32x1024xf32, #tpu.memory_space<vmem>>, vector<1x16xf32>,
        %swap3A_367 = vector.shape_cast %swap3A_366 : vector<1x16xf32> to vector<16xf32>
        %swap3A_368 = vector.shape_cast %add3A_363 : vector<16xf32> to vector<1x16xf32>
        tpu.vector_store %arg7[%swap3A_364, %swap3A_365], %swap3A_368 {strides = array<i32>} : memref<32x1024xf32, #tpu.memory_space<vmem>>, vector<1x16xf32>,
        %get3A_369 = arith.index_cast %scan3A_146 : i32 to index
        %get3A_370 = arith.constant 256 : index
        %get3A_371 = tpu.vector_load %arg7[%get3A_369, %get3A_370] {strides = array<i32>} : memref<32x1024xf32, #tpu.memory_space<vmem>>, vector<1x16xf32>,
        %get3A_372 = vector.shape_cast %get3A_371 : vector<1x16xf32> to vector<16xf32>
        %get3A_373 = arith.index_cast %scan3A_146 : i32 to index
        %get3A_374 = arith.constant 256 : index
        %get3A_375 = tpu.vector_load %arg5[%get3A_373, %get3A_374] {strides = array<i32>} : memref<32x1024xf32, #tpu.memory_space<vmem>>, vector<1x16xf32>,
        %get3A_376 = vector.shape_cast %get3A_375 : vector<1x16xf32> to vector<16xf32>
        %add3A_377 = arith.addf %get3A_372, %get3A_376 : vector<16xf32>
        %swap3A_378 = arith.index_cast %scan3A_146 : i32 to index
        %swap3A_379 = arith.constant 256 : index
        %swap3A_380 = tpu.vector_load %arg7[%swap3A_378, %swap3A_379] {strides = array<i32>} : memref<32x1024xf32, #tpu.memory_space<vmem>>, vector<1x16xf32>,
        %swap3A_381 = vector.shape_cast %swap3A_380 : vector<1x16xf32> to vector<16xf32>
        %swap3A_382 = vector.shape_cast %add3A_377 : vector<16xf32> to vector<1x16xf32>
        tpu.vector_store %arg7[%swap3A_378, %swap3A_379], %swap3A_382 {strides = array<i32>} : memref<32x1024xf32, #tpu.memory_space<vmem>>, vector<1x16xf32>,
        %get3A_383 = arith.index_cast %scan3A_146 : i32 to index
        %get3A_384 = arith.constant 272 : index
        %get3A_385 = tpu.vector_load %arg7[%get3A_383, %get3A_384] {strides = array<i32>} : memref<32x1024xf32, #tpu.memory_space<vmem>>, vector<1x16xf32>,
        %get3A_386 = vector.shape_cast %get3A_385 : vector<1x16xf32> to vector<16xf32>
        %get3A_387 = arith.index_cast %scan3A_146 : i32 to index
        %get3A_388 = arith.constant 272 : index
        %get3A_389 = tpu.vector_load %arg5[%get3A_387, %get3A_388] {strides = array<i32>} : memref<32x1024xf32, #tpu.memory_space<vmem>>, vector<1x16xf32>,
        %get3A_390 = vector.shape_cast %get3A_389 : vector<1x16xf32> to vector<16xf32>
        %add3A_391 = arith.addf %get3A_386, %get3A_390 : vector<16xf32>
        %swap3A_392 = arith.index_cast %scan3A_146 : i32 to index
        %swap3A_393 = arith.constant 272 : index
        %swap3A_394 = tpu.vector_load %arg7[%swap3A_392, %swap3A_393] {strides = array<i32>} : memref<32x1024xf32, #tpu.memory_space<vmem>>, vector<1x16xf32>,
        %swap3A_395 = vector.shape_cast %swap3A_394 : vector<1x16xf32> to vector<16xf32>
        %swap3A_396 = vector.shape_cast %add3A_391 : vector<16xf32> to vector<1x16xf32>
        tpu.vector_store %arg7[%swap3A_392, %swap3A_393], %swap3A_396 {strides = array<i32>} : memref<32x1024xf32, #tpu.memory_space<vmem>>, vector<1x16xf32>,
        %get3A_397 = arith.index_cast %scan3A_146 : i32 to index
        %get3A_398 = arith.constant 288 : index
        %get3A_399 = tpu.vector_load %arg7[%get3A_397, %get3A_398] {strides = array<i32>} : memref<32x1024xf32, #tpu.memory_space<vmem>>, vector<1x16xf32>,
        %get3A_400 = vector.shape_cast %get3A_399 : vector<1x16xf32> to vector<16xf32>
        %get3A_401 = arith.index_cast %scan3A_146 : i32 to index
        %get3A_402 = arith.constant 288 : index
        %get3A_403 = tpu.vector_load %arg5[%get3A_401, %get3A_402] {strides = array<i32>} : memref<32x1024xf32, #tpu.memory_space<vmem>>, vector<1x16xf32>,
        %get3A_404 = vector.shape_cast %get3A_403 : vector<1x16xf32> to vector<16xf32>
        %add3A_405 = arith.addf %get3A_400, %get3A_404 : vector<16xf32>
        %swap3A_406 = arith.index_cast %scan3A_146 : i32 to index
        %swap3A_407 = arith.constant 288 : index
        %swap3A_408 = tpu.vector_load %arg7[%swap3A_406, %swap3A_407] {strides = array<i32>} : memref<32x1024xf32, #tpu.memory_space<vmem>>, vector<1x16xf32>,
        %swap3A_409 = vector.shape_cast %swap3A_408 : vector<1x16xf32> to vector<16xf32>
        %swap3A_410 = vector.shape_cast %add3A_405 : vector<16xf32> to vector<1x16xf32>
        tpu.vector_store %arg7[%swap3A_406, %swap3A_407], %swap3A_410 {strides = array<i32>} : memref<32x1024xf32, #tpu.memory_space<vmem>>, vector<1x16xf32>,
        %get3A_411 = arith.index_cast %scan3A_146 : i32 to index
        %get3A_412 = arith.constant 304 : index
        %get3A_413 = tpu.vector_load %arg7[%get3A_411, %get3A_412] {strides = array<i32>} : memref<32x1024xf32, #tpu.memory_space<vmem>>, vector<1x16xf32>,
        %get3A_414 = vector.shape_cast %get3A_413 : vector<1x16xf32> to vector<16xf32>
        %get3A_415 = arith.index_cast %scan3A_146 : i32 to index
        %get3A_416 = arith.constant 304 : index
        %get3A_417 = tpu.vector_load %arg5[%get3A_415, %get3A_416] {strides = array<i32>} : memref<32x1024xf32, #tpu.memory_space<vmem>>, vector<1x16xf32>,
        %get3A_418 = vector.shape_cast %get3A_417 : vector<1x16xf32> to vector<16xf32>
        %add3A_419 = arith.addf %get3A_414, %get3A_418 : vector<16xf32>
        %swap3A_420 = arith.index_cast %scan3A_146 : i32 to index
        %swap3A_421 = arith.constant 304 : index
        %swap3A_422 = tpu.vector_load %arg7[%swap3A_420, %swap3A_421] {strides = array<i32>} : memref<32x1024xf32, #tpu.memory_space<vmem>>, vector<1x16xf32>,
        %swap3A_423 = vector.shape_cast %swap3A_422 : vector<1x16xf32> to vector<16xf32>
        %swap3A_424 = vector.shape_cast %add3A_419 : vector<16xf32> to vector<1x16xf32>
        tpu.vector_store %arg7[%swap3A_420, %swap3A_421], %swap3A_424 {strides = array<i32>} : memref<32x1024xf32, #tpu.memory_space<vmem>>, vector<1x16xf32>,
        %get3A_425 = arith.index_cast %scan3A_146 : i32 to index
        %get3A_426 = arith.constant 320 : index
        %get3A_427 = tpu.vector_load %arg7[%get3A_425, %get3A_426] {strides = array<i32>} : memref<32x1024xf32, #tpu.memory_space<vmem>>, vector<1x16xf32>,
        %get3A_428 = vector.shape_cast %get3A_427 : vector<1x16xf32> to vector<16xf32>
        %get3A_429 = arith.index_cast %scan3A_146 : i32 to index
        %get3A_430 = arith.constant 320 : index
        %get3A_431 = tpu.vector_load %arg5[%get3A_429, %get3A_430] {strides = array<i32>} : memref<32x1024xf32, #tpu.memory_space<vmem>>, vector<1x16xf32>,
        %get3A_432 = vector.shape_cast %get3A_431 : vector<1x16xf32> to vector<16xf32>
        %add3A_433 = arith.addf %get3A_428, %get3A_432 : vector<16xf32>
        %swap3A_434 = arith.index_cast %scan3A_146 : i32 to index
        %swap3A_435 = arith.constant 320 : index
        %swap3A_436 = tpu.vector_load %arg7[%swap3A_434, %swap3A_435] {strides = array<i32>} : memref<32x1024xf32, #tpu.memory_space<vmem>>, vector<1x16xf32>,
        %swap3A_437 = vector.shape_cast %swap3A_436 : vector<1x16xf32> to vector<16xf32>
        %swap3A_438 = vector.shape_cast %add3A_433 : vector<16xf32> to vector<1x16xf32>
        tpu.vector_store %arg7[%swap3A_434, %swap3A_435], %swap3A_438 {strides = array<i32>} : memref<32x1024xf32, #tpu.memory_space<vmem>>, vector<1x16xf32>,
        %get3A_439 = arith.index_cast %scan3A_146 : i32 to index
        %get3A_440 = arith.constant 336 : index
        %get3A_441 = tpu.vector_load %arg7[%get3A_439, %get3A_440] {strides = array<i32>} : memref<32x1024xf32, #tpu.memory_space<vmem>>, vector<1x16xf32>,
        %get3A_442 = vector.shape_cast %get3A_441 : vector<1x16xf32> to vector<16xf32>
        %get3A_443 = arith.index_cast %scan3A_146 : i32 to index
        %get3A_444 = arith.constant 336 : index
        %get3A_445 = tpu.vector_load %arg5[%get3A_443, %get3A_444] {strides = array<i32>} : memref<32x1024xf32, #tpu.memory_space<vmem>>, vector<1x16xf32>,
        %get3A_446 = vector.shape_cast %get3A_445 : vector<1x16xf32> to vector<16xf32>
        %add3A_447 = arith.addf %get3A_442, %get3A_446 : vector<16xf32>
        %swap3A_448 = arith.index_cast %scan3A_146 : i32 to index
        %swap3A_449 = arith.constant 336 : index
        %swap3A_450 = tpu.vector_load %arg7[%swap3A_448, %swap3A_449] {strides = array<i32>} : memref<32x1024xf32, #tpu.memory_space<vmem>>, vector<1x16xf32>,
        %swap3A_451 = vector.shape_cast %swap3A_450 : vector<1x16xf32> to vector<16xf32>
        %swap3A_452 = vector.shape_cast %add3A_447 : vector<16xf32> to vector<1x16xf32>
        tpu.vector_store %arg7[%swap3A_448, %swap3A_449], %swap3A_452 {strides = array<i32>} : memref<32x1024xf32, #tpu.memory_space<vmem>>, vector<1x16xf32>,
        %get3A_453 = arith.index_cast %scan3A_146 : i32 to index
        %get3A_454 = arith.constant 352 : index
        %get3A_455 = tpu.vector_load %arg7[%get3A_453, %get3A_454] {strides = array<i32>} : memref<32x1024xf32, #tpu.memory_space<vmem>>, vector<1x16xf32>,
        %get3A_456 = vector.shape_cast %get3A_455 : vector<1x16xf32> to vector<16xf32>
        %get3A_457 = arith.index_cast %scan3A_146 : i32 to index
        %get3A_458 = arith.constant 352 : index
        %get3A_459 = tpu.vector_load %arg5[%get3A_457, %get3A_458] {strides = array<i32>} : memref<32x1024xf32, #tpu.memory_space<vmem>>, vector<1x16xf32>,
        %get3A_460 = vector.shape_cast %get3A_459 : vector<1x16xf32> to vector<16xf32>
        %add3A_461 = arith.addf %get3A_456, %get3A_460 : vector<16xf32>
        %swap3A_462 = arith.index_cast %scan3A_146 : i32 to index
        %swap3A_463 = arith.constant 352 : index
        %swap3A_464 = tpu.vector_load %arg7[%swap3A_462, %swap3A_463] {strides = array<i32>} : memref<32x1024xf32, #tpu.memory_space<vmem>>, vector<1x16xf32>,
        %swap3A_465 = vector.shape_cast %swap3A_464 : vector<1x16xf32> to vector<16xf32>
        %swap3A_466 = vector.shape_cast %add3A_461 : vector<16xf32> to vector<1x16xf32>
        tpu.vector_store %arg7[%swap3A_462, %swap3A_463], %swap3A_466 {strides = array<i32>} : memref<32x1024xf32, #tpu.memory_space<vmem>>, vector<1x16xf32>,
        %get3A_467 = arith.index_cast %scan3A_146 : i32 to index
        %get3A_468 = arith.constant 368 : index
        %get3A_469 = tpu.vector_load %arg7[%get3A_467, %get3A_468] {strides = array<i32>} : memref<32x1024xf32, #tpu.memory_space<vmem>>, vector<1x16xf32>,
        %get3A_470 = vector.shape_cast %get3A_469 : vector<1x16xf32> to vector<16xf32>
        %get3A_471 = arith.index_cast %scan3A_146 : i32 to index
        %get3A_472 = arith.constant 368 : index
        %get3A_473 = tpu.vector_load %arg5[%get3A_471, %get3A_472] {strides = array<i32>} : memref<32x1024xf32, #tpu.memory_space<vmem>>, vector<1x16xf32>,
        %get3A_474 = vector.shape_cast %get3A_473 : vector<1x16xf32> to vector<16xf32>
        %add3A_475 = arith.addf %get3A_470, %get3A_474 : vector<16xf32>
        %swap3A_476 = arith.index_cast %scan3A_146 : i32 to index
        %swap3A_477 = arith.constant 368 : index
        %swap3A_478 = tpu.vector_load %arg7[%swap3A_476, %swap3A_477] {strides = array<i32>} : memref<32x1024xf32, #tpu.memory_space<vmem>>, vector<1x16xf32>,
        %swap3A_479 = vector.shape_cast %swap3A_478 : vector<1x16xf32> to vector<16xf32>
        %swap3A_480 = vector.shape_cast %add3A_475 : vector<16xf32> to vector<1x16xf32>
        tpu.vector_store %arg7[%swap3A_476, %swap3A_477], %swap3A_480 {strides = array<i32>} : memref<32x1024xf32, #tpu.memory_space<vmem>>, vector<1x16xf32>,
        %get3A_481 = arith.index_cast %scan3A_146 : i32 to index
        %get3A_482 = arith.constant 384 : index
        %get3A_483 = tpu.vector_load %arg7[%get3A_481, %get3A_482] {strides = array<i32>} : memref<32x1024xf32, #tpu.memory_space<vmem>>, vector<1x16xf32>,
        %get3A_484 = vector.shape_cast %get3A_483 : vector<1x16xf32> to vector<16xf32>
        %get3A_485 = arith.index_cast %scan3A_146 : i32 to index
        %get3A_486 = arith.constant 384 : index
        %get3A_487 = tpu.vector_load %arg5[%get3A_485, %get3A_486] {strides = array<i32>} : memref<32x1024xf32, #tpu.memory_space<vmem>>, vector<1x16xf32>,
        %get3A_488 = vector.shape_cast %get3A_487 : vector<1x16xf32> to vector<16xf32>
        %add3A_489 = arith.addf %get3A_484, %get3A_488 : vector<16xf32>
        %swap3A_490 = arith.index_cast %scan3A_146 : i32 to index
        %swap3A_491 = arith.constant 384 : index
        %swap3A_492 = tpu.vector_load %arg7[%swap3A_490, %swap3A_491] {strides = array<i32>} : memref<32x1024xf32, #tpu.memory_space<vmem>>, vector<1x16xf32>,
        %swap3A_493 = vector.shape_cast %swap3A_492 : vector<1x16xf32> to vector<16xf32>
        %swap3A_494 = vector.shape_cast %add3A_489 : vector<16xf32> to vector<1x16xf32>
        tpu.vector_store %arg7[%swap3A_490, %swap3A_491], %swap3A_494 {strides = array<i32>} : memref<32x1024xf32, #tpu.memory_space<vmem>>, vector<1x16xf32>,
        %get3A_495 = arith.index_cast %scan3A_146 : i32 to index
        %get3A_496 = arith.constant 400 : index
        %get3A_497 = tpu.vector_load %arg7[%get3A_495, %get3A_496] {strides = array<i32>} : memref<32x1024xf32, #tpu.memory_space<vmem>>, vector<1x16xf32>,
        %get3A_498 = vector.shape_cast %get3A_497 : vector<1x16xf32> to vector<16xf32>
        %get3A_499 = arith.index_cast %scan3A_146 : i32 to index
        %get3A_500 = arith.constant 400 : index
        %get3A_501 = tpu.vector_load %arg5[%get3A_499, %get3A_500] {strides = array<i32>} : memref<32x1024xf32, #tpu.memory_space<vmem>>, vector<1x16xf32>,
        %get3A_502 = vector.shape_cast %get3A_501 : vector<1x16xf32> to vector<16xf32>
        %add3A_503 = arith.addf %get3A_498, %get3A_502 : vector<16xf32>
        %swap3A_504 = arith.index_cast %scan3A_146 : i32 to index
        %swap3A_505 = arith.constant 400 : index
        %swap3A_506 = tpu.vector_load %arg7[%swap3A_504, %swap3A_505] {strides = array<i32>} : memref<32x1024xf32, #tpu.memory_space<vmem>>, vector<1x16xf32>,
        %swap3A_507 = vector.shape_cast %swap3A_506 : vector<1x16xf32> to vector<16xf32>
        %swap3A_508 = vector.shape_cast %add3A_503 : vector<16xf32> to vector<1x16xf32>
        tpu.vector_store %arg7[%swap3A_504, %swap3A_505], %swap3A_508 {strides = array<i32>} : memref<32x1024xf32, #tpu.memory_space<vmem>>, vector<1x16xf32>,
        %get3A_509 = arith.index_cast %scan3A_146 : i32 to index
        %get3A_510 = arith.constant 416 : index
        %get3A_511 = tpu.vector_load %arg7[%get3A_509, %get3A_510] {strides = array<i32>} : memref<32x1024xf32, #tpu.memory_space<vmem>>, vector<1x16xf32>,
        %get3A_512 = vector.shape_cast %get3A_511 : vector<1x16xf32> to vector<16xf32>
        %get3A_513 = arith.index_cast %scan3A_146 : i32 to index
        %get3A_514 = arith.constant 416 : index
        %get3A_515 = tpu.vector_load %arg5[%get3A_513, %get3A_514] {strides = array<i32>} : memref<32x1024xf32, #tpu.memory_space<vmem>>, vector<1x16xf32>,
        %get3A_516 = vector.shape_cast %get3A_515 : vector<1x16xf32> to vector<16xf32>
        %add3A_517 = arith.addf %get3A_512, %get3A_516 : vector<16xf32>
        %swap3A_518 = arith.index_cast %scan3A_146 : i32 to index
        %swap3A_519 = arith.constant 416 : index
        %swap3A_520 = tpu.vector_load %arg7[%swap3A_518, %swap3A_519] {strides = array<i32>} : memref<32x1024xf32, #tpu.memory_space<vmem>>, vector<1x16xf32>,
        %swap3A_521 = vector.shape_cast %swap3A_520 : vector<1x16xf32> to vector<16xf32>
        %swap3A_522 = vector.shape_cast %add3A_517 : vector<16xf32> to vector<1x16xf32>
        tpu.vector_store %arg7[%swap3A_518, %swap3A_519], %swap3A_522 {strides = array<i32>} : memref<32x1024xf32, #tpu.memory_space<vmem>>, vector<1x16xf32>,
        %get3A_523 = arith.index_cast %scan3A_146 : i32 to index
        %get3A_524 = arith.constant 432 : index
        %get3A_525 = tpu.vector_load %arg7[%get3A_523, %get3A_524] {strides = array<i32>} : memref<32x1024xf32, #tpu.memory_space<vmem>>, vector<1x16xf32>,
        %get3A_526 = vector.shape_cast %get3A_525 : vector<1x16xf32> to vector<16xf32>
        %get3A_527 = arith.index_cast %scan3A_146 : i32 to index
        %get3A_528 = arith.constant 432 : index
        %get3A_529 = tpu.vector_load %arg5[%get3A_527, %get3A_528] {strides = array<i32>} : memref<32x1024xf32, #tpu.memory_space<vmem>>, vector<1x16xf32>,
        %get3A_530 = vector.shape_cast %get3A_529 : vector<1x16xf32> to vector<16xf32>
        %add3A_531 = arith.addf %get3A_526, %get3A_530 : vector<16xf32>
        %swap3A_532 = arith.index_cast %scan3A_146 : i32 to index
        %swap3A_533 = arith.constant 432 : index
        %swap3A_534 = tpu.vector_load %arg7[%swap3A_532, %swap3A_533] {strides = array<i32>} : memref<32x1024xf32, #tpu.memory_space<vmem>>, vector<1x16xf32>,
        %swap3A_535 = vector.shape_cast %swap3A_534 : vector<1x16xf32> to vector<16xf32>
        %swap3A_536 = vector.shape_cast %add3A_531 : vector<16xf32> to vector<1x16xf32>
        tpu.vector_store %arg7[%swap3A_532, %swap3A_533], %swap3A_536 {strides = array<i32>} : memref<32x1024xf32, #tpu.memory_space<vmem>>, vector<1x16xf32>,
        %get3A_537 = arith.index_cast %scan3A_146 : i32 to index
        %get3A_538 = arith.constant 448 : index
        %get3A_539 = tpu.vector_load %arg7[%get3A_537, %get3A_538] {strides = array<i32>} : memref<32x1024xf32, #tpu.memory_space<vmem>>, vector<1x16xf32>,
        %get3A_540 = vector.shape_cast %get3A_539 : vector<1x16xf32> to vector<16xf32>
        %get3A_541 = arith.index_cast %scan3A_146 : i32 to index
        %get3A_542 = arith.constant 448 : index
        %get3A_543 = tpu.vector_load %arg5[%get3A_541, %get3A_542] {strides = array<i32>} : memref<32x1024xf32, #tpu.memory_space<vmem>>, vector<1x16xf32>,
        %get3A_544 = vector.shape_cast %get3A_543 : vector<1x16xf32> to vector<16xf32>
        %add3A_545 = arith.addf %get3A_540, %get3A_544 : vector<16xf32>
        %swap3A_546 = arith.index_cast %scan3A_146 : i32 to index
        %swap3A_547 = arith.constant 448 : index
        %swap3A_548 = tpu.vector_load %arg7[%swap3A_546, %swap3A_547] {strides = array<i32>} : memref<32x1024xf32, #tpu.memory_space<vmem>>, vector<1x16xf32>,
        %swap3A_549 = vector.shape_cast %swap3A_548 : vector<1x16xf32> to vector<16xf32>
        %swap3A_550 = vector.shape_cast %add3A_545 : vector<16xf32> to vector<1x16xf32>
        tpu.vector_store %arg7[%swap3A_546, %swap3A_547], %swap3A_550 {strides = array<i32>} : memref<32x1024xf32, #tpu.memory_space<vmem>>, vector<1x16xf32>,
        %get3A_551 = arith.index_cast %scan3A_146 : i32 to index
        %get3A_552 = arith.constant 464 : index
        %get3A_553 = tpu.vector_load %arg7[%get3A_551, %get3A_552] {strides = array<i32>} : memref<32x1024xf32, #tpu.memory_space<vmem>>, vector<1x16xf32>,
        %get3A_554 = vector.shape_cast %get3A_553 : vector<1x16xf32> to vector<16xf32>
        %get3A_555 = arith.index_cast %scan3A_146 : i32 to index
        %get3A_556 = arith.constant 464 : index
        %get3A_557 = tpu.vector_load %arg5[%get3A_555, %get3A_556] {strides = array<i32>} : memref<32x1024xf32, #tpu.memory_space<vmem>>, vector<1x16xf32>,
        %get3A_558 = vector.shape_cast %get3A_557 : vector<1x16xf32> to vector<16xf32>
        %add3A_559 = arith.addf %get3A_554, %get3A_558 : vector<16xf32>
        %swap3A_560 = arith.index_cast %scan3A_146 : i32 to index
        %swap3A_561 = arith.constant 464 : index
        %swap3A_562 = tpu.vector_load %arg7[%swap3A_560, %swap3A_561] {strides = array<i32>} : memref<32x1024xf32, #tpu.memory_space<vmem>>, vector<1x16xf32>,
        %swap3A_563 = vector.shape_cast %swap3A_562 : vector<1x16xf32> to vector<16xf32>
        %swap3A_564 = vector.shape_cast %add3A_559 : vector<16xf32> to vector<1x16xf32>
        tpu.vector_store %arg7[%swap3A_560, %swap3A_561], %swap3A_564 {strides = array<i32>} : memref<32x1024xf32, #tpu.memory_space<vmem>>, vector<1x16xf32>,
        %get3A_565 = arith.index_cast %scan3A_146 : i32 to index
        %get3A_566 = arith.constant 480 : index
        %get3A_567 = tpu.vector_load %arg7[%get3A_565, %get3A_566] {strides = array<i32>} : memref<32x1024xf32, #tpu.memory_space<vmem>>, vector<1x16xf32>,
        %get3A_568 = vector.shape_cast %get3A_567 : vector<1x16xf32> to vector<16xf32>
        %get3A_569 = arith.index_cast %scan3A_146 : i32 to index
        %get3A_570 = arith.constant 480 : index
        %get3A_571 = tpu.vector_load %arg5[%get3A_569, %get3A_570] {strides = array<i32>} : memref<32x1024xf32, #tpu.memory_space<vmem>>, vector<1x16xf32>,
        %get3A_572 = vector.shape_cast %get3A_571 : vector<1x16xf32> to vector<16xf32>
        %add3A_573 = arith.addf %get3A_568, %get3A_572 : vector<16xf32>
        %swap3A_574 = arith.index_cast %scan3A_146 : i32 to index
        %swap3A_575 = arith.constant 480 : index
        %swap3A_576 = tpu.vector_load %arg7[%swap3A_574, %swap3A_575] {strides = array<i32>} : memref<32x1024xf32, #tpu.memory_space<vmem>>, vector<1x16xf32>,
        %swap3A_577 = vector.shape_cast %swap3A_576 : vector<1x16xf32> to vector<16xf32>
        %swap3A_578 = vector.shape_cast %add3A_573 : vector<16xf32> to vector<1x16xf32>
        tpu.vector_store %arg7[%swap3A_574, %swap3A_575], %swap3A_578 {strides = array<i32>} : memref<32x1024xf32, #tpu.memory_space<vmem>>, vector<1x16xf32>,
        %get3A_579 = arith.index_cast %scan3A_146 : i32 to index
        %get3A_580 = arith.constant 496 : index
        %get3A_581 = tpu.vector_load %arg7[%get3A_579, %get3A_580] {strides = array<i32>} : memref<32x1024xf32, #tpu.memory_space<vmem>>, vector<1x16xf32>,
        %get3A_582 = vector.shape_cast %get3A_581 : vector<1x16xf32> to vector<16xf32>
        %get3A_583 = arith.index_cast %scan3A_146 : i32 to index
        %get3A_584 = arith.constant 496 : index
        %get3A_585 = tpu.vector_load %arg5[%get3A_583, %get3A_584] {strides = array<i32>} : memref<32x1024xf32, #tpu.memory_space<vmem>>, vector<1x16xf32>,
        %get3A_586 = vector.shape_cast %get3A_585 : vector<1x16xf32> to vector<16xf32>
        %add3A_587 = arith.addf %get3A_582, %get3A_586 : vector<16xf32>
        %swap3A_588 = arith.index_cast %scan3A_146 : i32 to index
        %swap3A_589 = arith.constant 496 : index
        %swap3A_590 = tpu.vector_load %arg7[%swap3A_588, %swap3A_589] {strides = array<i32>} : memref<32x1024xf32, #tpu.memory_space<vmem>>, vector<1x16xf32>,
        %swap3A_591 = vector.shape_cast %swap3A_590 : vector<1x16xf32> to vector<16xf32>
        %swap3A_592 = vector.shape_cast %add3A_587 : vector<16xf32> to vector<1x16xf32>
        tpu.vector_store %arg7[%swap3A_588, %swap3A_589], %swap3A_592 {strides = array<i32>} : memref<32x1024xf32, #tpu.memory_space<vmem>>, vector<1x16xf32>,
        %get3A_593 = arith.index_cast %scan3A_146 : i32 to index
        %get3A_594 = arith.constant 512 : index
        %get3A_595 = tpu.vector_load %arg7[%get3A_593, %get3A_594] {strides = array<i32>} : memref<32x1024xf32, #tpu.memory_space<vmem>>, vector<1x16xf32>,
        %get3A_596 = vector.shape_cast %get3A_595 : vector<1x16xf32> to vector<16xf32>
        %get3A_597 = arith.index_cast %scan3A_146 : i32 to index
        %get3A_598 = arith.constant 512 : index
        %get3A_599 = tpu.vector_load %arg5[%get3A_597, %get3A_598] {strides = array<i32>} : memref<32x1024xf32, #tpu.memory_space<vmem>>, vector<1x16xf32>,
        %get3A_600 = vector.shape_cast %get3A_599 : vector<1x16xf32> to vector<16xf32>
        %add3A_601 = arith.addf %get3A_596, %get3A_600 : vector<16xf32>
        %swap3A_602 = arith.index_cast %scan3A_146 : i32 to index
        %swap3A_603 = arith.constant 512 : index
        %swap3A_604 = tpu.vector_load %arg7[%swap3A_602, %swap3A_603] {strides = array<i32>} : memref<32x1024xf32, #tpu.memory_space<vmem>>, vector<1x16xf32>,
        %swap3A_605 = vector.shape_cast %swap3A_604 : vector<1x16xf32> to vector<16xf32>
        %swap3A_606 = vector.shape_cast %add3A_601 : vector<16xf32> to vector<1x16xf32>
        tpu.vector_store %arg7[%swap3A_602, %swap3A_603], %swap3A_606 {strides = array<i32>} : memref<32x1024xf32, #tpu.memory_space<vmem>>, vector<1x16xf32>,
        %get3A_607 = arith.index_cast %scan3A_146 : i32 to index
        %get3A_608 = arith.constant 528 : index
        %get3A_609 = tpu.vector_load %arg7[%get3A_607, %get3A_608] {strides = array<i32>} : memref<32x1024xf32, #tpu.memory_space<vmem>>, vector<1x16xf32>,
        %get3A_610 = vector.shape_cast %get3A_609 : vector<1x16xf32> to vector<16xf32>
        %get3A_611 = arith.index_cast %scan3A_146 : i32 to index
        %get3A_612 = arith.constant 528 : index
        %get3A_613 = tpu.vector_load %arg5[%get3A_611, %get3A_612] {strides = array<i32>} : memref<32x1024xf32, #tpu.memory_space<vmem>>, vector<1x16xf32>,
        %get3A_614 = vector.shape_cast %get3A_613 : vector<1x16xf32> to vector<16xf32>
        %add3A_615 = arith.addf %get3A_610, %get3A_614 : vector<16xf32>
        %swap3A_616 = arith.index_cast %scan3A_146 : i32 to index
        %swap3A_617 = arith.constant 528 : index
        %swap3A_618 = tpu.vector_load %arg7[%swap3A_616, %swap3A_617] {strides = array<i32>} : memref<32x1024xf32, #tpu.memory_space<vmem>>, vector<1x16xf32>,
        %swap3A_619 = vector.shape_cast %swap3A_618 : vector<1x16xf32> to vector<16xf32>
        %swap3A_620 = vector.shape_cast %add3A_615 : vector<16xf32> to vector<1x16xf32>
        tpu.vector_store %arg7[%swap3A_616, %swap3A_617], %swap3A_620 {strides = array<i32>} : memref<32x1024xf32, #tpu.memory_space<vmem>>, vector<1x16xf32>,
        %get3A_621 = arith.index_cast %scan3A_146 : i32 to index
        %get3A_622 = arith.constant 544 : index
        %get3A_623 = tpu.vector_load %arg7[%get3A_621, %get3A_622] {strides = array<i32>} : memref<32x1024xf32, #tpu.memory_space<vmem>>, vector<1x16xf32>,
        %get3A_624 = vector.shape_cast %get3A_623 : vector<1x16xf32> to vector<16xf32>
        %get3A_625 = arith.index_cast %scan3A_146 : i32 to index
        %get3A_626 = arith.constant 544 : index
        %get3A_627 = tpu.vector_load %arg5[%get3A_625, %get3A_626] {strides = array<i32>} : memref<32x1024xf32, #tpu.memory_space<vmem>>, vector<1x16xf32>,
        %get3A_628 = vector.shape_cast %get3A_627 : vector<1x16xf32> to vector<16xf32>
        %add3A_629 = arith.addf %get3A_624, %get3A_628 : vector<16xf32>
        %swap3A_630 = arith.index_cast %scan3A_146 : i32 to index
        %swap3A_631 = arith.constant 544 : index
        %swap3A_632 = tpu.vector_load %arg7[%swap3A_630, %swap3A_631] {strides = array<i32>} : memref<32x1024xf32, #tpu.memory_space<vmem>>, vector<1x16xf32>,
        %swap3A_633 = vector.shape_cast %swap3A_632 : vector<1x16xf32> to vector<16xf32>
        %swap3A_634 = vector.shape_cast %add3A_629 : vector<16xf32> to vector<1x16xf32>
        tpu.vector_store %arg7[%swap3A_630, %swap3A_631], %swap3A_634 {strides = array<i32>} : memref<32x1024xf32, #tpu.memory_space<vmem>>, vector<1x16xf32>,
        %get3A_635 = arith.index_cast %scan3A_146 : i32 to index
        %get3A_636 = arith.constant 560 : index
        %get3A_637 = tpu.vector_load %arg7[%get3A_635, %get3A_636] {strides = array<i32>} : memref<32x1024xf32, #tpu.memory_space<vmem>>, vector<1x16xf32>,
        %get3A_638 = vector.shape_cast %get3A_637 : vector<1x16xf32> to vector<16xf32>
        %get3A_639 = arith.index_cast %scan3A_146 : i32 to index
        %get3A_640 = arith.constant 560 : index
        %get3A_641 = tpu.vector_load %arg5[%get3A_639, %get3A_640] {strides = array<i32>} : memref<32x1024xf32, #tpu.memory_space<vmem>>, vector<1x16xf32>,
        %get3A_642 = vector.shape_cast %get3A_641 : vector<1x16xf32> to vector<16xf32>
        %add3A_643 = arith.addf %get3A_638, %get3A_642 : vector<16xf32>
        %swap3A_644 = arith.index_cast %scan3A_146 : i32 to index
        %swap3A_645 = arith.constant 560 : index
        %swap3A_646 = tpu.vector_load %arg7[%swap3A_644, %swap3A_645] {strides = array<i32>} : memref<32x1024xf32, #tpu.memory_space<vmem>>, vector<1x16xf32>,
        %swap3A_647 = vector.shape_cast %swap3A_646 : vector<1x16xf32> to vector<16xf32>
        %swap3A_648 = vector.shape_cast %add3A_643 : vector<16xf32> to vector<1x16xf32>
        tpu.vector_store %arg7[%swap3A_644, %swap3A_645], %swap3A_648 {strides = array<i32>} : memref<32x1024xf32, #tpu.memory_space<vmem>>, vector<1x16xf32>,
        %get3A_649 = arith.index_cast %scan3A_146 : i32 to index
        %get3A_650 = arith.constant 576 : index
        %get3A_651 = tpu.vector_load %arg7[%get3A_649, %get3A_650] {strides = array<i32>} : memref<32x1024xf32, #tpu.memory_space<vmem>>, vector<1x16xf32>,
        %get3A_652 = vector.shape_cast %get3A_651 : vector<1x16xf32> to vector<16xf32>
        %get3A_653 = arith.index_cast %scan3A_146 : i32 to index
        %get3A_654 = arith.constant 576 : index
        %get3A_655 = tpu.vector_load %arg5[%get3A_653, %get3A_654] {strides = array<i32>} : memref<32x1024xf32, #tpu.memory_space<vmem>>, vector<1x16xf32>,
        %get3A_656 = vector.shape_cast %get3A_655 : vector<1x16xf32> to vector<16xf32>
        %add3A_657 = arith.addf %get3A_652, %get3A_656 : vector<16xf32>
        %swap3A_658 = arith.index_cast %scan3A_146 : i32 to index
        %swap3A_659 = arith.constant 576 : index
        %swap3A_660 = tpu.vector_load %arg7[%swap3A_658, %swap3A_659] {strides = array<i32>} : memref<32x1024xf32, #tpu.memory_space<vmem>>, vector<1x16xf32>,
        %swap3A_661 = vector.shape_cast %swap3A_660 : vector<1x16xf32> to vector<16xf32>
        %swap3A_662 = vector.shape_cast %add3A_657 : vector<16xf32> to vector<1x16xf32>
        tpu.vector_store %arg7[%swap3A_658, %swap3A_659], %swap3A_662 {strides = array<i32>} : memref<32x1024xf32, #tpu.memory_space<vmem>>, vector<1x16xf32>,
        %get3A_663 = arith.index_cast %scan3A_146 : i32 to index
        %get3A_664 = arith.constant 592 : index
        %get3A_665 = tpu.vector_load %arg7[%get3A_663, %get3A_664] {strides = array<i32>} : memref<32x1024xf32, #tpu.memory_space<vmem>>, vector<1x16xf32>,
        %get3A_666 = vector.shape_cast %get3A_665 : vector<1x16xf32> to vector<16xf32>
        %get3A_667 = arith.index_cast %scan3A_146 : i32 to index
        %get3A_668 = arith.constant 592 : index
        %get3A_669 = tpu.vector_load %arg5[%get3A_667, %get3A_668] {strides = array<i32>} : memref<32x1024xf32, #tpu.memory_space<vmem>>, vector<1x16xf32>,
        %get3A_670 = vector.shape_cast %get3A_669 : vector<1x16xf32> to vector<16xf32>
        %add3A_671 = arith.addf %get3A_666, %get3A_670 : vector<16xf32>
        %swap3A_672 = arith.index_cast %scan3A_146 : i32 to index
        %swap3A_673 = arith.constant 592 : index
        %swap3A_674 = tpu.vector_load %arg7[%swap3A_672, %swap3A_673] {strides = array<i32>} : memref<32x1024xf32, #tpu.memory_space<vmem>>, vector<1x16xf32>,
        %swap3A_675 = vector.shape_cast %swap3A_674 : vector<1x16xf32> to vector<16xf32>
        %swap3A_676 = vector.shape_cast %add3A_671 : vector<16xf32> to vector<1x16xf32>
        tpu.vector_store %arg7[%swap3A_672, %swap3A_673], %swap3A_676 {strides = array<i32>} : memref<32x1024xf32, #tpu.memory_space<vmem>>, vector<1x16xf32>,
        %get3A_677 = arith.index_cast %scan3A_146 : i32 to index
        %get3A_678 = arith.constant 608 : index
        %get3A_679 = tpu.vector_load %arg7[%get3A_677, %get3A_678] {strides = array<i32>} : memref<32x1024xf32, #tpu.memory_space<vmem>>, vector<1x16xf32>,
        %get3A_680 = vector.shape_cast %get3A_679 : vector<1x16xf32> to vector<16xf32>
        %get3A_681 = arith.index_cast %scan3A_146 : i32 to index
        %get3A_682 = arith.constant 608 : index
        %get3A_683 = tpu.vector_load %arg5[%get3A_681, %get3A_682] {strides = array<i32>} : memref<32x1024xf32, #tpu.memory_space<vmem>>, vector<1x16xf32>,
        %get3A_684 = vector.shape_cast %get3A_683 : vector<1x16xf32> to vector<16xf32>
        %add3A_685 = arith.addf %get3A_680, %get3A_684 : vector<16xf32>
        %swap3A_686 = arith.index_cast %scan3A_146 : i32 to index
        %swap3A_687 = arith.constant 608 : index
        %swap3A_688 = tpu.vector_load %arg7[%swap3A_686, %swap3A_687] {strides = array<i32>} : memref<32x1024xf32, #tpu.memory_space<vmem>>, vector<1x16xf32>,
        %swap3A_689 = vector.shape_cast %swap3A_688 : vector<1x16xf32> to vector<16xf32>
        %swap3A_690 = vector.shape_cast %add3A_685 : vector<16xf32> to vector<1x16xf32>
        tpu.vector_store %arg7[%swap3A_686, %swap3A_687], %swap3A_690 {strides = array<i32>} : memref<32x1024xf32, #tpu.memory_space<vmem>>, vector<1x16xf32>,
        %get3A_691 = arith.index_cast %scan3A_146 : i32 to index
        %get3A_692 = arith.constant 624 : index
        %get3A_693 = tpu.vector_load %arg7[%get3A_691, %get3A_692] {strides = array<i32>} : memref<32x1024xf32, #tpu.memory_space<vmem>>, vector<1x16xf32>,
        %get3A_694 = vector.shape_cast %get3A_693 : vector<1x16xf32> to vector<16xf32>
        %get3A_695 = arith.index_cast %scan3A_146 : i32 to index
        %get3A_696 = arith.constant 624 : index
        %get3A_697 = tpu.vector_load %arg5[%get3A_695, %get3A_696] {strides = array<i32>} : memref<32x1024xf32, #tpu.memory_space<vmem>>, vector<1x16xf32>,
        %get3A_698 = vector.shape_cast %get3A_697 : vector<1x16xf32> to vector<16xf32>
        %add3A_699 = arith.addf %get3A_694, %get3A_698 : vector<16xf32>
        %swap3A_700 = arith.index_cast %scan3A_146 : i32 to index
        %swap3A_701 = arith.constant 624 : index
        %swap3A_702 = tpu.vector_load %arg7[%swap3A_700, %swap3A_701] {strides = array<i32>} : memref<32x1024xf32, #tpu.memory_space<vmem>>, vector<1x16xf32>,
        %swap3A_703 = vector.shape_cast %swap3A_702 : vector<1x16xf32> to vector<16xf32>
        %swap3A_704 = vector.shape_cast %add3A_699 : vector<16xf32> to vector<1x16xf32>
        tpu.vector_store %arg7[%swap3A_700, %swap3A_701], %swap3A_704 {strides = array<i32>} : memref<32x1024xf32, #tpu.memory_space<vmem>>, vector<1x16xf32>,
        %get3A_705 = arith.index_cast %scan3A_146 : i32 to index
        %get3A_706 = arith.constant 640 : index
        %get3A_707 = tpu.vector_load %arg7[%get3A_705, %get3A_706] {strides = array<i32>} : memref<32x1024xf32, #tpu.memory_space<vmem>>, vector<1x16xf32>,
        %get3A_708 = vector.shape_cast %get3A_707 : vector<1x16xf32> to vector<16xf32>
        %get3A_709 = arith.index_cast %scan3A_146 : i32 to index
        %get3A_710 = arith.constant 640 : index
        %get3A_711 = tpu.vector_load %arg5[%get3A_709, %get3A_710] {strides = array<i32>} : memref<32x1024xf32, #tpu.memory_space<vmem>>, vector<1x16xf32>,
        %get3A_712 = vector.shape_cast %get3A_711 : vector<1x16xf32> to vector<16xf32>
        %add3A_713 = arith.addf %get3A_708, %get3A_712 : vector<16xf32>
        %swap3A_714 = arith.index_cast %scan3A_146 : i32 to index
        %swap3A_715 = arith.constant 640 : index
        %swap3A_716 = tpu.vector_load %arg7[%swap3A_714, %swap3A_715] {strides = array<i32>} : memref<32x1024xf32, #tpu.memory_space<vmem>>, vector<1x16xf32>,
        %swap3A_717 = vector.shape_cast %swap3A_716 : vector<1x16xf32> to vector<16xf32>
        %swap3A_718 = vector.shape_cast %add3A_713 : vector<16xf32> to vector<1x16xf32>
        tpu.vector_store %arg7[%swap3A_714, %swap3A_715], %swap3A_718 {strides = array<i32>} : memref<32x1024xf32, #tpu.memory_space<vmem>>, vector<1x16xf32>,
        %get3A_719 = arith.index_cast %scan3A_146 : i32 to index
        %get3A_720 = arith.constant 656 : index
        %get3A_721 = tpu.vector_load %arg7[%get3A_719, %get3A_720] {strides = array<i32>} : memref<32x1024xf32, #tpu.memory_space<vmem>>, vector<1x16xf32>,
        %get3A_722 = vector.shape_cast %get3A_721 : vector<1x16xf32> to vector<16xf32>
        %get3A_723 = arith.index_cast %scan3A_146 : i32 to index
        %get3A_724 = arith.constant 656 : index
        %get3A_725 = tpu.vector_load %arg5[%get3A_723, %get3A_724] {strides = array<i32>} : memref<32x1024xf32, #tpu.memory_space<vmem>>, vector<1x16xf32>,
        %get3A_726 = vector.shape_cast %get3A_725 : vector<1x16xf32> to vector<16xf32>
        %add3A_727 = arith.addf %get3A_722, %get3A_726 : vector<16xf32>
        %swap3A_728 = arith.index_cast %scan3A_146 : i32 to index
        %swap3A_729 = arith.constant 656 : index
        %swap3A_730 = tpu.vector_load %arg7[%swap3A_728, %swap3A_729] {strides = array<i32>} : memref<32x1024xf32, #tpu.memory_space<vmem>>, vector<1x16xf32>,
        %swap3A_731 = vector.shape_cast %swap3A_730 : vector<1x16xf32> to vector<16xf32>
        %swap3A_732 = vector.shape_cast %add3A_727 : vector<16xf32> to vector<1x16xf32>
        tpu.vector_store %arg7[%swap3A_728, %swap3A_729], %swap3A_732 {strides = array<i32>} : memref<32x1024xf32, #tpu.memory_space<vmem>>, vector<1x16xf32>,
        %get3A_733 = arith.index_cast %scan3A_146 : i32 to index
        %get3A_734 = arith.constant 672 : index
        %get3A_735 = tpu.vector_load %arg7[%get3A_733, %get3A_734] {strides = array<i32>} : memref<32x1024xf32, #tpu.memory_space<vmem>>, vector<1x16xf32>,
        %get3A_736 = vector.shape_cast %get3A_735 : vector<1x16xf32> to vector<16xf32>
        %get3A_737 = arith.index_cast %scan3A_146 : i32 to index
        %get3A_738 = arith.constant 672 : index
        %get3A_739 = tpu.vector_load %arg5[%get3A_737, %get3A_738] {strides = array<i32>} : memref<32x1024xf32, #tpu.memory_space<vmem>>, vector<1x16xf32>,
        %get3A_740 = vector.shape_cast %get3A_739 : vector<1x16xf32> to vector<16xf32>
        %add3A_741 = arith.addf %get3A_736, %get3A_740 : vector<16xf32>
        %swap3A_742 = arith.index_cast %scan3A_146 : i32 to index
        %swap3A_743 = arith.constant 672 : index
        %swap3A_744 = tpu.vector_load %arg7[%swap3A_742, %swap3A_743] {strides = array<i32>} : memref<32x1024xf32, #tpu.memory_space<vmem>>, vector<1x16xf32>,
        %swap3A_745 = vector.shape_cast %swap3A_744 : vector<1x16xf32> to vector<16xf32>
        %swap3A_746 = vector.shape_cast %add3A_741 : vector<16xf32> to vector<1x16xf32>
        tpu.vector_store %arg7[%swap3A_742, %swap3A_743], %swap3A_746 {strides = array<i32>} : memref<32x1024xf32, #tpu.memory_space<vmem>>, vector<1x16xf32>,
        %get3A_747 = arith.index_cast %scan3A_146 : i32 to index
        %get3A_748 = arith.constant 688 : index
        %get3A_749 = tpu.vector_load %arg7[%get3A_747, %get3A_748] {strides = array<i32>} : memref<32x1024xf32, #tpu.memory_space<vmem>>, vector<1x16xf32>,
        %get3A_750 = vector.shape_cast %get3A_749 : vector<1x16xf32> to vector<16xf32>
        %get3A_751 = arith.index_cast %scan3A_146 : i32 to index
        %get3A_752 = arith.constant 688 : index
        %get3A_753 = tpu.vector_load %arg5[%get3A_751, %get3A_752] {strides = array<i32>} : memref<32x1024xf32, #tpu.memory_space<vmem>>, vector<1x16xf32>,
        %get3A_754 = vector.shape_cast %get3A_753 : vector<1x16xf32> to vector<16xf32>
        %add3A_755 = arith.addf %get3A_750, %get3A_754 : vector<16xf32>
        %swap3A_756 = arith.index_cast %scan3A_146 : i32 to index
        %swap3A_757 = arith.constant 688 : index
        %swap3A_758 = tpu.vector_load %arg7[%swap3A_756, %swap3A_757] {strides = array<i32>} : memref<32x1024xf32, #tpu.memory_space<vmem>>, vector<1x16xf32>,
        %swap3A_759 = vector.shape_cast %swap3A_758 : vector<1x16xf32> to vector<16xf32>
        %swap3A_760 = vector.shape_cast %add3A_755 : vector<16xf32> to vector<1x16xf32>
        tpu.vector_store %arg7[%swap3A_756, %swap3A_757], %swap3A_760 {strides = array<i32>} : memref<32x1024xf32, #tpu.memory_space<vmem>>, vector<1x16xf32>,
        %get3A_761 = arith.index_cast %scan3A_146 : i32 to index
        %get3A_762 = arith.constant 704 : index
        %get3A_763 = tpu.vector_load %arg7[%get3A_761, %get3A_762] {strides = array<i32>} : memref<32x1024xf32, #tpu.memory_space<vmem>>, vector<1x16xf32>,
        %get3A_764 = vector.shape_cast %get3A_763 : vector<1x16xf32> to vector<16xf32>
        %get3A_765 = arith.index_cast %scan3A_146 : i32 to index
        %get3A_766 = arith.constant 704 : index
        %get3A_767 = tpu.vector_load %arg5[%get3A_765, %get3A_766] {strides = array<i32>} : memref<32x1024xf32, #tpu.memory_space<vmem>>, vector<1x16xf32>,
        %get3A_768 = vector.shape_cast %get3A_767 : vector<1x16xf32> to vector<16xf32>
        %add3A_769 = arith.addf %get3A_764, %get3A_768 : vector<16xf32>
        %swap3A_770 = arith.index_cast %scan3A_146 : i32 to index
        %swap3A_771 = arith.constant 704 : index
        %swap3A_772 = tpu.vector_load %arg7[%swap3A_770, %swap3A_771] {strides = array<i32>} : memref<32x1024xf32, #tpu.memory_space<vmem>>, vector<1x16xf32>,
        %swap3A_773 = vector.shape_cast %swap3A_772 : vector<1x16xf32> to vector<16xf32>
        %swap3A_774 = vector.shape_cast %add3A_769 : vector<16xf32> to vector<1x16xf32>
        tpu.vector_store %arg7[%swap3A_770, %swap3A_771], %swap3A_774 {strides = array<i32>} : memref<32x1024xf32, #tpu.memory_space<vmem>>, vector<1x16xf32>,
        %get3A_775 = arith.index_cast %scan3A_146 : i32 to index
        %get3A_776 = arith.constant 720 : index
        %get3A_777 = tpu.vector_load %arg7[%get3A_775, %get3A_776] {strides = array<i32>} : memref<32x1024xf32, #tpu.memory_space<vmem>>, vector<1x16xf32>,
        %get3A_778 = vector.shape_cast %get3A_777 : vector<1x16xf32> to vector<16xf32>
        %get3A_779 = arith.index_cast %scan3A_146 : i32 to index
        %get3A_780 = arith.constant 720 : index
        %get3A_781 = tpu.vector_load %arg5[%get3A_779, %get3A_780] {strides = array<i32>} : memref<32x1024xf32, #tpu.memory_space<vmem>>, vector<1x16xf32>,
        %get3A_782 = vector.shape_cast %get3A_781 : vector<1x16xf32> to vector<16xf32>
        %add3A_783 = arith.addf %get3A_778, %get3A_782 : vector<16xf32>
        %swap3A_784 = arith.index_cast %scan3A_146 : i32 to index
        %swap3A_785 = arith.constant 720 : index
        %swap3A_786 = tpu.vector_load %arg7[%swap3A_784, %swap3A_785] {strides = array<i32>} : memref<32x1024xf32, #tpu.memory_space<vmem>>, vector<1x16xf32>,
        %swap3A_787 = vector.shape_cast %swap3A_786 : vector<1x16xf32> to vector<16xf32>
        %swap3A_788 = vector.shape_cast %add3A_783 : vector<16xf32> to vector<1x16xf32>
        tpu.vector_store %arg7[%swap3A_784, %swap3A_785], %swap3A_788 {strides = array<i32>} : memref<32x1024xf32, #tpu.memory_space<vmem>>, vector<1x16xf32>,
        %get3A_789 = arith.index_cast %scan3A_146 : i32 to index
        %get3A_790 = arith.constant 736 : index
        %get3A_791 = tpu.vector_load %arg7[%get3A_789, %get3A_790] {strides = array<i32>} : memref<32x1024xf32, #tpu.memory_space<vmem>>, vector<1x16xf32>,
        %get3A_792 = vector.shape_cast %get3A_791 : vector<1x16xf32> to vector<16xf32>
        %get3A_793 = arith.index_cast %scan3A_146 : i32 to index
        %get3A_794 = arith.constant 736 : index
        %get3A_795 = tpu.vector_load %arg5[%get3A_793, %get3A_794] {strides = array<i32>} : memref<32x1024xf32, #tpu.memory_space<vmem>>, vector<1x16xf32>,
        %get3A_796 = vector.shape_cast %get3A_795 : vector<1x16xf32> to vector<16xf32>
        %add3A_797 = arith.addf %get3A_792, %get3A_796 : vector<16xf32>
        %swap3A_798 = arith.index_cast %scan3A_146 : i32 to index
        %swap3A_799 = arith.constant 736 : index
        %swap3A_800 = tpu.vector_load %arg7[%swap3A_798, %swap3A_799] {strides = array<i32>} : memref<32x1024xf32, #tpu.memory_space<vmem>>, vector<1x16xf32>,
        %swap3A_801 = vector.shape_cast %swap3A_800 : vector<1x16xf32> to vector<16xf32>
        %swap3A_802 = vector.shape_cast %add3A_797 : vector<16xf32> to vector<1x16xf32>
        tpu.vector_store %arg7[%swap3A_798, %swap3A_799], %swap3A_802 {strides = array<i32>} : memref<32x1024xf32, #tpu.memory_space<vmem>>, vector<1x16xf32>,
        %get3A_803 = arith.index_cast %scan3A_146 : i32 to index
        %get3A_804 = arith.constant 752 : index
        %get3A_805 = tpu.vector_load %arg7[%get3A_803, %get3A_804] {strides = array<i32>} : memref<32x1024xf32, #tpu.memory_space<vmem>>, vector<1x16xf32>,
        %get3A_806 = vector.shape_cast %get3A_805 : vector<1x16xf32> to vector<16xf32>
        %get3A_807 = arith.index_cast %scan3A_146 : i32 to index
        %get3A_808 = arith.constant 752 : index
        %get3A_809 = tpu.vector_load %arg5[%get3A_807, %get3A_808] {strides = array<i32>} : memref<32x1024xf32, #tpu.memory_space<vmem>>, vector<1x16xf32>,
        %get3A_810 = vector.shape_cast %get3A_809 : vector<1x16xf32> to vector<16xf32>
        %add3A_811 = arith.addf %get3A_806, %get3A_810 : vector<16xf32>
        %swap3A_812 = arith.index_cast %scan3A_146 : i32 to index
        %swap3A_813 = arith.constant 752 : index
        %swap3A_814 = tpu.vector_load %arg7[%swap3A_812, %swap3A_813] {strides = array<i32>} : memref<32x1024xf32, #tpu.memory_space<vmem>>, vector<1x16xf32>,
        %swap3A_815 = vector.shape_cast %swap3A_814 : vector<1x16xf32> to vector<16xf32>
        %swap3A_816 = vector.shape_cast %add3A_811 : vector<16xf32> to vector<1x16xf32>
        tpu.vector_store %arg7[%swap3A_812, %swap3A_813], %swap3A_816 {strides = array<i32>} : memref<32x1024xf32, #tpu.memory_space<vmem>>, vector<1x16xf32>,
        %get3A_817 = arith.index_cast %scan3A_146 : i32 to index
        %get3A_818 = arith.constant 768 : index
        %get3A_819 = tpu.vector_load %arg7[%get3A_817, %get3A_818] {strides = array<i32>} : memref<32x1024xf32, #tpu.memory_space<vmem>>, vector<1x16xf32>,
        %get3A_820 = vector.shape_cast %get3A_819 : vector<1x16xf32> to vector<16xf32>
        %get3A_821 = arith.index_cast %scan3A_146 : i32 to index
        %get3A_822 = arith.constant 768 : index
        %get3A_823 = tpu.vector_load %arg5[%get3A_821, %get3A_822] {strides = array<i32>} : memref<32x1024xf32, #tpu.memory_space<vmem>>, vector<1x16xf32>,
        %get3A_824 = vector.shape_cast %get3A_823 : vector<1x16xf32> to vector<16xf32>
        %add3A_825 = arith.addf %get3A_820, %get3A_824 : vector<16xf32>
        %swap3A_826 = arith.index_cast %scan3A_146 : i32 to index
        %swap3A_827 = arith.constant 768 : index
        %swap3A_828 = tpu.vector_load %arg7[%swap3A_826, %swap3A_827] {strides = array<i32>} : memref<32x1024xf32, #tpu.memory_space<vmem>>, vector<1x16xf32>,
        %swap3A_829 = vector.shape_cast %swap3A_828 : vector<1x16xf32> to vector<16xf32>
        %swap3A_830 = vector.shape_cast %add3A_825 : vector<16xf32> to vector<1x16xf32>
        tpu.vector_store %arg7[%swap3A_826, %swap3A_827], %swap3A_830 {strides = array<i32>} : memref<32x1024xf32, #tpu.memory_space<vmem>>, vector<1x16xf32>,
        %get3A_831 = arith.index_cast %scan3A_146 : i32 to index
        %get3A_832 = arith.constant 784 : index
        %get3A_833 = tpu.vector_load %arg7[%get3A_831, %get3A_832] {strides = array<i32>} : memref<32x1024xf32, #tpu.memory_space<vmem>>, vector<1x16xf32>,
        %get3A_834 = vector.shape_cast %get3A_833 : vector<1x16xf32> to vector<16xf32>
        %get3A_835 = arith.index_cast %scan3A_146 : i32 to index
        %get3A_836 = arith.constant 784 : index
        %get3A_837 = tpu.vector_load %arg5[%get3A_835, %get3A_836] {strides = array<i32>} : memref<32x1024xf32, #tpu.memory_space<vmem>>, vector<1x16xf32>,
        %get3A_838 = vector.shape_cast %get3A_837 : vector<1x16xf32> to vector<16xf32>
        %add3A_839 = arith.addf %get3A_834, %get3A_838 : vector<16xf32>
        %swap3A_840 = arith.index_cast %scan3A_146 : i32 to index
        %swap3A_841 = arith.constant 784 : index
        %swap3A_842 = tpu.vector_load %arg7[%swap3A_840, %swap3A_841] {strides = array<i32>} : memref<32x1024xf32, #tpu.memory_space<vmem>>, vector<1x16xf32>,
        %swap3A_843 = vector.shape_cast %swap3A_842 : vector<1x16xf32> to vector<16xf32>
        %swap3A_844 = vector.shape_cast %add3A_839 : vector<16xf32> to vector<1x16xf32>
        tpu.vector_store %arg7[%swap3A_840, %swap3A_841], %swap3A_844 {strides = array<i32>} : memref<32x1024xf32, #tpu.memory_space<vmem>>, vector<1x16xf32>,
        %get3A_845 = arith.index_cast %scan3A_146 : i32 to index
        %get3A_846 = arith.constant 800 : index
        %get3A_847 = tpu.vector_load %arg7[%get3A_845, %get3A_846] {strides = array<i32>} : memref<32x1024xf32, #tpu.memory_space<vmem>>, vector<1x16xf32>,
        %get3A_848 = vector.shape_cast %get3A_847 : vector<1x16xf32> to vector<16xf32>
        %get3A_849 = arith.index_cast %scan3A_146 : i32 to index
        %get3A_850 = arith.constant 800 : index
        %get3A_851 = tpu.vector_load %arg5[%get3A_849, %get3A_850] {strides = array<i32>} : memref<32x1024xf32, #tpu.memory_space<vmem>>, vector<1x16xf32>,
        %get3A_852 = vector.shape_cast %get3A_851 : vector<1x16xf32> to vector<16xf32>
        %add3A_853 = arith.addf %get3A_848, %get3A_852 : vector<16xf32>
        %swap3A_854 = arith.index_cast %scan3A_146 : i32 to index
        %swap3A_855 = arith.constant 800 : index
        %swap3A_856 = tpu.vector_load %arg7[%swap3A_854, %swap3A_855] {strides = array<i32>} : memref<32x1024xf32, #tpu.memory_space<vmem>>, vector<1x16xf32>,
        %swap3A_857 = vector.shape_cast %swap3A_856 : vector<1x16xf32> to vector<16xf32>
        %swap3A_858 = vector.shape_cast %add3A_853 : vector<16xf32> to vector<1x16xf32>
        tpu.vector_store %arg7[%swap3A_854, %swap3A_855], %swap3A_858 {strides = array<i32>} : memref<32x1024xf32, #tpu.memory_space<vmem>>, vector<1x16xf32>,
        %get3A_859 = arith.index_cast %scan3A_146 : i32 to index
        %get3A_860 = arith.constant 816 : index
        %get3A_861 = tpu.vector_load %arg7[%get3A_859, %get3A_860] {strides = array<i32>} : memref<32x1024xf32, #tpu.memory_space<vmem>>, vector<1x16xf32>,
        %get3A_862 = vector.shape_cast %get3A_861 : vector<1x16xf32> to vector<16xf32>
        %get3A_863 = arith.index_cast %scan3A_146 : i32 to index
        %get3A_864 = arith.constant 816 : index
        %get3A_865 = tpu.vector_load %arg5[%get3A_863, %get3A_864] {strides = array<i32>} : memref<32x1024xf32, #tpu.memory_space<vmem>>, vector<1x16xf32>,
        %get3A_866 = vector.shape_cast %get3A_865 : vector<1x16xf32> to vector<16xf32>
        %add3A_867 = arith.addf %get3A_862, %get3A_866 : vector<16xf32>
        %swap3A_868 = arith.index_cast %scan3A_146 : i32 to index
        %swap3A_869 = arith.constant 816 : index
        %swap3A_870 = tpu.vector_load %arg7[%swap3A_868, %swap3A_869] {strides = array<i32>} : memref<32x1024xf32, #tpu.memory_space<vmem>>, vector<1x16xf32>,
        %swap3A_871 = vector.shape_cast %swap3A_870 : vector<1x16xf32> to vector<16xf32>
        %swap3A_872 = vector.shape_cast %add3A_867 : vector<16xf32> to vector<1x16xf32>
        tpu.vector_store %arg7[%swap3A_868, %swap3A_869], %swap3A_872 {strides = array<i32>} : memref<32x1024xf32, #tpu.memory_space<vmem>>, vector<1x16xf32>,
        %get3A_873 = arith.index_cast %scan3A_146 : i32 to index
        %get3A_874 = arith.constant 832 : index
        %get3A_875 = tpu.vector_load %arg7[%get3A_873, %get3A_874] {strides = array<i32>} : memref<32x1024xf32, #tpu.memory_space<vmem>>, vector<1x16xf32>,
        %get3A_876 = vector.shape_cast %get3A_875 : vector<1x16xf32> to vector<16xf32>
        %get3A_877 = arith.index_cast %scan3A_146 : i32 to index
        %get3A_878 = arith.constant 832 : index
        %get3A_879 = tpu.vector_load %arg5[%get3A_877, %get3A_878] {strides = array<i32>} : memref<32x1024xf32, #tpu.memory_space<vmem>>, vector<1x16xf32>,
        %get3A_880 = vector.shape_cast %get3A_879 : vector<1x16xf32> to vector<16xf32>
        %add3A_881 = arith.addf %get3A_876, %get3A_880 : vector<16xf32>
        %swap3A_882 = arith.index_cast %scan3A_146 : i32 to index
        %swap3A_883 = arith.constant 832 : index
        %swap3A_884 = tpu.vector_load %arg7[%swap3A_882, %swap3A_883] {strides = array<i32>} : memref<32x1024xf32, #tpu.memory_space<vmem>>, vector<1x16xf32>,
        %swap3A_885 = vector.shape_cast %swap3A_884 : vector<1x16xf32> to vector<16xf32>
        %swap3A_886 = vector.shape_cast %add3A_881 : vector<16xf32> to vector<1x16xf32>
        tpu.vector_store %arg7[%swap3A_882, %swap3A_883], %swap3A_886 {strides = array<i32>} : memref<32x1024xf32, #tpu.memory_space<vmem>>, vector<1x16xf32>,
        %get3A_887 = arith.index_cast %scan3A_146 : i32 to index
        %get3A_888 = arith.constant 848 : index
        %get3A_889 = tpu.vector_load %arg7[%get3A_887, %get3A_888] {strides = array<i32>} : memref<32x1024xf32, #tpu.memory_space<vmem>>, vector<1x16xf32>,
        %get3A_890 = vector.shape_cast %get3A_889 : vector<1x16xf32> to vector<16xf32>
        %get3A_891 = arith.index_cast %scan3A_146 : i32 to index
        %get3A_892 = arith.constant 848 : index
        %get3A_893 = tpu.vector_load %arg5[%get3A_891, %get3A_892] {strides = array<i32>} : memref<32x1024xf32, #tpu.memory_space<vmem>>, vector<1x16xf32>,
        %get3A_894 = vector.shape_cast %get3A_893 : vector<1x16xf32> to vector<16xf32>
        %add3A_895 = arith.addf %get3A_890, %get3A_894 : vector<16xf32>
        %swap3A_896 = arith.index_cast %scan3A_146 : i32 to index
        %swap3A_897 = arith.constant 848 : index
        %swap3A_898 = tpu.vector_load %arg7[%swap3A_896, %swap3A_897] {strides = array<i32>} : memref<32x1024xf32, #tpu.memory_space<vmem>>, vector<1x16xf32>,
        %swap3A_899 = vector.shape_cast %swap3A_898 : vector<1x16xf32> to vector<16xf32>
        %swap3A_900 = vector.shape_cast %add3A_895 : vector<16xf32> to vector<1x16xf32>
        tpu.vector_store %arg7[%swap3A_896, %swap3A_897], %swap3A_900 {strides = array<i32>} : memref<32x1024xf32, #tpu.memory_space<vmem>>, vector<1x16xf32>,
        %get3A_901 = arith.index_cast %scan3A_146 : i32 to index
        %get3A_902 = arith.constant 864 : index
        %get3A_903 = tpu.vector_load %arg7[%get3A_901, %get3A_902] {strides = array<i32>} : memref<32x1024xf32, #tpu.memory_space<vmem>>, vector<1x16xf32>,
        %get3A_904 = vector.shape_cast %get3A_903 : vector<1x16xf32> to vector<16xf32>
        %get3A_905 = arith.index_cast %scan3A_146 : i32 to index
        %get3A_906 = arith.constant 864 : index
        %get3A_907 = tpu.vector_load %arg5[%get3A_905, %get3A_906] {strides = array<i32>} : memref<32x1024xf32, #tpu.memory_space<vmem>>, vector<1x16xf32>,
        %get3A_908 = vector.shape_cast %get3A_907 : vector<1x16xf32> to vector<16xf32>
        %add3A_909 = arith.addf %get3A_904, %get3A_908 : vector<16xf32>
        %swap3A_910 = arith.index_cast %scan3A_146 : i32 to index
        %swap3A_911 = arith.constant 864 : index
        %swap3A_912 = tpu.vector_load %arg7[%swap3A_910, %swap3A_911] {strides = array<i32>} : memref<32x1024xf32, #tpu.memory_space<vmem>>, vector<1x16xf32>,
        %swap3A_913 = vector.shape_cast %swap3A_912 : vector<1x16xf32> to vector<16xf32>
        %swap3A_914 = vector.shape_cast %add3A_909 : vector<16xf32> to vector<1x16xf32>
        tpu.vector_store %arg7[%swap3A_910, %swap3A_911], %swap3A_914 {strides = array<i32>} : memref<32x1024xf32, #tpu.memory_space<vmem>>, vector<1x16xf32>,
        %get3A_915 = arith.index_cast %scan3A_146 : i32 to index
        %get3A_916 = arith.constant 880 : index
        %get3A_917 = tpu.vector_load %arg7[%get3A_915, %get3A_916] {strides = array<i32>} : memref<32x1024xf32, #tpu.memory_space<vmem>>, vector<1x16xf32>,
        %get3A_918 = vector.shape_cast %get3A_917 : vector<1x16xf32> to vector<16xf32>
        %get3A_919 = arith.index_cast %scan3A_146 : i32 to index
        %get3A_920 = arith.constant 880 : index
        %get3A_921 = tpu.vector_load %arg5[%get3A_919, %get3A_920] {strides = array<i32>} : memref<32x1024xf32, #tpu.memory_space<vmem>>, vector<1x16xf32>,
        %get3A_922 = vector.shape_cast %get3A_921 : vector<1x16xf32> to vector<16xf32>
        %add3A_923 = arith.addf %get3A_918, %get3A_922 : vector<16xf32>
        %swap3A_924 = arith.index_cast %scan3A_146 : i32 to index
        %swap3A_925 = arith.constant 880 : index
        %swap3A_926 = tpu.vector_load %arg7[%swap3A_924, %swap3A_925] {strides = array<i32>} : memref<32x1024xf32, #tpu.memory_space<vmem>>, vector<1x16xf32>,
        %swap3A_927 = vector.shape_cast %swap3A_926 : vector<1x16xf32> to vector<16xf32>
        %swap3A_928 = vector.shape_cast %add3A_923 : vector<16xf32> to vector<1x16xf32>
        tpu.vector_store %arg7[%swap3A_924, %swap3A_925], %swap3A_928 {strides = array<i32>} : memref<32x1024xf32, #tpu.memory_space<vmem>>, vector<1x16xf32>,
        %get3A_929 = arith.index_cast %scan3A_146 : i32 to index
        %get3A_930 = arith.constant 896 : index
        %get3A_931 = tpu.vector_load %arg7[%get3A_929, %get3A_930] {strides = array<i32>} : memref<32x1024xf32, #tpu.memory_space<vmem>>, vector<1x16xf32>,
        %get3A_932 = vector.shape_cast %get3A_931 : vector<1x16xf32> to vector<16xf32>
        %get3A_933 = arith.index_cast %scan3A_146 : i32 to index
        %get3A_934 = arith.constant 896 : index
        %get3A_935 = tpu.vector_load %arg5[%get3A_933, %get3A_934] {strides = array<i32>} : memref<32x1024xf32, #tpu.memory_space<vmem>>, vector<1x16xf32>,
        %get3A_936 = vector.shape_cast %get3A_935 : vector<1x16xf32> to vector<16xf32>
        %add3A_937 = arith.addf %get3A_932, %get3A_936 : vector<16xf32>
        %swap3A_938 = arith.index_cast %scan3A_146 : i32 to index
        %swap3A_939 = arith.constant 896 : index
        %swap3A_940 = tpu.vector_load %arg7[%swap3A_938, %swap3A_939] {strides = array<i32>} : memref<32x1024xf32, #tpu.memory_space<vmem>>, vector<1x16xf32>,
        %swap3A_941 = vector.shape_cast %swap3A_940 : vector<1x16xf32> to vector<16xf32>
        %swap3A_942 = vector.shape_cast %add3A_937 : vector<16xf32> to vector<1x16xf32>
        tpu.vector_store %arg7[%swap3A_938, %swap3A_939], %swap3A_942 {strides = array<i32>} : memref<32x1024xf32, #tpu.memory_space<vmem>>, vector<1x16xf32>,
        %get3A_943 = arith.index_cast %scan3A_146 : i32 to index
        %get3A_944 = arith.constant 912 : index
        %get3A_945 = tpu.vector_load %arg7[%get3A_943, %get3A_944] {strides = array<i32>} : memref<32x1024xf32, #tpu.memory_space<vmem>>, vector<1x16xf32>,
        %get3A_946 = vector.shape_cast %get3A_945 : vector<1x16xf32> to vector<16xf32>
        %get3A_947 = arith.index_cast %scan3A_146 : i32 to index
        %get3A_948 = arith.constant 912 : index
        %get3A_949 = tpu.vector_load %arg5[%get3A_947, %get3A_948] {strides = array<i32>} : memref<32x1024xf32, #tpu.memory_space<vmem>>, vector<1x16xf32>,
        %get3A_950 = vector.shape_cast %get3A_949 : vector<1x16xf32> to vector<16xf32>
        %add3A_951 = arith.addf %get3A_946, %get3A_950 : vector<16xf32>
        %swap3A_952 = arith.index_cast %scan3A_146 : i32 to index
        %swap3A_953 = arith.constant 912 : index
        %swap3A_954 = tpu.vector_load %arg7[%swap3A_952, %swap3A_953] {strides = array<i32>} : memref<32x1024xf32, #tpu.memory_space<vmem>>, vector<1x16xf32>,
        %swap3A_955 = vector.shape_cast %swap3A_954 : vector<1x16xf32> to vector<16xf32>
        %swap3A_956 = vector.shape_cast %add3A_951 : vector<16xf32> to vector<1x16xf32>
        tpu.vector_store %arg7[%swap3A_952, %swap3A_953], %swap3A_956 {strides = array<i32>} : memref<32x1024xf32, #tpu.memory_space<vmem>>, vector<1x16xf32>,
        %get3A_957 = arith.index_cast %scan3A_146 : i32 to index
        %get3A_958 = arith.constant 928 : index
        %get3A_959 = tpu.vector_load %arg7[%get3A_957, %get3A_958] {strides = array<i32>} : memref<32x1024xf32, #tpu.memory_space<vmem>>, vector<1x16xf32>,
        %get3A_960 = vector.shape_cast %get3A_959 : vector<1x16xf32> to vector<16xf32>
        %get3A_961 = arith.index_cast %scan3A_146 : i32 to index
        %get3A_962 = arith.constant 928 : index
        %get3A_963 = tpu.vector_load %arg5[%get3A_961, %get3A_962] {strides = array<i32>} : memref<32x1024xf32, #tpu.memory_space<vmem>>, vector<1x16xf32>,
        %get3A_964 = vector.shape_cast %get3A_963 : vector<1x16xf32> to vector<16xf32>
        %add3A_965 = arith.addf %get3A_960, %get3A_964 : vector<16xf32>
        %swap3A_966 = arith.index_cast %scan3A_146 : i32 to index
        %swap3A_967 = arith.constant 928 : index
        %swap3A_968 = tpu.vector_load %arg7[%swap3A_966, %swap3A_967] {strides = array<i32>} : memref<32x1024xf32, #tpu.memory_space<vmem>>, vector<1x16xf32>,
        %swap3A_969 = vector.shape_cast %swap3A_968 : vector<1x16xf32> to vector<16xf32>
        %swap3A_970 = vector.shape_cast %add3A_965 : vector<16xf32> to vector<1x16xf32>
        tpu.vector_store %arg7[%swap3A_966, %swap3A_967], %swap3A_970 {strides = array<i32>} : memref<32x1024xf32, #tpu.memory_space<vmem>>, vector<1x16xf32>,
        %get3A_971 = arith.index_cast %scan3A_146 : i32 to index
        %get3A_972 = arith.constant 944 : index
        %get3A_973 = tpu.vector_load %arg7[%get3A_971, %get3A_972] {strides = array<i32>} : memref<32x1024xf32, #tpu.memory_space<vmem>>, vector<1x16xf32>,
        %get3A_974 = vector.shape_cast %get3A_973 : vector<1x16xf32> to vector<16xf32>
        %get3A_975 = arith.index_cast %scan3A_146 : i32 to index
        %get3A_976 = arith.constant 944 : index
        %get3A_977 = tpu.vector_load %arg5[%get3A_975, %get3A_976] {strides = array<i32>} : memref<32x1024xf32, #tpu.memory_space<vmem>>, vector<1x16xf32>,
        %get3A_978 = vector.shape_cast %get3A_977 : vector<1x16xf32> to vector<16xf32>
        %add3A_979 = arith.addf %get3A_974, %get3A_978 : vector<16xf32>
        %swap3A_980 = arith.index_cast %scan3A_146 : i32 to index
        %swap3A_981 = arith.constant 944 : index
        %swap3A_982 = tpu.vector_load %arg7[%swap3A_980, %swap3A_981] {strides = array<i32>} : memref<32x1024xf32, #tpu.memory_space<vmem>>, vector<1x16xf32>,
        %swap3A_983 = vector.shape_cast %swap3A_982 : vector<1x16xf32> to vector<16xf32>
        %swap3A_984 = vector.shape_cast %add3A_979 : vector<16xf32> to vector<1x16xf32>
        tpu.vector_store %arg7[%swap3A_980, %swap3A_981], %swap3A_984 {strides = array<i32>} : memref<32x1024xf32, #tpu.memory_space<vmem>>, vector<1x16xf32>,
        %get3A_985 = arith.index_cast %scan3A_146 : i32 to index
        %get3A_986 = arith.constant 960 : index
        %get3A_987 = tpu.vector_load %arg7[%get3A_985, %get3A_986] {strides = array<i32>} : memref<32x1024xf32, #tpu.memory_space<vmem>>, vector<1x16xf32>,
        %get3A_988 = vector.shape_cast %get3A_987 : vector<1x16xf32> to vector<16xf32>
        %get3A_989 = arith.index_cast %scan3A_146 : i32 to index
        %get3A_990 = arith.constant 960 : index
        %get3A_991 = tpu.vector_load %arg5[%get3A_989, %get3A_990] {strides = array<i32>} : memref<32x1024xf32, #tpu.memory_space<vmem>>, vector<1x16xf32>,
        %get3A_992 = vector.shape_cast %get3A_991 : vector<1x16xf32> to vector<16xf32>
        %add3A_993 = arith.addf %get3A_988, %get3A_992 : vector<16xf32>
        %swap3A_994 = arith.index_cast %scan3A_146 : i32 to index
        %swap3A_995 = arith.constant 960 : index
        %swap3A_996 = tpu.vector_load %arg7[%swap3A_994, %swap3A_995] {strides = array<i32>} : memref<32x1024xf32, #tpu.memory_space<vmem>>, vector<1x16xf32>,
        %swap3A_997 = vector.shape_cast %swap3A_996 : vector<1x16xf32> to vector<16xf32>
        %swap3A_998 = vector.shape_cast %add3A_993 : vector<16xf32> to vector<1x16xf32>
        tpu.vector_store %arg7[%swap3A_994, %swap3A_995], %swap3A_998 {strides = array<i32>} : memref<32x1024xf32, #tpu.memory_space<vmem>>, vector<1x16xf32>,
        %get3A_999 = arith.index_cast %scan3A_146 : i32 to index
        %get3A_1000 = arith.constant 976 : index
        %get3A_1001 = tpu.vector_load %arg7[%get3A_999, %get3A_1000] {strides = array<i32>} : memref<32x1024xf32, #tpu.memory_space<vmem>>, vector<1x16xf32>,
        %get3A_1002 = vector.shape_cast %get3A_1001 : vector<1x16xf32> to vector<16xf32>
        %get3A_1003 = arith.index_cast %scan3A_146 : i32 to index
        %get3A_1004 = arith.constant 976 : index
        %get3A_1005 = tpu.vector_load %arg5[%get3A_1003, %get3A_1004] {strides = array<i32>} : memref<32x1024xf32, #tpu.memory_space<vmem>>, vector<1x16xf32>,
        %get3A_1006 = vector.shape_cast %get3A_1005 : vector<1x16xf32> to vector<16xf32>
        %add3A_1007 = arith.addf %get3A_1002, %get3A_1006 : vector<16xf32>
        %swap3A_1008 = arith.index_cast %scan3A_146 : i32 to index
        %swap3A_1009 = arith.constant 976 : index
        %swap3A_1010 = tpu.vector_load %arg7[%swap3A_1008, %swap3A_1009] {strides = array<i32>} : memref<32x1024xf32, #tpu.memory_space<vmem>>, vector<1x16xf32>,
        %swap3A_1011 = vector.shape_cast %swap3A_1010 : vector<1x16xf32> to vector<16xf32>
        %swap3A_1012 = vector.shape_cast %add3A_1007 : vector<16xf32> to vector<1x16xf32>
        tpu.vector_store %arg7[%swap3A_1008, %swap3A_1009], %swap3A_1012 {strides = array<i32>} : memref<32x1024xf32, #tpu.memory_space<vmem>>, vector<1x16xf32>,
        %get3A_1013 = arith.index_cast %scan3A_146 : i32 to index
        %get3A_1014 = arith.constant 992 : index
        %get3A_1015 = tpu.vector_load %arg7[%get3A_1013, %get3A_1014] {strides = array<i32>} : memref<32x1024xf32, #tpu.memory_space<vmem>>, vector<1x16xf32>,
        %get3A_1016 = vector.shape_cast %get3A_1015 : vector<1x16xf32> to vector<16xf32>
        %get3A_1017 = arith.index_cast %scan3A_146 : i32 to index
        %get3A_1018 = arith.constant 992 : index
        %get3A_1019 = tpu.vector_load %arg5[%get3A_1017, %get3A_1018] {strides = array<i32>} : memref<32x1024xf32, #tpu.memory_space<vmem>>, vector<1x16xf32>,
        %get3A_1020 = vector.shape_cast %get3A_1019 : vector<1x16xf32> to vector<16xf32>
        %add3A_1021 = arith.addf %get3A_1016, %get3A_1020 : vector<16xf32>
        %swap3A_1022 = arith.index_cast %scan3A_146 : i32 to index
        %swap3A_1023 = arith.constant 992 : index
        %swap3A_1024 = tpu.vector_load %arg7[%swap3A_1022, %swap3A_1023] {strides = array<i32>} : memref<32x1024xf32, #tpu.memory_space<vmem>>, vector<1x16xf32>,
        %swap3A_1025 = vector.shape_cast %swap3A_1024 : vector<1x16xf32> to vector<16xf32>
        %swap3A_1026 = vector.shape_cast %add3A_1021 : vector<16xf32> to vector<1x16xf32>
        tpu.vector_store %arg7[%swap3A_1022, %swap3A_1023], %swap3A_1026 {strides = array<i32>} : memref<32x1024xf32, #tpu.memory_space<vmem>>, vector<1x16xf32>,
        %get3A_1027 = arith.index_cast %scan3A_146 : i32 to index
        %get3A_1028 = arith.constant 1008 : index
        %get3A_1029 = tpu.vector_load %arg7[%get3A_1027, %get3A_1028] {strides = array<i32>} : memref<32x1024xf32, #tpu.memory_space<vmem>>, vector<1x16xf32>,
        %get3A_1030 = vector.shape_cast %get3A_1029 : vector<1x16xf32> to vector<16xf32>
        %get3A_1031 = arith.index_cast %scan3A_146 : i32 to index
        %get3A_1032 = arith.constant 1008 : index
        %get3A_1033 = tpu.vector_load %arg5[%get3A_1031, %get3A_1032] {strides = array<i32>} : memref<32x1024xf32, #tpu.memory_space<vmem>>, vector<1x16xf32>,
        %get3A_1034 = vector.shape_cast %get3A_1033 : vector<1x16xf32> to vector<16xf32>
        %add3A_1035 = arith.addf %get3A_1030, %get3A_1034 : vector<16xf32>
        %swap3A_1036 = arith.index_cast %scan3A_146 : i32 to index
        %swap3A_1037 = arith.constant 1008 : index
        %swap3A_1038 = tpu.vector_load %arg7[%swap3A_1036, %swap3A_1037] {strides = array<i32>} : memref<32x1024xf32, #tpu.memory_space<vmem>>, vector<1x16xf32>,
        %swap3A_1039 = vector.shape_cast %swap3A_1038 : vector<1x16xf32> to vector<16xf32>
        %swap3A_1040 = vector.shape_cast %add3A_1035 : vector<16xf32> to vector<1x16xf32>
        tpu.vector_store %arg7[%swap3A_1036, %swap3A_1037], %swap3A_1040 {strides = array<i32>} : memref<32x1024xf32, #tpu.memory_space<vmem>>, vector<1x16xf32>,
      }
      %scan3A_70 = arith.constant 32 : i32
      %dma_start3A_71 = arith.constant 1 : i32
      %dma_start3A_72 = arith.constant 0 : i32
      %dma_start3A_73 = tpu.memref_slice %arg4[%dma_start3A_71, %add3A_11, %dma_start3A_72] : memref<4x8192x1024xf32, #tpu.memory_space<hbm>> -> memref<1x32x1024xf32, #tpu.memory_space<hbm>>
      %dma_start3A_74 = tpu.memref_squeeze %dma_start3A_73 : memref<1x32x1024xf32, #tpu.memory_space<hbm>> -> memref<32x1024xf32, #tpu.memory_space<hbm>>
      %dma_start3A_75 = arith.constant 0 : i32
      %dma_start3A_76 = tpu.memref_slice %arg4[%dma_start3A_71, %add3A_11, %dma_start3A_75] : memref<4x8192x1024xf32, #tpu.memory_space<hbm>> -> memref<1x32x1024xf32, #tpu.memory_space<hbm>>
      %dma_start3A_77 = tpu.memref_squeeze %dma_start3A_76 : memref<1x32x1024xf32, #tpu.memory_space<hbm>> -> memref<32x1024xf32, #tpu.memory_space<hbm>>
      tpu.enqueue_dma source(%arg7 : memref<32x1024xf32, #tpu.memory_space<vmem>>) target(%dma_start3A_77 : memref<32x1024xf32, #tpu.memory_space<hbm>>) target_semaphore(%arg11 : memref<!tpu.dma_semaphore, #tpu.memory_space<semaphore_mem>>)
      %dma_wait3A_78 = arith.constant 1 : i32
      %dma_wait3A_79 = arith.constant 0 : i32
      %dma_wait3A_80 = tpu.memref_slice %arg4[%dma_wait3A_78, %add3A_11, %dma_wait3A_79] : memref<4x8192x1024xf32, #tpu.memory_space<hbm>> -> memref<1x32x1024xf32, #tpu.memory_space<hbm>>
      %dma_wait3A_81 = tpu.memref_squeeze %dma_wait3A_80 : memref<1x32x1024xf32, #tpu.memory_space<hbm>> -> memref<32x1024xf32, #tpu.memory_space<hbm>>
      %dma_wait3A_82 = arith.constant 0 : i32
      %dma_wait3A_83 = tpu.memref_slice %arg4[%dma_wait3A_78, %add3A_11, %dma_wait3A_82] : memref<4x8192x1024xf32, #tpu.memory_space<hbm>> -> memref<1x32x1024xf32, #tpu.memory_space<hbm>>
      %dma_wait3A_84 = tpu.memref_squeeze %dma_wait3A_83 : memref<1x32x1024xf32, #tpu.memory_space<hbm>> -> memref<32x1024xf32, #tpu.memory_space<hbm>>
      tpu.wait_dma2 semaphore(%arg11 : memref<!tpu.dma_semaphore, #tpu.memory_space<semaphore_mem>>) src(%arg7 : memref<32x1024xf32, #tpu.memory_space<vmem>>) dst(%dma_wait3A_84 : memref<32x1024xf32, #tpu.memory_space<hbm>>)
      %dma_start3A_85 = arith.constant 3 : i32
      %dma_start3A_86 = arith.constant 0 : i32
      %dma_start3A_87 = tpu.memref_slice %arg2[%dma_start3A_85, %add3A_11, %dma_start3A_86] : memref<4x8192x1024xf32, #tpu.memory_space<hbm>> -> memref<1x32x1024xf32, #tpu.memory_space<hbm>>
      %dma_start3A_88 = tpu.memref_squeeze %dma_start3A_87 : memref<1x32x1024xf32, #tpu.memory_space<hbm>> -> memref<32x1024xf32, #tpu.memory_space<hbm>>
      %dma_start3A_89 = arith.constant 0 : i32
      %dma_start3A_90 = tpu.memref_slice %arg2[%dma_start3A_85, %add3A_11, %dma_start3A_89] : memref<4x8192x1024xf32, #tpu.memory_space<hbm>> -> memref<1x32x1024xf32, #tpu.memory_space<hbm>>
      %dma_start3A_91 = tpu.memref_squeeze %dma_start3A_90 : memref<1x32x1024xf32, #tpu.memory_space<hbm>> -> memref<32x1024xf32, #tpu.memory_space<hbm>>
      tpu.enqueue_dma source(%dma_start3A_91 : memref<32x1024xf32, #tpu.memory_space<hbm>>) target(%arg7 : memref<32x1024xf32, #tpu.memory_space<vmem>>) target_semaphore(%arg9 : memref<!tpu.dma_semaphore, #tpu.memory_space<semaphore_mem>>)
      %dma_wait3A_92 = arith.constant 2 : i32
      %dma_wait3A_93 = arith.constant 0 : i32
      %dma_wait3A_94 = tpu.memref_slice %arg2[%dma_wait3A_92, %add3A_11, %dma_wait3A_93] : memref<4x8192x1024xf32, #tpu.memory_space<hbm>> -> memref<1x32x1024xf32, #tpu.memory_space<hbm>>
      %dma_wait3A_95 = tpu.memref_squeeze %dma_wait3A_94 : memref<1x32x1024xf32, #tpu.memory_space<hbm>> -> memref<32x1024xf32, #tpu.memory_space<hbm>>
      %dma_wait3A_96 = arith.constant 0 : i32
      %dma_wait3A_97 = tpu.memref_slice %arg2[%dma_wait3A_92, %add3A_11, %dma_wait3A_96] : memref<4x8192x1024xf32, #tpu.memory_space<hbm>> -> memref<1x32x1024xf32, #tpu.memory_space<hbm>>
      %dma_wait3A_98 = tpu.memref_squeeze %dma_wait3A_97 : memref<1x32x1024xf32, #tpu.memory_space<hbm>> -> memref<32x1024xf32, #tpu.memory_space<hbm>>
      tpu.wait_dma2 semaphore(%arg8 : memref<!tpu.dma_semaphore, #tpu.memory_space<semaphore_mem>>) src(%dma_wait3A_98 : memref<32x1024xf32, #tpu.memory_space<hbm>>) dst(%arg6 : memref<32x1024xf32, #tpu.memory_space<vmem>>)
      %scan3A_99 = arith.constant 0 : i32
      %scan3A_100 = arith.constant 0 : i32
      %scan3A_101 = arith.constant 32 : i32
      %scan3A_102 = arith.addi %scan3A_100, %scan3A_101 : i32
      %scan3A_103 = arith.constant 1 : i32
      scf.for %scan3A_146 = %scan3A_100 to %scan3A_102 step %scan3A_103  : i32 {
        %get3A = arith.index_cast %scan3A_146 : i32 to index
        %get3A_147 = arith.constant 0 : index
        %get3A_148 = tpu.vector_load %arg6[%get3A, %get3A_147] {strides = array<i32>} : memref<32x1024xf32, #tpu.memory_space<vmem>>, vector<1x16xf32>,
        %get3A_149 = vector.shape_cast %get3A_148 : vector<1x16xf32> to vector<16xf32>
        %get3A_150 = arith.index_cast %scan3A_146 : i32 to index
        %get3A_151 = arith.constant 0 : index
        %get3A_152 = tpu.vector_load %arg5[%get3A_150, %get3A_151] {strides = array<i32>} : memref<32x1024xf32, #tpu.memory_space<vmem>>, vector<1x16xf32>,
        %get3A_153 = vector.shape_cast %get3A_152 : vector<1x16xf32> to vector<16xf32>
        %add3A_154 = arith.addf %get3A_149, %get3A_153 : vector<16xf32>
        %swap3A = arith.index_cast %scan3A_146 : i32 to index
        %swap3A_155 = arith.constant 0 : index
        %swap3A_156 = tpu.vector_load %arg6[%swap3A, %swap3A_155] {strides = array<i32>} : memref<32x1024xf32, #tpu.memory_space<vmem>>, vector<1x16xf32>,
        %swap3A_157 = vector.shape_cast %swap3A_156 : vector<1x16xf32> to vector<16xf32>
        %swap3A_158 = vector.shape_cast %add3A_154 : vector<16xf32> to vector<1x16xf32>
        tpu.vector_store %arg6[%swap3A, %swap3A_155], %swap3A_158 {strides = array<i32>} : memref<32x1024xf32, #tpu.memory_space<vmem>>, vector<1x16xf32>,
        %get3A_159 = arith.index_cast %scan3A_146 : i32 to index
        %get3A_160 = arith.constant 16 : index
        %get3A_161 = tpu.vector_load %arg6[%get3A_159, %get3A_160] {strides = array<i32>} : memref<32x1024xf32, #tpu.memory_space<vmem>>, vector<1x16xf32>,
        %get3A_162 = vector.shape_cast %get3A_161 : vector<1x16xf32> to vector<16xf32>
        %get3A_163 = arith.index_cast %scan3A_146 : i32 to index
        %get3A_164 = arith.constant 16 : index
        %get3A_165 = tpu.vector_load %arg5[%get3A_163, %get3A_164] {strides = array<i32>} : memref<32x1024xf32, #tpu.memory_space<vmem>>, vector<1x16xf32>,
        %get3A_166 = vector.shape_cast %get3A_165 : vector<1x16xf32> to vector<16xf32>
        %add3A_167 = arith.addf %get3A_162, %get3A_166 : vector<16xf32>
        %swap3A_168 = arith.index_cast %scan3A_146 : i32 to index
        %swap3A_169 = arith.constant 16 : index
        %swap3A_170 = tpu.vector_load %arg6[%swap3A_168, %swap3A_169] {strides = array<i32>} : memref<32x1024xf32, #tpu.memory_space<vmem>>, vector<1x16xf32>,
        %swap3A_171 = vector.shape_cast %swap3A_170 : vector<1x16xf32> to vector<16xf32>
        %swap3A_172 = vector.shape_cast %add3A_167 : vector<16xf32> to vector<1x16xf32>
        tpu.vector_store %arg6[%swap3A_168, %swap3A_169], %swap3A_172 {strides = array<i32>} : memref<32x1024xf32, #tpu.memory_space<vmem>>, vector<1x16xf32>,
        %get3A_173 = arith.index_cast %scan3A_146 : i32 to index
        %get3A_174 = arith.constant 32 : index
        %get3A_175 = tpu.vector_load %arg6[%get3A_173, %get3A_174] {strides = array<i32>} : memref<32x1024xf32, #tpu.memory_space<vmem>>, vector<1x16xf32>,
        %get3A_176 = vector.shape_cast %get3A_175 : vector<1x16xf32> to vector<16xf32>
        %get3A_177 = arith.index_cast %scan3A_146 : i32 to index
        %get3A_178 = arith.constant 32 : index
        %get3A_179 = tpu.vector_load %arg5[%get3A_177, %get3A_178] {strides = array<i32>} : memref<32x1024xf32, #tpu.memory_space<vmem>>, vector<1x16xf32>,
        %get3A_180 = vector.shape_cast %get3A_179 : vector<1x16xf32> to vector<16xf32>
        %add3A_181 = arith.addf %get3A_176, %get3A_180 : vector<16xf32>
        %swap3A_182 = arith.index_cast %scan3A_146 : i32 to index
        %swap3A_183 = arith.constant 32 : index
        %swap3A_184 = tpu.vector_load %arg6[%swap3A_182, %swap3A_183] {strides = array<i32>} : memref<32x1024xf32, #tpu.memory_space<vmem>>, vector<1x16xf32>,
        %swap3A_185 = vector.shape_cast %swap3A_184 : vector<1x16xf32> to vector<16xf32>
        %swap3A_186 = vector.shape_cast %add3A_181 : vector<16xf32> to vector<1x16xf32>
        tpu.vector_store %arg6[%swap3A_182, %swap3A_183], %swap3A_186 {strides = array<i32>} : memref<32x1024xf32, #tpu.memory_space<vmem>>, vector<1x16xf32>,
        %get3A_187 = arith.index_cast %scan3A_146 : i32 to index
        %get3A_188 = arith.constant 48 : index
        %get3A_189 = tpu.vector_load %arg6[%get3A_187, %get3A_188] {strides = array<i32>} : memref<32x1024xf32, #tpu.memory_space<vmem>>, vector<1x16xf32>,
        %get3A_190 = vector.shape_cast %get3A_189 : vector<1x16xf32> to vector<16xf32>
        %get3A_191 = arith.index_cast %scan3A_146 : i32 to index
        %get3A_192 = arith.constant 48 : index
        %get3A_193 = tpu.vector_load %arg5[%get3A_191, %get3A_192] {strides = array<i32>} : memref<32x1024xf32, #tpu.memory_space<vmem>>, vector<1x16xf32>,
        %get3A_194 = vector.shape_cast %get3A_193 : vector<1x16xf32> to vector<16xf32>
        %add3A_195 = arith.addf %get3A_190, %get3A_194 : vector<16xf32>
        %swap3A_196 = arith.index_cast %scan3A_146 : i32 to index
        %swap3A_197 = arith.constant 48 : index
        %swap3A_198 = tpu.vector_load %arg6[%swap3A_196, %swap3A_197] {strides = array<i32>} : memref<32x1024xf32, #tpu.memory_space<vmem>>, vector<1x16xf32>,
        %swap3A_199 = vector.shape_cast %swap3A_198 : vector<1x16xf32> to vector<16xf32>
        %swap3A_200 = vector.shape_cast %add3A_195 : vector<16xf32> to vector<1x16xf32>
        tpu.vector_store %arg6[%swap3A_196, %swap3A_197], %swap3A_200 {strides = array<i32>} : memref<32x1024xf32, #tpu.memory_space<vmem>>, vector<1x16xf32>,
        %get3A_201 = arith.index_cast %scan3A_146 : i32 to index
        %get3A_202 = arith.constant 64 : index
        %get3A_203 = tpu.vector_load %arg6[%get3A_201, %get3A_202] {strides = array<i32>} : memref<32x1024xf32, #tpu.memory_space<vmem>>, vector<1x16xf32>,
        %get3A_204 = vector.shape_cast %get3A_203 : vector<1x16xf32> to vector<16xf32>
        %get3A_205 = arith.index_cast %scan3A_146 : i32 to index
        %get3A_206 = arith.constant 64 : index
        %get3A_207 = tpu.vector_load %arg5[%get3A_205, %get3A_206] {strides = array<i32>} : memref<32x1024xf32, #tpu.memory_space<vmem>>, vector<1x16xf32>,
        %get3A_208 = vector.shape_cast %get3A_207 : vector<1x16xf32> to vector<16xf32>
        %add3A_209 = arith.addf %get3A_204, %get3A_208 : vector<16xf32>
        %swap3A_210 = arith.index_cast %scan3A_146 : i32 to index
        %swap3A_211 = arith.constant 64 : index
        %swap3A_212 = tpu.vector_load %arg6[%swap3A_210, %swap3A_211] {strides = array<i32>} : memref<32x1024xf32, #tpu.memory_space<vmem>>, vector<1x16xf32>,
        %swap3A_213 = vector.shape_cast %swap3A_212 : vector<1x16xf32> to vector<16xf32>
        %swap3A_214 = vector.shape_cast %add3A_209 : vector<16xf32> to vector<1x16xf32>
        tpu.vector_store %arg6[%swap3A_210, %swap3A_211], %swap3A_214 {strides = array<i32>} : memref<32x1024xf32, #tpu.memory_space<vmem>>, vector<1x16xf32>,
        %get3A_215 = arith.index_cast %scan3A_146 : i32 to index
        %get3A_216 = arith.constant 80 : index
        %get3A_217 = tpu.vector_load %arg6[%get3A_215, %get3A_216] {strides = array<i32>} : memref<32x1024xf32, #tpu.memory_space<vmem>>, vector<1x16xf32>,
        %get3A_218 = vector.shape_cast %get3A_217 : vector<1x16xf32> to vector<16xf32>
        %get3A_219 = arith.index_cast %scan3A_146 : i32 to index
        %get3A_220 = arith.constant 80 : index
        %get3A_221 = tpu.vector_load %arg5[%get3A_219, %get3A_220] {strides = array<i32>} : memref<32x1024xf32, #tpu.memory_space<vmem>>, vector<1x16xf32>,
        %get3A_222 = vector.shape_cast %get3A_221 : vector<1x16xf32> to vector<16xf32>
        %add3A_223 = arith.addf %get3A_218, %get3A_222 : vector<16xf32>
        %swap3A_224 = arith.index_cast %scan3A_146 : i32 to index
        %swap3A_225 = arith.constant 80 : index
        %swap3A_226 = tpu.vector_load %arg6[%swap3A_224, %swap3A_225] {strides = array<i32>} : memref<32x1024xf32, #tpu.memory_space<vmem>>, vector<1x16xf32>,
        %swap3A_227 = vector.shape_cast %swap3A_226 : vector<1x16xf32> to vector<16xf32>
        %swap3A_228 = vector.shape_cast %add3A_223 : vector<16xf32> to vector<1x16xf32>
        tpu.vector_store %arg6[%swap3A_224, %swap3A_225], %swap3A_228 {strides = array<i32>} : memref<32x1024xf32, #tpu.memory_space<vmem>>, vector<1x16xf32>,
        %get3A_229 = arith.index_cast %scan3A_146 : i32 to index
        %get3A_230 = arith.constant 96 : index
        %get3A_231 = tpu.vector_load %arg6[%get3A_229, %get3A_230] {strides = array<i32>} : memref<32x1024xf32, #tpu.memory_space<vmem>>, vector<1x16xf32>,
        %get3A_232 = vector.shape_cast %get3A_231 : vector<1x16xf32> to vector<16xf32>
        %get3A_233 = arith.index_cast %scan3A_146 : i32 to index
        %get3A_234 = arith.constant 96 : index
        %get3A_235 = tpu.vector_load %arg5[%get3A_233, %get3A_234] {strides = array<i32>} : memref<32x1024xf32, #tpu.memory_space<vmem>>, vector<1x16xf32>,
        %get3A_236 = vector.shape_cast %get3A_235 : vector<1x16xf32> to vector<16xf32>
        %add3A_237 = arith.addf %get3A_232, %get3A_236 : vector<16xf32>
        %swap3A_238 = arith.index_cast %scan3A_146 : i32 to index
        %swap3A_239 = arith.constant 96 : index
        %swap3A_240 = tpu.vector_load %arg6[%swap3A_238, %swap3A_239] {strides = array<i32>} : memref<32x1024xf32, #tpu.memory_space<vmem>>, vector<1x16xf32>,
        %swap3A_241 = vector.shape_cast %swap3A_240 : vector<1x16xf32> to vector<16xf32>
        %swap3A_242 = vector.shape_cast %add3A_237 : vector<16xf32> to vector<1x16xf32>
        tpu.vector_store %arg6[%swap3A_238, %swap3A_239], %swap3A_242 {strides = array<i32>} : memref<32x1024xf32, #tpu.memory_space<vmem>>, vector<1x16xf32>,
        %get3A_243 = arith.index_cast %scan3A_146 : i32 to index
        %get3A_244 = arith.constant 112 : index
        %get3A_245 = tpu.vector_load %arg6[%get3A_243, %get3A_244] {strides = array<i32>} : memref<32x1024xf32, #tpu.memory_space<vmem>>, vector<1x16xf32>,
        %get3A_246 = vector.shape_cast %get3A_245 : vector<1x16xf32> to vector<16xf32>
        %get3A_247 = arith.index_cast %scan3A_146 : i32 to index
        %get3A_248 = arith.constant 112 : index
        %get3A_249 = tpu.vector_load %arg5[%get3A_247, %get3A_248] {strides = array<i32>} : memref<32x1024xf32, #tpu.memory_space<vmem>>, vector<1x16xf32>,
        %get3A_250 = vector.shape_cast %get3A_249 : vector<1x16xf32> to vector<16xf32>
        %add3A_251 = arith.addf %get3A_246, %get3A_250 : vector<16xf32>
        %swap3A_252 = arith.index_cast %scan3A_146 : i32 to index
        %swap3A_253 = arith.constant 112 : index
        %swap3A_254 = tpu.vector_load %arg6[%swap3A_252, %swap3A_253] {strides = array<i32>} : memref<32x1024xf32, #tpu.memory_space<vmem>>, vector<1x16xf32>,
        %swap3A_255 = vector.shape_cast %swap3A_254 : vector<1x16xf32> to vector<16xf32>
        %swap3A_256 = vector.shape_cast %add3A_251 : vector<16xf32> to vector<1x16xf32>
        tpu.vector_store %arg6[%swap3A_252, %swap3A_253], %swap3A_256 {strides = array<i32>} : memref<32x1024xf32, #tpu.memory_space<vmem>>, vector<1x16xf32>,
        %get3A_257 = arith.index_cast %scan3A_146 : i32 to index
        %get3A_258 = arith.constant 128 : index
        %get3A_259 = tpu.vector_load %arg6[%get3A_257, %get3A_258] {strides = array<i32>} : memref<32x1024xf32, #tpu.memory_space<vmem>>, vector<1x16xf32>,
        %get3A_260 = vector.shape_cast %get3A_259 : vector<1x16xf32> to vector<16xf32>
        %get3A_261 = arith.index_cast %scan3A_146 : i32 to index
        %get3A_262 = arith.constant 128 : index
        %get3A_263 = tpu.vector_load %arg5[%get3A_261, %get3A_262] {strides = array<i32>} : memref<32x1024xf32, #tpu.memory_space<vmem>>, vector<1x16xf32>,
        %get3A_264 = vector.shape_cast %get3A_263 : vector<1x16xf32> to vector<16xf32>
        %add3A_265 = arith.addf %get3A_260, %get3A_264 : vector<16xf32>
        %swap3A_266 = arith.index_cast %scan3A_146 : i32 to index
        %swap3A_267 = arith.constant 128 : index
        %swap3A_268 = tpu.vector_load %arg6[%swap3A_266, %swap3A_267] {strides = array<i32>} : memref<32x1024xf32, #tpu.memory_space<vmem>>, vector<1x16xf32>,
        %swap3A_269 = vector.shape_cast %swap3A_268 : vector<1x16xf32> to vector<16xf32>
        %swap3A_270 = vector.shape_cast %add3A_265 : vector<16xf32> to vector<1x16xf32>
        tpu.vector_store %arg6[%swap3A_266, %swap3A_267], %swap3A_270 {strides = array<i32>} : memref<32x1024xf32, #tpu.memory_space<vmem>>, vector<1x16xf32>,
        %get3A_271 = arith.index_cast %scan3A_146 : i32 to index
        %get3A_272 = arith.constant 144 : index
        %get3A_273 = tpu.vector_load %arg6[%get3A_271, %get3A_272] {strides = array<i32>} : memref<32x1024xf32, #tpu.memory_space<vmem>>, vector<1x16xf32>,
        %get3A_274 = vector.shape_cast %get3A_273 : vector<1x16xf32> to vector<16xf32>
        %get3A_275 = arith.index_cast %scan3A_146 : i32 to index
        %get3A_276 = arith.constant 144 : index
        %get3A_277 = tpu.vector_load %arg5[%get3A_275, %get3A_276] {strides = array<i32>} : memref<32x1024xf32, #tpu.memory_space<vmem>>, vector<1x16xf32>,
        %get3A_278 = vector.shape_cast %get3A_277 : vector<1x16xf32> to vector<16xf32>
        %add3A_279 = arith.addf %get3A_274, %get3A_278 : vector<16xf32>
        %swap3A_280 = arith.index_cast %scan3A_146 : i32 to index
        %swap3A_281 = arith.constant 144 : index
        %swap3A_282 = tpu.vector_load %arg6[%swap3A_280, %swap3A_281] {strides = array<i32>} : memref<32x1024xf32, #tpu.memory_space<vmem>>, vector<1x16xf32>,
        %swap3A_283 = vector.shape_cast %swap3A_282 : vector<1x16xf32> to vector<16xf32>
        %swap3A_284 = vector.shape_cast %add3A_279 : vector<16xf32> to vector<1x16xf32>
        tpu.vector_store %arg6[%swap3A_280, %swap3A_281], %swap3A_284 {strides = array<i32>} : memref<32x1024xf32, #tpu.memory_space<vmem>>, vector<1x16xf32>,
        %get3A_285 = arith.index_cast %scan3A_146 : i32 to index
        %get3A_286 = arith.constant 160 : index
        %get3A_287 = tpu.vector_load %arg6[%get3A_285, %get3A_286] {strides = array<i32>} : memref<32x1024xf32, #tpu.memory_space<vmem>>, vector<1x16xf32>,
        %get3A_288 = vector.shape_cast %get3A_287 : vector<1x16xf32> to vector<16xf32>
        %get3A_289 = arith.index_cast %scan3A_146 : i32 to index
        %get3A_290 = arith.constant 160 : index
        %get3A_291 = tpu.vector_load %arg5[%get3A_289, %get3A_290] {strides = array<i32>} : memref<32x1024xf32, #tpu.memory_space<vmem>>, vector<1x16xf32>,
        %get3A_292 = vector.shape_cast %get3A_291 : vector<1x16xf32> to vector<16xf32>
        %add3A_293 = arith.addf %get3A_288, %get3A_292 : vector<16xf32>
        %swap3A_294 = arith.index_cast %scan3A_146 : i32 to index
        %swap3A_295 = arith.constant 160 : index
        %swap3A_296 = tpu.vector_load %arg6[%swap3A_294, %swap3A_295] {strides = array<i32>} : memref<32x1024xf32, #tpu.memory_space<vmem>>, vector<1x16xf32>,
        %swap3A_297 = vector.shape_cast %swap3A_296 : vector<1x16xf32> to vector<16xf32>
        %swap3A_298 = vector.shape_cast %add3A_293 : vector<16xf32> to vector<1x16xf32>
        tpu.vector_store %arg6[%swap3A_294, %swap3A_295], %swap3A_298 {strides = array<i32>} : memref<32x1024xf32, #tpu.memory_space<vmem>>, vector<1x16xf32>,
        %get3A_299 = arith.index_cast %scan3A_146 : i32 to index
        %get3A_300 = arith.constant 176 : index
        %get3A_301 = tpu.vector_load %arg6[%get3A_299, %get3A_300] {strides = array<i32>} : memref<32x1024xf32, #tpu.memory_space<vmem>>, vector<1x16xf32>,
        %get3A_302 = vector.shape_cast %get3A_301 : vector<1x16xf32> to vector<16xf32>
        %get3A_303 = arith.index_cast %scan3A_146 : i32 to index
        %get3A_304 = arith.constant 176 : index
        %get3A_305 = tpu.vector_load %arg5[%get3A_303, %get3A_304] {strides = array<i32>} : memref<32x1024xf32, #tpu.memory_space<vmem>>, vector<1x16xf32>,
        %get3A_306 = vector.shape_cast %get3A_305 : vector<1x16xf32> to vector<16xf32>
        %add3A_307 = arith.addf %get3A_302, %get3A_306 : vector<16xf32>
        %swap3A_308 = arith.index_cast %scan3A_146 : i32 to index
        %swap3A_309 = arith.constant 176 : index
        %swap3A_310 = tpu.vector_load %arg6[%swap3A_308, %swap3A_309] {strides = array<i32>} : memref<32x1024xf32, #tpu.memory_space<vmem>>, vector<1x16xf32>,
        %swap3A_311 = vector.shape_cast %swap3A_310 : vector<1x16xf32> to vector<16xf32>
        %swap3A_312 = vector.shape_cast %add3A_307 : vector<16xf32> to vector<1x16xf32>
        tpu.vector_store %arg6[%swap3A_308, %swap3A_309], %swap3A_312 {strides = array<i32>} : memref<32x1024xf32, #tpu.memory_space<vmem>>, vector<1x16xf32>,
        %get3A_313 = arith.index_cast %scan3A_146 : i32 to index
        %get3A_314 = arith.constant 192 : index
        %get3A_315 = tpu.vector_load %arg6[%get3A_313, %get3A_314] {strides = array<i32>} : memref<32x1024xf32, #tpu.memory_space<vmem>>, vector<1x16xf32>,
        %get3A_316 = vector.shape_cast %get3A_315 : vector<1x16xf32> to vector<16xf32>
        %get3A_317 = arith.index_cast %scan3A_146 : i32 to index
        %get3A_318 = arith.constant 192 : index
        %get3A_319 = tpu.vector_load %arg5[%get3A_317, %get3A_318] {strides = array<i32>} : memref<32x1024xf32, #tpu.memory_space<vmem>>, vector<1x16xf32>,
        %get3A_320 = vector.shape_cast %get3A_319 : vector<1x16xf32> to vector<16xf32>
        %add3A_321 = arith.addf %get3A_316, %get3A_320 : vector<16xf32>
        %swap3A_322 = arith.index_cast %scan3A_146 : i32 to index
        %swap3A_323 = arith.constant 192 : index
        %swap3A_324 = tpu.vector_load %arg6[%swap3A_322, %swap3A_323] {strides = array<i32>} : memref<32x1024xf32, #tpu.memory_space<vmem>>, vector<1x16xf32>,
        %swap3A_325 = vector.shape_cast %swap3A_324 : vector<1x16xf32> to vector<16xf32>
        %swap3A_326 = vector.shape_cast %add3A_321 : vector<16xf32> to vector<1x16xf32>
        tpu.vector_store %arg6[%swap3A_322, %swap3A_323], %swap3A_326 {strides = array<i32>} : memref<32x1024xf32, #tpu.memory_space<vmem>>, vector<1x16xf32>,
        %get3A_327 = arith.index_cast %scan3A_146 : i32 to index
        %get3A_328 = arith.constant 208 : index
        %get3A_329 = tpu.vector_load %arg6[%get3A_327, %get3A_328] {strides = array<i32>} : memref<32x1024xf32, #tpu.memory_space<vmem>>, vector<1x16xf32>,
        %get3A_330 = vector.shape_cast %get3A_329 : vector<1x16xf32> to vector<16xf32>
        %get3A_331 = arith.index_cast %scan3A_146 : i32 to index
        %get3A_332 = arith.constant 208 : index
        %get3A_333 = tpu.vector_load %arg5[%get3A_331, %get3A_332] {strides = array<i32>} : memref<32x1024xf32, #tpu.memory_space<vmem>>, vector<1x16xf32>,
        %get3A_334 = vector.shape_cast %get3A_333 : vector<1x16xf32> to vector<16xf32>
        %add3A_335 = arith.addf %get3A_330, %get3A_334 : vector<16xf32>
        %swap3A_336 = arith.index_cast %scan3A_146 : i32 to index
        %swap3A_337 = arith.constant 208 : index
        %swap3A_338 = tpu.vector_load %arg6[%swap3A_336, %swap3A_337] {strides = array<i32>} : memref<32x1024xf32, #tpu.memory_space<vmem>>, vector<1x16xf32>,
        %swap3A_339 = vector.shape_cast %swap3A_338 : vector<1x16xf32> to vector<16xf32>
        %swap3A_340 = vector.shape_cast %add3A_335 : vector<16xf32> to vector<1x16xf32>
        tpu.vector_store %arg6[%swap3A_336, %swap3A_337], %swap3A_340 {strides = array<i32>} : memref<32x1024xf32, #tpu.memory_space<vmem>>, vector<1x16xf32>,
        %get3A_341 = arith.index_cast %scan3A_146 : i32 to index
        %get3A_342 = arith.constant 224 : index
        %get3A_343 = tpu.vector_load %arg6[%get3A_341, %get3A_342] {strides = array<i32>} : memref<32x1024xf32, #tpu.memory_space<vmem>>, vector<1x16xf32>,
        %get3A_344 = vector.shape_cast %get3A_343 : vector<1x16xf32> to vector<16xf32>
        %get3A_345 = arith.index_cast %scan3A_146 : i32 to index
        %get3A_346 = arith.constant 224 : index
        %get3A_347 = tpu.vector_load %arg5[%get3A_345, %get3A_346] {strides = array<i32>} : memref<32x1024xf32, #tpu.memory_space<vmem>>, vector<1x16xf32>,
        %get3A_348 = vector.shape_cast %get3A_347 : vector<1x16xf32> to vector<16xf32>
        %add3A_349 = arith.addf %get3A_344, %get3A_348 : vector<16xf32>
        %swap3A_350 = arith.index_cast %scan3A_146 : i32 to index
        %swap3A_351 = arith.constant 224 : index
        %swap3A_352 = tpu.vector_load %arg6[%swap3A_350, %swap3A_351] {strides = array<i32>} : memref<32x1024xf32, #tpu.memory_space<vmem>>, vector<1x16xf32>,
        %swap3A_353 = vector.shape_cast %swap3A_352 : vector<1x16xf32> to vector<16xf32>
        %swap3A_354 = vector.shape_cast %add3A_349 : vector<16xf32> to vector<1x16xf32>
        tpu.vector_store %arg6[%swap3A_350, %swap3A_351], %swap3A_354 {strides = array<i32>} : memref<32x1024xf32, #tpu.memory_space<vmem>>, vector<1x16xf32>,
        %get3A_355 = arith.index_cast %scan3A_146 : i32 to index
        %get3A_356 = arith.constant 240 : index
        %get3A_357 = tpu.vector_load %arg6[%get3A_355, %get3A_356] {strides = array<i32>} : memref<32x1024xf32, #tpu.memory_space<vmem>>, vector<1x16xf32>,
        %get3A_358 = vector.shape_cast %get3A_357 : vector<1x16xf32> to vector<16xf32>
        %get3A_359 = arith.index_cast %scan3A_146 : i32 to index
        %get3A_360 = arith.constant 240 : index
        %get3A_361 = tpu.vector_load %arg5[%get3A_359, %get3A_360] {strides = array<i32>} : memref<32x1024xf32, #tpu.memory_space<vmem>>, vector<1x16xf32>,
        %get3A_362 = vector.shape_cast %get3A_361 : vector<1x16xf32> to vector<16xf32>
        %add3A_363 = arith.addf %get3A_358, %get3A_362 : vector<16xf32>
        %swap3A_364 = arith.index_cast %scan3A_146 : i32 to index
        %swap3A_365 = arith.constant 240 : index
        %swap3A_366 = tpu.vector_load %arg6[%swap3A_364, %swap3A_365] {strides = array<i32>} : memref<32x1024xf32, #tpu.memory_space<vmem>>, vector<1x16xf32>,
        %swap3A_367 = vector.shape_cast %swap3A_366 : vector<1x16xf32> to vector<16xf32>
        %swap3A_368 = vector.shape_cast %add3A_363 : vector<16xf32> to vector<1x16xf32>
        tpu.vector_store %arg6[%swap3A_364, %swap3A_365], %swap3A_368 {strides = array<i32>} : memref<32x1024xf32, #tpu.memory_space<vmem>>, vector<1x16xf32>,
        %get3A_369 = arith.index_cast %scan3A_146 : i32 to index
        %get3A_370 = arith.constant 256 : index
        %get3A_371 = tpu.vector_load %arg6[%get3A_369, %get3A_370] {strides = array<i32>} : memref<32x1024xf32, #tpu.memory_space<vmem>>, vector<1x16xf32>,
        %get3A_372 = vector.shape_cast %get3A_371 : vector<1x16xf32> to vector<16xf32>
        %get3A_373 = arith.index_cast %scan3A_146 : i32 to index
        %get3A_374 = arith.constant 256 : index
        %get3A_375 = tpu.vector_load %arg5[%get3A_373, %get3A_374] {strides = array<i32>} : memref<32x1024xf32, #tpu.memory_space<vmem>>, vector<1x16xf32>,
        %get3A_376 = vector.shape_cast %get3A_375 : vector<1x16xf32> to vector<16xf32>
        %add3A_377 = arith.addf %get3A_372, %get3A_376 : vector<16xf32>
        %swap3A_378 = arith.index_cast %scan3A_146 : i32 to index
        %swap3A_379 = arith.constant 256 : index
        %swap3A_380 = tpu.vector_load %arg6[%swap3A_378, %swap3A_379] {strides = array<i32>} : memref<32x1024xf32, #tpu.memory_space<vmem>>, vector<1x16xf32>,
        %swap3A_381 = vector.shape_cast %swap3A_380 : vector<1x16xf32> to vector<16xf32>
        %swap3A_382 = vector.shape_cast %add3A_377 : vector<16xf32> to vector<1x16xf32>
        tpu.vector_store %arg6[%swap3A_378, %swap3A_379], %swap3A_382 {strides = array<i32>} : memref<32x1024xf32, #tpu.memory_space<vmem>>, vector<1x16xf32>,
        %get3A_383 = arith.index_cast %scan3A_146 : i32 to index
        %get3A_384 = arith.constant 272 : index
        %get3A_385 = tpu.vector_load %arg6[%get3A_383, %get3A_384] {strides = array<i32>} : memref<32x1024xf32, #tpu.memory_space<vmem>>, vector<1x16xf32>,
        %get3A_386 = vector.shape_cast %get3A_385 : vector<1x16xf32> to vector<16xf32>
        %get3A_387 = arith.index_cast %scan3A_146 : i32 to index
        %get3A_388 = arith.constant 272 : index
        %get3A_389 = tpu.vector_load %arg5[%get3A_387, %get3A_388] {strides = array<i32>} : memref<32x1024xf32, #tpu.memory_space<vmem>>, vector<1x16xf32>,
        %get3A_390 = vector.shape_cast %get3A_389 : vector<1x16xf32> to vector<16xf32>
        %add3A_391 = arith.addf %get3A_386, %get3A_390 : vector<16xf32>
        %swap3A_392 = arith.index_cast %scan3A_146 : i32 to index
        %swap3A_393 = arith.constant 272 : index
        %swap3A_394 = tpu.vector_load %arg6[%swap3A_392, %swap3A_393] {strides = array<i32>} : memref<32x1024xf32, #tpu.memory_space<vmem>>, vector<1x16xf32>,
        %swap3A_395 = vector.shape_cast %swap3A_394 : vector<1x16xf32> to vector<16xf32>
        %swap3A_396 = vector.shape_cast %add3A_391 : vector<16xf32> to vector<1x16xf32>
        tpu.vector_store %arg6[%swap3A_392, %swap3A_393], %swap3A_396 {strides = array<i32>} : memref<32x1024xf32, #tpu.memory_space<vmem>>, vector<1x16xf32>,
        %get3A_397 = arith.index_cast %scan3A_146 : i32 to index
        %get3A_398 = arith.constant 288 : index
        %get3A_399 = tpu.vector_load %arg6[%get3A_397, %get3A_398] {strides = array<i32>} : memref<32x1024xf32, #tpu.memory_space<vmem>>, vector<1x16xf32>,
        %get3A_400 = vector.shape_cast %get3A_399 : vector<1x16xf32> to vector<16xf32>
        %get3A_401 = arith.index_cast %scan3A_146 : i32 to index
        %get3A_402 = arith.constant 288 : index
        %get3A_403 = tpu.vector_load %arg5[%get3A_401, %get3A_402] {strides = array<i32>} : memref<32x1024xf32, #tpu.memory_space<vmem>>, vector<1x16xf32>,
        %get3A_404 = vector.shape_cast %get3A_403 : vector<1x16xf32> to vector<16xf32>
        %add3A_405 = arith.addf %get3A_400, %get3A_404 : vector<16xf32>
        %swap3A_406 = arith.index_cast %scan3A_146 : i32 to index
        %swap3A_407 = arith.constant 288 : index
        %swap3A_408 = tpu.vector_load %arg6[%swap3A_406, %swap3A_407] {strides = array<i32>} : memref<32x1024xf32, #tpu.memory_space<vmem>>, vector<1x16xf32>,
        %swap3A_409 = vector.shape_cast %swap3A_408 : vector<1x16xf32> to vector<16xf32>
        %swap3A_410 = vector.shape_cast %add3A_405 : vector<16xf32> to vector<1x16xf32>
        tpu.vector_store %arg6[%swap3A_406, %swap3A_407], %swap3A_410 {strides = array<i32>} : memref<32x1024xf32, #tpu.memory_space<vmem>>, vector<1x16xf32>,
        %get3A_411 = arith.index_cast %scan3A_146 : i32 to index
        %get3A_412 = arith.constant 304 : index
        %get3A_413 = tpu.vector_load %arg6[%get3A_411, %get3A_412] {strides = array<i32>} : memref<32x1024xf32, #tpu.memory_space<vmem>>, vector<1x16xf32>,
        %get3A_414 = vector.shape_cast %get3A_413 : vector<1x16xf32> to vector<16xf32>
        %get3A_415 = arith.index_cast %scan3A_146 : i32 to index
        %get3A_416 = arith.constant 304 : index
        %get3A_417 = tpu.vector_load %arg5[%get3A_415, %get3A_416] {strides = array<i32>} : memref<32x1024xf32, #tpu.memory_space<vmem>>, vector<1x16xf32>,
        %get3A_418 = vector.shape_cast %get3A_417 : vector<1x16xf32> to vector<16xf32>
        %add3A_419 = arith.addf %get3A_414, %get3A_418 : vector<16xf32>
        %swap3A_420 = arith.index_cast %scan3A_146 : i32 to index
        %swap3A_421 = arith.constant 304 : index
        %swap3A_422 = tpu.vector_load %arg6[%swap3A_420, %swap3A_421] {strides = array<i32>} : memref<32x1024xf32, #tpu.memory_space<vmem>>, vector<1x16xf32>,
        %swap3A_423 = vector.shape_cast %swap3A_422 : vector<1x16xf32> to vector<16xf32>
        %swap3A_424 = vector.shape_cast %add3A_419 : vector<16xf32> to vector<1x16xf32>
        tpu.vector_store %arg6[%swap3A_420, %swap3A_421], %swap3A_424 {strides = array<i32>} : memref<32x1024xf32, #tpu.memory_space<vmem>>, vector<1x16xf32>,
        %get3A_425 = arith.index_cast %scan3A_146 : i32 to index
        %get3A_426 = arith.constant 320 : index
        %get3A_427 = tpu.vector_load %arg6[%get3A_425, %get3A_426] {strides = array<i32>} : memref<32x1024xf32, #tpu.memory_space<vmem>>, vector<1x16xf32>,
        %get3A_428 = vector.shape_cast %get3A_427 : vector<1x16xf32> to vector<16xf32>
        %get3A_429 = arith.index_cast %scan3A_146 : i32 to index
        %get3A_430 = arith.constant 320 : index
        %get3A_431 = tpu.vector_load %arg5[%get3A_429, %get3A_430] {strides = array<i32>} : memref<32x1024xf32, #tpu.memory_space<vmem>>, vector<1x16xf32>,
        %get3A_432 = vector.shape_cast %get3A_431 : vector<1x16xf32> to vector<16xf32>
        %add3A_433 = arith.addf %get3A_428, %get3A_432 : vector<16xf32>
        %swap3A_434 = arith.index_cast %scan3A_146 : i32 to index
        %swap3A_435 = arith.constant 320 : index
        %swap3A_436 = tpu.vector_load %arg6[%swap3A_434, %swap3A_435] {strides = array<i32>} : memref<32x1024xf32, #tpu.memory_space<vmem>>, vector<1x16xf32>,
        %swap3A_437 = vector.shape_cast %swap3A_436 : vector<1x16xf32> to vector<16xf32>
        %swap3A_438 = vector.shape_cast %add3A_433 : vector<16xf32> to vector<1x16xf32>
        tpu.vector_store %arg6[%swap3A_434, %swap3A_435], %swap3A_438 {strides = array<i32>} : memref<32x1024xf32, #tpu.memory_space<vmem>>, vector<1x16xf32>,
        %get3A_439 = arith.index_cast %scan3A_146 : i32 to index
        %get3A_440 = arith.constant 336 : index
        %get3A_441 = tpu.vector_load %arg6[%get3A_439, %get3A_440] {strides = array<i32>} : memref<32x1024xf32, #tpu.memory_space<vmem>>, vector<1x16xf32>,
        %get3A_442 = vector.shape_cast %get3A_441 : vector<1x16xf32> to vector<16xf32>
        %get3A_443 = arith.index_cast %scan3A_146 : i32 to index
        %get3A_444 = arith.constant 336 : index
        %get3A_445 = tpu.vector_load %arg5[%get3A_443, %get3A_444] {strides = array<i32>} : memref<32x1024xf32, #tpu.memory_space<vmem>>, vector<1x16xf32>,
        %get3A_446 = vector.shape_cast %get3A_445 : vector<1x16xf32> to vector<16xf32>
        %add3A_447 = arith.addf %get3A_442, %get3A_446 : vector<16xf32>
        %swap3A_448 = arith.index_cast %scan3A_146 : i32 to index
        %swap3A_449 = arith.constant 336 : index
        %swap3A_450 = tpu.vector_load %arg6[%swap3A_448, %swap3A_449] {strides = array<i32>} : memref<32x1024xf32, #tpu.memory_space<vmem>>, vector<1x16xf32>,
        %swap3A_451 = vector.shape_cast %swap3A_450 : vector<1x16xf32> to vector<16xf32>
        %swap3A_452 = vector.shape_cast %add3A_447 : vector<16xf32> to vector<1x16xf32>
        tpu.vector_store %arg6[%swap3A_448, %swap3A_449], %swap3A_452 {strides = array<i32>} : memref<32x1024xf32, #tpu.memory_space<vmem>>, vector<1x16xf32>,
        %get3A_453 = arith.index_cast %scan3A_146 : i32 to index
        %get3A_454 = arith.constant 352 : index
        %get3A_455 = tpu.vector_load %arg6[%get3A_453, %get3A_454] {strides = array<i32>} : memref<32x1024xf32, #tpu.memory_space<vmem>>, vector<1x16xf32>,
        %get3A_456 = vector.shape_cast %get3A_455 : vector<1x16xf32> to vector<16xf32>
        %get3A_457 = arith.index_cast %scan3A_146 : i32 to index
        %get3A_458 = arith.constant 352 : index
        %get3A_459 = tpu.vector_load %arg5[%get3A_457, %get3A_458] {strides = array<i32>} : memref<32x1024xf32, #tpu.memory_space<vmem>>, vector<1x16xf32>,
        %get3A_460 = vector.shape_cast %get3A_459 : vector<1x16xf32> to vector<16xf32>
        %add3A_461 = arith.addf %get3A_456, %get3A_460 : vector<16xf32>
        %swap3A_462 = arith.index_cast %scan3A_146 : i32 to index
        %swap3A_463 = arith.constant 352 : index
        %swap3A_464 = tpu.vector_load %arg6[%swap3A_462, %swap3A_463] {strides = array<i32>} : memref<32x1024xf32, #tpu.memory_space<vmem>>, vector<1x16xf32>,
        %swap3A_465 = vector.shape_cast %swap3A_464 : vector<1x16xf32> to vector<16xf32>
        %swap3A_466 = vector.shape_cast %add3A_461 : vector<16xf32> to vector<1x16xf32>
        tpu.vector_store %arg6[%swap3A_462, %swap3A_463], %swap3A_466 {strides = array<i32>} : memref<32x1024xf32, #tpu.memory_space<vmem>>, vector<1x16xf32>,
        %get3A_467 = arith.index_cast %scan3A_146 : i32 to index
        %get3A_468 = arith.constant 368 : index
        %get3A_469 = tpu.vector_load %arg6[%get3A_467, %get3A_468] {strides = array<i32>} : memref<32x1024xf32, #tpu.memory_space<vmem>>, vector<1x16xf32>,
        %get3A_470 = vector.shape_cast %get3A_469 : vector<1x16xf32> to vector<16xf32>
        %get3A_471 = arith.index_cast %scan3A_146 : i32 to index
        %get3A_472 = arith.constant 368 : index
        %get3A_473 = tpu.vector_load %arg5[%get3A_471, %get3A_472] {strides = array<i32>} : memref<32x1024xf32, #tpu.memory_space<vmem>>, vector<1x16xf32>,
        %get3A_474 = vector.shape_cast %get3A_473 : vector<1x16xf32> to vector<16xf32>
        %add3A_475 = arith.addf %get3A_470, %get3A_474 : vector<16xf32>
        %swap3A_476 = arith.index_cast %scan3A_146 : i32 to index
        %swap3A_477 = arith.constant 368 : index
        %swap3A_478 = tpu.vector_load %arg6[%swap3A_476, %swap3A_477] {strides = array<i32>} : memref<32x1024xf32, #tpu.memory_space<vmem>>, vector<1x16xf32>,
        %swap3A_479 = vector.shape_cast %swap3A_478 : vector<1x16xf32> to vector<16xf32>
        %swap3A_480 = vector.shape_cast %add3A_475 : vector<16xf32> to vector<1x16xf32>
        tpu.vector_store %arg6[%swap3A_476, %swap3A_477], %swap3A_480 {strides = array<i32>} : memref<32x1024xf32, #tpu.memory_space<vmem>>, vector<1x16xf32>,
        %get3A_481 = arith.index_cast %scan3A_146 : i32 to index
        %get3A_482 = arith.constant 384 : index
        %get3A_483 = tpu.vector_load %arg6[%get3A_481, %get3A_482] {strides = array<i32>} : memref<32x1024xf32, #tpu.memory_space<vmem>>, vector<1x16xf32>,
        %get3A_484 = vector.shape_cast %get3A_483 : vector<1x16xf32> to vector<16xf32>
        %get3A_485 = arith.index_cast %scan3A_146 : i32 to index
        %get3A_486 = arith.constant 384 : index
        %get3A_487 = tpu.vector_load %arg5[%get3A_485, %get3A_486] {strides = array<i32>} : memref<32x1024xf32, #tpu.memory_space<vmem>>, vector<1x16xf32>,
        %get3A_488 = vector.shape_cast %get3A_487 : vector<1x16xf32> to vector<16xf32>
        %add3A_489 = arith.addf %get3A_484, %get3A_488 : vector<16xf32>
        %swap3A_490 = arith.index_cast %scan3A_146 : i32 to index
        %swap3A_491 = arith.constant 384 : index
        %swap3A_492 = tpu.vector_load %arg6[%swap3A_490, %swap3A_491] {strides = array<i32>} : memref<32x1024xf32, #tpu.memory_space<vmem>>, vector<1x16xf32>,
        %swap3A_493 = vector.shape_cast %swap3A_492 : vector<1x16xf32> to vector<16xf32>
        %swap3A_494 = vector.shape_cast %add3A_489 : vector<16xf32> to vector<1x16xf32>
        tpu.vector_store %arg6[%swap3A_490, %swap3A_491], %swap3A_494 {strides = array<i32>} : memref<32x1024xf32, #tpu.memory_space<vmem>>, vector<1x16xf32>,
        %get3A_495 = arith.index_cast %scan3A_146 : i32 to index
        %get3A_496 = arith.constant 400 : index
        %get3A_497 = tpu.vector_load %arg6[%get3A_495, %get3A_496] {strides = array<i32>} : memref<32x1024xf32, #tpu.memory_space<vmem>>, vector<1x16xf32>,
        %get3A_498 = vector.shape_cast %get3A_497 : vector<1x16xf32> to vector<16xf32>
        %get3A_499 = arith.index_cast %scan3A_146 : i32 to index
        %get3A_500 = arith.constant 400 : index
        %get3A_501 = tpu.vector_load %arg5[%get3A_499, %get3A_500] {strides = array<i32>} : memref<32x1024xf32, #tpu.memory_space<vmem>>, vector<1x16xf32>,
        %get3A_502 = vector.shape_cast %get3A_501 : vector<1x16xf32> to vector<16xf32>
        %add3A_503 = arith.addf %get3A_498, %get3A_502 : vector<16xf32>
        %swap3A_504 = arith.index_cast %scan3A_146 : i32 to index
        %swap3A_505 = arith.constant 400 : index
        %swap3A_506 = tpu.vector_load %arg6[%swap3A_504, %swap3A_505] {strides = array<i32>} : memref<32x1024xf32, #tpu.memory_space<vmem>>, vector<1x16xf32>,
        %swap3A_507 = vector.shape_cast %swap3A_506 : vector<1x16xf32> to vector<16xf32>
        %swap3A_508 = vector.shape_cast %add3A_503 : vector<16xf32> to vector<1x16xf32>
        tpu.vector_store %arg6[%swap3A_504, %swap3A_505], %swap3A_508 {strides = array<i32>} : memref<32x1024xf32, #tpu.memory_space<vmem>>, vector<1x16xf32>,
        %get3A_509 = arith.index_cast %scan3A_146 : i32 to index
        %get3A_510 = arith.constant 416 : index
        %get3A_511 = tpu.vector_load %arg6[%get3A_509, %get3A_510] {strides = array<i32>} : memref<32x1024xf32, #tpu.memory_space<vmem>>, vector<1x16xf32>,
        %get3A_512 = vector.shape_cast %get3A_511 : vector<1x16xf32> to vector<16xf32>
        %get3A_513 = arith.index_cast %scan3A_146 : i32 to index
        %get3A_514 = arith.constant 416 : index
        %get3A_515 = tpu.vector_load %arg5[%get3A_513, %get3A_514] {strides = array<i32>} : memref<32x1024xf32, #tpu.memory_space<vmem>>, vector<1x16xf32>,
        %get3A_516 = vector.shape_cast %get3A_515 : vector<1x16xf32> to vector<16xf32>
        %add3A_517 = arith.addf %get3A_512, %get3A_516 : vector<16xf32>
        %swap3A_518 = arith.index_cast %scan3A_146 : i32 to index
        %swap3A_519 = arith.constant 416 : index
        %swap3A_520 = tpu.vector_load %arg6[%swap3A_518, %swap3A_519] {strides = array<i32>} : memref<32x1024xf32, #tpu.memory_space<vmem>>, vector<1x16xf32>,
        %swap3A_521 = vector.shape_cast %swap3A_520 : vector<1x16xf32> to vector<16xf32>
        %swap3A_522 = vector.shape_cast %add3A_517 : vector<16xf32> to vector<1x16xf32>
        tpu.vector_store %arg6[%swap3A_518, %swap3A_519], %swap3A_522 {strides = array<i32>} : memref<32x1024xf32, #tpu.memory_space<vmem>>, vector<1x16xf32>,
        %get3A_523 = arith.index_cast %scan3A_146 : i32 to index
        %get3A_524 = arith.constant 432 : index
        %get3A_525 = tpu.vector_load %arg6[%get3A_523, %get3A_524] {strides = array<i32>} : memref<32x1024xf32, #tpu.memory_space<vmem>>, vector<1x16xf32>,
        %get3A_526 = vector.shape_cast %get3A_525 : vector<1x16xf32> to vector<16xf32>
        %get3A_527 = arith.index_cast %scan3A_146 : i32 to index
        %get3A_528 = arith.constant 432 : index
        %get3A_529 = tpu.vector_load %arg5[%get3A_527, %get3A_528] {strides = array<i32>} : memref<32x1024xf32, #tpu.memory_space<vmem>>, vector<1x16xf32>,
        %get3A_530 = vector.shape_cast %get3A_529 : vector<1x16xf32> to vector<16xf32>
        %add3A_531 = arith.addf %get3A_526, %get3A_530 : vector<16xf32>
        %swap3A_532 = arith.index_cast %scan3A_146 : i32 to index
        %swap3A_533 = arith.constant 432 : index
        %swap3A_534 = tpu.vector_load %arg6[%swap3A_532, %swap3A_533] {strides = array<i32>} : memref<32x1024xf32, #tpu.memory_space<vmem>>, vector<1x16xf32>,
        %swap3A_535 = vector.shape_cast %swap3A_534 : vector<1x16xf32> to vector<16xf32>
        %swap3A_536 = vector.shape_cast %add3A_531 : vector<16xf32> to vector<1x16xf32>
        tpu.vector_store %arg6[%swap3A_532, %swap3A_533], %swap3A_536 {strides = array<i32>} : memref<32x1024xf32, #tpu.memory_space<vmem>>, vector<1x16xf32>,
        %get3A_537 = arith.index_cast %scan3A_146 : i32 to index
        %get3A_538 = arith.constant 448 : index
        %get3A_539 = tpu.vector_load %arg6[%get3A_537, %get3A_538] {strides = array<i32>} : memref<32x1024xf32, #tpu.memory_space<vmem>>, vector<1x16xf32>,
        %get3A_540 = vector.shape_cast %get3A_539 : vector<1x16xf32> to vector<16xf32>
        %get3A_541 = arith.index_cast %scan3A_146 : i32 to index
        %get3A_542 = arith.constant 448 : index
        %get3A_543 = tpu.vector_load %arg5[%get3A_541, %get3A_542] {strides = array<i32>} : memref<32x1024xf32, #tpu.memory_space<vmem>>, vector<1x16xf32>,
        %get3A_544 = vector.shape_cast %get3A_543 : vector<1x16xf32> to vector<16xf32>
        %add3A_545 = arith.addf %get3A_540, %get3A_544 : vector<16xf32>
        %swap3A_546 = arith.index_cast %scan3A_146 : i32 to index
        %swap3A_547 = arith.constant 448 : index
        %swap3A_548 = tpu.vector_load %arg6[%swap3A_546, %swap3A_547] {strides = array<i32>} : memref<32x1024xf32, #tpu.memory_space<vmem>>, vector<1x16xf32>,
        %swap3A_549 = vector.shape_cast %swap3A_548 : vector<1x16xf32> to vector<16xf32>
        %swap3A_550 = vector.shape_cast %add3A_545 : vector<16xf32> to vector<1x16xf32>
        tpu.vector_store %arg6[%swap3A_546, %swap3A_547], %swap3A_550 {strides = array<i32>} : memref<32x1024xf32, #tpu.memory_space<vmem>>, vector<1x16xf32>,
        %get3A_551 = arith.index_cast %scan3A_146 : i32 to index
        %get3A_552 = arith.constant 464 : index
        %get3A_553 = tpu.vector_load %arg6[%get3A_551, %get3A_552] {strides = array<i32>} : memref<32x1024xf32, #tpu.memory_space<vmem>>, vector<1x16xf32>,
        %get3A_554 = vector.shape_cast %get3A_553 : vector<1x16xf32> to vector<16xf32>
        %get3A_555 = arith.index_cast %scan3A_146 : i32 to index
        %get3A_556 = arith.constant 464 : index
        %get3A_557 = tpu.vector_load %arg5[%get3A_555, %get3A_556] {strides = array<i32>} : memref<32x1024xf32, #tpu.memory_space<vmem>>, vector<1x16xf32>,
        %get3A_558 = vector.shape_cast %get3A_557 : vector<1x16xf32> to vector<16xf32>
        %add3A_559 = arith.addf %get3A_554, %get3A_558 : vector<16xf32>
        %swap3A_560 = arith.index_cast %scan3A_146 : i32 to index
        %swap3A_561 = arith.constant 464 : index
        %swap3A_562 = tpu.vector_load %arg6[%swap3A_560, %swap3A_561] {strides = array<i32>} : memref<32x1024xf32, #tpu.memory_space<vmem>>, vector<1x16xf32>,
        %swap3A_563 = vector.shape_cast %swap3A_562 : vector<1x16xf32> to vector<16xf32>
        %swap3A_564 = vector.shape_cast %add3A_559 : vector<16xf32> to vector<1x16xf32>
        tpu.vector_store %arg6[%swap3A_560, %swap3A_561], %swap3A_564 {strides = array<i32>} : memref<32x1024xf32, #tpu.memory_space<vmem>>, vector<1x16xf32>,
        %get3A_565 = arith.index_cast %scan3A_146 : i32 to index
        %get3A_566 = arith.constant 480 : index
        %get3A_567 = tpu.vector_load %arg6[%get3A_565, %get3A_566] {strides = array<i32>} : memref<32x1024xf32, #tpu.memory_space<vmem>>, vector<1x16xf32>,
        %get3A_568 = vector.shape_cast %get3A_567 : vector<1x16xf32> to vector<16xf32>
        %get3A_569 = arith.index_cast %scan3A_146 : i32 to index
        %get3A_570 = arith.constant 480 : index
        %get3A_571 = tpu.vector_load %arg5[%get3A_569, %get3A_570] {strides = array<i32>} : memref<32x1024xf32, #tpu.memory_space<vmem>>, vector<1x16xf32>,
        %get3A_572 = vector.shape_cast %get3A_571 : vector<1x16xf32> to vector<16xf32>
        %add3A_573 = arith.addf %get3A_568, %get3A_572 : vector<16xf32>
        %swap3A_574 = arith.index_cast %scan3A_146 : i32 to index
        %swap3A_575 = arith.constant 480 : index
        %swap3A_576 = tpu.vector_load %arg6[%swap3A_574, %swap3A_575] {strides = array<i32>} : memref<32x1024xf32, #tpu.memory_space<vmem>>, vector<1x16xf32>,
        %swap3A_577 = vector.shape_cast %swap3A_576 : vector<1x16xf32> to vector<16xf32>
        %swap3A_578 = vector.shape_cast %add3A_573 : vector<16xf32> to vector<1x16xf32>
        tpu.vector_store %arg6[%swap3A_574, %swap3A_575], %swap3A_578 {strides = array<i32>} : memref<32x1024xf32, #tpu.memory_space<vmem>>, vector<1x16xf32>,
        %get3A_579 = arith.index_cast %scan3A_146 : i32 to index
        %get3A_580 = arith.constant 496 : index
        %get3A_581 = tpu.vector_load %arg6[%get3A_579, %get3A_580] {strides = array<i32>} : memref<32x1024xf32, #tpu.memory_space<vmem>>, vector<1x16xf32>,
        %get3A_582 = vector.shape_cast %get3A_581 : vector<1x16xf32> to vector<16xf32>
        %get3A_583 = arith.index_cast %scan3A_146 : i32 to index
        %get3A_584 = arith.constant 496 : index
        %get3A_585 = tpu.vector_load %arg5[%get3A_583, %get3A_584] {strides = array<i32>} : memref<32x1024xf32, #tpu.memory_space<vmem>>, vector<1x16xf32>,
        %get3A_586 = vector.shape_cast %get3A_585 : vector<1x16xf32> to vector<16xf32>
        %add3A_587 = arith.addf %get3A_582, %get3A_586 : vector<16xf32>
        %swap3A_588 = arith.index_cast %scan3A_146 : i32 to index
        %swap3A_589 = arith.constant 496 : index
        %swap3A_590 = tpu.vector_load %arg6[%swap3A_588, %swap3A_589] {strides = array<i32>} : memref<32x1024xf32, #tpu.memory_space<vmem>>, vector<1x16xf32>,
        %swap3A_591 = vector.shape_cast %swap3A_590 : vector<1x16xf32> to vector<16xf32>
        %swap3A_592 = vector.shape_cast %add3A_587 : vector<16xf32> to vector<1x16xf32>
        tpu.vector_store %arg6[%swap3A_588, %swap3A_589], %swap3A_592 {strides = array<i32>} : memref<32x1024xf32, #tpu.memory_space<vmem>>, vector<1x16xf32>,
        %get3A_593 = arith.index_cast %scan3A_146 : i32 to index
        %get3A_594 = arith.constant 512 : index
        %get3A_595 = tpu.vector_load %arg6[%get3A_593, %get3A_594] {strides = array<i32>} : memref<32x1024xf32, #tpu.memory_space<vmem>>, vector<1x16xf32>,
        %get3A_596 = vector.shape_cast %get3A_595 : vector<1x16xf32> to vector<16xf32>
        %get3A_597 = arith.index_cast %scan3A_146 : i32 to index
        %get3A_598 = arith.constant 512 : index
        %get3A_599 = tpu.vector_load %arg5[%get3A_597, %get3A_598] {strides = array<i32>} : memref<32x1024xf32, #tpu.memory_space<vmem>>, vector<1x16xf32>,
        %get3A_600 = vector.shape_cast %get3A_599 : vector<1x16xf32> to vector<16xf32>
        %add3A_601 = arith.addf %get3A_596, %get3A_600 : vector<16xf32>
        %swap3A_602 = arith.index_cast %scan3A_146 : i32 to index
        %swap3A_603 = arith.constant 512 : index
        %swap3A_604 = tpu.vector_load %arg6[%swap3A_602, %swap3A_603] {strides = array<i32>} : memref<32x1024xf32, #tpu.memory_space<vmem>>, vector<1x16xf32>,
        %swap3A_605 = vector.shape_cast %swap3A_604 : vector<1x16xf32> to vector<16xf32>
        %swap3A_606 = vector.shape_cast %add3A_601 : vector<16xf32> to vector<1x16xf32>
        tpu.vector_store %arg6[%swap3A_602, %swap3A_603], %swap3A_606 {strides = array<i32>} : memref<32x1024xf32, #tpu.memory_space<vmem>>, vector<1x16xf32>,
        %get3A_607 = arith.index_cast %scan3A_146 : i32 to index
        %get3A_608 = arith.constant 528 : index
        %get3A_609 = tpu.vector_load %arg6[%get3A_607, %get3A_608] {strides = array<i32>} : memref<32x1024xf32, #tpu.memory_space<vmem>>, vector<1x16xf32>,
        %get3A_610 = vector.shape_cast %get3A_609 : vector<1x16xf32> to vector<16xf32>
        %get3A_611 = arith.index_cast %scan3A_146 : i32 to index
        %get3A_612 = arith.constant 528 : index
        %get3A_613 = tpu.vector_load %arg5[%get3A_611, %get3A_612] {strides = array<i32>} : memref<32x1024xf32, #tpu.memory_space<vmem>>, vector<1x16xf32>,
        %get3A_614 = vector.shape_cast %get3A_613 : vector<1x16xf32> to vector<16xf32>
        %add3A_615 = arith.addf %get3A_610, %get3A_614 : vector<16xf32>
        %swap3A_616 = arith.index_cast %scan3A_146 : i32 to index
        %swap3A_617 = arith.constant 528 : index
        %swap3A_618 = tpu.vector_load %arg6[%swap3A_616, %swap3A_617] {strides = array<i32>} : memref<32x1024xf32, #tpu.memory_space<vmem>>, vector<1x16xf32>,
        %swap3A_619 = vector.shape_cast %swap3A_618 : vector<1x16xf32> to vector<16xf32>
        %swap3A_620 = vector.shape_cast %add3A_615 : vector<16xf32> to vector<1x16xf32>
        tpu.vector_store %arg6[%swap3A_616, %swap3A_617], %swap3A_620 {strides = array<i32>} : memref<32x1024xf32, #tpu.memory_space<vmem>>, vector<1x16xf32>,
        %get3A_621 = arith.index_cast %scan3A_146 : i32 to index
        %get3A_622 = arith.constant 544 : index
        %get3A_623 = tpu.vector_load %arg6[%get3A_621, %get3A_622] {strides = array<i32>} : memref<32x1024xf32, #tpu.memory_space<vmem>>, vector<1x16xf32>,
        %get3A_624 = vector.shape_cast %get3A_623 : vector<1x16xf32> to vector<16xf32>
        %get3A_625 = arith.index_cast %scan3A_146 : i32 to index
        %get3A_626 = arith.constant 544 : index
        %get3A_627 = tpu.vector_load %arg5[%get3A_625, %get3A_626] {strides = array<i32>} : memref<32x1024xf32, #tpu.memory_space<vmem>>, vector<1x16xf32>,
        %get3A_628 = vector.shape_cast %get3A_627 : vector<1x16xf32> to vector<16xf32>
        %add3A_629 = arith.addf %get3A_624, %get3A_628 : vector<16xf32>
        %swap3A_630 = arith.index_cast %scan3A_146 : i32 to index
        %swap3A_631 = arith.constant 544 : index
        %swap3A_632 = tpu.vector_load %arg6[%swap3A_630, %swap3A_631] {strides = array<i32>} : memref<32x1024xf32, #tpu.memory_space<vmem>>, vector<1x16xf32>,
        %swap3A_633 = vector.shape_cast %swap3A_632 : vector<1x16xf32> to vector<16xf32>
        %swap3A_634 = vector.shape_cast %add3A_629 : vector<16xf32> to vector<1x16xf32>
        tpu.vector_store %arg6[%swap3A_630, %swap3A_631], %swap3A_634 {strides = array<i32>} : memref<32x1024xf32, #tpu.memory_space<vmem>>, vector<1x16xf32>,
        %get3A_635 = arith.index_cast %scan3A_146 : i32 to index
        %get3A_636 = arith.constant 560 : index
        %get3A_637 = tpu.vector_load %arg6[%get3A_635, %get3A_636] {strides = array<i32>} : memref<32x1024xf32, #tpu.memory_space<vmem>>, vector<1x16xf32>,
        %get3A_638 = vector.shape_cast %get3A_637 : vector<1x16xf32> to vector<16xf32>
        %get3A_639 = arith.index_cast %scan3A_146 : i32 to index
        %get3A_640 = arith.constant 560 : index
        %get3A_641 = tpu.vector_load %arg5[%get3A_639, %get3A_640] {strides = array<i32>} : memref<32x1024xf32, #tpu.memory_space<vmem>>, vector<1x16xf32>,
        %get3A_642 = vector.shape_cast %get3A_641 : vector<1x16xf32> to vector<16xf32>
        %add3A_643 = arith.addf %get3A_638, %get3A_642 : vector<16xf32>
        %swap3A_644 = arith.index_cast %scan3A_146 : i32 to index
        %swap3A_645 = arith.constant 560 : index
        %swap3A_646 = tpu.vector_load %arg6[%swap3A_644, %swap3A_645] {strides = array<i32>} : memref<32x1024xf32, #tpu.memory_space<vmem>>, vector<1x16xf32>,
        %swap3A_647 = vector.shape_cast %swap3A_646 : vector<1x16xf32> to vector<16xf32>
        %swap3A_648 = vector.shape_cast %add3A_643 : vector<16xf32> to vector<1x16xf32>
        tpu.vector_store %arg6[%swap3A_644, %swap3A_645], %swap3A_648 {strides = array<i32>} : memref<32x1024xf32, #tpu.memory_space<vmem>>, vector<1x16xf32>,
        %get3A_649 = arith.index_cast %scan3A_146 : i32 to index
        %get3A_650 = arith.constant 576 : index
        %get3A_651 = tpu.vector_load %arg6[%get3A_649, %get3A_650] {strides = array<i32>} : memref<32x1024xf32, #tpu.memory_space<vmem>>, vector<1x16xf32>,
        %get3A_652 = vector.shape_cast %get3A_651 : vector<1x16xf32> to vector<16xf32>
        %get3A_653 = arith.index_cast %scan3A_146 : i32 to index
        %get3A_654 = arith.constant 576 : index
        %get3A_655 = tpu.vector_load %arg5[%get3A_653, %get3A_654] {strides = array<i32>} : memref<32x1024xf32, #tpu.memory_space<vmem>>, vector<1x16xf32>,
        %get3A_656 = vector.shape_cast %get3A_655 : vector<1x16xf32> to vector<16xf32>
        %add3A_657 = arith.addf %get3A_652, %get3A_656 : vector<16xf32>
        %swap3A_658 = arith.index_cast %scan3A_146 : i32 to index
        %swap3A_659 = arith.constant 576 : index
        %swap3A_660 = tpu.vector_load %arg6[%swap3A_658, %swap3A_659] {strides = array<i32>} : memref<32x1024xf32, #tpu.memory_space<vmem>>, vector<1x16xf32>,
        %swap3A_661 = vector.shape_cast %swap3A_660 : vector<1x16xf32> to vector<16xf32>
        %swap3A_662 = vector.shape_cast %add3A_657 : vector<16xf32> to vector<1x16xf32>
        tpu.vector_store %arg6[%swap3A_658, %swap3A_659], %swap3A_662 {strides = array<i32>} : memref<32x1024xf32, #tpu.memory_space<vmem>>, vector<1x16xf32>,
        %get3A_663 = arith.index_cast %scan3A_146 : i32 to index
        %get3A_664 = arith.constant 592 : index
        %get3A_665 = tpu.vector_load %arg6[%get3A_663, %get3A_664] {strides = array<i32>} : memref<32x1024xf32, #tpu.memory_space<vmem>>, vector<1x16xf32>,
        %get3A_666 = vector.shape_cast %get3A_665 : vector<1x16xf32> to vector<16xf32>
        %get3A_667 = arith.index_cast %scan3A_146 : i32 to index
        %get3A_668 = arith.constant 592 : index
        %get3A_669 = tpu.vector_load %arg5[%get3A_667, %get3A_668] {strides = array<i32>} : memref<32x1024xf32, #tpu.memory_space<vmem>>, vector<1x16xf32>,
        %get3A_670 = vector.shape_cast %get3A_669 : vector<1x16xf32> to vector<16xf32>
        %add3A_671 = arith.addf %get3A_666, %get3A_670 : vector<16xf32>
        %swap3A_672 = arith.index_cast %scan3A_146 : i32 to index
        %swap3A_673 = arith.constant 592 : index
        %swap3A_674 = tpu.vector_load %arg6[%swap3A_672, %swap3A_673] {strides = array<i32>} : memref<32x1024xf32, #tpu.memory_space<vmem>>, vector<1x16xf32>,
        %swap3A_675 = vector.shape_cast %swap3A_674 : vector<1x16xf32> to vector<16xf32>
        %swap3A_676 = vector.shape_cast %add3A_671 : vector<16xf32> to vector<1x16xf32>
        tpu.vector_store %arg6[%swap3A_672, %swap3A_673], %swap3A_676 {strides = array<i32>} : memref<32x1024xf32, #tpu.memory_space<vmem>>, vector<1x16xf32>,
        %get3A_677 = arith.index_cast %scan3A_146 : i32 to index
        %get3A_678 = arith.constant 608 : index
        %get3A_679 = tpu.vector_load %arg6[%get3A_677, %get3A_678] {strides = array<i32>} : memref<32x1024xf32, #tpu.memory_space<vmem>>, vector<1x16xf32>,
        %get3A_680 = vector.shape_cast %get3A_679 : vector<1x16xf32> to vector<16xf32>
        %get3A_681 = arith.index_cast %scan3A_146 : i32 to index
        %get3A_682 = arith.constant 608 : index
        %get3A_683 = tpu.vector_load %arg5[%get3A_681, %get3A_682] {strides = array<i32>} : memref<32x1024xf32, #tpu.memory_space<vmem>>, vector<1x16xf32>,
        %get3A_684 = vector.shape_cast %get3A_683 : vector<1x16xf32> to vector<16xf32>
        %add3A_685 = arith.addf %get3A_680, %get3A_684 : vector<16xf32>
        %swap3A_686 = arith.index_cast %scan3A_146 : i32 to index
        %swap3A_687 = arith.constant 608 : index
        %swap3A_688 = tpu.vector_load %arg6[%swap3A_686, %swap3A_687] {strides = array<i32>} : memref<32x1024xf32, #tpu.memory_space<vmem>>, vector<1x16xf32>,
        %swap3A_689 = vector.shape_cast %swap3A_688 : vector<1x16xf32> to vector<16xf32>
        %swap3A_690 = vector.shape_cast %add3A_685 : vector<16xf32> to vector<1x16xf32>
        tpu.vector_store %arg6[%swap3A_686, %swap3A_687], %swap3A_690 {strides = array<i32>} : memref<32x1024xf32, #tpu.memory_space<vmem>>, vector<1x16xf32>,
        %get3A_691 = arith.index_cast %scan3A_146 : i32 to index
        %get3A_692 = arith.constant 624 : index
        %get3A_693 = tpu.vector_load %arg6[%get3A_691, %get3A_692] {strides = array<i32>} : memref<32x1024xf32, #tpu.memory_space<vmem>>, vector<1x16xf32>,
        %get3A_694 = vector.shape_cast %get3A_693 : vector<1x16xf32> to vector<16xf32>
        %get3A_695 = arith.index_cast %scan3A_146 : i32 to index
        %get3A_696 = arith.constant 624 : index
        %get3A_697 = tpu.vector_load %arg5[%get3A_695, %get3A_696] {strides = array<i32>} : memref<32x1024xf32, #tpu.memory_space<vmem>>, vector<1x16xf32>,
        %get3A_698 = vector.shape_cast %get3A_697 : vector<1x16xf32> to vector<16xf32>
        %add3A_699 = arith.addf %get3A_694, %get3A_698 : vector<16xf32>
        %swap3A_700 = arith.index_cast %scan3A_146 : i32 to index
        %swap3A_701 = arith.constant 624 : index
        %swap3A_702 = tpu.vector_load %arg6[%swap3A_700, %swap3A_701] {strides = array<i32>} : memref<32x1024xf32, #tpu.memory_space<vmem>>, vector<1x16xf32>,
        %swap3A_703 = vector.shape_cast %swap3A_702 : vector<1x16xf32> to vector<16xf32>
        %swap3A_704 = vector.shape_cast %add3A_699 : vector<16xf32> to vector<1x16xf32>
        tpu.vector_store %arg6[%swap3A_700, %swap3A_701], %swap3A_704 {strides = array<i32>} : memref<32x1024xf32, #tpu.memory_space<vmem>>, vector<1x16xf32>,
        %get3A_705 = arith.index_cast %scan3A_146 : i32 to index
        %get3A_706 = arith.constant 640 : index
        %get3A_707 = tpu.vector_load %arg6[%get3A_705, %get3A_706] {strides = array<i32>} : memref<32x1024xf32, #tpu.memory_space<vmem>>, vector<1x16xf32>,
        %get3A_708 = vector.shape_cast %get3A_707 : vector<1x16xf32> to vector<16xf32>
        %get3A_709 = arith.index_cast %scan3A_146 : i32 to index
        %get3A_710 = arith.constant 640 : index
        %get3A_711 = tpu.vector_load %arg5[%get3A_709, %get3A_710] {strides = array<i32>} : memref<32x1024xf32, #tpu.memory_space<vmem>>, vector<1x16xf32>,
        %get3A_712 = vector.shape_cast %get3A_711 : vector<1x16xf32> to vector<16xf32>
        %add3A_713 = arith.addf %get3A_708, %get3A_712 : vector<16xf32>
        %swap3A_714 = arith.index_cast %scan3A_146 : i32 to index
        %swap3A_715 = arith.constant 640 : index
        %swap3A_716 = tpu.vector_load %arg6[%swap3A_714, %swap3A_715] {strides = array<i32>} : memref<32x1024xf32, #tpu.memory_space<vmem>>, vector<1x16xf32>,
        %swap3A_717 = vector.shape_cast %swap3A_716 : vector<1x16xf32> to vector<16xf32>
        %swap3A_718 = vector.shape_cast %add3A_713 : vector<16xf32> to vector<1x16xf32>
        tpu.vector_store %arg6[%swap3A_714, %swap3A_715], %swap3A_718 {strides = array<i32>} : memref<32x1024xf32, #tpu.memory_space<vmem>>, vector<1x16xf32>,
        %get3A_719 = arith.index_cast %scan3A_146 : i32 to index
        %get3A_720 = arith.constant 656 : index
        %get3A_721 = tpu.vector_load %arg6[%get3A_719, %get3A_720] {strides = array<i32>} : memref<32x1024xf32, #tpu.memory_space<vmem>>, vector<1x16xf32>,
        %get3A_722 = vector.shape_cast %get3A_721 : vector<1x16xf32> to vector<16xf32>
        %get3A_723 = arith.index_cast %scan3A_146 : i32 to index
        %get3A_724 = arith.constant 656 : index
        %get3A_725 = tpu.vector_load %arg5[%get3A_723, %get3A_724] {strides = array<i32>} : memref<32x1024xf32, #tpu.memory_space<vmem>>, vector<1x16xf32>,
        %get3A_726 = vector.shape_cast %get3A_725 : vector<1x16xf32> to vector<16xf32>
        %add3A_727 = arith.addf %get3A_722, %get3A_726 : vector<16xf32>
        %swap3A_728 = arith.index_cast %scan3A_146 : i32 to index
        %swap3A_729 = arith.constant 656 : index
        %swap3A_730 = tpu.vector_load %arg6[%swap3A_728, %swap3A_729] {strides = array<i32>} : memref<32x1024xf32, #tpu.memory_space<vmem>>, vector<1x16xf32>,
        %swap3A_731 = vector.shape_cast %swap3A_730 : vector<1x16xf32> to vector<16xf32>
        %swap3A_732 = vector.shape_cast %add3A_727 : vector<16xf32> to vector<1x16xf32>
        tpu.vector_store %arg6[%swap3A_728, %swap3A_729], %swap3A_732 {strides = array<i32>} : memref<32x1024xf32, #tpu.memory_space<vmem>>, vector<1x16xf32>,
        %get3A_733 = arith.index_cast %scan3A_146 : i32 to index
        %get3A_734 = arith.constant 672 : index
        %get3A_735 = tpu.vector_load %arg6[%get3A_733, %get3A_734] {strides = array<i32>} : memref<32x1024xf32, #tpu.memory_space<vmem>>, vector<1x16xf32>,
        %get3A_736 = vector.shape_cast %get3A_735 : vector<1x16xf32> to vector<16xf32>
        %get3A_737 = arith.index_cast %scan3A_146 : i32 to index
        %get3A_738 = arith.constant 672 : index
        %get3A_739 = tpu.vector_load %arg5[%get3A_737, %get3A_738] {strides = array<i32>} : memref<32x1024xf32, #tpu.memory_space<vmem>>, vector<1x16xf32>,
        %get3A_740 = vector.shape_cast %get3A_739 : vector<1x16xf32> to vector<16xf32>
        %add3A_741 = arith.addf %get3A_736, %get3A_740 : vector<16xf32>
        %swap3A_742 = arith.index_cast %scan3A_146 : i32 to index
        %swap3A_743 = arith.constant 672 : index
        %swap3A_744 = tpu.vector_load %arg6[%swap3A_742, %swap3A_743] {strides = array<i32>} : memref<32x1024xf32, #tpu.memory_space<vmem>>, vector<1x16xf32>,
        %swap3A_745 = vector.shape_cast %swap3A_744 : vector<1x16xf32> to vector<16xf32>
        %swap3A_746 = vector.shape_cast %add3A_741 : vector<16xf32> to vector<1x16xf32>
        tpu.vector_store %arg6[%swap3A_742, %swap3A_743], %swap3A_746 {strides = array<i32>} : memref<32x1024xf32, #tpu.memory_space<vmem>>, vector<1x16xf32>,
        %get3A_747 = arith.index_cast %scan3A_146 : i32 to index
        %get3A_748 = arith.constant 688 : index
        %get3A_749 = tpu.vector_load %arg6[%get3A_747, %get3A_748] {strides = array<i32>} : memref<32x1024xf32, #tpu.memory_space<vmem>>, vector<1x16xf32>,
        %get3A_750 = vector.shape_cast %get3A_749 : vector<1x16xf32> to vector<16xf32>
        %get3A_751 = arith.index_cast %scan3A_146 : i32 to index
        %get3A_752 = arith.constant 688 : index
        %get3A_753 = tpu.vector_load %arg5[%get3A_751, %get3A_752] {strides = array<i32>} : memref<32x1024xf32, #tpu.memory_space<vmem>>, vector<1x16xf32>,
        %get3A_754 = vector.shape_cast %get3A_753 : vector<1x16xf32> to vector<16xf32>
        %add3A_755 = arith.addf %get3A_750, %get3A_754 : vector<16xf32>
        %swap3A_756 = arith.index_cast %scan3A_146 : i32 to index
        %swap3A_757 = arith.constant 688 : index
        %swap3A_758 = tpu.vector_load %arg6[%swap3A_756, %swap3A_757] {strides = array<i32>} : memref<32x1024xf32, #tpu.memory_space<vmem>>, vector<1x16xf32>,
        %swap3A_759 = vector.shape_cast %swap3A_758 : vector<1x16xf32> to vector<16xf32>
        %swap3A_760 = vector.shape_cast %add3A_755 : vector<16xf32> to vector<1x16xf32>
        tpu.vector_store %arg6[%swap3A_756, %swap3A_757], %swap3A_760 {strides = array<i32>} : memref<32x1024xf32, #tpu.memory_space<vmem>>, vector<1x16xf32>,
        %get3A_761 = arith.index_cast %scan3A_146 : i32 to index
        %get3A_762 = arith.constant 704 : index
        %get3A_763 = tpu.vector_load %arg6[%get3A_761, %get3A_762] {strides = array<i32>} : memref<32x1024xf32, #tpu.memory_space<vmem>>, vector<1x16xf32>,
        %get3A_764 = vector.shape_cast %get3A_763 : vector<1x16xf32> to vector<16xf32>
        %get3A_765 = arith.index_cast %scan3A_146 : i32 to index
        %get3A_766 = arith.constant 704 : index
        %get3A_767 = tpu.vector_load %arg5[%get3A_765, %get3A_766] {strides = array<i32>} : memref<32x1024xf32, #tpu.memory_space<vmem>>, vector<1x16xf32>,
        %get3A_768 = vector.shape_cast %get3A_767 : vector<1x16xf32> to vector<16xf32>
        %add3A_769 = arith.addf %get3A_764, %get3A_768 : vector<16xf32>
        %swap3A_770 = arith.index_cast %scan3A_146 : i32 to index
        %swap3A_771 = arith.constant 704 : index
        %swap3A_772 = tpu.vector_load %arg6[%swap3A_770, %swap3A_771] {strides = array<i32>} : memref<32x1024xf32, #tpu.memory_space<vmem>>, vector<1x16xf32>,
        %swap3A_773 = vector.shape_cast %swap3A_772 : vector<1x16xf32> to vector<16xf32>
        %swap3A_774 = vector.shape_cast %add3A_769 : vector<16xf32> to vector<1x16xf32>
        tpu.vector_store %arg6[%swap3A_770, %swap3A_771], %swap3A_774 {strides = array<i32>} : memref<32x1024xf32, #tpu.memory_space<vmem>>, vector<1x16xf32>,
        %get3A_775 = arith.index_cast %scan3A_146 : i32 to index
        %get3A_776 = arith.constant 720 : index
        %get3A_777 = tpu.vector_load %arg6[%get3A_775, %get3A_776] {strides = array<i32>} : memref<32x1024xf32, #tpu.memory_space<vmem>>, vector<1x16xf32>,
        %get3A_778 = vector.shape_cast %get3A_777 : vector<1x16xf32> to vector<16xf32>
        %get3A_779 = arith.index_cast %scan3A_146 : i32 to index
        %get3A_780 = arith.constant 720 : index
        %get3A_781 = tpu.vector_load %arg5[%get3A_779, %get3A_780] {strides = array<i32>} : memref<32x1024xf32, #tpu.memory_space<vmem>>, vector<1x16xf32>,
        %get3A_782 = vector.shape_cast %get3A_781 : vector<1x16xf32> to vector<16xf32>
        %add3A_783 = arith.addf %get3A_778, %get3A_782 : vector<16xf32>
        %swap3A_784 = arith.index_cast %scan3A_146 : i32 to index
        %swap3A_785 = arith.constant 720 : index
        %swap3A_786 = tpu.vector_load %arg6[%swap3A_784, %swap3A_785] {strides = array<i32>} : memref<32x1024xf32, #tpu.memory_space<vmem>>, vector<1x16xf32>,
        %swap3A_787 = vector.shape_cast %swap3A_786 : vector<1x16xf32> to vector<16xf32>
        %swap3A_788 = vector.shape_cast %add3A_783 : vector<16xf32> to vector<1x16xf32>
        tpu.vector_store %arg6[%swap3A_784, %swap3A_785], %swap3A_788 {strides = array<i32>} : memref<32x1024xf32, #tpu.memory_space<vmem>>, vector<1x16xf32>,
        %get3A_789 = arith.index_cast %scan3A_146 : i32 to index
        %get3A_790 = arith.constant 736 : index
        %get3A_791 = tpu.vector_load %arg6[%get3A_789, %get3A_790] {strides = array<i32>} : memref<32x1024xf32, #tpu.memory_space<vmem>>, vector<1x16xf32>,
        %get3A_792 = vector.shape_cast %get3A_791 : vector<1x16xf32> to vector<16xf32>
        %get3A_793 = arith.index_cast %scan3A_146 : i32 to index
        %get3A_794 = arith.constant 736 : index
        %get3A_795 = tpu.vector_load %arg5[%get3A_793, %get3A_794] {strides = array<i32>} : memref<32x1024xf32, #tpu.memory_space<vmem>>, vector<1x16xf32>,
        %get3A_796 = vector.shape_cast %get3A_795 : vector<1x16xf32> to vector<16xf32>
        %add3A_797 = arith.addf %get3A_792, %get3A_796 : vector<16xf32>
        %swap3A_798 = arith.index_cast %scan3A_146 : i32 to index
        %swap3A_799 = arith.constant 736 : index
        %swap3A_800 = tpu.vector_load %arg6[%swap3A_798, %swap3A_799] {strides = array<i32>} : memref<32x1024xf32, #tpu.memory_space<vmem>>, vector<1x16xf32>,
        %swap3A_801 = vector.shape_cast %swap3A_800 : vector<1x16xf32> to vector<16xf32>
        %swap3A_802 = vector.shape_cast %add3A_797 : vector<16xf32> to vector<1x16xf32>
        tpu.vector_store %arg6[%swap3A_798, %swap3A_799], %swap3A_802 {strides = array<i32>} : memref<32x1024xf32, #tpu.memory_space<vmem>>, vector<1x16xf32>,
        %get3A_803 = arith.index_cast %scan3A_146 : i32 to index
        %get3A_804 = arith.constant 752 : index
        %get3A_805 = tpu.vector_load %arg6[%get3A_803, %get3A_804] {strides = array<i32>} : memref<32x1024xf32, #tpu.memory_space<vmem>>, vector<1x16xf32>,
        %get3A_806 = vector.shape_cast %get3A_805 : vector<1x16xf32> to vector<16xf32>
        %get3A_807 = arith.index_cast %scan3A_146 : i32 to index
        %get3A_808 = arith.constant 752 : index
        %get3A_809 = tpu.vector_load %arg5[%get3A_807, %get3A_808] {strides = array<i32>} : memref<32x1024xf32, #tpu.memory_space<vmem>>, vector<1x16xf32>,
        %get3A_810 = vector.shape_cast %get3A_809 : vector<1x16xf32> to vector<16xf32>
        %add3A_811 = arith.addf %get3A_806, %get3A_810 : vector<16xf32>
        %swap3A_812 = arith.index_cast %scan3A_146 : i32 to index
        %swap3A_813 = arith.constant 752 : index
        %swap3A_814 = tpu.vector_load %arg6[%swap3A_812, %swap3A_813] {strides = array<i32>} : memref<32x1024xf32, #tpu.memory_space<vmem>>, vector<1x16xf32>,
        %swap3A_815 = vector.shape_cast %swap3A_814 : vector<1x16xf32> to vector<16xf32>
        %swap3A_816 = vector.shape_cast %add3A_811 : vector<16xf32> to vector<1x16xf32>
        tpu.vector_store %arg6[%swap3A_812, %swap3A_813], %swap3A_816 {strides = array<i32>} : memref<32x1024xf32, #tpu.memory_space<vmem>>, vector<1x16xf32>,
        %get3A_817 = arith.index_cast %scan3A_146 : i32 to index
        %get3A_818 = arith.constant 768 : index
        %get3A_819 = tpu.vector_load %arg6[%get3A_817, %get3A_818] {strides = array<i32>} : memref<32x1024xf32, #tpu.memory_space<vmem>>, vector<1x16xf32>,
        %get3A_820 = vector.shape_cast %get3A_819 : vector<1x16xf32> to vector<16xf32>
        %get3A_821 = arith.index_cast %scan3A_146 : i32 to index
        %get3A_822 = arith.constant 768 : index
        %get3A_823 = tpu.vector_load %arg5[%get3A_821, %get3A_822] {strides = array<i32>} : memref<32x1024xf32, #tpu.memory_space<vmem>>, vector<1x16xf32>,
        %get3A_824 = vector.shape_cast %get3A_823 : vector<1x16xf32> to vector<16xf32>
        %add3A_825 = arith.addf %get3A_820, %get3A_824 : vector<16xf32>
        %swap3A_826 = arith.index_cast %scan3A_146 : i32 to index
        %swap3A_827 = arith.constant 768 : index
        %swap3A_828 = tpu.vector_load %arg6[%swap3A_826, %swap3A_827] {strides = array<i32>} : memref<32x1024xf32, #tpu.memory_space<vmem>>, vector<1x16xf32>,
        %swap3A_829 = vector.shape_cast %swap3A_828 : vector<1x16xf32> to vector<16xf32>
        %swap3A_830 = vector.shape_cast %add3A_825 : vector<16xf32> to vector<1x16xf32>
        tpu.vector_store %arg6[%swap3A_826, %swap3A_827], %swap3A_830 {strides = array<i32>} : memref<32x1024xf32, #tpu.memory_space<vmem>>, vector<1x16xf32>,
        %get3A_831 = arith.index_cast %scan3A_146 : i32 to index
        %get3A_832 = arith.constant 784 : index
        %get3A_833 = tpu.vector_load %arg6[%get3A_831, %get3A_832] {strides = array<i32>} : memref<32x1024xf32, #tpu.memory_space<vmem>>, vector<1x16xf32>,
        %get3A_834 = vector.shape_cast %get3A_833 : vector<1x16xf32> to vector<16xf32>
        %get3A_835 = arith.index_cast %scan3A_146 : i32 to index
        %get3A_836 = arith.constant 784 : index
        %get3A_837 = tpu.vector_load %arg5[%get3A_835, %get3A_836] {strides = array<i32>} : memref<32x1024xf32, #tpu.memory_space<vmem>>, vector<1x16xf32>,
        %get3A_838 = vector.shape_cast %get3A_837 : vector<1x16xf32> to vector<16xf32>
        %add3A_839 = arith.addf %get3A_834, %get3A_838 : vector<16xf32>
        %swap3A_840 = arith.index_cast %scan3A_146 : i32 to index
        %swap3A_841 = arith.constant 784 : index
        %swap3A_842 = tpu.vector_load %arg6[%swap3A_840, %swap3A_841] {strides = array<i32>} : memref<32x1024xf32, #tpu.memory_space<vmem>>, vector<1x16xf32>,
        %swap3A_843 = vector.shape_cast %swap3A_842 : vector<1x16xf32> to vector<16xf32>
        %swap3A_844 = vector.shape_cast %add3A_839 : vector<16xf32> to vector<1x16xf32>
        tpu.vector_store %arg6[%swap3A_840, %swap3A_841], %swap3A_844 {strides = array<i32>} : memref<32x1024xf32, #tpu.memory_space<vmem>>, vector<1x16xf32>,
        %get3A_845 = arith.index_cast %scan3A_146 : i32 to index
        %get3A_846 = arith.constant 800 : index
        %get3A_847 = tpu.vector_load %arg6[%get3A_845, %get3A_846] {strides = array<i32>} : memref<32x1024xf32, #tpu.memory_space<vmem>>, vector<1x16xf32>,
        %get3A_848 = vector.shape_cast %get3A_847 : vector<1x16xf32> to vector<16xf32>
        %get3A_849 = arith.index_cast %scan3A_146 : i32 to index
        %get3A_850 = arith.constant 800 : index
        %get3A_851 = tpu.vector_load %arg5[%get3A_849, %get3A_850] {strides = array<i32>} : memref<32x1024xf32, #tpu.memory_space<vmem>>, vector<1x16xf32>,
        %get3A_852 = vector.shape_cast %get3A_851 : vector<1x16xf32> to vector<16xf32>
        %add3A_853 = arith.addf %get3A_848, %get3A_852 : vector<16xf32>
        %swap3A_854 = arith.index_cast %scan3A_146 : i32 to index
        %swap3A_855 = arith.constant 800 : index
        %swap3A_856 = tpu.vector_load %arg6[%swap3A_854, %swap3A_855] {strides = array<i32>} : memref<32x1024xf32, #tpu.memory_space<vmem>>, vector<1x16xf32>,
        %swap3A_857 = vector.shape_cast %swap3A_856 : vector<1x16xf32> to vector<16xf32>
        %swap3A_858 = vector.shape_cast %add3A_853 : vector<16xf32> to vector<1x16xf32>
        tpu.vector_store %arg6[%swap3A_854, %swap3A_855], %swap3A_858 {strides = array<i32>} : memref<32x1024xf32, #tpu.memory_space<vmem>>, vector<1x16xf32>,
        %get3A_859 = arith.index_cast %scan3A_146 : i32 to index
        %get3A_860 = arith.constant 816 : index
        %get3A_861 = tpu.vector_load %arg6[%get3A_859, %get3A_860] {strides = array<i32>} : memref<32x1024xf32, #tpu.memory_space<vmem>>, vector<1x16xf32>,
        %get3A_862 = vector.shape_cast %get3A_861 : vector<1x16xf32> to vector<16xf32>
        %get3A_863 = arith.index_cast %scan3A_146 : i32 to index
        %get3A_864 = arith.constant 816 : index
        %get3A_865 = tpu.vector_load %arg5[%get3A_863, %get3A_864] {strides = array<i32>} : memref<32x1024xf32, #tpu.memory_space<vmem>>, vector<1x16xf32>,
        %get3A_866 = vector.shape_cast %get3A_865 : vector<1x16xf32> to vector<16xf32>
        %add3A_867 = arith.addf %get3A_862, %get3A_866 : vector<16xf32>
        %swap3A_868 = arith.index_cast %scan3A_146 : i32 to index
        %swap3A_869 = arith.constant 816 : index
        %swap3A_870 = tpu.vector_load %arg6[%swap3A_868, %swap3A_869] {strides = array<i32>} : memref<32x1024xf32, #tpu.memory_space<vmem>>, vector<1x16xf32>,
        %swap3A_871 = vector.shape_cast %swap3A_870 : vector<1x16xf32> to vector<16xf32>
        %swap3A_872 = vector.shape_cast %add3A_867 : vector<16xf32> to vector<1x16xf32>
        tpu.vector_store %arg6[%swap3A_868, %swap3A_869], %swap3A_872 {strides = array<i32>} : memref<32x1024xf32, #tpu.memory_space<vmem>>, vector<1x16xf32>,
        %get3A_873 = arith.index_cast %scan3A_146 : i32 to index
        %get3A_874 = arith.constant 832 : index
        %get3A_875 = tpu.vector_load %arg6[%get3A_873, %get3A_874] {strides = array<i32>} : memref<32x1024xf32, #tpu.memory_space<vmem>>, vector<1x16xf32>,
        %get3A_876 = vector.shape_cast %get3A_875 : vector<1x16xf32> to vector<16xf32>
        %get3A_877 = arith.index_cast %scan3A_146 : i32 to index
        %get3A_878 = arith.constant 832 : index
        %get3A_879 = tpu.vector_load %arg5[%get3A_877, %get3A_878] {strides = array<i32>} : memref<32x1024xf32, #tpu.memory_space<vmem>>, vector<1x16xf32>,
        %get3A_880 = vector.shape_cast %get3A_879 : vector<1x16xf32> to vector<16xf32>
        %add3A_881 = arith.addf %get3A_876, %get3A_880 : vector<16xf32>
        %swap3A_882 = arith.index_cast %scan3A_146 : i32 to index
        %swap3A_883 = arith.constant 832 : index
        %swap3A_884 = tpu.vector_load %arg6[%swap3A_882, %swap3A_883] {strides = array<i32>} : memref<32x1024xf32, #tpu.memory_space<vmem>>, vector<1x16xf32>,
        %swap3A_885 = vector.shape_cast %swap3A_884 : vector<1x16xf32> to vector<16xf32>
        %swap3A_886 = vector.shape_cast %add3A_881 : vector<16xf32> to vector<1x16xf32>
        tpu.vector_store %arg6[%swap3A_882, %swap3A_883], %swap3A_886 {strides = array<i32>} : memref<32x1024xf32, #tpu.memory_space<vmem>>, vector<1x16xf32>,
        %get3A_887 = arith.index_cast %scan3A_146 : i32 to index
        %get3A_888 = arith.constant 848 : index
        %get3A_889 = tpu.vector_load %arg6[%get3A_887, %get3A_888] {strides = array<i32>} : memref<32x1024xf32, #tpu.memory_space<vmem>>, vector<1x16xf32>,
        %get3A_890 = vector.shape_cast %get3A_889 : vector<1x16xf32> to vector<16xf32>
        %get3A_891 = arith.index_cast %scan3A_146 : i32 to index
        %get3A_892 = arith.constant 848 : index
        %get3A_893 = tpu.vector_load %arg5[%get3A_891, %get3A_892] {strides = array<i32>} : memref<32x1024xf32, #tpu.memory_space<vmem>>, vector<1x16xf32>,
        %get3A_894 = vector.shape_cast %get3A_893 : vector<1x16xf32> to vector<16xf32>
        %add3A_895 = arith.addf %get3A_890, %get3A_894 : vector<16xf32>
        %swap3A_896 = arith.index_cast %scan3A_146 : i32 to index
        %swap3A_897 = arith.constant 848 : index
        %swap3A_898 = tpu.vector_load %arg6[%swap3A_896, %swap3A_897] {strides = array<i32>} : memref<32x1024xf32, #tpu.memory_space<vmem>>, vector<1x16xf32>,
        %swap3A_899 = vector.shape_cast %swap3A_898 : vector<1x16xf32> to vector<16xf32>
        %swap3A_900 = vector.shape_cast %add3A_895 : vector<16xf32> to vector<1x16xf32>
        tpu.vector_store %arg6[%swap3A_896, %swap3A_897], %swap3A_900 {strides = array<i32>} : memref<32x1024xf32, #tpu.memory_space<vmem>>, vector<1x16xf32>,
        %get3A_901 = arith.index_cast %scan3A_146 : i32 to index
        %get3A_902 = arith.constant 864 : index
        %get3A_903 = tpu.vector_load %arg6[%get3A_901, %get3A_902] {strides = array<i32>} : memref<32x1024xf32, #tpu.memory_space<vmem>>, vector<1x16xf32>,
        %get3A_904 = vector.shape_cast %get3A_903 : vector<1x16xf32> to vector<16xf32>
        %get3A_905 = arith.index_cast %scan3A_146 : i32 to index
        %get3A_906 = arith.constant 864 : index
        %get3A_907 = tpu.vector_load %arg5[%get3A_905, %get3A_906] {strides = array<i32>} : memref<32x1024xf32, #tpu.memory_space<vmem>>, vector<1x16xf32>,
        %get3A_908 = vector.shape_cast %get3A_907 : vector<1x16xf32> to vector<16xf32>
        %add3A_909 = arith.addf %get3A_904, %get3A_908 : vector<16xf32>
        %swap3A_910 = arith.index_cast %scan3A_146 : i32 to index
        %swap3A_911 = arith.constant 864 : index
        %swap3A_912 = tpu.vector_load %arg6[%swap3A_910, %swap3A_911] {strides = array<i32>} : memref<32x1024xf32, #tpu.memory_space<vmem>>, vector<1x16xf32>,
        %swap3A_913 = vector.shape_cast %swap3A_912 : vector<1x16xf32> to vector<16xf32>
        %swap3A_914 = vector.shape_cast %add3A_909 : vector<16xf32> to vector<1x16xf32>
        tpu.vector_store %arg6[%swap3A_910, %swap3A_911], %swap3A_914 {strides = array<i32>} : memref<32x1024xf32, #tpu.memory_space<vmem>>, vector<1x16xf32>,
        %get3A_915 = arith.index_cast %scan3A_146 : i32 to index
        %get3A_916 = arith.constant 880 : index
        %get3A_917 = tpu.vector_load %arg6[%get3A_915, %get3A_916] {strides = array<i32>} : memref<32x1024xf32, #tpu.memory_space<vmem>>, vector<1x16xf32>,
        %get3A_918 = vector.shape_cast %get3A_917 : vector<1x16xf32> to vector<16xf32>
        %get3A_919 = arith.index_cast %scan3A_146 : i32 to index
        %get3A_920 = arith.constant 880 : index
        %get3A_921 = tpu.vector_load %arg5[%get3A_919, %get3A_920] {strides = array<i32>} : memref<32x1024xf32, #tpu.memory_space<vmem>>, vector<1x16xf32>,
        %get3A_922 = vector.shape_cast %get3A_921 : vector<1x16xf32> to vector<16xf32>
        %add3A_923 = arith.addf %get3A_918, %get3A_922 : vector<16xf32>
        %swap3A_924 = arith.index_cast %scan3A_146 : i32 to index
        %swap3A_925 = arith.constant 880 : index
        %swap3A_926 = tpu.vector_load %arg6[%swap3A_924, %swap3A_925] {strides = array<i32>} : memref<32x1024xf32, #tpu.memory_space<vmem>>, vector<1x16xf32>,
        %swap3A_927 = vector.shape_cast %swap3A_926 : vector<1x16xf32> to vector<16xf32>
        %swap3A_928 = vector.shape_cast %add3A_923 : vector<16xf32> to vector<1x16xf32>
        tpu.vector_store %arg6[%swap3A_924, %swap3A_925], %swap3A_928 {strides = array<i32>} : memref<32x1024xf32, #tpu.memory_space<vmem>>, vector<1x16xf32>,
        %get3A_929 = arith.index_cast %scan3A_146 : i32 to index
        %get3A_930 = arith.constant 896 : index
        %get3A_931 = tpu.vector_load %arg6[%get3A_929, %get3A_930] {strides = array<i32>} : memref<32x1024xf32, #tpu.memory_space<vmem>>, vector<1x16xf32>,
        %get3A_932 = vector.shape_cast %get3A_931 : vector<1x16xf32> to vector<16xf32>
        %get3A_933 = arith.index_cast %scan3A_146 : i32 to index
        %get3A_934 = arith.constant 896 : index
        %get3A_935 = tpu.vector_load %arg5[%get3A_933, %get3A_934] {strides = array<i32>} : memref<32x1024xf32, #tpu.memory_space<vmem>>, vector<1x16xf32>,
        %get3A_936 = vector.shape_cast %get3A_935 : vector<1x16xf32> to vector<16xf32>
        %add3A_937 = arith.addf %get3A_932, %get3A_936 : vector<16xf32>
        %swap3A_938 = arith.index_cast %scan3A_146 : i32 to index
        %swap3A_939 = arith.constant 896 : index
        %swap3A_940 = tpu.vector_load %arg6[%swap3A_938, %swap3A_939] {strides = array<i32>} : memref<32x1024xf32, #tpu.memory_space<vmem>>, vector<1x16xf32>,
        %swap3A_941 = vector.shape_cast %swap3A_940 : vector<1x16xf32> to vector<16xf32>
        %swap3A_942 = vector.shape_cast %add3A_937 : vector<16xf32> to vector<1x16xf32>
        tpu.vector_store %arg6[%swap3A_938, %swap3A_939], %swap3A_942 {strides = array<i32>} : memref<32x1024xf32, #tpu.memory_space<vmem>>, vector<1x16xf32>,
        %get3A_943 = arith.index_cast %scan3A_146 : i32 to index
        %get3A_944 = arith.constant 912 : index
        %get3A_945 = tpu.vector_load %arg6[%get3A_943, %get3A_944] {strides = array<i32>} : memref<32x1024xf32, #tpu.memory_space<vmem>>, vector<1x16xf32>,
        %get3A_946 = vector.shape_cast %get3A_945 : vector<1x16xf32> to vector<16xf32>
        %get3A_947 = arith.index_cast %scan3A_146 : i32 to index
        %get3A_948 = arith.constant 912 : index
        %get3A_949 = tpu.vector_load %arg5[%get3A_947, %get3A_948] {strides = array<i32>} : memref<32x1024xf32, #tpu.memory_space<vmem>>, vector<1x16xf32>,
        %get3A_950 = vector.shape_cast %get3A_949 : vector<1x16xf32> to vector<16xf32>
        %add3A_951 = arith.addf %get3A_946, %get3A_950 : vector<16xf32>
        %swap3A_952 = arith.index_cast %scan3A_146 : i32 to index
        %swap3A_953 = arith.constant 912 : index
        %swap3A_954 = tpu.vector_load %arg6[%swap3A_952, %swap3A_953] {strides = array<i32>} : memref<32x1024xf32, #tpu.memory_space<vmem>>, vector<1x16xf32>,
        %swap3A_955 = vector.shape_cast %swap3A_954 : vector<1x16xf32> to vector<16xf32>
        %swap3A_956 = vector.shape_cast %add3A_951 : vector<16xf32> to vector<1x16xf32>
        tpu.vector_store %arg6[%swap3A_952, %swap3A_953], %swap3A_956 {strides = array<i32>} : memref<32x1024xf32, #tpu.memory_space<vmem>>, vector<1x16xf32>,
        %get3A_957 = arith.index_cast %scan3A_146 : i32 to index
        %get3A_958 = arith.constant 928 : index
        %get3A_959 = tpu.vector_load %arg6[%get3A_957, %get3A_958] {strides = array<i32>} : memref<32x1024xf32, #tpu.memory_space<vmem>>, vector<1x16xf32>,
        %get3A_960 = vector.shape_cast %get3A_959 : vector<1x16xf32> to vector<16xf32>
        %get3A_961 = arith.index_cast %scan3A_146 : i32 to index
        %get3A_962 = arith.constant 928 : index
        %get3A_963 = tpu.vector_load %arg5[%get3A_961, %get3A_962] {strides = array<i32>} : memref<32x1024xf32, #tpu.memory_space<vmem>>, vector<1x16xf32>,
        %get3A_964 = vector.shape_cast %get3A_963 : vector<1x16xf32> to vector<16xf32>
        %add3A_965 = arith.addf %get3A_960, %get3A_964 : vector<16xf32>
        %swap3A_966 = arith.index_cast %scan3A_146 : i32 to index
        %swap3A_967 = arith.constant 928 : index
        %swap3A_968 = tpu.vector_load %arg6[%swap3A_966, %swap3A_967] {strides = array<i32>} : memref<32x1024xf32, #tpu.memory_space<vmem>>, vector<1x16xf32>,
        %swap3A_969 = vector.shape_cast %swap3A_968 : vector<1x16xf32> to vector<16xf32>
        %swap3A_970 = vector.shape_cast %add3A_965 : vector<16xf32> to vector<1x16xf32>
        tpu.vector_store %arg6[%swap3A_966, %swap3A_967], %swap3A_970 {strides = array<i32>} : memref<32x1024xf32, #tpu.memory_space<vmem>>, vector<1x16xf32>,
        %get3A_971 = arith.index_cast %scan3A_146 : i32 to index
        %get3A_972 = arith.constant 944 : index
        %get3A_973 = tpu.vector_load %arg6[%get3A_971, %get3A_972] {strides = array<i32>} : memref<32x1024xf32, #tpu.memory_space<vmem>>, vector<1x16xf32>,
        %get3A_974 = vector.shape_cast %get3A_973 : vector<1x16xf32> to vector<16xf32>
        %get3A_975 = arith.index_cast %scan3A_146 : i32 to index
        %get3A_976 = arith.constant 944 : index
        %get3A_977 = tpu.vector_load %arg5[%get3A_975, %get3A_976] {strides = array<i32>} : memref<32x1024xf32, #tpu.memory_space<vmem>>, vector<1x16xf32>,
        %get3A_978 = vector.shape_cast %get3A_977 : vector<1x16xf32> to vector<16xf32>
        %add3A_979 = arith.addf %get3A_974, %get3A_978 : vector<16xf32>
        %swap3A_980 = arith.index_cast %scan3A_146 : i32 to index
        %swap3A_981 = arith.constant 944 : index
        %swap3A_982 = tpu.vector_load %arg6[%swap3A_980, %swap3A_981] {strides = array<i32>} : memref<32x1024xf32, #tpu.memory_space<vmem>>, vector<1x16xf32>,
        %swap3A_983 = vector.shape_cast %swap3A_982 : vector<1x16xf32> to vector<16xf32>
        %swap3A_984 = vector.shape_cast %add3A_979 : vector<16xf32> to vector<1x16xf32>
        tpu.vector_store %arg6[%swap3A_980, %swap3A_981], %swap3A_984 {strides = array<i32>} : memref<32x1024xf32, #tpu.memory_space<vmem>>, vector<1x16xf32>,
        %get3A_985 = arith.index_cast %scan3A_146 : i32 to index
        %get3A_986 = arith.constant 960 : index
        %get3A_987 = tpu.vector_load %arg6[%get3A_985, %get3A_986] {strides = array<i32>} : memref<32x1024xf32, #tpu.memory_space<vmem>>, vector<1x16xf32>,
        %get3A_988 = vector.shape_cast %get3A_987 : vector<1x16xf32> to vector<16xf32>
        %get3A_989 = arith.index_cast %scan3A_146 : i32 to index
        %get3A_990 = arith.constant 960 : index
        %get3A_991 = tpu.vector_load %arg5[%get3A_989, %get3A_990] {strides = array<i32>} : memref<32x1024xf32, #tpu.memory_space<vmem>>, vector<1x16xf32>,
        %get3A_992 = vector.shape_cast %get3A_991 : vector<1x16xf32> to vector<16xf32>
        %add3A_993 = arith.addf %get3A_988, %get3A_992 : vector<16xf32>
        %swap3A_994 = arith.index_cast %scan3A_146 : i32 to index
        %swap3A_995 = arith.constant 960 : index
        %swap3A_996 = tpu.vector_load %arg6[%swap3A_994, %swap3A_995] {strides = array<i32>} : memref<32x1024xf32, #tpu.memory_space<vmem>>, vector<1x16xf32>,
        %swap3A_997 = vector.shape_cast %swap3A_996 : vector<1x16xf32> to vector<16xf32>
        %swap3A_998 = vector.shape_cast %add3A_993 : vector<16xf32> to vector<1x16xf32>
        tpu.vector_store %arg6[%swap3A_994, %swap3A_995], %swap3A_998 {strides = array<i32>} : memref<32x1024xf32, #tpu.memory_space<vmem>>, vector<1x16xf32>,
        %get3A_999 = arith.index_cast %scan3A_146 : i32 to index
        %get3A_1000 = arith.constant 976 : index
        %get3A_1001 = tpu.vector_load %arg6[%get3A_999, %get3A_1000] {strides = array<i32>} : memref<32x1024xf32, #tpu.memory_space<vmem>>, vector<1x16xf32>,
        %get3A_1002 = vector.shape_cast %get3A_1001 : vector<1x16xf32> to vector<16xf32>
        %get3A_1003 = arith.index_cast %scan3A_146 : i32 to index
        %get3A_1004 = arith.constant 976 : index
        %get3A_1005 = tpu.vector_load %arg5[%get3A_1003, %get3A_1004] {strides = array<i32>} : memref<32x1024xf32, #tpu.memory_space<vmem>>, vector<1x16xf32>,
        %get3A_1006 = vector.shape_cast %get3A_1005 : vector<1x16xf32> to vector<16xf32>
        %add3A_1007 = arith.addf %get3A_1002, %get3A_1006 : vector<16xf32>
        %swap3A_1008 = arith.index_cast %scan3A_146 : i32 to index
        %swap3A_1009 = arith.constant 976 : index
        %swap3A_1010 = tpu.vector_load %arg6[%swap3A_1008, %swap3A_1009] {strides = array<i32>} : memref<32x1024xf32, #tpu.memory_space<vmem>>, vector<1x16xf32>,
        %swap3A_1011 = vector.shape_cast %swap3A_1010 : vector<1x16xf32> to vector<16xf32>
        %swap3A_1012 = vector.shape_cast %add3A_1007 : vector<16xf32> to vector<1x16xf32>
        tpu.vector_store %arg6[%swap3A_1008, %swap3A_1009], %swap3A_1012 {strides = array<i32>} : memref<32x1024xf32, #tpu.memory_space<vmem>>, vector<1x16xf32>,
        %get3A_1013 = arith.index_cast %scan3A_146 : i32 to index
        %get3A_1014 = arith.constant 992 : index
        %get3A_1015 = tpu.vector_load %arg6[%get3A_1013, %get3A_1014] {strides = array<i32>} : memref<32x1024xf32, #tpu.memory_space<vmem>>, vector<1x16xf32>,
        %get3A_1016 = vector.shape_cast %get3A_1015 : vector<1x16xf32> to vector<16xf32>
        %get3A_1017 = arith.index_cast %scan3A_146 : i32 to index
        %get3A_1018 = arith.constant 992 : index
        %get3A_1019 = tpu.vector_load %arg5[%get3A_1017, %get3A_1018] {strides = array<i32>} : memref<32x1024xf32, #tpu.memory_space<vmem>>, vector<1x16xf32>,
        %get3A_1020 = vector.shape_cast %get3A_1019 : vector<1x16xf32> to vector<16xf32>
        %add3A_1021 = arith.addf %get3A_1016, %get3A_1020 : vector<16xf32>
        %swap3A_1022 = arith.index_cast %scan3A_146 : i32 to index
        %swap3A_1023 = arith.constant 992 : index
        %swap3A_1024 = tpu.vector_load %arg6[%swap3A_1022, %swap3A_1023] {strides = array<i32>} : memref<32x1024xf32, #tpu.memory_space<vmem>>, vector<1x16xf32>,
        %swap3A_1025 = vector.shape_cast %swap3A_1024 : vector<1x16xf32> to vector<16xf32>
        %swap3A_1026 = vector.shape_cast %add3A_1021 : vector<16xf32> to vector<1x16xf32>
        tpu.vector_store %arg6[%swap3A_1022, %swap3A_1023], %swap3A_1026 {strides = array<i32>} : memref<32x1024xf32, #tpu.memory_space<vmem>>, vector<1x16xf32>,
        %get3A_1027 = arith.index_cast %scan3A_146 : i32 to index
        %get3A_1028 = arith.constant 1008 : index
        %get3A_1029 = tpu.vector_load %arg6[%get3A_1027, %get3A_1028] {strides = array<i32>} : memref<32x1024xf32, #tpu.memory_space<vmem>>, vector<1x16xf32>,
        %get3A_1030 = vector.shape_cast %get3A_1029 : vector<1x16xf32> to vector<16xf32>
        %get3A_1031 = arith.index_cast %scan3A_146 : i32 to index
        %get3A_1032 = arith.constant 1008 : index
        %get3A_1033 = tpu.vector_load %arg5[%get3A_1031, %get3A_1032] {strides = array<i32>} : memref<32x1024xf32, #tpu.memory_space<vmem>>, vector<1x16xf32>,
        %get3A_1034 = vector.shape_cast %get3A_1033 : vector<1x16xf32> to vector<16xf32>
        %add3A_1035 = arith.addf %get3A_1030, %get3A_1034 : vector<16xf32>
        %swap3A_1036 = arith.index_cast %scan3A_146 : i32 to index
        %swap3A_1037 = arith.constant 1008 : index
        %swap3A_1038 = tpu.vector_load %arg6[%swap3A_1036, %swap3A_1037] {strides = array<i32>} : memref<32x1024xf32, #tpu.memory_space<vmem>>, vector<1x16xf32>,
        %swap3A_1039 = vector.shape_cast %swap3A_1038 : vector<1x16xf32> to vector<16xf32>
        %swap3A_1040 = vector.shape_cast %add3A_1035 : vector<16xf32> to vector<1x16xf32>
        tpu.vector_store %arg6[%swap3A_1036, %swap3A_1037], %swap3A_1040 {strides = array<i32>} : memref<32x1024xf32, #tpu.memory_space<vmem>>, vector<1x16xf32>,
      }
      %scan3A_104 = arith.constant 32 : i32
      %dma_start3A_105 = arith.constant 2 : i32
      %dma_start3A_106 = arith.constant 0 : i32
      %dma_start3A_107 = tpu.memref_slice %arg4[%dma_start3A_105, %add3A_11, %dma_start3A_106] : memref<4x8192x1024xf32, #tpu.memory_space<hbm>> -> memref<1x32x1024xf32, #tpu.memory_space<hbm>>
      %dma_start3A_108 = tpu.memref_squeeze %dma_start3A_107 : memref<1x32x1024xf32, #tpu.memory_space<hbm>> -> memref<32x1024xf32, #tpu.memory_space<hbm>>
      %dma_start3A_109 = arith.constant 0 : i32
      %dma_start3A_110 = tpu.memref_slice %arg4[%dma_start3A_105, %add3A_11, %dma_start3A_109] : memref<4x8192x1024xf32, #tpu.memory_space<hbm>> -> memref<1x32x1024xf32, #tpu.memory_space<hbm>>
      %dma_start3A_111 = tpu.memref_squeeze %dma_start3A_110 : memref<1x32x1024xf32, #tpu.memory_space<hbm>> -> memref<32x1024xf32, #tpu.memory_space<hbm>>
      tpu.enqueue_dma source(%arg6 : memref<32x1024xf32, #tpu.memory_space<vmem>>) target(%dma_start3A_111 : memref<32x1024xf32, #tpu.memory_space<hbm>>) target_semaphore(%arg10 : memref<!tpu.dma_semaphore, #tpu.memory_space<semaphore_mem>>)
      %dma_wait3A_112 = arith.constant 3 : i32
      %dma_wait3A_113 = arith.constant 0 : i32
      %dma_wait3A_114 = tpu.memref_slice %arg2[%dma_wait3A_112, %add3A_11, %dma_wait3A_113] : memref<4x8192x1024xf32, #tpu.memory_space<hbm>> -> memref<1x32x1024xf32, #tpu.memory_space<hbm>>
      %dma_wait3A_115 = tpu.memref_squeeze %dma_wait3A_114 : memref<1x32x1024xf32, #tpu.memory_space<hbm>> -> memref<32x1024xf32, #tpu.memory_space<hbm>>
      %dma_wait3A_116 = arith.constant 0 : i32
      %dma_wait3A_117 = tpu.memref_slice %arg2[%dma_wait3A_112, %add3A_11, %dma_wait3A_116] : memref<4x8192x1024xf32, #tpu.memory_space<hbm>> -> memref<1x32x1024xf32, #tpu.memory_space<hbm>>
      %dma_wait3A_118 = tpu.memref_squeeze %dma_wait3A_117 : memref<1x32x1024xf32, #tpu.memory_space<hbm>> -> memref<32x1024xf32, #tpu.memory_space<hbm>>
      tpu.wait_dma2 semaphore(%arg9 : memref<!tpu.dma_semaphore, #tpu.memory_space<semaphore_mem>>) src(%dma_wait3A_118 : memref<32x1024xf32, #tpu.memory_space<hbm>>) dst(%arg7 : memref<32x1024xf32, #tpu.memory_space<vmem>>)
      %scan3A_119 = arith.constant 0 : i32
      %scan3A_120 = arith.constant 0 : i32
      %scan3A_121 = arith.constant 32 : i32
      %scan3A_122 = arith.addi %scan3A_120, %scan3A_121 : i32
      %scan3A_123 = arith.constant 1 : i32
      scf.for %scan3A_146 = %scan3A_120 to %scan3A_122 step %scan3A_123  : i32 {
        %get3A = arith.index_cast %scan3A_146 : i32 to index
        %get3A_147 = arith.constant 0 : index
        %get3A_148 = tpu.vector_load %arg7[%get3A, %get3A_147] {strides = array<i32>} : memref<32x1024xf32, #tpu.memory_space<vmem>>, vector<1x16xf32>,
        %get3A_149 = vector.shape_cast %get3A_148 : vector<1x16xf32> to vector<16xf32>
        %get3A_150 = arith.index_cast %scan3A_146 : i32 to index
        %get3A_151 = arith.constant 0 : index
        %get3A_152 = tpu.vector_load %arg5[%get3A_150, %get3A_151] {strides = array<i32>} : memref<32x1024xf32, #tpu.memory_space<vmem>>, vector<1x16xf32>,
        %get3A_153 = vector.shape_cast %get3A_152 : vector<1x16xf32> to vector<16xf32>
        %add3A_154 = arith.addf %get3A_149, %get3A_153 : vector<16xf32>
        %swap3A = arith.index_cast %scan3A_146 : i32 to index
        %swap3A_155 = arith.constant 0 : index
        %swap3A_156 = tpu.vector_load %arg7[%swap3A, %swap3A_155] {strides = array<i32>} : memref<32x1024xf32, #tpu.memory_space<vmem>>, vector<1x16xf32>,
        %swap3A_157 = vector.shape_cast %swap3A_156 : vector<1x16xf32> to vector<16xf32>
        %swap3A_158 = vector.shape_cast %add3A_154 : vector<16xf32> to vector<1x16xf32>
        tpu.vector_store %arg7[%swap3A, %swap3A_155], %swap3A_158 {strides = array<i32>} : memref<32x1024xf32, #tpu.memory_space<vmem>>, vector<1x16xf32>,
        %get3A_159 = arith.index_cast %scan3A_146 : i32 to index
        %get3A_160 = arith.constant 16 : index
        %get3A_161 = tpu.vector_load %arg7[%get3A_159, %get3A_160] {strides = array<i32>} : memref<32x1024xf32, #tpu.memory_space<vmem>>, vector<1x16xf32>,
        %get3A_162 = vector.shape_cast %get3A_161 : vector<1x16xf32> to vector<16xf32>
        %get3A_163 = arith.index_cast %scan3A_146 : i32 to index
        %get3A_164 = arith.constant 16 : index
        %get3A_165 = tpu.vector_load %arg5[%get3A_163, %get3A_164] {strides = array<i32>} : memref<32x1024xf32, #tpu.memory_space<vmem>>, vector<1x16xf32>,
        %get3A_166 = vector.shape_cast %get3A_165 : vector<1x16xf32> to vector<16xf32>
        %add3A_167 = arith.addf %get3A_162, %get3A_166 : vector<16xf32>
        %swap3A_168 = arith.index_cast %scan3A_146 : i32 to index
        %swap3A_169 = arith.constant 16 : index
        %swap3A_170 = tpu.vector_load %arg7[%swap3A_168, %swap3A_169] {strides = array<i32>} : memref<32x1024xf32, #tpu.memory_space<vmem>>, vector<1x16xf32>,
        %swap3A_171 = vector.shape_cast %swap3A_170 : vector<1x16xf32> to vector<16xf32>
        %swap3A_172 = vector.shape_cast %add3A_167 : vector<16xf32> to vector<1x16xf32>
        tpu.vector_store %arg7[%swap3A_168, %swap3A_169], %swap3A_172 {strides = array<i32>} : memref<32x1024xf32, #tpu.memory_space<vmem>>, vector<1x16xf32>,
        %get3A_173 = arith.index_cast %scan3A_146 : i32 to index
        %get3A_174 = arith.constant 32 : index
        %get3A_175 = tpu.vector_load %arg7[%get3A_173, %get3A_174] {strides = array<i32>} : memref<32x1024xf32, #tpu.memory_space<vmem>>, vector<1x16xf32>,
        %get3A_176 = vector.shape_cast %get3A_175 : vector<1x16xf32> to vector<16xf32>
        %get3A_177 = arith.index_cast %scan3A_146 : i32 to index
        %get3A_178 = arith.constant 32 : index
        %get3A_179 = tpu.vector_load %arg5[%get3A_177, %get3A_178] {strides = array<i32>} : memref<32x1024xf32, #tpu.memory_space<vmem>>, vector<1x16xf32>,
        %get3A_180 = vector.shape_cast %get3A_179 : vector<1x16xf32> to vector<16xf32>
        %add3A_181 = arith.addf %get3A_176, %get3A_180 : vector<16xf32>
        %swap3A_182 = arith.index_cast %scan3A_146 : i32 to index
        %swap3A_183 = arith.constant 32 : index
        %swap3A_184 = tpu.vector_load %arg7[%swap3A_182, %swap3A_183] {strides = array<i32>} : memref<32x1024xf32, #tpu.memory_space<vmem>>, vector<1x16xf32>,
        %swap3A_185 = vector.shape_cast %swap3A_184 : vector<1x16xf32> to vector<16xf32>
        %swap3A_186 = vector.shape_cast %add3A_181 : vector<16xf32> to vector<1x16xf32>
        tpu.vector_store %arg7[%swap3A_182, %swap3A_183], %swap3A_186 {strides = array<i32>} : memref<32x1024xf32, #tpu.memory_space<vmem>>, vector<1x16xf32>,
        %get3A_187 = arith.index_cast %scan3A_146 : i32 to index
        %get3A_188 = arith.constant 48 : index
        %get3A_189 = tpu.vector_load %arg7[%get3A_187, %get3A_188] {strides = array<i32>} : memref<32x1024xf32, #tpu.memory_space<vmem>>, vector<1x16xf32>,
        %get3A_190 = vector.shape_cast %get3A_189 : vector<1x16xf32> to vector<16xf32>
        %get3A_191 = arith.index_cast %scan3A_146 : i32 to index
        %get3A_192 = arith.constant 48 : index
        %get3A_193 = tpu.vector_load %arg5[%get3A_191, %get3A_192] {strides = array<i32>} : memref<32x1024xf32, #tpu.memory_space<vmem>>, vector<1x16xf32>,
        %get3A_194 = vector.shape_cast %get3A_193 : vector<1x16xf32> to vector<16xf32>
        %add3A_195 = arith.addf %get3A_190, %get3A_194 : vector<16xf32>
        %swap3A_196 = arith.index_cast %scan3A_146 : i32 to index
        %swap3A_197 = arith.constant 48 : index
        %swap3A_198 = tpu.vector_load %arg7[%swap3A_196, %swap3A_197] {strides = array<i32>} : memref<32x1024xf32, #tpu.memory_space<vmem>>, vector<1x16xf32>,
        %swap3A_199 = vector.shape_cast %swap3A_198 : vector<1x16xf32> to vector<16xf32>
        %swap3A_200 = vector.shape_cast %add3A_195 : vector<16xf32> to vector<1x16xf32>
        tpu.vector_store %arg7[%swap3A_196, %swap3A_197], %swap3A_200 {strides = array<i32>} : memref<32x1024xf32, #tpu.memory_space<vmem>>, vector<1x16xf32>,
        %get3A_201 = arith.index_cast %scan3A_146 : i32 to index
        %get3A_202 = arith.constant 64 : index
        %get3A_203 = tpu.vector_load %arg7[%get3A_201, %get3A_202] {strides = array<i32>} : memref<32x1024xf32, #tpu.memory_space<vmem>>, vector<1x16xf32>,
        %get3A_204 = vector.shape_cast %get3A_203 : vector<1x16xf32> to vector<16xf32>
        %get3A_205 = arith.index_cast %scan3A_146 : i32 to index
        %get3A_206 = arith.constant 64 : index
        %get3A_207 = tpu.vector_load %arg5[%get3A_205, %get3A_206] {strides = array<i32>} : memref<32x1024xf32, #tpu.memory_space<vmem>>, vector<1x16xf32>,
        %get3A_208 = vector.shape_cast %get3A_207 : vector<1x16xf32> to vector<16xf32>
        %add3A_209 = arith.addf %get3A_204, %get3A_208 : vector<16xf32>
        %swap3A_210 = arith.index_cast %scan3A_146 : i32 to index
        %swap3A_211 = arith.constant 64 : index
        %swap3A_212 = tpu.vector_load %arg7[%swap3A_210, %swap3A_211] {strides = array<i32>} : memref<32x1024xf32, #tpu.memory_space<vmem>>, vector<1x16xf32>,
        %swap3A_213 = vector.shape_cast %swap3A_212 : vector<1x16xf32> to vector<16xf32>
        %swap3A_214 = vector.shape_cast %add3A_209 : vector<16xf32> to vector<1x16xf32>
        tpu.vector_store %arg7[%swap3A_210, %swap3A_211], %swap3A_214 {strides = array<i32>} : memref<32x1024xf32, #tpu.memory_space<vmem>>, vector<1x16xf32>,
        %get3A_215 = arith.index_cast %scan3A_146 : i32 to index
        %get3A_216 = arith.constant 80 : index
        %get3A_217 = tpu.vector_load %arg7[%get3A_215, %get3A_216] {strides = array<i32>} : memref<32x1024xf32, #tpu.memory_space<vmem>>, vector<1x16xf32>,
        %get3A_218 = vector.shape_cast %get3A_217 : vector<1x16xf32> to vector<16xf32>
        %get3A_219 = arith.index_cast %scan3A_146 : i32 to index
        %get3A_220 = arith.constant 80 : index
        %get3A_221 = tpu.vector_load %arg5[%get3A_219, %get3A_220] {strides = array<i32>} : memref<32x1024xf32, #tpu.memory_space<vmem>>, vector<1x16xf32>,
        %get3A_222 = vector.shape_cast %get3A_221 : vector<1x16xf32> to vector<16xf32>
        %add3A_223 = arith.addf %get3A_218, %get3A_222 : vector<16xf32>
        %swap3A_224 = arith.index_cast %scan3A_146 : i32 to index
        %swap3A_225 = arith.constant 80 : index
        %swap3A_226 = tpu.vector_load %arg7[%swap3A_224, %swap3A_225] {strides = array<i32>} : memref<32x1024xf32, #tpu.memory_space<vmem>>, vector<1x16xf32>,
        %swap3A_227 = vector.shape_cast %swap3A_226 : vector<1x16xf32> to vector<16xf32>
        %swap3A_228 = vector.shape_cast %add3A_223 : vector<16xf32> to vector<1x16xf32>
        tpu.vector_store %arg7[%swap3A_224, %swap3A_225], %swap3A_228 {strides = array<i32>} : memref<32x1024xf32, #tpu.memory_space<vmem>>, vector<1x16xf32>,
        %get3A_229 = arith.index_cast %scan3A_146 : i32 to index
        %get3A_230 = arith.constant 96 : index
        %get3A_231 = tpu.vector_load %arg7[%get3A_229, %get3A_230] {strides = array<i32>} : memref<32x1024xf32, #tpu.memory_space<vmem>>, vector<1x16xf32>,
        %get3A_232 = vector.shape_cast %get3A_231 : vector<1x16xf32> to vector<16xf32>
        %get3A_233 = arith.index_cast %scan3A_146 : i32 to index
        %get3A_234 = arith.constant 96 : index
        %get3A_235 = tpu.vector_load %arg5[%get3A_233, %get3A_234] {strides = array<i32>} : memref<32x1024xf32, #tpu.memory_space<vmem>>, vector<1x16xf32>,
        %get3A_236 = vector.shape_cast %get3A_235 : vector<1x16xf32> to vector<16xf32>
        %add3A_237 = arith.addf %get3A_232, %get3A_236 : vector<16xf32>
        %swap3A_238 = arith.index_cast %scan3A_146 : i32 to index
        %swap3A_239 = arith.constant 96 : index
        %swap3A_240 = tpu.vector_load %arg7[%swap3A_238, %swap3A_239] {strides = array<i32>} : memref<32x1024xf32, #tpu.memory_space<vmem>>, vector<1x16xf32>,
        %swap3A_241 = vector.shape_cast %swap3A_240 : vector<1x16xf32> to vector<16xf32>
        %swap3A_242 = vector.shape_cast %add3A_237 : vector<16xf32> to vector<1x16xf32>
        tpu.vector_store %arg7[%swap3A_238, %swap3A_239], %swap3A_242 {strides = array<i32>} : memref<32x1024xf32, #tpu.memory_space<vmem>>, vector<1x16xf32>,
        %get3A_243 = arith.index_cast %scan3A_146 : i32 to index
        %get3A_244 = arith.constant 112 : index
        %get3A_245 = tpu.vector_load %arg7[%get3A_243, %get3A_244] {strides = array<i32>} : memref<32x1024xf32, #tpu.memory_space<vmem>>, vector<1x16xf32>,
        %get3A_246 = vector.shape_cast %get3A_245 : vector<1x16xf32> to vector<16xf32>
        %get3A_247 = arith.index_cast %scan3A_146 : i32 to index
        %get3A_248 = arith.constant 112 : index
        %get3A_249 = tpu.vector_load %arg5[%get3A_247, %get3A_248] {strides = array<i32>} : memref<32x1024xf32, #tpu.memory_space<vmem>>, vector<1x16xf32>,
        %get3A_250 = vector.shape_cast %get3A_249 : vector<1x16xf32> to vector<16xf32>
        %add3A_251 = arith.addf %get3A_246, %get3A_250 : vector<16xf32>
        %swap3A_252 = arith.index_cast %scan3A_146 : i32 to index
        %swap3A_253 = arith.constant 112 : index
        %swap3A_254 = tpu.vector_load %arg7[%swap3A_252, %swap3A_253] {strides = array<i32>} : memref<32x1024xf32, #tpu.memory_space<vmem>>, vector<1x16xf32>,
        %swap3A_255 = vector.shape_cast %swap3A_254 : vector<1x16xf32> to vector<16xf32>
        %swap3A_256 = vector.shape_cast %add3A_251 : vector<16xf32> to vector<1x16xf32>
        tpu.vector_store %arg7[%swap3A_252, %swap3A_253], %swap3A_256 {strides = array<i32>} : memref<32x1024xf32, #tpu.memory_space<vmem>>, vector<1x16xf32>,
        %get3A_257 = arith.index_cast %scan3A_146 : i32 to index
        %get3A_258 = arith.constant 128 : index
        %get3A_259 = tpu.vector_load %arg7[%get3A_257, %get3A_258] {strides = array<i32>} : memref<32x1024xf32, #tpu.memory_space<vmem>>, vector<1x16xf32>,
        %get3A_260 = vector.shape_cast %get3A_259 : vector<1x16xf32> to vector<16xf32>
        %get3A_261 = arith.index_cast %scan3A_146 : i32 to index
        %get3A_262 = arith.constant 128 : index
        %get3A_263 = tpu.vector_load %arg5[%get3A_261, %get3A_262] {strides = array<i32>} : memref<32x1024xf32, #tpu.memory_space<vmem>>, vector<1x16xf32>,
        %get3A_264 = vector.shape_cast %get3A_263 : vector<1x16xf32> to vector<16xf32>
        %add3A_265 = arith.addf %get3A_260, %get3A_264 : vector<16xf32>
        %swap3A_266 = arith.index_cast %scan3A_146 : i32 to index
        %swap3A_267 = arith.constant 128 : index
        %swap3A_268 = tpu.vector_load %arg7[%swap3A_266, %swap3A_267] {strides = array<i32>} : memref<32x1024xf32, #tpu.memory_space<vmem>>, vector<1x16xf32>,
        %swap3A_269 = vector.shape_cast %swap3A_268 : vector<1x16xf32> to vector<16xf32>
        %swap3A_270 = vector.shape_cast %add3A_265 : vector<16xf32> to vector<1x16xf32>
        tpu.vector_store %arg7[%swap3A_266, %swap3A_267], %swap3A_270 {strides = array<i32>} : memref<32x1024xf32, #tpu.memory_space<vmem>>, vector<1x16xf32>,
        %get3A_271 = arith.index_cast %scan3A_146 : i32 to index
        %get3A_272 = arith.constant 144 : index
        %get3A_273 = tpu.vector_load %arg7[%get3A_271, %get3A_272] {strides = array<i32>} : memref<32x1024xf32, #tpu.memory_space<vmem>>, vector<1x16xf32>,
        %get3A_274 = vector.shape_cast %get3A_273 : vector<1x16xf32> to vector<16xf32>
        %get3A_275 = arith.index_cast %scan3A_146 : i32 to index
        %get3A_276 = arith.constant 144 : index
        %get3A_277 = tpu.vector_load %arg5[%get3A_275, %get3A_276] {strides = array<i32>} : memref<32x1024xf32, #tpu.memory_space<vmem>>, vector<1x16xf32>,
        %get3A_278 = vector.shape_cast %get3A_277 : vector<1x16xf32> to vector<16xf32>
        %add3A_279 = arith.addf %get3A_274, %get3A_278 : vector<16xf32>
        %swap3A_280 = arith.index_cast %scan3A_146 : i32 to index
        %swap3A_281 = arith.constant 144 : index
        %swap3A_282 = tpu.vector_load %arg7[%swap3A_280, %swap3A_281] {strides = array<i32>} : memref<32x1024xf32, #tpu.memory_space<vmem>>, vector<1x16xf32>,
        %swap3A_283 = vector.shape_cast %swap3A_282 : vector<1x16xf32> to vector<16xf32>
        %swap3A_284 = vector.shape_cast %add3A_279 : vector<16xf32> to vector<1x16xf32>
        tpu.vector_store %arg7[%swap3A_280, %swap3A_281], %swap3A_284 {strides = array<i32>} : memref<32x1024xf32, #tpu.memory_space<vmem>>, vector<1x16xf32>,
        %get3A_285 = arith.index_cast %scan3A_146 : i32 to index
        %get3A_286 = arith.constant 160 : index
        %get3A_287 = tpu.vector_load %arg7[%get3A_285, %get3A_286] {strides = array<i32>} : memref<32x1024xf32, #tpu.memory_space<vmem>>, vector<1x16xf32>,
        %get3A_288 = vector.shape_cast %get3A_287 : vector<1x16xf32> to vector<16xf32>
        %get3A_289 = arith.index_cast %scan3A_146 : i32 to index
        %get3A_290 = arith.constant 160 : index
        %get3A_291 = tpu.vector_load %arg5[%get3A_289, %get3A_290] {strides = array<i32>} : memref<32x1024xf32, #tpu.memory_space<vmem>>, vector<1x16xf32>,
        %get3A_292 = vector.shape_cast %get3A_291 : vector<1x16xf32> to vector<16xf32>
        %add3A_293 = arith.addf %get3A_288, %get3A_292 : vector<16xf32>
        %swap3A_294 = arith.index_cast %scan3A_146 : i32 to index
        %swap3A_295 = arith.constant 160 : index
        %swap3A_296 = tpu.vector_load %arg7[%swap3A_294, %swap3A_295] {strides = array<i32>} : memref<32x1024xf32, #tpu.memory_space<vmem>>, vector<1x16xf32>,
        %swap3A_297 = vector.shape_cast %swap3A_296 : vector<1x16xf32> to vector<16xf32>
        %swap3A_298 = vector.shape_cast %add3A_293 : vector<16xf32> to vector<1x16xf32>
        tpu.vector_store %arg7[%swap3A_294, %swap3A_295], %swap3A_298 {strides = array<i32>} : memref<32x1024xf32, #tpu.memory_space<vmem>>, vector<1x16xf32>,
        %get3A_299 = arith.index_cast %scan3A_146 : i32 to index
        %get3A_300 = arith.constant 176 : index
        %get3A_301 = tpu.vector_load %arg7[%get3A_299, %get3A_300] {strides = array<i32>} : memref<32x1024xf32, #tpu.memory_space<vmem>>, vector<1x16xf32>,
        %get3A_302 = vector.shape_cast %get3A_301 : vector<1x16xf32> to vector<16xf32>
        %get3A_303 = arith.index_cast %scan3A_146 : i32 to index
        %get3A_304 = arith.constant 176 : index
        %get3A_305 = tpu.vector_load %arg5[%get3A_303, %get3A_304] {strides = array<i32>} : memref<32x1024xf32, #tpu.memory_space<vmem>>, vector<1x16xf32>,
        %get3A_306 = vector.shape_cast %get3A_305 : vector<1x16xf32> to vector<16xf32>
        %add3A_307 = arith.addf %get3A_302, %get3A_306 : vector<16xf32>
        %swap3A_308 = arith.index_cast %scan3A_146 : i32 to index
        %swap3A_309 = arith.constant 176 : index
        %swap3A_310 = tpu.vector_load %arg7[%swap3A_308, %swap3A_309] {strides = array<i32>} : memref<32x1024xf32, #tpu.memory_space<vmem>>, vector<1x16xf32>,
        %swap3A_311 = vector.shape_cast %swap3A_310 : vector<1x16xf32> to vector<16xf32>
        %swap3A_312 = vector.shape_cast %add3A_307 : vector<16xf32> to vector<1x16xf32>
        tpu.vector_store %arg7[%swap3A_308, %swap3A_309], %swap3A_312 {strides = array<i32>} : memref<32x1024xf32, #tpu.memory_space<vmem>>, vector<1x16xf32>,
        %get3A_313 = arith.index_cast %scan3A_146 : i32 to index
        %get3A_314 = arith.constant 192 : index
        %get3A_315 = tpu.vector_load %arg7[%get3A_313, %get3A_314] {strides = array<i32>} : memref<32x1024xf32, #tpu.memory_space<vmem>>, vector<1x16xf32>,
        %get3A_316 = vector.shape_cast %get3A_315 : vector<1x16xf32> to vector<16xf32>
        %get3A_317 = arith.index_cast %scan3A_146 : i32 to index
        %get3A_318 = arith.constant 192 : index
        %get3A_319 = tpu.vector_load %arg5[%get3A_317, %get3A_318] {strides = array<i32>} : memref<32x1024xf32, #tpu.memory_space<vmem>>, vector<1x16xf32>,
        %get3A_320 = vector.shape_cast %get3A_319 : vector<1x16xf32> to vector<16xf32>
        %add3A_321 = arith.addf %get3A_316, %get3A_320 : vector<16xf32>
        %swap3A_322 = arith.index_cast %scan3A_146 : i32 to index
        %swap3A_323 = arith.constant 192 : index
        %swap3A_324 = tpu.vector_load %arg7[%swap3A_322, %swap3A_323] {strides = array<i32>} : memref<32x1024xf32, #tpu.memory_space<vmem>>, vector<1x16xf32>,
        %swap3A_325 = vector.shape_cast %swap3A_324 : vector<1x16xf32> to vector<16xf32>
        %swap3A_326 = vector.shape_cast %add3A_321 : vector<16xf32> to vector<1x16xf32>
        tpu.vector_store %arg7[%swap3A_322, %swap3A_323], %swap3A_326 {strides = array<i32>} : memref<32x1024xf32, #tpu.memory_space<vmem>>, vector<1x16xf32>,
        %get3A_327 = arith.index_cast %scan3A_146 : i32 to index
        %get3A_328 = arith.constant 208 : index
        %get3A_329 = tpu.vector_load %arg7[%get3A_327, %get3A_328] {strides = array<i32>} : memref<32x1024xf32, #tpu.memory_space<vmem>>, vector<1x16xf32>,
        %get3A_330 = vector.shape_cast %get3A_329 : vector<1x16xf32> to vector<16xf32>
        %get3A_331 = arith.index_cast %scan3A_146 : i32 to index
        %get3A_332 = arith.constant 208 : index
        %get3A_333 = tpu.vector_load %arg5[%get3A_331, %get3A_332] {strides = array<i32>} : memref<32x1024xf32, #tpu.memory_space<vmem>>, vector<1x16xf32>,
        %get3A_334 = vector.shape_cast %get3A_333 : vector<1x16xf32> to vector<16xf32>
        %add3A_335 = arith.addf %get3A_330, %get3A_334 : vector<16xf32>
        %swap3A_336 = arith.index_cast %scan3A_146 : i32 to index
        %swap3A_337 = arith.constant 208 : index
        %swap3A_338 = tpu.vector_load %arg7[%swap3A_336, %swap3A_337] {strides = array<i32>} : memref<32x1024xf32, #tpu.memory_space<vmem>>, vector<1x16xf32>,
        %swap3A_339 = vector.shape_cast %swap3A_338 : vector<1x16xf32> to vector<16xf32>
        %swap3A_340 = vector.shape_cast %add3A_335 : vector<16xf32> to vector<1x16xf32>
        tpu.vector_store %arg7[%swap3A_336, %swap3A_337], %swap3A_340 {strides = array<i32>} : memref<32x1024xf32, #tpu.memory_space<vmem>>, vector<1x16xf32>,
        %get3A_341 = arith.index_cast %scan3A_146 : i32 to index
        %get3A_342 = arith.constant 224 : index
        %get3A_343 = tpu.vector_load %arg7[%get3A_341, %get3A_342] {strides = array<i32>} : memref<32x1024xf32, #tpu.memory_space<vmem>>, vector<1x16xf32>,
        %get3A_344 = vector.shape_cast %get3A_343 : vector<1x16xf32> to vector<16xf32>
        %get3A_345 = arith.index_cast %scan3A_146 : i32 to index
        %get3A_346 = arith.constant 224 : index
        %get3A_347 = tpu.vector_load %arg5[%get3A_345, %get3A_346] {strides = array<i32>} : memref<32x1024xf32, #tpu.memory_space<vmem>>, vector<1x16xf32>,
        %get3A_348 = vector.shape_cast %get3A_347 : vector<1x16xf32> to vector<16xf32>
        %add3A_349 = arith.addf %get3A_344, %get3A_348 : vector<16xf32>
        %swap3A_350 = arith.index_cast %scan3A_146 : i32 to index
        %swap3A_351 = arith.constant 224 : index
        %swap3A_352 = tpu.vector_load %arg7[%swap3A_350, %swap3A_351] {strides = array<i32>} : memref<32x1024xf32, #tpu.memory_space<vmem>>, vector<1x16xf32>,
        %swap3A_353 = vector.shape_cast %swap3A_352 : vector<1x16xf32> to vector<16xf32>
        %swap3A_354 = vector.shape_cast %add3A_349 : vector<16xf32> to vector<1x16xf32>
        tpu.vector_store %arg7[%swap3A_350, %swap3A_351], %swap3A_354 {strides = array<i32>} : memref<32x1024xf32, #tpu.memory_space<vmem>>, vector<1x16xf32>,
        %get3A_355 = arith.index_cast %scan3A_146 : i32 to index
        %get3A_356 = arith.constant 240 : index
        %get3A_357 = tpu.vector_load %arg7[%get3A_355, %get3A_356] {strides = array<i32>} : memref<32x1024xf32, #tpu.memory_space<vmem>>, vector<1x16xf32>,
        %get3A_358 = vector.shape_cast %get3A_357 : vector<1x16xf32> to vector<16xf32>
        %get3A_359 = arith.index_cast %scan3A_146 : i32 to index
        %get3A_360 = arith.constant 240 : index
        %get3A_361 = tpu.vector_load %arg5[%get3A_359, %get3A_360] {strides = array<i32>} : memref<32x1024xf32, #tpu.memory_space<vmem>>, vector<1x16xf32>,
        %get3A_362 = vector.shape_cast %get3A_361 : vector<1x16xf32> to vector<16xf32>
        %add3A_363 = arith.addf %get3A_358, %get3A_362 : vector<16xf32>
        %swap3A_364 = arith.index_cast %scan3A_146 : i32 to index
        %swap3A_365 = arith.constant 240 : index
        %swap3A_366 = tpu.vector_load %arg7[%swap3A_364, %swap3A_365] {strides = array<i32>} : memref<32x1024xf32, #tpu.memory_space<vmem>>, vector<1x16xf32>,
        %swap3A_367 = vector.shape_cast %swap3A_366 : vector<1x16xf32> to vector<16xf32>
        %swap3A_368 = vector.shape_cast %add3A_363 : vector<16xf32> to vector<1x16xf32>
        tpu.vector_store %arg7[%swap3A_364, %swap3A_365], %swap3A_368 {strides = array<i32>} : memref<32x1024xf32, #tpu.memory_space<vmem>>, vector<1x16xf32>,
        %get3A_369 = arith.index_cast %scan3A_146 : i32 to index
        %get3A_370 = arith.constant 256 : index
        %get3A_371 = tpu.vector_load %arg7[%get3A_369, %get3A_370] {strides = array<i32>} : memref<32x1024xf32, #tpu.memory_space<vmem>>, vector<1x16xf32>,
        %get3A_372 = vector.shape_cast %get3A_371 : vector<1x16xf32> to vector<16xf32>
        %get3A_373 = arith.index_cast %scan3A_146 : i32 to index
        %get3A_374 = arith.constant 256 : index
        %get3A_375 = tpu.vector_load %arg5[%get3A_373, %get3A_374] {strides = array<i32>} : memref<32x1024xf32, #tpu.memory_space<vmem>>, vector<1x16xf32>,
        %get3A_376 = vector.shape_cast %get3A_375 : vector<1x16xf32> to vector<16xf32>
        %add3A_377 = arith.addf %get3A_372, %get3A_376 : vector<16xf32>
        %swap3A_378 = arith.index_cast %scan3A_146 : i32 to index
        %swap3A_379 = arith.constant 256 : index
        %swap3A_380 = tpu.vector_load %arg7[%swap3A_378, %swap3A_379] {strides = array<i32>} : memref<32x1024xf32, #tpu.memory_space<vmem>>, vector<1x16xf32>,
        %swap3A_381 = vector.shape_cast %swap3A_380 : vector<1x16xf32> to vector<16xf32>
        %swap3A_382 = vector.shape_cast %add3A_377 : vector<16xf32> to vector<1x16xf32>
        tpu.vector_store %arg7[%swap3A_378, %swap3A_379], %swap3A_382 {strides = array<i32>} : memref<32x1024xf32, #tpu.memory_space<vmem>>, vector<1x16xf32>,
        %get3A_383 = arith.index_cast %scan3A_146 : i32 to index
        %get3A_384 = arith.constant 272 : index
        %get3A_385 = tpu.vector_load %arg7[%get3A_383, %get3A_384] {strides = array<i32>} : memref<32x1024xf32, #tpu.memory_space<vmem>>, vector<1x16xf32>,
        %get3A_386 = vector.shape_cast %get3A_385 : vector<1x16xf32> to vector<16xf32>
        %get3A_387 = arith.index_cast %scan3A_146 : i32 to index
        %get3A_388 = arith.constant 272 : index
        %get3A_389 = tpu.vector_load %arg5[%get3A_387, %get3A_388] {strides = array<i32>} : memref<32x1024xf32, #tpu.memory_space<vmem>>, vector<1x16xf32>,
        %get3A_390 = vector.shape_cast %get3A_389 : vector<1x16xf32> to vector<16xf32>
        %add3A_391 = arith.addf %get3A_386, %get3A_390 : vector<16xf32>
        %swap3A_392 = arith.index_cast %scan3A_146 : i32 to index
        %swap3A_393 = arith.constant 272 : index
        %swap3A_394 = tpu.vector_load %arg7[%swap3A_392, %swap3A_393] {strides = array<i32>} : memref<32x1024xf32, #tpu.memory_space<vmem>>, vector<1x16xf32>,
        %swap3A_395 = vector.shape_cast %swap3A_394 : vector<1x16xf32> to vector<16xf32>
        %swap3A_396 = vector.shape_cast %add3A_391 : vector<16xf32> to vector<1x16xf32>
        tpu.vector_store %arg7[%swap3A_392, %swap3A_393], %swap3A_396 {strides = array<i32>} : memref<32x1024xf32, #tpu.memory_space<vmem>>, vector<1x16xf32>,
        %get3A_397 = arith.index_cast %scan3A_146 : i32 to index
        %get3A_398 = arith.constant 288 : index
        %get3A_399 = tpu.vector_load %arg7[%get3A_397, %get3A_398] {strides = array<i32>} : memref<32x1024xf32, #tpu.memory_space<vmem>>, vector<1x16xf32>,
        %get3A_400 = vector.shape_cast %get3A_399 : vector<1x16xf32> to vector<16xf32>
        %get3A_401 = arith.index_cast %scan3A_146 : i32 to index
        %get3A_402 = arith.constant 288 : index
        %get3A_403 = tpu.vector_load %arg5[%get3A_401, %get3A_402] {strides = array<i32>} : memref<32x1024xf32, #tpu.memory_space<vmem>>, vector<1x16xf32>,
        %get3A_404 = vector.shape_cast %get3A_403 : vector<1x16xf32> to vector<16xf32>
        %add3A_405 = arith.addf %get3A_400, %get3A_404 : vector<16xf32>
        %swap3A_406 = arith.index_cast %scan3A_146 : i32 to index
        %swap3A_407 = arith.constant 288 : index
        %swap3A_408 = tpu.vector_load %arg7[%swap3A_406, %swap3A_407] {strides = array<i32>} : memref<32x1024xf32, #tpu.memory_space<vmem>>, vector<1x16xf32>,
        %swap3A_409 = vector.shape_cast %swap3A_408 : vector<1x16xf32> to vector<16xf32>
        %swap3A_410 = vector.shape_cast %add3A_405 : vector<16xf32> to vector<1x16xf32>
        tpu.vector_store %arg7[%swap3A_406, %swap3A_407], %swap3A_410 {strides = array<i32>} : memref<32x1024xf32, #tpu.memory_space<vmem>>, vector<1x16xf32>,
        %get3A_411 = arith.index_cast %scan3A_146 : i32 to index
        %get3A_412 = arith.constant 304 : index
        %get3A_413 = tpu.vector_load %arg7[%get3A_411, %get3A_412] {strides = array<i32>} : memref<32x1024xf32, #tpu.memory_space<vmem>>, vector<1x16xf32>,
        %get3A_414 = vector.shape_cast %get3A_413 : vector<1x16xf32> to vector<16xf32>
        %get3A_415 = arith.index_cast %scan3A_146 : i32 to index
        %get3A_416 = arith.constant 304 : index
        %get3A_417 = tpu.vector_load %arg5[%get3A_415, %get3A_416] {strides = array<i32>} : memref<32x1024xf32, #tpu.memory_space<vmem>>, vector<1x16xf32>,
        %get3A_418 = vector.shape_cast %get3A_417 : vector<1x16xf32> to vector<16xf32>
        %add3A_419 = arith.addf %get3A_414, %get3A_418 : vector<16xf32>
        %swap3A_420 = arith.index_cast %scan3A_146 : i32 to index
        %swap3A_421 = arith.constant 304 : index
        %swap3A_422 = tpu.vector_load %arg7[%swap3A_420, %swap3A_421] {strides = array<i32>} : memref<32x1024xf32, #tpu.memory_space<vmem>>, vector<1x16xf32>,
        %swap3A_423 = vector.shape_cast %swap3A_422 : vector<1x16xf32> to vector<16xf32>
        %swap3A_424 = vector.shape_cast %add3A_419 : vector<16xf32> to vector<1x16xf32>
        tpu.vector_store %arg7[%swap3A_420, %swap3A_421], %swap3A_424 {strides = array<i32>} : memref<32x1024xf32, #tpu.memory_space<vmem>>, vector<1x16xf32>,
        %get3A_425 = arith.index_cast %scan3A_146 : i32 to index
        %get3A_426 = arith.constant 320 : index
        %get3A_427 = tpu.vector_load %arg7[%get3A_425, %get3A_426] {strides = array<i32>} : memref<32x1024xf32, #tpu.memory_space<vmem>>, vector<1x16xf32>,
        %get3A_428 = vector.shape_cast %get3A_427 : vector<1x16xf32> to vector<16xf32>
        %get3A_429 = arith.index_cast %scan3A_146 : i32 to index
        %get3A_430 = arith.constant 320 : index
        %get3A_431 = tpu.vector_load %arg5[%get3A_429, %get3A_430] {strides = array<i32>} : memref<32x1024xf32, #tpu.memory_space<vmem>>, vector<1x16xf32>,
        %get3A_432 = vector.shape_cast %get3A_431 : vector<1x16xf32> to vector<16xf32>
        %add3A_433 = arith.addf %get3A_428, %get3A_432 : vector<16xf32>
        %swap3A_434 = arith.index_cast %scan3A_146 : i32 to index
        %swap3A_435 = arith.constant 320 : index
        %swap3A_436 = tpu.vector_load %arg7[%swap3A_434, %swap3A_435] {strides = array<i32>} : memref<32x1024xf32, #tpu.memory_space<vmem>>, vector<1x16xf32>,
        %swap3A_437 = vector.shape_cast %swap3A_436 : vector<1x16xf32> to vector<16xf32>
        %swap3A_438 = vector.shape_cast %add3A_433 : vector<16xf32> to vector<1x16xf32>
        tpu.vector_store %arg7[%swap3A_434, %swap3A_435], %swap3A_438 {strides = array<i32>} : memref<32x1024xf32, #tpu.memory_space<vmem>>, vector<1x16xf32>,
        %get3A_439 = arith.index_cast %scan3A_146 : i32 to index
        %get3A_440 = arith.constant 336 : index
        %get3A_441 = tpu.vector_load %arg7[%get3A_439, %get3A_440] {strides = array<i32>} : memref<32x1024xf32, #tpu.memory_space<vmem>>, vector<1x16xf32>,
        %get3A_442 = vector.shape_cast %get3A_441 : vector<1x16xf32> to vector<16xf32>
        %get3A_443 = arith.index_cast %scan3A_146 : i32 to index
        %get3A_444 = arith.constant 336 : index
        %get3A_445 = tpu.vector_load %arg5[%get3A_443, %get3A_444] {strides = array<i32>} : memref<32x1024xf32, #tpu.memory_space<vmem>>, vector<1x16xf32>,
        %get3A_446 = vector.shape_cast %get3A_445 : vector<1x16xf32> to vector<16xf32>
        %add3A_447 = arith.addf %get3A_442, %get3A_446 : vector<16xf32>
        %swap3A_448 = arith.index_cast %scan3A_146 : i32 to index
        %swap3A_449 = arith.constant 336 : index
        %swap3A_450 = tpu.vector_load %arg7[%swap3A_448, %swap3A_449] {strides = array<i32>} : memref<32x1024xf32, #tpu.memory_space<vmem>>, vector<1x16xf32>,
        %swap3A_451 = vector.shape_cast %swap3A_450 : vector<1x16xf32> to vector<16xf32>
        %swap3A_452 = vector.shape_cast %add3A_447 : vector<16xf32> to vector<1x16xf32>
        tpu.vector_store %arg7[%swap3A_448, %swap3A_449], %swap3A_452 {strides = array<i32>} : memref<32x1024xf32, #tpu.memory_space<vmem>>, vector<1x16xf32>,
        %get3A_453 = arith.index_cast %scan3A_146 : i32 to index
        %get3A_454 = arith.constant 352 : index
        %get3A_455 = tpu.vector_load %arg7[%get3A_453, %get3A_454] {strides = array<i32>} : memref<32x1024xf32, #tpu.memory_space<vmem>>, vector<1x16xf32>,
        %get3A_456 = vector.shape_cast %get3A_455 : vector<1x16xf32> to vector<16xf32>
        %get3A_457 = arith.index_cast %scan3A_146 : i32 to index
        %get3A_458 = arith.constant 352 : index
        %get3A_459 = tpu.vector_load %arg5[%get3A_457, %get3A_458] {strides = array<i32>} : memref<32x1024xf32, #tpu.memory_space<vmem>>, vector<1x16xf32>,
        %get3A_460 = vector.shape_cast %get3A_459 : vector<1x16xf32> to vector<16xf32>
        %add3A_461 = arith.addf %get3A_456, %get3A_460 : vector<16xf32>
        %swap3A_462 = arith.index_cast %scan3A_146 : i32 to index
        %swap3A_463 = arith.constant 352 : index
        %swap3A_464 = tpu.vector_load %arg7[%swap3A_462, %swap3A_463] {strides = array<i32>} : memref<32x1024xf32, #tpu.memory_space<vmem>>, vector<1x16xf32>,
        %swap3A_465 = vector.shape_cast %swap3A_464 : vector<1x16xf32> to vector<16xf32>
        %swap3A_466 = vector.shape_cast %add3A_461 : vector<16xf32> to vector<1x16xf32>
        tpu.vector_store %arg7[%swap3A_462, %swap3A_463], %swap3A_466 {strides = array<i32>} : memref<32x1024xf32, #tpu.memory_space<vmem>>, vector<1x16xf32>,
        %get3A_467 = arith.index_cast %scan3A_146 : i32 to index
        %get3A_468 = arith.constant 368 : index
        %get3A_469 = tpu.vector_load %arg7[%get3A_467, %get3A_468] {strides = array<i32>} : memref<32x1024xf32, #tpu.memory_space<vmem>>, vector<1x16xf32>,
        %get3A_470 = vector.shape_cast %get3A_469 : vector<1x16xf32> to vector<16xf32>
        %get3A_471 = arith.index_cast %scan3A_146 : i32 to index
        %get3A_472 = arith.constant 368 : index
        %get3A_473 = tpu.vector_load %arg5[%get3A_471, %get3A_472] {strides = array<i32>} : memref<32x1024xf32, #tpu.memory_space<vmem>>, vector<1x16xf32>,
        %get3A_474 = vector.shape_cast %get3A_473 : vector<1x16xf32> to vector<16xf32>
        %add3A_475 = arith.addf %get3A_470, %get3A_474 : vector<16xf32>
        %swap3A_476 = arith.index_cast %scan3A_146 : i32 to index
        %swap3A_477 = arith.constant 368 : index
        %swap3A_478 = tpu.vector_load %arg7[%swap3A_476, %swap3A_477] {strides = array<i32>} : memref<32x1024xf32, #tpu.memory_space<vmem>>, vector<1x16xf32>,
        %swap3A_479 = vector.shape_cast %swap3A_478 : vector<1x16xf32> to vector<16xf32>
        %swap3A_480 = vector.shape_cast %add3A_475 : vector<16xf32> to vector<1x16xf32>
        tpu.vector_store %arg7[%swap3A_476, %swap3A_477], %swap3A_480 {strides = array<i32>} : memref<32x1024xf32, #tpu.memory_space<vmem>>, vector<1x16xf32>,
        %get3A_481 = arith.index_cast %scan3A_146 : i32 to index
        %get3A_482 = arith.constant 384 : index
        %get3A_483 = tpu.vector_load %arg7[%get3A_481, %get3A_482] {strides = array<i32>} : memref<32x1024xf32, #tpu.memory_space<vmem>>, vector<1x16xf32>,
        %get3A_484 = vector.shape_cast %get3A_483 : vector<1x16xf32> to vector<16xf32>
        %get3A_485 = arith.index_cast %scan3A_146 : i32 to index
        %get3A_486 = arith.constant 384 : index
        %get3A_487 = tpu.vector_load %arg5[%get3A_485, %get3A_486] {strides = array<i32>} : memref<32x1024xf32, #tpu.memory_space<vmem>>, vector<1x16xf32>,
        %get3A_488 = vector.shape_cast %get3A_487 : vector<1x16xf32> to vector<16xf32>
        %add3A_489 = arith.addf %get3A_484, %get3A_488 : vector<16xf32>
        %swap3A_490 = arith.index_cast %scan3A_146 : i32 to index
        %swap3A_491 = arith.constant 384 : index
        %swap3A_492 = tpu.vector_load %arg7[%swap3A_490, %swap3A_491] {strides = array<i32>} : memref<32x1024xf32, #tpu.memory_space<vmem>>, vector<1x16xf32>,
        %swap3A_493 = vector.shape_cast %swap3A_492 : vector<1x16xf32> to vector<16xf32>
        %swap3A_494 = vector.shape_cast %add3A_489 : vector<16xf32> to vector<1x16xf32>
        tpu.vector_store %arg7[%swap3A_490, %swap3A_491], %swap3A_494 {strides = array<i32>} : memref<32x1024xf32, #tpu.memory_space<vmem>>, vector<1x16xf32>,
        %get3A_495 = arith.index_cast %scan3A_146 : i32 to index
        %get3A_496 = arith.constant 400 : index
        %get3A_497 = tpu.vector_load %arg7[%get3A_495, %get3A_496] {strides = array<i32>} : memref<32x1024xf32, #tpu.memory_space<vmem>>, vector<1x16xf32>,
        %get3A_498 = vector.shape_cast %get3A_497 : vector<1x16xf32> to vector<16xf32>
        %get3A_499 = arith.index_cast %scan3A_146 : i32 to index
        %get3A_500 = arith.constant 400 : index
        %get3A_501 = tpu.vector_load %arg5[%get3A_499, %get3A_500] {strides = array<i32>} : memref<32x1024xf32, #tpu.memory_space<vmem>>, vector<1x16xf32>,
        %get3A_502 = vector.shape_cast %get3A_501 : vector<1x16xf32> to vector<16xf32>
        %add3A_503 = arith.addf %get3A_498, %get3A_502 : vector<16xf32>
        %swap3A_504 = arith.index_cast %scan3A_146 : i32 to index
        %swap3A_505 = arith.constant 400 : index
        %swap3A_506 = tpu.vector_load %arg7[%swap3A_504, %swap3A_505] {strides = array<i32>} : memref<32x1024xf32, #tpu.memory_space<vmem>>, vector<1x16xf32>,
        %swap3A_507 = vector.shape_cast %swap3A_506 : vector<1x16xf32> to vector<16xf32>
        %swap3A_508 = vector.shape_cast %add3A_503 : vector<16xf32> to vector<1x16xf32>
        tpu.vector_store %arg7[%swap3A_504, %swap3A_505], %swap3A_508 {strides = array<i32>} : memref<32x1024xf32, #tpu.memory_space<vmem>>, vector<1x16xf32>,
        %get3A_509 = arith.index_cast %scan3A_146 : i32 to index
        %get3A_510 = arith.constant 416 : index
        %get3A_511 = tpu.vector_load %arg7[%get3A_509, %get3A_510] {strides = array<i32>} : memref<32x1024xf32, #tpu.memory_space<vmem>>, vector<1x16xf32>,
        %get3A_512 = vector.shape_cast %get3A_511 : vector<1x16xf32> to vector<16xf32>
        %get3A_513 = arith.index_cast %scan3A_146 : i32 to index
        %get3A_514 = arith.constant 416 : index
        %get3A_515 = tpu.vector_load %arg5[%get3A_513, %get3A_514] {strides = array<i32>} : memref<32x1024xf32, #tpu.memory_space<vmem>>, vector<1x16xf32>,
        %get3A_516 = vector.shape_cast %get3A_515 : vector<1x16xf32> to vector<16xf32>
        %add3A_517 = arith.addf %get3A_512, %get3A_516 : vector<16xf32>
        %swap3A_518 = arith.index_cast %scan3A_146 : i32 to index
        %swap3A_519 = arith.constant 416 : index
        %swap3A_520 = tpu.vector_load %arg7[%swap3A_518, %swap3A_519] {strides = array<i32>} : memref<32x1024xf32, #tpu.memory_space<vmem>>, vector<1x16xf32>,
        %swap3A_521 = vector.shape_cast %swap3A_520 : vector<1x16xf32> to vector<16xf32>
        %swap3A_522 = vector.shape_cast %add3A_517 : vector<16xf32> to vector<1x16xf32>
        tpu.vector_store %arg7[%swap3A_518, %swap3A_519], %swap3A_522 {strides = array<i32>} : memref<32x1024xf32, #tpu.memory_space<vmem>>, vector<1x16xf32>,
        %get3A_523 = arith.index_cast %scan3A_146 : i32 to index
        %get3A_524 = arith.constant 432 : index
        %get3A_525 = tpu.vector_load %arg7[%get3A_523, %get3A_524] {strides = array<i32>} : memref<32x1024xf32, #tpu.memory_space<vmem>>, vector<1x16xf32>,
        %get3A_526 = vector.shape_cast %get3A_525 : vector<1x16xf32> to vector<16xf32>
        %get3A_527 = arith.index_cast %scan3A_146 : i32 to index
        %get3A_528 = arith.constant 432 : index
        %get3A_529 = tpu.vector_load %arg5[%get3A_527, %get3A_528] {strides = array<i32>} : memref<32x1024xf32, #tpu.memory_space<vmem>>, vector<1x16xf32>,
        %get3A_530 = vector.shape_cast %get3A_529 : vector<1x16xf32> to vector<16xf32>
        %add3A_531 = arith.addf %get3A_526, %get3A_530 : vector<16xf32>
        %swap3A_532 = arith.index_cast %scan3A_146 : i32 to index
        %swap3A_533 = arith.constant 432 : index
        %swap3A_534 = tpu.vector_load %arg7[%swap3A_532, %swap3A_533] {strides = array<i32>} : memref<32x1024xf32, #tpu.memory_space<vmem>>, vector<1x16xf32>,
        %swap3A_535 = vector.shape_cast %swap3A_534 : vector<1x16xf32> to vector<16xf32>
        %swap3A_536 = vector.shape_cast %add3A_531 : vector<16xf32> to vector<1x16xf32>
        tpu.vector_store %arg7[%swap3A_532, %swap3A_533], %swap3A_536 {strides = array<i32>} : memref<32x1024xf32, #tpu.memory_space<vmem>>, vector<1x16xf32>,
        %get3A_537 = arith.index_cast %scan3A_146 : i32 to index
        %get3A_538 = arith.constant 448 : index
        %get3A_539 = tpu.vector_load %arg7[%get3A_537, %get3A_538] {strides = array<i32>} : memref<32x1024xf32, #tpu.memory_space<vmem>>, vector<1x16xf32>,
        %get3A_540 = vector.shape_cast %get3A_539 : vector<1x16xf32> to vector<16xf32>
        %get3A_541 = arith.index_cast %scan3A_146 : i32 to index
        %get3A_542 = arith.constant 448 : index
        %get3A_543 = tpu.vector_load %arg5[%get3A_541, %get3A_542] {strides = array<i32>} : memref<32x1024xf32, #tpu.memory_space<vmem>>, vector<1x16xf32>,
        %get3A_544 = vector.shape_cast %get3A_543 : vector<1x16xf32> to vector<16xf32>
        %add3A_545 = arith.addf %get3A_540, %get3A_544 : vector<16xf32>
        %swap3A_546 = arith.index_cast %scan3A_146 : i32 to index
        %swap3A_547 = arith.constant 448 : index
        %swap3A_548 = tpu.vector_load %arg7[%swap3A_546, %swap3A_547] {strides = array<i32>} : memref<32x1024xf32, #tpu.memory_space<vmem>>, vector<1x16xf32>,
        %swap3A_549 = vector.shape_cast %swap3A_548 : vector<1x16xf32> to vector<16xf32>
        %swap3A_550 = vector.shape_cast %add3A_545 : vector<16xf32> to vector<1x16xf32>
        tpu.vector_store %arg7[%swap3A_546, %swap3A_547], %swap3A_550 {strides = array<i32>} : memref<32x1024xf32, #tpu.memory_space<vmem>>, vector<1x16xf32>,
        %get3A_551 = arith.index_cast %scan3A_146 : i32 to index
        %get3A_552 = arith.constant 464 : index
        %get3A_553 = tpu.vector_load %arg7[%get3A_551, %get3A_552] {strides = array<i32>} : memref<32x1024xf32, #tpu.memory_space<vmem>>, vector<1x16xf32>,
        %get3A_554 = vector.shape_cast %get3A_553 : vector<1x16xf32> to vector<16xf32>
        %get3A_555 = arith.index_cast %scan3A_146 : i32 to index
        %get3A_556 = arith.constant 464 : index
        %get3A_557 = tpu.vector_load %arg5[%get3A_555, %get3A_556] {strides = array<i32>} : memref<32x1024xf32, #tpu.memory_space<vmem>>, vector<1x16xf32>,
        %get3A_558 = vector.shape_cast %get3A_557 : vector<1x16xf32> to vector<16xf32>
        %add3A_559 = arith.addf %get3A_554, %get3A_558 : vector<16xf32>
        %swap3A_560 = arith.index_cast %scan3A_146 : i32 to index
        %swap3A_561 = arith.constant 464 : index
        %swap3A_562 = tpu.vector_load %arg7[%swap3A_560, %swap3A_561] {strides = array<i32>} : memref<32x1024xf32, #tpu.memory_space<vmem>>, vector<1x16xf32>,
        %swap3A_563 = vector.shape_cast %swap3A_562 : vector<1x16xf32> to vector<16xf32>
        %swap3A_564 = vector.shape_cast %add3A_559 : vector<16xf32> to vector<1x16xf32>
        tpu.vector_store %arg7[%swap3A_560, %swap3A_561], %swap3A_564 {strides = array<i32>} : memref<32x1024xf32, #tpu.memory_space<vmem>>, vector<1x16xf32>,
        %get3A_565 = arith.index_cast %scan3A_146 : i32 to index
        %get3A_566 = arith.constant 480 : index
        %get3A_567 = tpu.vector_load %arg7[%get3A_565, %get3A_566] {strides = array<i32>} : memref<32x1024xf32, #tpu.memory_space<vmem>>, vector<1x16xf32>,
        %get3A_568 = vector.shape_cast %get3A_567 : vector<1x16xf32> to vector<16xf32>
        %get3A_569 = arith.index_cast %scan3A_146 : i32 to index
        %get3A_570 = arith.constant 480 : index
        %get3A_571 = tpu.vector_load %arg5[%get3A_569, %get3A_570] {strides = array<i32>} : memref<32x1024xf32, #tpu.memory_space<vmem>>, vector<1x16xf32>,
        %get3A_572 = vector.shape_cast %get3A_571 : vector<1x16xf32> to vector<16xf32>
        %add3A_573 = arith.addf %get3A_568, %get3A_572 : vector<16xf32>
        %swap3A_574 = arith.index_cast %scan3A_146 : i32 to index
        %swap3A_575 = arith.constant 480 : index
        %swap3A_576 = tpu.vector_load %arg7[%swap3A_574, %swap3A_575] {strides = array<i32>} : memref<32x1024xf32, #tpu.memory_space<vmem>>, vector<1x16xf32>,
        %swap3A_577 = vector.shape_cast %swap3A_576 : vector<1x16xf32> to vector<16xf32>
        %swap3A_578 = vector.shape_cast %add3A_573 : vector<16xf32> to vector<1x16xf32>
        tpu.vector_store %arg7[%swap3A_574, %swap3A_575], %swap3A_578 {strides = array<i32>} : memref<32x1024xf32, #tpu.memory_space<vmem>>, vector<1x16xf32>,
        %get3A_579 = arith.index_cast %scan3A_146 : i32 to index
        %get3A_580 = arith.constant 496 : index
        %get3A_581 = tpu.vector_load %arg7[%get3A_579, %get3A_580] {strides = array<i32>} : memref<32x1024xf32, #tpu.memory_space<vmem>>, vector<1x16xf32>,
        %get3A_582 = vector.shape_cast %get3A_581 : vector<1x16xf32> to vector<16xf32>
        %get3A_583 = arith.index_cast %scan3A_146 : i32 to index
        %get3A_584 = arith.constant 496 : index
        %get3A_585 = tpu.vector_load %arg5[%get3A_583, %get3A_584] {strides = array<i32>} : memref<32x1024xf32, #tpu.memory_space<vmem>>, vector<1x16xf32>,
        %get3A_586 = vector.shape_cast %get3A_585 : vector<1x16xf32> to vector<16xf32>
        %add3A_587 = arith.addf %get3A_582, %get3A_586 : vector<16xf32>
        %swap3A_588 = arith.index_cast %scan3A_146 : i32 to index
        %swap3A_589 = arith.constant 496 : index
        %swap3A_590 = tpu.vector_load %arg7[%swap3A_588, %swap3A_589] {strides = array<i32>} : memref<32x1024xf32, #tpu.memory_space<vmem>>, vector<1x16xf32>,
        %swap3A_591 = vector.shape_cast %swap3A_590 : vector<1x16xf32> to vector<16xf32>
        %swap3A_592 = vector.shape_cast %add3A_587 : vector<16xf32> to vector<1x16xf32>
        tpu.vector_store %arg7[%swap3A_588, %swap3A_589], %swap3A_592 {strides = array<i32>} : memref<32x1024xf32, #tpu.memory_space<vmem>>, vector<1x16xf32>,
        %get3A_593 = arith.index_cast %scan3A_146 : i32 to index
        %get3A_594 = arith.constant 512 : index
        %get3A_595 = tpu.vector_load %arg7[%get3A_593, %get3A_594] {strides = array<i32>} : memref<32x1024xf32, #tpu.memory_space<vmem>>, vector<1x16xf32>,
        %get3A_596 = vector.shape_cast %get3A_595 : vector<1x16xf32> to vector<16xf32>
        %get3A_597 = arith.index_cast %scan3A_146 : i32 to index
        %get3A_598 = arith.constant 512 : index
        %get3A_599 = tpu.vector_load %arg5[%get3A_597, %get3A_598] {strides = array<i32>} : memref<32x1024xf32, #tpu.memory_space<vmem>>, vector<1x16xf32>,
        %get3A_600 = vector.shape_cast %get3A_599 : vector<1x16xf32> to vector<16xf32>
        %add3A_601 = arith.addf %get3A_596, %get3A_600 : vector<16xf32>
        %swap3A_602 = arith.index_cast %scan3A_146 : i32 to index
        %swap3A_603 = arith.constant 512 : index
        %swap3A_604 = tpu.vector_load %arg7[%swap3A_602, %swap3A_603] {strides = array<i32>} : memref<32x1024xf32, #tpu.memory_space<vmem>>, vector<1x16xf32>,
        %swap3A_605 = vector.shape_cast %swap3A_604 : vector<1x16xf32> to vector<16xf32>
        %swap3A_606 = vector.shape_cast %add3A_601 : vector<16xf32> to vector<1x16xf32>
        tpu.vector_store %arg7[%swap3A_602, %swap3A_603], %swap3A_606 {strides = array<i32>} : memref<32x1024xf32, #tpu.memory_space<vmem>>, vector<1x16xf32>,
        %get3A_607 = arith.index_cast %scan3A_146 : i32 to index
        %get3A_608 = arith.constant 528 : index
        %get3A_609 = tpu.vector_load %arg7[%get3A_607, %get3A_608] {strides = array<i32>} : memref<32x1024xf32, #tpu.memory_space<vmem>>, vector<1x16xf32>,
        %get3A_610 = vector.shape_cast %get3A_609 : vector<1x16xf32> to vector<16xf32>
        %get3A_611 = arith.index_cast %scan3A_146 : i32 to index
        %get3A_612 = arith.constant 528 : index
        %get3A_613 = tpu.vector_load %arg5[%get3A_611, %get3A_612] {strides = array<i32>} : memref<32x1024xf32, #tpu.memory_space<vmem>>, vector<1x16xf32>,
        %get3A_614 = vector.shape_cast %get3A_613 : vector<1x16xf32> to vector<16xf32>
        %add3A_615 = arith.addf %get3A_610, %get3A_614 : vector<16xf32>
        %swap3A_616 = arith.index_cast %scan3A_146 : i32 to index
        %swap3A_617 = arith.constant 528 : index
        %swap3A_618 = tpu.vector_load %arg7[%swap3A_616, %swap3A_617] {strides = array<i32>} : memref<32x1024xf32, #tpu.memory_space<vmem>>, vector<1x16xf32>,
        %swap3A_619 = vector.shape_cast %swap3A_618 : vector<1x16xf32> to vector<16xf32>
        %swap3A_620 = vector.shape_cast %add3A_615 : vector<16xf32> to vector<1x16xf32>
        tpu.vector_store %arg7[%swap3A_616, %swap3A_617], %swap3A_620 {strides = array<i32>} : memref<32x1024xf32, #tpu.memory_space<vmem>>, vector<1x16xf32>,
        %get3A_621 = arith.index_cast %scan3A_146 : i32 to index
        %get3A_622 = arith.constant 544 : index
        %get3A_623 = tpu.vector_load %arg7[%get3A_621, %get3A_622] {strides = array<i32>} : memref<32x1024xf32, #tpu.memory_space<vmem>>, vector<1x16xf32>,
        %get3A_624 = vector.shape_cast %get3A_623 : vector<1x16xf32> to vector<16xf32>
        %get3A_625 = arith.index_cast %scan3A_146 : i32 to index
        %get3A_626 = arith.constant 544 : index
        %get3A_627 = tpu.vector_load %arg5[%get3A_625, %get3A_626] {strides = array<i32>} : memref<32x1024xf32, #tpu.memory_space<vmem>>, vector<1x16xf32>,
        %get3A_628 = vector.shape_cast %get3A_627 : vector<1x16xf32> to vector<16xf32>
        %add3A_629 = arith.addf %get3A_624, %get3A_628 : vector<16xf32>
        %swap3A_630 = arith.index_cast %scan3A_146 : i32 to index
        %swap3A_631 = arith.constant 544 : index
        %swap3A_632 = tpu.vector_load %arg7[%swap3A_630, %swap3A_631] {strides = array<i32>} : memref<32x1024xf32, #tpu.memory_space<vmem>>, vector<1x16xf32>,
        %swap3A_633 = vector.shape_cast %swap3A_632 : vector<1x16xf32> to vector<16xf32>
        %swap3A_634 = vector.shape_cast %add3A_629 : vector<16xf32> to vector<1x16xf32>
        tpu.vector_store %arg7[%swap3A_630, %swap3A_631], %swap3A_634 {strides = array<i32>} : memref<32x1024xf32, #tpu.memory_space<vmem>>, vector<1x16xf32>,
        %get3A_635 = arith.index_cast %scan3A_146 : i32 to index
        %get3A_636 = arith.constant 560 : index
        %get3A_637 = tpu.vector_load %arg7[%get3A_635, %get3A_636] {strides = array<i32>} : memref<32x1024xf32, #tpu.memory_space<vmem>>, vector<1x16xf32>,
        %get3A_638 = vector.shape_cast %get3A_637 : vector<1x16xf32> to vector<16xf32>
        %get3A_639 = arith.index_cast %scan3A_146 : i32 to index
        %get3A_640 = arith.constant 560 : index
        %get3A_641 = tpu.vector_load %arg5[%get3A_639, %get3A_640] {strides = array<i32>} : memref<32x1024xf32, #tpu.memory_space<vmem>>, vector<1x16xf32>,
        %get3A_642 = vector.shape_cast %get3A_641 : vector<1x16xf32> to vector<16xf32>
        %add3A_643 = arith.addf %get3A_638, %get3A_642 : vector<16xf32>
        %swap3A_644 = arith.index_cast %scan3A_146 : i32 to index
        %swap3A_645 = arith.constant 560 : index
        %swap3A_646 = tpu.vector_load %arg7[%swap3A_644, %swap3A_645] {strides = array<i32>} : memref<32x1024xf32, #tpu.memory_space<vmem>>, vector<1x16xf32>,
        %swap3A_647 = vector.shape_cast %swap3A_646 : vector<1x16xf32> to vector<16xf32>
        %swap3A_648 = vector.shape_cast %add3A_643 : vector<16xf32> to vector<1x16xf32>
        tpu.vector_store %arg7[%swap3A_644, %swap3A_645], %swap3A_648 {strides = array<i32>} : memref<32x1024xf32, #tpu.memory_space<vmem>>, vector<1x16xf32>,
        %get3A_649 = arith.index_cast %scan3A_146 : i32 to index
        %get3A_650 = arith.constant 576 : index
        %get3A_651 = tpu.vector_load %arg7[%get3A_649, %get3A_650] {strides = array<i32>} : memref<32x1024xf32, #tpu.memory_space<vmem>>, vector<1x16xf32>,
        %get3A_652 = vector.shape_cast %get3A_651 : vector<1x16xf32> to vector<16xf32>
        %get3A_653 = arith.index_cast %scan3A_146 : i32 to index
        %get3A_654 = arith.constant 576 : index
        %get3A_655 = tpu.vector_load %arg5[%get3A_653, %get3A_654] {strides = array<i32>} : memref<32x1024xf32, #tpu.memory_space<vmem>>, vector<1x16xf32>,
        %get3A_656 = vector.shape_cast %get3A_655 : vector<1x16xf32> to vector<16xf32>
        %add3A_657 = arith.addf %get3A_652, %get3A_656 : vector<16xf32>
        %swap3A_658 = arith.index_cast %scan3A_146 : i32 to index
        %swap3A_659 = arith.constant 576 : index
        %swap3A_660 = tpu.vector_load %arg7[%swap3A_658, %swap3A_659] {strides = array<i32>} : memref<32x1024xf32, #tpu.memory_space<vmem>>, vector<1x16xf32>,
        %swap3A_661 = vector.shape_cast %swap3A_660 : vector<1x16xf32> to vector<16xf32>
        %swap3A_662 = vector.shape_cast %add3A_657 : vector<16xf32> to vector<1x16xf32>
        tpu.vector_store %arg7[%swap3A_658, %swap3A_659], %swap3A_662 {strides = array<i32>} : memref<32x1024xf32, #tpu.memory_space<vmem>>, vector<1x16xf32>,
        %get3A_663 = arith.index_cast %scan3A_146 : i32 to index
        %get3A_664 = arith.constant 592 : index
        %get3A_665 = tpu.vector_load %arg7[%get3A_663, %get3A_664] {strides = array<i32>} : memref<32x1024xf32, #tpu.memory_space<vmem>>, vector<1x16xf32>,
        %get3A_666 = vector.shape_cast %get3A_665 : vector<1x16xf32> to vector<16xf32>
        %get3A_667 = arith.index_cast %scan3A_146 : i32 to index
        %get3A_668 = arith.constant 592 : index
        %get3A_669 = tpu.vector_load %arg5[%get3A_667, %get3A_668] {strides = array<i32>} : memref<32x1024xf32, #tpu.memory_space<vmem>>, vector<1x16xf32>,
        %get3A_670 = vector.shape_cast %get3A_669 : vector<1x16xf32> to vector<16xf32>
        %add3A_671 = arith.addf %get3A_666, %get3A_670 : vector<16xf32>
        %swap3A_672 = arith.index_cast %scan3A_146 : i32 to index
        %swap3A_673 = arith.constant 592 : index
        %swap3A_674 = tpu.vector_load %arg7[%swap3A_672, %swap3A_673] {strides = array<i32>} : memref<32x1024xf32, #tpu.memory_space<vmem>>, vector<1x16xf32>,
        %swap3A_675 = vector.shape_cast %swap3A_674 : vector<1x16xf32> to vector<16xf32>
        %swap3A_676 = vector.shape_cast %add3A_671 : vector<16xf32> to vector<1x16xf32>
        tpu.vector_store %arg7[%swap3A_672, %swap3A_673], %swap3A_676 {strides = array<i32>} : memref<32x1024xf32, #tpu.memory_space<vmem>>, vector<1x16xf32>,
        %get3A_677 = arith.index_cast %scan3A_146 : i32 to index
        %get3A_678 = arith.constant 608 : index
        %get3A_679 = tpu.vector_load %arg7[%get3A_677, %get3A_678] {strides = array<i32>} : memref<32x1024xf32, #tpu.memory_space<vmem>>, vector<1x16xf32>,
        %get3A_680 = vector.shape_cast %get3A_679 : vector<1x16xf32> to vector<16xf32>
        %get3A_681 = arith.index_cast %scan3A_146 : i32 to index
        %get3A_682 = arith.constant 608 : index
        %get3A_683 = tpu.vector_load %arg5[%get3A_681, %get3A_682] {strides = array<i32>} : memref<32x1024xf32, #tpu.memory_space<vmem>>, vector<1x16xf32>,
        %get3A_684 = vector.shape_cast %get3A_683 : vector<1x16xf32> to vector<16xf32>
        %add3A_685 = arith.addf %get3A_680, %get3A_684 : vector<16xf32>
        %swap3A_686 = arith.index_cast %scan3A_146 : i32 to index
        %swap3A_687 = arith.constant 608 : index
        %swap3A_688 = tpu.vector_load %arg7[%swap3A_686, %swap3A_687] {strides = array<i32>} : memref<32x1024xf32, #tpu.memory_space<vmem>>, vector<1x16xf32>,
        %swap3A_689 = vector.shape_cast %swap3A_688 : vector<1x16xf32> to vector<16xf32>
        %swap3A_690 = vector.shape_cast %add3A_685 : vector<16xf32> to vector<1x16xf32>
        tpu.vector_store %arg7[%swap3A_686, %swap3A_687], %swap3A_690 {strides = array<i32>} : memref<32x1024xf32, #tpu.memory_space<vmem>>, vector<1x16xf32>,
        %get3A_691 = arith.index_cast %scan3A_146 : i32 to index
        %get3A_692 = arith.constant 624 : index
        %get3A_693 = tpu.vector_load %arg7[%get3A_691, %get3A_692] {strides = array<i32>} : memref<32x1024xf32, #tpu.memory_space<vmem>>, vector<1x16xf32>,
        %get3A_694 = vector.shape_cast %get3A_693 : vector<1x16xf32> to vector<16xf32>
        %get3A_695 = arith.index_cast %scan3A_146 : i32 to index
        %get3A_696 = arith.constant 624 : index
        %get3A_697 = tpu.vector_load %arg5[%get3A_695, %get3A_696] {strides = array<i32>} : memref<32x1024xf32, #tpu.memory_space<vmem>>, vector<1x16xf32>,
        %get3A_698 = vector.shape_cast %get3A_697 : vector<1x16xf32> to vector<16xf32>
        %add3A_699 = arith.addf %get3A_694, %get3A_698 : vector<16xf32>
        %swap3A_700 = arith.index_cast %scan3A_146 : i32 to index
        %swap3A_701 = arith.constant 624 : index
        %swap3A_702 = tpu.vector_load %arg7[%swap3A_700, %swap3A_701] {strides = array<i32>} : memref<32x1024xf32, #tpu.memory_space<vmem>>, vector<1x16xf32>,
        %swap3A_703 = vector.shape_cast %swap3A_702 : vector<1x16xf32> to vector<16xf32>
        %swap3A_704 = vector.shape_cast %add3A_699 : vector<16xf32> to vector<1x16xf32>
        tpu.vector_store %arg7[%swap3A_700, %swap3A_701], %swap3A_704 {strides = array<i32>} : memref<32x1024xf32, #tpu.memory_space<vmem>>, vector<1x16xf32>,
        %get3A_705 = arith.index_cast %scan3A_146 : i32 to index
        %get3A_706 = arith.constant 640 : index
        %get3A_707 = tpu.vector_load %arg7[%get3A_705, %get3A_706] {strides = array<i32>} : memref<32x1024xf32, #tpu.memory_space<vmem>>, vector<1x16xf32>,
        %get3A_708 = vector.shape_cast %get3A_707 : vector<1x16xf32> to vector<16xf32>
        %get3A_709 = arith.index_cast %scan3A_146 : i32 to index
        %get3A_710 = arith.constant 640 : index
        %get3A_711 = tpu.vector_load %arg5[%get3A_709, %get3A_710] {strides = array<i32>} : memref<32x1024xf32, #tpu.memory_space<vmem>>, vector<1x16xf32>,
        %get3A_712 = vector.shape_cast %get3A_711 : vector<1x16xf32> to vector<16xf32>
        %add3A_713 = arith.addf %get3A_708, %get3A_712 : vector<16xf32>
        %swap3A_714 = arith.index_cast %scan3A_146 : i32 to index
        %swap3A_715 = arith.constant 640 : index
        %swap3A_716 = tpu.vector_load %arg7[%swap3A_714, %swap3A_715] {strides = array<i32>} : memref<32x1024xf32, #tpu.memory_space<vmem>>, vector<1x16xf32>,
        %swap3A_717 = vector.shape_cast %swap3A_716 : vector<1x16xf32> to vector<16xf32>
        %swap3A_718 = vector.shape_cast %add3A_713 : vector<16xf32> to vector<1x16xf32>
        tpu.vector_store %arg7[%swap3A_714, %swap3A_715], %swap3A_718 {strides = array<i32>} : memref<32x1024xf32, #tpu.memory_space<vmem>>, vector<1x16xf32>,
        %get3A_719 = arith.index_cast %scan3A_146 : i32 to index
        %get3A_720 = arith.constant 656 : index
        %get3A_721 = tpu.vector_load %arg7[%get3A_719, %get3A_720] {strides = array<i32>} : memref<32x1024xf32, #tpu.memory_space<vmem>>, vector<1x16xf32>,
        %get3A_722 = vector.shape_cast %get3A_721 : vector<1x16xf32> to vector<16xf32>
        %get3A_723 = arith.index_cast %scan3A_146 : i32 to index
        %get3A_724 = arith.constant 656 : index
        %get3A_725 = tpu.vector_load %arg5[%get3A_723, %get3A_724] {strides = array<i32>} : memref<32x1024xf32, #tpu.memory_space<vmem>>, vector<1x16xf32>,
        %get3A_726 = vector.shape_cast %get3A_725 : vector<1x16xf32> to vector<16xf32>
        %add3A_727 = arith.addf %get3A_722, %get3A_726 : vector<16xf32>
        %swap3A_728 = arith.index_cast %scan3A_146 : i32 to index
        %swap3A_729 = arith.constant 656 : index
        %swap3A_730 = tpu.vector_load %arg7[%swap3A_728, %swap3A_729] {strides = array<i32>} : memref<32x1024xf32, #tpu.memory_space<vmem>>, vector<1x16xf32>,
        %swap3A_731 = vector.shape_cast %swap3A_730 : vector<1x16xf32> to vector<16xf32>
        %swap3A_732 = vector.shape_cast %add3A_727 : vector<16xf32> to vector<1x16xf32>
        tpu.vector_store %arg7[%swap3A_728, %swap3A_729], %swap3A_732 {strides = array<i32>} : memref<32x1024xf32, #tpu.memory_space<vmem>>, vector<1x16xf32>,
        %get3A_733 = arith.index_cast %scan3A_146 : i32 to index
        %get3A_734 = arith.constant 672 : index
        %get3A_735 = tpu.vector_load %arg7[%get3A_733, %get3A_734] {strides = array<i32>} : memref<32x1024xf32, #tpu.memory_space<vmem>>, vector<1x16xf32>,
        %get3A_736 = vector.shape_cast %get3A_735 : vector<1x16xf32> to vector<16xf32>
        %get3A_737 = arith.index_cast %scan3A_146 : i32 to index
        %get3A_738 = arith.constant 672 : index
        %get3A_739 = tpu.vector_load %arg5[%get3A_737, %get3A_738] {strides = array<i32>} : memref<32x1024xf32, #tpu.memory_space<vmem>>, vector<1x16xf32>,
        %get3A_740 = vector.shape_cast %get3A_739 : vector<1x16xf32> to vector<16xf32>
        %add3A_741 = arith.addf %get3A_736, %get3A_740 : vector<16xf32>
        %swap3A_742 = arith.index_cast %scan3A_146 : i32 to index
        %swap3A_743 = arith.constant 672 : index
        %swap3A_744 = tpu.vector_load %arg7[%swap3A_742, %swap3A_743] {strides = array<i32>} : memref<32x1024xf32, #tpu.memory_space<vmem>>, vector<1x16xf32>,
        %swap3A_745 = vector.shape_cast %swap3A_744 : vector<1x16xf32> to vector<16xf32>
        %swap3A_746 = vector.shape_cast %add3A_741 : vector<16xf32> to vector<1x16xf32>
        tpu.vector_store %arg7[%swap3A_742, %swap3A_743], %swap3A_746 {strides = array<i32>} : memref<32x1024xf32, #tpu.memory_space<vmem>>, vector<1x16xf32>,
        %get3A_747 = arith.index_cast %scan3A_146 : i32 to index
        %get3A_748 = arith.constant 688 : index
        %get3A_749 = tpu.vector_load %arg7[%get3A_747, %get3A_748] {strides = array<i32>} : memref<32x1024xf32, #tpu.memory_space<vmem>>, vector<1x16xf32>,
        %get3A_750 = vector.shape_cast %get3A_749 : vector<1x16xf32> to vector<16xf32>
        %get3A_751 = arith.index_cast %scan3A_146 : i32 to index
        %get3A_752 = arith.constant 688 : index
        %get3A_753 = tpu.vector_load %arg5[%get3A_751, %get3A_752] {strides = array<i32>} : memref<32x1024xf32, #tpu.memory_space<vmem>>, vector<1x16xf32>,
        %get3A_754 = vector.shape_cast %get3A_753 : vector<1x16xf32> to vector<16xf32>
        %add3A_755 = arith.addf %get3A_750, %get3A_754 : vector<16xf32>
        %swap3A_756 = arith.index_cast %scan3A_146 : i32 to index
        %swap3A_757 = arith.constant 688 : index
        %swap3A_758 = tpu.vector_load %arg7[%swap3A_756, %swap3A_757] {strides = array<i32>} : memref<32x1024xf32, #tpu.memory_space<vmem>>, vector<1x16xf32>,
        %swap3A_759 = vector.shape_cast %swap3A_758 : vector<1x16xf32> to vector<16xf32>
        %swap3A_760 = vector.shape_cast %add3A_755 : vector<16xf32> to vector<1x16xf32>
        tpu.vector_store %arg7[%swap3A_756, %swap3A_757], %swap3A_760 {strides = array<i32>} : memref<32x1024xf32, #tpu.memory_space<vmem>>, vector<1x16xf32>,
        %get3A_761 = arith.index_cast %scan3A_146 : i32 to index
        %get3A_762 = arith.constant 704 : index
        %get3A_763 = tpu.vector_load %arg7[%get3A_761, %get3A_762] {strides = array<i32>} : memref<32x1024xf32, #tpu.memory_space<vmem>>, vector<1x16xf32>,
        %get3A_764 = vector.shape_cast %get3A_763 : vector<1x16xf32> to vector<16xf32>
        %get3A_765 = arith.index_cast %scan3A_146 : i32 to index
        %get3A_766 = arith.constant 704 : index
        %get3A_767 = tpu.vector_load %arg5[%get3A_765, %get3A_766] {strides = array<i32>} : memref<32x1024xf32, #tpu.memory_space<vmem>>, vector<1x16xf32>,
        %get3A_768 = vector.shape_cast %get3A_767 : vector<1x16xf32> to vector<16xf32>
        %add3A_769 = arith.addf %get3A_764, %get3A_768 : vector<16xf32>
        %swap3A_770 = arith.index_cast %scan3A_146 : i32 to index
        %swap3A_771 = arith.constant 704 : index
        %swap3A_772 = tpu.vector_load %arg7[%swap3A_770, %swap3A_771] {strides = array<i32>} : memref<32x1024xf32, #tpu.memory_space<vmem>>, vector<1x16xf32>,
        %swap3A_773 = vector.shape_cast %swap3A_772 : vector<1x16xf32> to vector<16xf32>
        %swap3A_774 = vector.shape_cast %add3A_769 : vector<16xf32> to vector<1x16xf32>
        tpu.vector_store %arg7[%swap3A_770, %swap3A_771], %swap3A_774 {strides = array<i32>} : memref<32x1024xf32, #tpu.memory_space<vmem>>, vector<1x16xf32>,
        %get3A_775 = arith.index_cast %scan3A_146 : i32 to index
        %get3A_776 = arith.constant 720 : index
        %get3A_777 = tpu.vector_load %arg7[%get3A_775, %get3A_776] {strides = array<i32>} : memref<32x1024xf32, #tpu.memory_space<vmem>>, vector<1x16xf32>,
        %get3A_778 = vector.shape_cast %get3A_777 : vector<1x16xf32> to vector<16xf32>
        %get3A_779 = arith.index_cast %scan3A_146 : i32 to index
        %get3A_780 = arith.constant 720 : index
        %get3A_781 = tpu.vector_load %arg5[%get3A_779, %get3A_780] {strides = array<i32>} : memref<32x1024xf32, #tpu.memory_space<vmem>>, vector<1x16xf32>,
        %get3A_782 = vector.shape_cast %get3A_781 : vector<1x16xf32> to vector<16xf32>
        %add3A_783 = arith.addf %get3A_778, %get3A_782 : vector<16xf32>
        %swap3A_784 = arith.index_cast %scan3A_146 : i32 to index
        %swap3A_785 = arith.constant 720 : index
        %swap3A_786 = tpu.vector_load %arg7[%swap3A_784, %swap3A_785] {strides = array<i32>} : memref<32x1024xf32, #tpu.memory_space<vmem>>, vector<1x16xf32>,
        %swap3A_787 = vector.shape_cast %swap3A_786 : vector<1x16xf32> to vector<16xf32>
        %swap3A_788 = vector.shape_cast %add3A_783 : vector<16xf32> to vector<1x16xf32>
        tpu.vector_store %arg7[%swap3A_784, %swap3A_785], %swap3A_788 {strides = array<i32>} : memref<32x1024xf32, #tpu.memory_space<vmem>>, vector<1x16xf32>,
        %get3A_789 = arith.index_cast %scan3A_146 : i32 to index
        %get3A_790 = arith.constant 736 : index
        %get3A_791 = tpu.vector_load %arg7[%get3A_789, %get3A_790] {strides = array<i32>} : memref<32x1024xf32, #tpu.memory_space<vmem>>, vector<1x16xf32>,
        %get3A_792 = vector.shape_cast %get3A_791 : vector<1x16xf32> to vector<16xf32>
        %get3A_793 = arith.index_cast %scan3A_146 : i32 to index
        %get3A_794 = arith.constant 736 : index
        %get3A_795 = tpu.vector_load %arg5[%get3A_793, %get3A_794] {strides = array<i32>} : memref<32x1024xf32, #tpu.memory_space<vmem>>, vector<1x16xf32>,
        %get3A_796 = vector.shape_cast %get3A_795 : vector<1x16xf32> to vector<16xf32>
        %add3A_797 = arith.addf %get3A_792, %get3A_796 : vector<16xf32>
        %swap3A_798 = arith.index_cast %scan3A_146 : i32 to index
        %swap3A_799 = arith.constant 736 : index
        %swap3A_800 = tpu.vector_load %arg7[%swap3A_798, %swap3A_799] {strides = array<i32>} : memref<32x1024xf32, #tpu.memory_space<vmem>>, vector<1x16xf32>,
        %swap3A_801 = vector.shape_cast %swap3A_800 : vector<1x16xf32> to vector<16xf32>
        %swap3A_802 = vector.shape_cast %add3A_797 : vector<16xf32> to vector<1x16xf32>
        tpu.vector_store %arg7[%swap3A_798, %swap3A_799], %swap3A_802 {strides = array<i32>} : memref<32x1024xf32, #tpu.memory_space<vmem>>, vector<1x16xf32>,
        %get3A_803 = arith.index_cast %scan3A_146 : i32 to index
        %get3A_804 = arith.constant 752 : index
        %get3A_805 = tpu.vector_load %arg7[%get3A_803, %get3A_804] {strides = array<i32>} : memref<32x1024xf32, #tpu.memory_space<vmem>>, vector<1x16xf32>,
        %get3A_806 = vector.shape_cast %get3A_805 : vector<1x16xf32> to vector<16xf32>
        %get3A_807 = arith.index_cast %scan3A_146 : i32 to index
        %get3A_808 = arith.constant 752 : index
        %get3A_809 = tpu.vector_load %arg5[%get3A_807, %get3A_808] {strides = array<i32>} : memref<32x1024xf32, #tpu.memory_space<vmem>>, vector<1x16xf32>,
        %get3A_810 = vector.shape_cast %get3A_809 : vector<1x16xf32> to vector<16xf32>
        %add3A_811 = arith.addf %get3A_806, %get3A_810 : vector<16xf32>
        %swap3A_812 = arith.index_cast %scan3A_146 : i32 to index
        %swap3A_813 = arith.constant 752 : index
        %swap3A_814 = tpu.vector_load %arg7[%swap3A_812, %swap3A_813] {strides = array<i32>} : memref<32x1024xf32, #tpu.memory_space<vmem>>, vector<1x16xf32>,
        %swap3A_815 = vector.shape_cast %swap3A_814 : vector<1x16xf32> to vector<16xf32>
        %swap3A_816 = vector.shape_cast %add3A_811 : vector<16xf32> to vector<1x16xf32>
        tpu.vector_store %arg7[%swap3A_812, %swap3A_813], %swap3A_816 {strides = array<i32>} : memref<32x1024xf32, #tpu.memory_space<vmem>>, vector<1x16xf32>,
        %get3A_817 = arith.index_cast %scan3A_146 : i32 to index
        %get3A_818 = arith.constant 768 : index
        %get3A_819 = tpu.vector_load %arg7[%get3A_817, %get3A_818] {strides = array<i32>} : memref<32x1024xf32, #tpu.memory_space<vmem>>, vector<1x16xf32>,
        %get3A_820 = vector.shape_cast %get3A_819 : vector<1x16xf32> to vector<16xf32>
        %get3A_821 = arith.index_cast %scan3A_146 : i32 to index
        %get3A_822 = arith.constant 768 : index
        %get3A_823 = tpu.vector_load %arg5[%get3A_821, %get3A_822] {strides = array<i32>} : memref<32x1024xf32, #tpu.memory_space<vmem>>, vector<1x16xf32>,
        %get3A_824 = vector.shape_cast %get3A_823 : vector<1x16xf32> to vector<16xf32>
        %add3A_825 = arith.addf %get3A_820, %get3A_824 : vector<16xf32>
        %swap3A_826 = arith.index_cast %scan3A_146 : i32 to index
        %swap3A_827 = arith.constant 768 : index
        %swap3A_828 = tpu.vector_load %arg7[%swap3A_826, %swap3A_827] {strides = array<i32>} : memref<32x1024xf32, #tpu.memory_space<vmem>>, vector<1x16xf32>,
        %swap3A_829 = vector.shape_cast %swap3A_828 : vector<1x16xf32> to vector<16xf32>
        %swap3A_830 = vector.shape_cast %add3A_825 : vector<16xf32> to vector<1x16xf32>
        tpu.vector_store %arg7[%swap3A_826, %swap3A_827], %swap3A_830 {strides = array<i32>} : memref<32x1024xf32, #tpu.memory_space<vmem>>, vector<1x16xf32>,
        %get3A_831 = arith.index_cast %scan3A_146 : i32 to index
        %get3A_832 = arith.constant 784 : index
        %get3A_833 = tpu.vector_load %arg7[%get3A_831, %get3A_832] {strides = array<i32>} : memref<32x1024xf32, #tpu.memory_space<vmem>>, vector<1x16xf32>,
        %get3A_834 = vector.shape_cast %get3A_833 : vector<1x16xf32> to vector<16xf32>
        %get3A_835 = arith.index_cast %scan3A_146 : i32 to index
        %get3A_836 = arith.constant 784 : index
        %get3A_837 = tpu.vector_load %arg5[%get3A_835, %get3A_836] {strides = array<i32>} : memref<32x1024xf32, #tpu.memory_space<vmem>>, vector<1x16xf32>,
        %get3A_838 = vector.shape_cast %get3A_837 : vector<1x16xf32> to vector<16xf32>
        %add3A_839 = arith.addf %get3A_834, %get3A_838 : vector<16xf32>
        %swap3A_840 = arith.index_cast %scan3A_146 : i32 to index
        %swap3A_841 = arith.constant 784 : index
        %swap3A_842 = tpu.vector_load %arg7[%swap3A_840, %swap3A_841] {strides = array<i32>} : memref<32x1024xf32, #tpu.memory_space<vmem>>, vector<1x16xf32>,
        %swap3A_843 = vector.shape_cast %swap3A_842 : vector<1x16xf32> to vector<16xf32>
        %swap3A_844 = vector.shape_cast %add3A_839 : vector<16xf32> to vector<1x16xf32>
        tpu.vector_store %arg7[%swap3A_840, %swap3A_841], %swap3A_844 {strides = array<i32>} : memref<32x1024xf32, #tpu.memory_space<vmem>>, vector<1x16xf32>,
        %get3A_845 = arith.index_cast %scan3A_146 : i32 to index
        %get3A_846 = arith.constant 800 : index
        %get3A_847 = tpu.vector_load %arg7[%get3A_845, %get3A_846] {strides = array<i32>} : memref<32x1024xf32, #tpu.memory_space<vmem>>, vector<1x16xf32>,
        %get3A_848 = vector.shape_cast %get3A_847 : vector<1x16xf32> to vector<16xf32>
        %get3A_849 = arith.index_cast %scan3A_146 : i32 to index
        %get3A_850 = arith.constant 800 : index
        %get3A_851 = tpu.vector_load %arg5[%get3A_849, %get3A_850] {strides = array<i32>} : memref<32x1024xf32, #tpu.memory_space<vmem>>, vector<1x16xf32>,
        %get3A_852 = vector.shape_cast %get3A_851 : vector<1x16xf32> to vector<16xf32>
        %add3A_853 = arith.addf %get3A_848, %get3A_852 : vector<16xf32>
        %swap3A_854 = arith.index_cast %scan3A_146 : i32 to index
        %swap3A_855 = arith.constant 800 : index
        %swap3A_856 = tpu.vector_load %arg7[%swap3A_854, %swap3A_855] {strides = array<i32>} : memref<32x1024xf32, #tpu.memory_space<vmem>>, vector<1x16xf32>,
        %swap3A_857 = vector.shape_cast %swap3A_856 : vector<1x16xf32> to vector<16xf32>
        %swap3A_858 = vector.shape_cast %add3A_853 : vector<16xf32> to vector<1x16xf32>
        tpu.vector_store %arg7[%swap3A_854, %swap3A_855], %swap3A_858 {strides = array<i32>} : memref<32x1024xf32, #tpu.memory_space<vmem>>, vector<1x16xf32>,
        %get3A_859 = arith.index_cast %scan3A_146 : i32 to index
        %get3A_860 = arith.constant 816 : index
        %get3A_861 = tpu.vector_load %arg7[%get3A_859, %get3A_860] {strides = array<i32>} : memref<32x1024xf32, #tpu.memory_space<vmem>>, vector<1x16xf32>,
        %get3A_862 = vector.shape_cast %get3A_861 : vector<1x16xf32> to vector<16xf32>
        %get3A_863 = arith.index_cast %scan3A_146 : i32 to index
        %get3A_864 = arith.constant 816 : index
        %get3A_865 = tpu.vector_load %arg5[%get3A_863, %get3A_864] {strides = array<i32>} : memref<32x1024xf32, #tpu.memory_space<vmem>>, vector<1x16xf32>,
        %get3A_866 = vector.shape_cast %get3A_865 : vector<1x16xf32> to vector<16xf32>
        %add3A_867 = arith.addf %get3A_862, %get3A_866 : vector<16xf32>
        %swap3A_868 = arith.index_cast %scan3A_146 : i32 to index
        %swap3A_869 = arith.constant 816 : index
        %swap3A_870 = tpu.vector_load %arg7[%swap3A_868, %swap3A_869] {strides = array<i32>} : memref<32x1024xf32, #tpu.memory_space<vmem>>, vector<1x16xf32>,
        %swap3A_871 = vector.shape_cast %swap3A_870 : vector<1x16xf32> to vector<16xf32>
        %swap3A_872 = vector.shape_cast %add3A_867 : vector<16xf32> to vector<1x16xf32>
        tpu.vector_store %arg7[%swap3A_868, %swap3A_869], %swap3A_872 {strides = array<i32>} : memref<32x1024xf32, #tpu.memory_space<vmem>>, vector<1x16xf32>,
        %get3A_873 = arith.index_cast %scan3A_146 : i32 to index
        %get3A_874 = arith.constant 832 : index
        %get3A_875 = tpu.vector_load %arg7[%get3A_873, %get3A_874] {strides = array<i32>} : memref<32x1024xf32, #tpu.memory_space<vmem>>, vector<1x16xf32>,
        %get3A_876 = vector.shape_cast %get3A_875 : vector<1x16xf32> to vector<16xf32>
        %get3A_877 = arith.index_cast %scan3A_146 : i32 to index
        %get3A_878 = arith.constant 832 : index
        %get3A_879 = tpu.vector_load %arg5[%get3A_877, %get3A_878] {strides = array<i32>} : memref<32x1024xf32, #tpu.memory_space<vmem>>, vector<1x16xf32>,
        %get3A_880 = vector.shape_cast %get3A_879 : vector<1x16xf32> to vector<16xf32>
        %add3A_881 = arith.addf %get3A_876, %get3A_880 : vector<16xf32>
        %swap3A_882 = arith.index_cast %scan3A_146 : i32 to index
        %swap3A_883 = arith.constant 832 : index
        %swap3A_884 = tpu.vector_load %arg7[%swap3A_882, %swap3A_883] {strides = array<i32>} : memref<32x1024xf32, #tpu.memory_space<vmem>>, vector<1x16xf32>,
        %swap3A_885 = vector.shape_cast %swap3A_884 : vector<1x16xf32> to vector<16xf32>
        %swap3A_886 = vector.shape_cast %add3A_881 : vector<16xf32> to vector<1x16xf32>
        tpu.vector_store %arg7[%swap3A_882, %swap3A_883], %swap3A_886 {strides = array<i32>} : memref<32x1024xf32, #tpu.memory_space<vmem>>, vector<1x16xf32>,
        %get3A_887 = arith.index_cast %scan3A_146 : i32 to index
        %get3A_888 = arith.constant 848 : index
        %get3A_889 = tpu.vector_load %arg7[%get3A_887, %get3A_888] {strides = array<i32>} : memref<32x1024xf32, #tpu.memory_space<vmem>>, vector<1x16xf32>,
        %get3A_890 = vector.shape_cast %get3A_889 : vector<1x16xf32> to vector<16xf32>
        %get3A_891 = arith.index_cast %scan3A_146 : i32 to index
        %get3A_892 = arith.constant 848 : index
        %get3A_893 = tpu.vector_load %arg5[%get3A_891, %get3A_892] {strides = array<i32>} : memref<32x1024xf32, #tpu.memory_space<vmem>>, vector<1x16xf32>,
        %get3A_894 = vector.shape_cast %get3A_893 : vector<1x16xf32> to vector<16xf32>
        %add3A_895 = arith.addf %get3A_890, %get3A_894 : vector<16xf32>
        %swap3A_896 = arith.index_cast %scan3A_146 : i32 to index
        %swap3A_897 = arith.constant 848 : index
        %swap3A_898 = tpu.vector_load %arg7[%swap3A_896, %swap3A_897] {strides = array<i32>} : memref<32x1024xf32, #tpu.memory_space<vmem>>, vector<1x16xf32>,
        %swap3A_899 = vector.shape_cast %swap3A_898 : vector<1x16xf32> to vector<16xf32>
        %swap3A_900 = vector.shape_cast %add3A_895 : vector<16xf32> to vector<1x16xf32>
        tpu.vector_store %arg7[%swap3A_896, %swap3A_897], %swap3A_900 {strides = array<i32>} : memref<32x1024xf32, #tpu.memory_space<vmem>>, vector<1x16xf32>,
        %get3A_901 = arith.index_cast %scan3A_146 : i32 to index
        %get3A_902 = arith.constant 864 : index
        %get3A_903 = tpu.vector_load %arg7[%get3A_901, %get3A_902] {strides = array<i32>} : memref<32x1024xf32, #tpu.memory_space<vmem>>, vector<1x16xf32>,
        %get3A_904 = vector.shape_cast %get3A_903 : vector<1x16xf32> to vector<16xf32>
        %get3A_905 = arith.index_cast %scan3A_146 : i32 to index
        %get3A_906 = arith.constant 864 : index
        %get3A_907 = tpu.vector_load %arg5[%get3A_905, %get3A_906] {strides = array<i32>} : memref<32x1024xf32, #tpu.memory_space<vmem>>, vector<1x16xf32>,
        %get3A_908 = vector.shape_cast %get3A_907 : vector<1x16xf32> to vector<16xf32>
        %add3A_909 = arith.addf %get3A_904, %get3A_908 : vector<16xf32>
        %swap3A_910 = arith.index_cast %scan3A_146 : i32 to index
        %swap3A_911 = arith.constant 864 : index
        %swap3A_912 = tpu.vector_load %arg7[%swap3A_910, %swap3A_911] {strides = array<i32>} : memref<32x1024xf32, #tpu.memory_space<vmem>>, vector<1x16xf32>,
        %swap3A_913 = vector.shape_cast %swap3A_912 : vector<1x16xf32> to vector<16xf32>
        %swap3A_914 = vector.shape_cast %add3A_909 : vector<16xf32> to vector<1x16xf32>
        tpu.vector_store %arg7[%swap3A_910, %swap3A_911], %swap3A_914 {strides = array<i32>} : memref<32x1024xf32, #tpu.memory_space<vmem>>, vector<1x16xf32>,
        %get3A_915 = arith.index_cast %scan3A_146 : i32 to index
        %get3A_916 = arith.constant 880 : index
        %get3A_917 = tpu.vector_load %arg7[%get3A_915, %get3A_916] {strides = array<i32>} : memref<32x1024xf32, #tpu.memory_space<vmem>>, vector<1x16xf32>,
        %get3A_918 = vector.shape_cast %get3A_917 : vector<1x16xf32> to vector<16xf32>
        %get3A_919 = arith.index_cast %scan3A_146 : i32 to index
        %get3A_920 = arith.constant 880 : index
        %get3A_921 = tpu.vector_load %arg5[%get3A_919, %get3A_920] {strides = array<i32>} : memref<32x1024xf32, #tpu.memory_space<vmem>>, vector<1x16xf32>,
        %get3A_922 = vector.shape_cast %get3A_921 : vector<1x16xf32> to vector<16xf32>
        %add3A_923 = arith.addf %get3A_918, %get3A_922 : vector<16xf32>
        %swap3A_924 = arith.index_cast %scan3A_146 : i32 to index
        %swap3A_925 = arith.constant 880 : index
        %swap3A_926 = tpu.vector_load %arg7[%swap3A_924, %swap3A_925] {strides = array<i32>} : memref<32x1024xf32, #tpu.memory_space<vmem>>, vector<1x16xf32>,
        %swap3A_927 = vector.shape_cast %swap3A_926 : vector<1x16xf32> to vector<16xf32>
        %swap3A_928 = vector.shape_cast %add3A_923 : vector<16xf32> to vector<1x16xf32>
        tpu.vector_store %arg7[%swap3A_924, %swap3A_925], %swap3A_928 {strides = array<i32>} : memref<32x1024xf32, #tpu.memory_space<vmem>>, vector<1x16xf32>,
        %get3A_929 = arith.index_cast %scan3A_146 : i32 to index
        %get3A_930 = arith.constant 896 : index
        %get3A_931 = tpu.vector_load %arg7[%get3A_929, %get3A_930] {strides = array<i32>} : memref<32x1024xf32, #tpu.memory_space<vmem>>, vector<1x16xf32>,
        %get3A_932 = vector.shape_cast %get3A_931 : vector<1x16xf32> to vector<16xf32>
        %get3A_933 = arith.index_cast %scan3A_146 : i32 to index
        %get3A_934 = arith.constant 896 : index
        %get3A_935 = tpu.vector_load %arg5[%get3A_933, %get3A_934] {strides = array<i32>} : memref<32x1024xf32, #tpu.memory_space<vmem>>, vector<1x16xf32>,
        %get3A_936 = vector.shape_cast %get3A_935 : vector<1x16xf32> to vector<16xf32>
        %add3A_937 = arith.addf %get3A_932, %get3A_936 : vector<16xf32>
        %swap3A_938 = arith.index_cast %scan3A_146 : i32 to index
        %swap3A_939 = arith.constant 896 : index
        %swap3A_940 = tpu.vector_load %arg7[%swap3A_938, %swap3A_939] {strides = array<i32>} : memref<32x1024xf32, #tpu.memory_space<vmem>>, vector<1x16xf32>,
        %swap3A_941 = vector.shape_cast %swap3A_940 : vector<1x16xf32> to vector<16xf32>
        %swap3A_942 = vector.shape_cast %add3A_937 : vector<16xf32> to vector<1x16xf32>
        tpu.vector_store %arg7[%swap3A_938, %swap3A_939], %swap3A_942 {strides = array<i32>} : memref<32x1024xf32, #tpu.memory_space<vmem>>, vector<1x16xf32>,
        %get3A_943 = arith.index_cast %scan3A_146 : i32 to index
        %get3A_944 = arith.constant 912 : index
        %get3A_945 = tpu.vector_load %arg7[%get3A_943, %get3A_944] {strides = array<i32>} : memref<32x1024xf32, #tpu.memory_space<vmem>>, vector<1x16xf32>,
        %get3A_946 = vector.shape_cast %get3A_945 : vector<1x16xf32> to vector<16xf32>
        %get3A_947 = arith.index_cast %scan3A_146 : i32 to index
        %get3A_948 = arith.constant 912 : index
        %get3A_949 = tpu.vector_load %arg5[%get3A_947, %get3A_948] {strides = array<i32>} : memref<32x1024xf32, #tpu.memory_space<vmem>>, vector<1x16xf32>,
        %get3A_950 = vector.shape_cast %get3A_949 : vector<1x16xf32> to vector<16xf32>
        %add3A_951 = arith.addf %get3A_946, %get3A_950 : vector<16xf32>
        %swap3A_952 = arith.index_cast %scan3A_146 : i32 to index
        %swap3A_953 = arith.constant 912 : index
        %swap3A_954 = tpu.vector_load %arg7[%swap3A_952, %swap3A_953] {strides = array<i32>} : memref<32x1024xf32, #tpu.memory_space<vmem>>, vector<1x16xf32>,
        %swap3A_955 = vector.shape_cast %swap3A_954 : vector<1x16xf32> to vector<16xf32>
        %swap3A_956 = vector.shape_cast %add3A_951 : vector<16xf32> to vector<1x16xf32>
        tpu.vector_store %arg7[%swap3A_952, %swap3A_953], %swap3A_956 {strides = array<i32>} : memref<32x1024xf32, #tpu.memory_space<vmem>>, vector<1x16xf32>,
        %get3A_957 = arith.index_cast %scan3A_146 : i32 to index
        %get3A_958 = arith.constant 928 : index
        %get3A_959 = tpu.vector_load %arg7[%get3A_957, %get3A_958] {strides = array<i32>} : memref<32x1024xf32, #tpu.memory_space<vmem>>, vector<1x16xf32>,
        %get3A_960 = vector.shape_cast %get3A_959 : vector<1x16xf32> to vector<16xf32>
        %get3A_961 = arith.index_cast %scan3A_146 : i32 to index
        %get3A_962 = arith.constant 928 : index
        %get3A_963 = tpu.vector_load %arg5[%get3A_961, %get3A_962] {strides = array<i32>} : memref<32x1024xf32, #tpu.memory_space<vmem>>, vector<1x16xf32>,
        %get3A_964 = vector.shape_cast %get3A_963 : vector<1x16xf32> to vector<16xf32>
        %add3A_965 = arith.addf %get3A_960, %get3A_964 : vector<16xf32>
        %swap3A_966 = arith.index_cast %scan3A_146 : i32 to index
        %swap3A_967 = arith.constant 928 : index
        %swap3A_968 = tpu.vector_load %arg7[%swap3A_966, %swap3A_967] {strides = array<i32>} : memref<32x1024xf32, #tpu.memory_space<vmem>>, vector<1x16xf32>,
        %swap3A_969 = vector.shape_cast %swap3A_968 : vector<1x16xf32> to vector<16xf32>
        %swap3A_970 = vector.shape_cast %add3A_965 : vector<16xf32> to vector<1x16xf32>
        tpu.vector_store %arg7[%swap3A_966, %swap3A_967], %swap3A_970 {strides = array<i32>} : memref<32x1024xf32, #tpu.memory_space<vmem>>, vector<1x16xf32>,
        %get3A_971 = arith.index_cast %scan3A_146 : i32 to index
        %get3A_972 = arith.constant 944 : index
        %get3A_973 = tpu.vector_load %arg7[%get3A_971, %get3A_972] {strides = array<i32>} : memref<32x1024xf32, #tpu.memory_space<vmem>>, vector<1x16xf32>,
        %get3A_974 = vector.shape_cast %get3A_973 : vector<1x16xf32> to vector<16xf32>
        %get3A_975 = arith.index_cast %scan3A_146 : i32 to index
        %get3A_976 = arith.constant 944 : index
        %get3A_977 = tpu.vector_load %arg5[%get3A_975, %get3A_976] {strides = array<i32>} : memref<32x1024xf32, #tpu.memory_space<vmem>>, vector<1x16xf32>,
        %get3A_978 = vector.shape_cast %get3A_977 : vector<1x16xf32> to vector<16xf32>
        %add3A_979 = arith.addf %get3A_974, %get3A_978 : vector<16xf32>
        %swap3A_980 = arith.index_cast %scan3A_146 : i32 to index
        %swap3A_981 = arith.constant 944 : index
        %swap3A_982 = tpu.vector_load %arg7[%swap3A_980, %swap3A_981] {strides = array<i32>} : memref<32x1024xf32, #tpu.memory_space<vmem>>, vector<1x16xf32>,
        %swap3A_983 = vector.shape_cast %swap3A_982 : vector<1x16xf32> to vector<16xf32>
        %swap3A_984 = vector.shape_cast %add3A_979 : vector<16xf32> to vector<1x16xf32>
        tpu.vector_store %arg7[%swap3A_980, %swap3A_981], %swap3A_984 {strides = array<i32>} : memref<32x1024xf32, #tpu.memory_space<vmem>>, vector<1x16xf32>,
        %get3A_985 = arith.index_cast %scan3A_146 : i32 to index
        %get3A_986 = arith.constant 960 : index
        %get3A_987 = tpu.vector_load %arg7[%get3A_985, %get3A_986] {strides = array<i32>} : memref<32x1024xf32, #tpu.memory_space<vmem>>, vector<1x16xf32>,
        %get3A_988 = vector.shape_cast %get3A_987 : vector<1x16xf32> to vector<16xf32>
        %get3A_989 = arith.index_cast %scan3A_146 : i32 to index
        %get3A_990 = arith.constant 960 : index
        %get3A_991 = tpu.vector_load %arg5[%get3A_989, %get3A_990] {strides = array<i32>} : memref<32x1024xf32, #tpu.memory_space<vmem>>, vector<1x16xf32>,
        %get3A_992 = vector.shape_cast %get3A_991 : vector<1x16xf32> to vector<16xf32>
        %add3A_993 = arith.addf %get3A_988, %get3A_992 : vector<16xf32>
        %swap3A_994 = arith.index_cast %scan3A_146 : i32 to index
        %swap3A_995 = arith.constant 960 : index
        %swap3A_996 = tpu.vector_load %arg7[%swap3A_994, %swap3A_995] {strides = array<i32>} : memref<32x1024xf32, #tpu.memory_space<vmem>>, vector<1x16xf32>,
        %swap3A_997 = vector.shape_cast %swap3A_996 : vector<1x16xf32> to vector<16xf32>
        %swap3A_998 = vector.shape_cast %add3A_993 : vector<16xf32> to vector<1x16xf32>
        tpu.vector_store %arg7[%swap3A_994, %swap3A_995], %swap3A_998 {strides = array<i32>} : memref<32x1024xf32, #tpu.memory_space<vmem>>, vector<1x16xf32>,
        %get3A_999 = arith.index_cast %scan3A_146 : i32 to index
        %get3A_1000 = arith.constant 976 : index
        %get3A_1001 = tpu.vector_load %arg7[%get3A_999, %get3A_1000] {strides = array<i32>} : memref<32x1024xf32, #tpu.memory_space<vmem>>, vector<1x16xf32>,
        %get3A_1002 = vector.shape_cast %get3A_1001 : vector<1x16xf32> to vector<16xf32>
        %get3A_1003 = arith.index_cast %scan3A_146 : i32 to index
        %get3A_1004 = arith.constant 976 : index
        %get3A_1005 = tpu.vector_load %arg5[%get3A_1003, %get3A_1004] {strides = array<i32>} : memref<32x1024xf32, #tpu.memory_space<vmem>>, vector<1x16xf32>,
        %get3A_1006 = vector.shape_cast %get3A_1005 : vector<1x16xf32> to vector<16xf32>
        %add3A_1007 = arith.addf %get3A_1002, %get3A_1006 : vector<16xf32>
        %swap3A_1008 = arith.index_cast %scan3A_146 : i32 to index
        %swap3A_1009 = arith.constant 976 : index
        %swap3A_1010 = tpu.vector_load %arg7[%swap3A_1008, %swap3A_1009] {strides = array<i32>} : memref<32x1024xf32, #tpu.memory_space<vmem>>, vector<1x16xf32>,
        %swap3A_1011 = vector.shape_cast %swap3A_1010 : vector<1x16xf32> to vector<16xf32>
        %swap3A_1012 = vector.shape_cast %add3A_1007 : vector<16xf32> to vector<1x16xf32>
        tpu.vector_store %arg7[%swap3A_1008, %swap3A_1009], %swap3A_1012 {strides = array<i32>} : memref<32x1024xf32, #tpu.memory_space<vmem>>, vector<1x16xf32>,
        %get3A_1013 = arith.index_cast %scan3A_146 : i32 to index
        %get3A_1014 = arith.constant 992 : index
        %get3A_1015 = tpu.vector_load %arg7[%get3A_1013, %get3A_1014] {strides = array<i32>} : memref<32x1024xf32, #tpu.memory_space<vmem>>, vector<1x16xf32>,
        %get3A_1016 = vector.shape_cast %get3A_1015 : vector<1x16xf32> to vector<16xf32>
        %get3A_1017 = arith.index_cast %scan3A_146 : i32 to index
        %get3A_1018 = arith.constant 992 : index
        %get3A_1019 = tpu.vector_load %arg5[%get3A_1017, %get3A_1018] {strides = array<i32>} : memref<32x1024xf32, #tpu.memory_space<vmem>>, vector<1x16xf32>,
        %get3A_1020 = vector.shape_cast %get3A_1019 : vector<1x16xf32> to vector<16xf32>
        %add3A_1021 = arith.addf %get3A_1016, %get3A_1020 : vector<16xf32>
        %swap3A_1022 = arith.index_cast %scan3A_146 : i32 to index
        %swap3A_1023 = arith.constant 992 : index
        %swap3A_1024 = tpu.vector_load %arg7[%swap3A_1022, %swap3A_1023] {strides = array<i32>} : memref<32x1024xf32, #tpu.memory_space<vmem>>, vector<1x16xf32>,
        %swap3A_1025 = vector.shape_cast %swap3A_1024 : vector<1x16xf32> to vector<16xf32>
        %swap3A_1026 = vector.shape_cast %add3A_1021 : vector<16xf32> to vector<1x16xf32>
        tpu.vector_store %arg7[%swap3A_1022, %swap3A_1023], %swap3A_1026 {strides = array<i32>} : memref<32x1024xf32, #tpu.memory_space<vmem>>, vector<1x16xf32>,
        %get3A_1027 = arith.index_cast %scan3A_146 : i32 to index
        %get3A_1028 = arith.constant 1008 : index
        %get3A_1029 = tpu.vector_load %arg7[%get3A_1027, %get3A_1028] {strides = array<i32>} : memref<32x1024xf32, #tpu.memory_space<vmem>>, vector<1x16xf32>,
        %get3A_1030 = vector.shape_cast %get3A_1029 : vector<1x16xf32> to vector<16xf32>
        %get3A_1031 = arith.index_cast %scan3A_146 : i32 to index
        %get3A_1032 = arith.constant 1008 : index
        %get3A_1033 = tpu.vector_load %arg5[%get3A_1031, %get3A_1032] {strides = array<i32>} : memref<32x1024xf32, #tpu.memory_space<vmem>>, vector<1x16xf32>,
        %get3A_1034 = vector.shape_cast %get3A_1033 : vector<1x16xf32> to vector<16xf32>
        %add3A_1035 = arith.addf %get3A_1030, %get3A_1034 : vector<16xf32>
        %swap3A_1036 = arith.index_cast %scan3A_146 : i32 to index
        %swap3A_1037 = arith.constant 1008 : index
        %swap3A_1038 = tpu.vector_load %arg7[%swap3A_1036, %swap3A_1037] {strides = array<i32>} : memref<32x1024xf32, #tpu.memory_space<vmem>>, vector<1x16xf32>,
        %swap3A_1039 = vector.shape_cast %swap3A_1038 : vector<1x16xf32> to vector<16xf32>
        %swap3A_1040 = vector.shape_cast %add3A_1035 : vector<16xf32> to vector<1x16xf32>
        tpu.vector_store %arg7[%swap3A_1036, %swap3A_1037], %swap3A_1040 {strides = array<i32>} : memref<32x1024xf32, #tpu.memory_space<vmem>>, vector<1x16xf32>,
      }
      %scan3A_124 = arith.constant 32 : i32
      %dma_start3A_125 = arith.constant 3 : i32
      %dma_start3A_126 = arith.constant 0 : i32
      %dma_start3A_127 = tpu.memref_slice %arg4[%dma_start3A_125, %add3A_11, %dma_start3A_126] : memref<4x8192x1024xf32, #tpu.memory_space<hbm>> -> memref<1x32x1024xf32, #tpu.memory_space<hbm>>
      %dma_start3A_128 = tpu.memref_squeeze %dma_start3A_127 : memref<1x32x1024xf32, #tpu.memory_space<hbm>> -> memref<32x1024xf32, #tpu.memory_space<hbm>>
      %dma_start3A_129 = arith.constant 0 : i32
      %dma_start3A_130 = tpu.memref_slice %arg4[%dma_start3A_125, %add3A_11, %dma_start3A_129] : memref<4x8192x1024xf32, #tpu.memory_space<hbm>> -> memref<1x32x1024xf32, #tpu.memory_space<hbm>>
      %dma_start3A_131 = tpu.memref_squeeze %dma_start3A_130 : memref<1x32x1024xf32, #tpu.memory_space<hbm>> -> memref<32x1024xf32, #tpu.memory_space<hbm>>
      tpu.enqueue_dma source(%arg7 : memref<32x1024xf32, #tpu.memory_space<vmem>>) target(%dma_start3A_131 : memref<32x1024xf32, #tpu.memory_space<hbm>>) target_semaphore(%arg11 : memref<!tpu.dma_semaphore, #tpu.memory_space<semaphore_mem>>)
      %dma_wait3A_132 = arith.constant 2 : i32
      %dma_wait3A_133 = arith.constant 0 : i32
      %dma_wait3A_134 = tpu.memref_slice %arg4[%dma_wait3A_132, %add3A_11, %dma_wait3A_133] : memref<4x8192x1024xf32, #tpu.memory_space<hbm>> -> memref<1x32x1024xf32, #tpu.memory_space<hbm>>
      %dma_wait3A_135 = tpu.memref_squeeze %dma_wait3A_134 : memref<1x32x1024xf32, #tpu.memory_space<hbm>> -> memref<32x1024xf32, #tpu.memory_space<hbm>>
      %dma_wait3A_136 = arith.constant 0 : i32
      %dma_wait3A_137 = tpu.memref_slice %arg4[%dma_wait3A_132, %add3A_11, %dma_wait3A_136] : memref<4x8192x1024xf32, #tpu.memory_space<hbm>> -> memref<1x32x1024xf32, #tpu.memory_space<hbm>>
      %dma_wait3A_138 = tpu.memref_squeeze %dma_wait3A_137 : memref<1x32x1024xf32, #tpu.memory_space<hbm>> -> memref<32x1024xf32, #tpu.memory_space<hbm>>
      tpu.wait_dma2 semaphore(%arg10 : memref<!tpu.dma_semaphore, #tpu.memory_space<semaphore_mem>>) src(%arg6 : memref<32x1024xf32, #tpu.memory_space<vmem>>) dst(%dma_wait3A_138 : memref<32x1024xf32, #tpu.memory_space<hbm>>)
      %dma_wait3A_139 = arith.constant 3 : i32
      %dma_wait3A_140 = arith.constant 0 : i32
      %dma_wait3A_141 = tpu.memref_slice %arg4[%dma_wait3A_139, %add3A_11, %dma_wait3A_140] : memref<4x8192x1024xf32, #tpu.memory_space<hbm>> -> memref<1x32x1024xf32, #tpu.memory_space<hbm>>
      %dma_wait3A_142 = tpu.memref_squeeze %dma_wait3A_141 : memref<1x32x1024xf32, #tpu.memory_space<hbm>> -> memref<32x1024xf32, #tpu.memory_space<hbm>>
      %dma_wait3A_143 = arith.constant 0 : i32
      %dma_wait3A_144 = tpu.memref_slice %arg4[%dma_wait3A_139, %add3A_11, %dma_wait3A_143] : memref<4x8192x1024xf32, #tpu.memory_space<hbm>> -> memref<1x32x1024xf32, #tpu.memory_space<hbm>>
      %dma_wait3A_145 = tpu.memref_squeeze %dma_wait3A_144 : memref<1x32x1024xf32, #tpu.memory_space<hbm>> -> memref<32x1024xf32, #tpu.memory_space<hbm>>
      tpu.wait_dma2 semaphore(%arg11 : memref<!tpu.dma_semaphore, #tpu.memory_space<semaphore_mem>>) src(%arg7 : memref<32x1024xf32, #tpu.memory_space<vmem>>) dst(%dma_wait3A_145 : memref<32x1024xf32, #tpu.memory_space<hbm>>)
    }
    %scan3A_7 = arith.constant 8 : i32
    return
  }
}

</mosaic_0001>

<sc_bundles>
// kernel: kernel.3.cloned.1.call-start
scs
__scs_entry_jumppad:
0x0: {  	(pc) =	sbr.rel $0x88, $3  }
0x1: {  	(tag) =	ssettag $0x0;
	lr =	simm.s32 $0x1  }
0x2: {  	[smem:$0x3F9F] =	sst lr;
	_ =	strace $0xD0000000  }
0x3: {  	_ = 	snop  }
0x4: {  	_ = 	snop  }
0x5: {  	_ = 	snop  }
0x6: {  	_ = 	snop  }
0x7: {  	_ = 	snop  }
__scs_overlays_trampoline_lowered:
0x8: {  	[smem:$0x3FAE] =	sst s0  }
0x9: {  	[smem:$0x3FAF] =	sst s1  }
0xa: {  	[smem:$0x3FB0] =	sst s2  }
0xb: {  	[smem:$0x3FB1] =	sst s3  }
0xc: {  	[smem:$0x3FB2] =	sst s4  }
0xd: {  	[smem:$0x3FB3] =	sst s5  }
0xe: {  	[smem:$0x3FB4] =	sst s6  }
0xf: {  	[smem:$0x3FB5] =	sst s7  }
0x10: {  	[smem:$0x3FB6] =	sst s8  }
0x11: {  	[smem:$0x3FB7] =	sst s9;
	s0 =	simm.s32 @!p0 $0x0  }
0x12: {  	s1 =	sld [smem:$0x3F9D];
	s0 =	simm.s32 @p0 $0x1  }
0x13: {  	[smem:$0x3FB8] =	sst s0;
	s0 =	simm.s32 @!p1 $0x0  }
0x14: {  	s2 =	sld [smem:$0x3F9C];
	s0 =	simm.s32 @p1 $0x1  }
0x15: {  	[smem:$0x3FB9] =	sst s0;
	s0 =	simm.s32 @!p2 $0x0  }
0x16: {  	s3 =	sld [smem:$0x3FDB];
	s0 =	simm.s32 @p2 $0x1  }
0x17: {  	s4 =	simm.s32 $0x1BF5;
	[smem:$0x3FBB] =	sst s0  }
0x18: {  	s0 =	sld [smem:$0x3F9E];
	_ =	swait.ge [sflag:s4], $0x0  }
0x19: {  	s7 =	sld [smem:$0x3F9F]  }
0x1a: {  	s8 =	sadd.s32 $0xFFFFE003, lr  }
0x1b: {  	s9 =	sadd.s32 $0xFFFFFEF7, lr;
	s5 =	simm.s32 $0xFFFFFFFF;
	p2 =	slt.u32 s8, $0xFFFFF086  }
0x1c: {  	p1 =	slt.u32 s9, $0xF7A;
	s5 =	simm.s32 @!p2 $0x0  }
0x1d: {  	s5 =	simm.s32 @p1 $0x1;
	p0 =	seq.s32 s7, s2  }
0x1e: {  	s7 =	smul.u32 @!p0 $0xF7A, s2;
	p2 =	seq.s32 @!p0 s5, $0x0  }
0x1f: {  	s9 =	smul.u32 $0xF7A, s1;
	s8 =	simm.s32 @!p0 $0x1BF5;
	p2 =	por !p2, p0  }
0x20: {  	[sflag:s8] =	ssyncset.s32 @!p0 $0xFFFFF086;
	s6 =	sadd.s32 @!p0 s3, s7;
	s7 =	simm.s32 @!p0 $0x108  }
0x21: {  	s3 =	sadd.s32 s3, s9;
	s6 =	sadd.s32 @!p0 $0x88, s6;
	s7 =	simm.s32 @p2 $0x1082  }
0x22: {  	[simem:s7], [sflag:s8] =	dma.local @!p0 [hbm:s6], $0xF7A  }
0x23: {  	s9 =	sor.u32 $0xD0000000, s2;
	s6 =	simm.s32 $0x108;
	_ =	swait.ge @!p0 [sflag:s8], $0x0  }
0x24: {  	s3 =	sadd.s32 $0x88, s3;
	s6 =	simm.s32 @!p1 $0x1082;
	[sflag:s4] =	ssyncset.s32 $0xFFFFF086  }
0x25: {  	[simem:s6], [sflag:s4] =	dma.local [hbm:s3], $0xF7A  }
0x26: {  	[smem:$0x3F9F] =	sst s1;
	(tag) =	ssettag s2;
	_ =	strace s9  }
0x27: {  	s1 =	sld [smem:$0x3FAF]  }
0x28: {  	s2 =	sld [smem:$0x3FB0]  }
0x29: {  	s4 =	sld [smem:$0x3FB2]  }
0x2a: {  	p0 =	seq.s32 s5, $0x0;
	s5 =	sld [smem:$0x3FB3]  }
0x2b: {  	s6 =	sld [smem:$0x3FB4]  }
0x2c: {  	s7 =	sld [smem:$0x3FB5]  }
0x2d: {  	s3 =	simm.s32 $0x108;
	s8 =	sld [smem:$0x3FB6]  }
0x2e: {  	s3 =	simm.s32 @!p0 $0x1082;
	s9 =	sld [smem:$0x3FB7]  }
0x2f: {  	lr =	sadd.s32 s0, s3;
	s0 =	sld [smem:$0x3FAE]  }
0x30: {  	s3 =	sld [smem:$0x3FB1]  }
0x31: {  	[smem:$0x3FBA] =	sst s10  }
0x32: {  	s10 =	sld [smem:$0x3FB8];
	_ =	sdelay $0x3  }
0x33: {  	p0 =	seq.s32 s10, $0x1;
	s10 =	sld [smem:$0x3FBA];
	_ =	sdelay $0x3  }
0x34: {  	[smem:$0x3FBA] =	sst s10  }
0x35: {  	s10 =	sld [smem:$0x3FB9];
	_ =	sdelay $0x3  }
0x36: {  	p1 =	seq.s32 s10, $0x1;
	s10 =	sld [smem:$0x3FBA];
	_ =	sdelay $0x3  }
0x37: {  	[smem:$0x3FBA] =	sst s10  }
0x38: {  	s10 =	sld [smem:$0x3FBB]  }
0x39: {  	_ = 	snop;
	(pc) =	sbr.ind lr, $3  }
0x3a: {  	_ = 	snop  }
0x3b: {  	_ = 	snop  }
0x3c: {  	p2 =	seq.s32 s10, $0x1;
	s10 =	sld [smem:$0x3FBA]  }
0x3d: {  	_ =	shalt  }
0x3e: {  	_ =	shalt  }
0x3f: {  	_ =	shalt  }
0x40: {  	_ =	shalt  }
0x41: {  	_ =	shalt  }
0x42: {  	_ =	shalt  }
0x43: {  	_ =	shalt  }
0x44: {  	_ =	shalt  }
0x45: {  	_ =	shalt  }
0x46: {  	_ =	shalt  }
0x47: {  	_ =	shalt  }
0x48: {  	_ =	shalt  }
0x49: {  	_ =	shalt  }
0x4a: {  	_ =	shalt  }
0x4b: {  	_ =	shalt  }
0x4c: {  	_ =	shalt  }
0x4d: {  	_ =	shalt  }
0x4e: {  	_ =	shalt  }
0x4f: {  	_ =	shalt  }
0x50: {  	_ =	shalt  }
0x51: {  	_ =	shalt  }
0x52: {  	_ =	shalt  }
0x53: {  	_ =	shalt  }
0x54: {  	_ =	shalt  }
0x55: {  	_ =	shalt  }
0x56: {  	_ =	shalt  }
0x57: {  	_ =	shalt  }
0x58: {  	_ =	shalt  }
0x59: {  	_ =	shalt  }
0x5a: {  	_ =	shalt  }
0x5b: {  	_ =	shalt  }
0x5c: {  	_ =	shalt  }
0x5d: {  	_ =	shalt  }
0x5e: {  	_ =	shalt  }
0x5f: {  	_ =	shalt  }
0x60: {  	_ =	shalt  }
0x61: {  	_ =	shalt  }
0x62: {  	_ =	shalt  }
0x63: {  	_ =	shalt  }
0x64: {  	_ =	shalt  }
0x65: {  	_ =	shalt  }
0x66: {  	_ =	shalt  }
0x67: {  	_ =	shalt  }
0x68: {  	_ =	shalt  }
0x69: {  	_ =	shalt  }
0x6a: {  	_ =	shalt  }
0x6b: {  	_ =	shalt  }
0x6c: {  	_ =	shalt  }
0x6d: {  	_ =	shalt  }
0x6e: {  	_ =	shalt  }
0x6f: {  	_ =	shalt  }
0x70: {  	_ =	shalt  }
0x71: {  	_ =	shalt  }
0x72: {  	_ =	shalt  }
0x73: {  	_ =	shalt  }
0x74: {  	_ =	shalt  }
0x75: {  	_ =	shalt  }
0x76: {  	_ =	shalt  }
0x77: {  	_ =	shalt  }
0x78: {  	_ =	shalt  }
0x79: {  	_ =	shalt  }
0x7a: {  	_ =	shalt  }
0x7b: {  	_ =	shalt  }
0x7c: {  	_ =	shalt  }
0x7d: {  	_ =	shalt  }
0x7e: {  	_ =	shalt  }
0x7f: {  	_ =	shalt  }
0x80: {  	_ =	shalt  }
0x81: {  	_ =	shalt  }
0x82: {  	_ =	shalt  }
0x83: {  	_ =	shalt  }
0x84: {  	_ =	shalt  }
0x85: {  	_ =	shalt  }
0x86: {  	_ =	shalt  }
0x87: {  	_ =	shalt  }
.Lfunc_end0:
.L_simem_size_0:
called_computation_lowered:
.L_overlay_start_0:
0x88: {  	s2 =	sld [smem:$0x3FD9]  }
0x89: {  	s3 =	sld [smem:$0x3FFE];
	_ =	sdelay $0x1  }
0x8a: {  	s1 =	srdreg.scid  }
0x8b: {  	s0 =	sand.u32 $0x1, s1  }
0x8c: {  	s18 =	sshll.u32 s0, $0xA;
	s2 =	sadd.s32 s3, s2  }
0x8d: {  	s2 =	sadd.s32 s2, s18  }
0x8e: {  	[smem:$0x3FC6] =	sst s2  }
0x8f: {  	_ = 	snop  }
0x90: {  	s2 =	sld [smem:$0x3FC9]  }
0x91: {  	s19 =	sld [smem:$0x3FC8]  }
0x92: {  	s4 =	sld [smem:$0x3FD0];
	(tm) =	ssettm $0x1  }
0x93: {  	s5 =	sld [smem:$0x3FFB];
	_ =	sdelay $0x3  }
0x94: {  	_ =	strace s5  }
0x95: {  	s5 =	sld [smem:$0x3FFC];
	_ =	sdelay $0x3  }
0x96: {  	_ =	strace s5  }
0x97: {  	s5 =	sld [smem:$0x3FFD];
	_ =	sdelay $0x3  }
0x98: {  	_ =	strace s5  }
0x99: {  	_ =	strace $0x8FFFFFFF  }
0x9a: {  	s20 =	sld [smem:$0x3FDB];
	_ =	sdelay $0x1  }
0x9b: {  	s6 =	simm.s32 $_scs_section_size  }
0x9c: {  	s7 =	simm.s32 $_size__tile_overlayer_lowered;
	s8 =	simm.s32 $_tile_overlayer_lowered  }
0x9d: {  	s23 =	simm.s32 $0x1BFF;
	s22 =	sshll.u32 s8, $0x1;
	s5 =	sadd.s32 s6, s20  }
0x9e: {  	s9 =	simm.s32 $0x0;
	s21 =	sshll.u32 s7, $0x1;
	s7 =	sadd.s32 s22, s5  }
0x9f: {  	[timem:s9], [sflag:s23] =	dma.local [hbm:s7], s21  }
0xa0: {  	_ =	swait.ge [sflag:s23], s21  }
0xa1: {  	s6 =	ssub.s32 $0x0, s21;
	[sflag:s23] =	ssyncset.done $0x0  }
0xa2: {  	[sflag:s23] =	ssyncadd.s32 s6;
	_ =	sdelay $0x1  }
0xa3: {  	s24 =	simm.s32 $0x1B8B  }
0xa4: {  	_ =	swait.ge [sflag:s24], $0x1  }
0xa5: {  	[sflag:s24] =	ssyncset.done $0x0  }
0xa6: {  	s25 =	simm.s32 $0x1B8E;
	[sflag:s24] =	ssyncadd.s32 $0xFFFFFFFF  }
0xa7: {  	s26 =	simm.s32 $execute0_lowered;
	[smem:$0x3FD2] =	sst s25  }
0xa8: {  	s6 =	sshll.u32 s26, $0x1;
	_ =	strace $0x80000046;
	[dreg:$0x1] =	wrdreg $0xFFFFFFFF  }
0xa9: {  	s28 =	simm.s32 $_size_execute0_lowered;
	s5 =	sadd.s32 s5, s6;
	[dreg:$0x0] =	wrdreg $0x0  }
0xaa: {  	s6 =	sshll.u32 s28, $0x1;
	[dreg:$0x2] =	wrdreg s5  }
0xab: {  	[dreg:$0x3] =	wrdreg s6  }
0xac: {  	[dreg:$0x4] =	wrdreg $0xC0  }
0xad: {  	_ =	task [dreg:s9], $0x5FFFF  }
0xae: {  	[dreg:$0x1] =	wrdreg $0xFFFFFFFF  }
0xaf: {  	[dreg:$0x0] =	wrdreg $0x60  }
0xb0: {  	[dreg:$0x2] =	wrdreg s2  }
0xb1: {  	[dreg:$0x3] =	wrdreg s19  }
0xb2: {  	[dreg:$0x4] =	wrdreg s4  }
0xb3: {  	[dreg:$0x5] =	wrdreg $0x9  }
0xb4: {  	_ =	task.clear_ibuf [dreg:s9], $0x6FFFF;
	_ =	strace $0x90000046  }
0xb5: {  	s29 =	simm.s32 $0x9;
	_ =	strace $0x80000048  }
0xb6: {  	_ =	swait.ge [sflag:s29], $0x1  }
0xb7: {  	[sflag:s29] =	ssyncadd.s32 $0xFFFFFFFF  }
0xb8: {  	_ =	strace $0x90000048  }
0xb9: {  	_ =	sfence  }
0xba: {  	s30 =	sld [smem:$0x0];
	_ =	sdelay $0x2  }
0xbb: {  	s31 =	sshll.u32 s1, $0xD;
	s1 =	sshrl.u32 s1, $0x2  }
0xbc: {  	s3 =	sand.u32 $0x4000, s31;
	s1 =	sadd.s32 s1, s30  }
0xbd: {  	s0 =	sor.u32 s3, s0;
	s1 =	sshll.u32 s1, $0x11  }
0xbe: {  	s0 =	sor.u32 s1, s0  }
0xbf: {  	s0 =	sadd.s32 $0x8F2B, s0  }
0xc0: {  	[sflag:s0] =	ssyncadd.remote.s32 $0x1  }
0xc1: {  	_ =	sfence.sel $0xFFFF  }
0xc2: {  	[dreg:$0x0] =	wrdreg $0xFFFFFFFF;
	(pc) =	sbr.abs _section_cstart, $3  }
0xc3: {  	[dreg:$0x1] =	wrdreg $0xFFFFFFFF  }
0xc4: {  	_ =	task.clear_ibuf [dreg:s9], $0x2FFFF;
	_ =	strace $0x9FFFFFFF  }
0xc5: {  	(tm) =	ssettm $0x7FFFFFFF  }
tec
execute0_lowered:
.L_overlay_start_1:
0x0: {  	(tag) =	ssettag $0x1  }
0x1: {  	s1 =	rddreg [dreg:$0x0]  }
0x2: {  	s2 =	rddreg [dreg:$0x1]  }
0x3: {  	s3 =	rddreg [dreg:$0x2];
	s4 =	srdreg.scid  }
0x4: {  	s0 =	rddreg [dreg:$0x3];
	s5 =	simm.s32 $0x0;
	s10 =	simm.s32 $0x10000  }
0x5: {  	s11 =	simm.s32 $0x1;
	s12 =	simm.s32 $0x3;
	s13 =	simm.s32 $0x2  }
0x6: {  	s14 =	simm.s32 $0x4;
	s15 =	simm.s32 $0x0;
	s6 =	sand.u32 $0x1, s4  }
0x7: {  	[smem:$0x7FF] =	sst s5;
	s4 =	stileid.u32;
	s7 =	ssub.s32 $0x2, s6  }
0x8: {  	s9 =	sshll.u32 s4, $0x10;
	s6 =	sshll.u32 s6, $0xF;
	s8 =	sshrl.u32 s7, $0x1  }
0x9: {  	_ =	strace $0x80000047;
	s6 =	sor.u32 s6, s9;
	s7 =	ssub.s32 s7, s8  }
0xa: {  	s9 =	simm.s32 $0x8000;
	s8 =	simm.s32 $0x5;
	s7 =	smax.u32 s7, $0x1  }
.LBB2_1:
0xb: {  	s16 =	simm.s32 $0x0  }
.LBB2_2:
0xc: {  	s17 =	sshll.u32 s16, $0xC  }
0xd: {  	s17 =	sadd.s32 s6, s17  }
0xe: {  	s18 =	simm.s32 $0x0;
	s19 =	sadd.s32 s2, s17  }
0xf: {  	[tilespmem:s18], [sflag:$0x5] =	stream.linear.gather [hbm4b:s19+s18], $0x8000, $0x38;
	[tilespmem:$0x18000] =	vst v63  }
0x10: {  	_ =	swait.ge [sflag:s8], $0x8000  }
0x11: {  	[sflag:s8] =	ssyncset.done $0x0  }
0x12: {  	s31 =	sadd.s32 s1, s17;
	s19 =	sor.u32 $0x100000, s17;
	[sflag:s8] =	ssyncadd.s32 $0xFFFF8000  }
0x13: {  	[tilespmem:s9], [sflag:$0x1] =	stream.linear.gather [hbm4b:s31+s18], $0x8000, $0x38;
	[tilespmem:$0x18000] =	vst v63  }
0x14: {  	s20 =	sadd.s32 s1, s19  }
0x15: {  	[tilespmem:s10], [sflag:$0x2] =	stream.linear.gather [hbm4b:s20+s18], $0x8000, $0x38;
	[tilespmem:$0x18000] =	vst v63  }
0x16: {  	_ =	swait.ge [sflag:s11], $0x8000  }
0x17: {  	s21 =	simm.s32 $0x0;
	[sflag:s11] =	ssyncset.done $0x0  }
0x18: {  	s22 =	simm.s32 $0x0;
	s20 =	simm.s32 $0xFFFF8000;
	[sflag:s11] =	ssyncadd.s32 $0xFFFF8000  }
.LBB2_3:
0x19: {  	s23 =	sadd.s32 $0x8000, s20  }
0x1a: {  	s24 =	sand.u32 $0x380, s22;
	s23 =	sand.u32 $0x6000, s23  }
0x1b: {  	s23 =	sor.u32 s24, s23  }
0x1c: {  	v0 =	vld [tilespmem:s23+$0x8000]  }
0x1d: {  	v1 =	vld [tilespmem:s23+$0x0]  }
0x1e: {  	v2 =	vld [tilespmem:s23+$0x8010]  }
0x1f: {  	v3 =	vld [tilespmem:s23+$0x10]  }
0x20: {  	v4 =	vld [tilespmem:s23+$0x8020]  }
0x21: {  	v5 =	vld [tilespmem:s23+$0x20]  }
0x22: {  	v6 =	vld [tilespmem:s23+$0x8030]  }
0x23: {  	v7 =	vld [tilespmem:s23+$0x30]  }
0x24: {  	v8 =	vld [tilespmem:s23+$0x8040]  }
0x25: {  	v9 =	vld [tilespmem:s23+$0x40]  }
0x26: {  	v10 =	vld [tilespmem:s23+$0x8050]  }
0x27: {  	v11 =	vld [tilespmem:s23+$0x50]  }
0x28: {  	v12 =	vld [tilespmem:s23+$0x8060]  }
0x29: {  	v13 =	vld [tilespmem:s23+$0x60]  }
0x2a: {  	v14 =	vld [tilespmem:s23+$0x8070]  }
0x2b: {  	v15 =	vld [tilespmem:s23+$0x70]  }
0x2c: {  	v16 =	vld [tilespmem:s23+$0x8400]  }
0x2d: {  	v17 =	vld [tilespmem:s23+$0x400]  }
0x2e: {  	v18 =	vld [tilespmem:s23+$0x8410]  }
0x2f: {  	v19 =	vld [tilespmem:s23+$0x410]  }
0x30: {  	v20 =	vld [tilespmem:s23+$0x8420]  }
0x31: {  	v21 =	vld [tilespmem:s23+$0x420]  }
0x32: {  	v22 =	vld [tilespmem:s23+$0x8430]  }
0x33: {  	v23 =	vld [tilespmem:s23+$0x430]  }
0x34: {  	v24 =	vld [tilespmem:s23+$0x8440]  }
0x35: {  	v25 =	vld [tilespmem:s23+$0x440]  }
0x36: {  	v26 =	vld [tilespmem:s23+$0x8450]  }
0x37: {  	v27 =	vld [tilespmem:s23+$0x450]  }
0x38: {  	v28 =	vld [tilespmem:s23+$0x8460]  }
0x39: {  	v29 =	vld [tilespmem:s23+$0x460]  }
0x3a: {  	v30 =	vld [tilespmem:s23+$0x8470]  }
0x3b: {  	v31 =	vld [tilespmem:s23+$0x470]  }
0x3c: {  	v32 =	vld [tilespmem:s23+$0x8800]  }
0x3d: {  	v33 =	vld [tilespmem:s23+$0x800]  }
0x3e: {  	v34 =	vld [tilespmem:s23+$0x8810]  }
0x3f: {  	v35 =	vld [tilespmem:s23+$0x810]  }
0x40: {  	v36 =	vld [tilespmem:s23+$0x8820]  }
0x41: {  	v37 =	vld [tilespmem:s23+$0x820]  }
0x42: {  	v38 =	vld [tilespmem:s23+$0x8830]  }
0x43: {  	v39 =	vld [tilespmem:s23+$0x830]  }
0x44: {  	v40 =	vld [tilespmem:s23+$0x8840]  }
0x45: {  	v41 =	vld [tilespmem:s23+$0x840]  }
0x46: {  	v42 =	vld [tilespmem:s23+$0x8850]  }
0x47: {  	v43 =	vld [tilespmem:s23+$0x850]  }
0x48: {  	v44 =	vld [tilespmem:s23+$0x8860]  }
0x49: {  	v45 =	vld [tilespmem:s23+$0x860]  }
0x4a: {  	v46 =	vld [tilespmem:s23+$0x8870]  }
0x4b: {  	v47 =	vld [tilespmem:s23+$0x870]  }
0x4c: {  	v48 =	vld [tilespmem:s23+$0x8C00]  }
0x4d: {  	v49 =	vld [tilespmem:s23+$0xC00]  }
0x4e: {  	v50 =	vld [tilespmem:s23+$0x8C10]  }
0x4f: {  	v51 =	vld [tilespmem:s23+$0xC10]  }
0x50: {  	v52 =	vld [tilespmem:s23+$0x8C20]  }
0x51: {  	v53 =	vld [tilespmem:s23+$0xC20]  }
0x52: {  	v54 =	vld [tilespmem:s23+$0x8C30]  }
0x53: {  	v55 =	vld [tilespmem:s23+$0xC30]  }
0x54: {  	v56 =	vld [tilespmem:s23+$0x8C40]  }
0x55: {  	v57 =	vld [tilespmem:s23+$0xC40]  }
0x56: {  	v58 =	vld [tilespmem:s23+$0x8C50]  }
0x57: {  	v59 =	vld [tilespmem:s23+$0xC50]  }
0x58: {  	v60 =	vld [tilespmem:s23+$0x8C60]  }
0x59: {  	v0 =	vadd.f32 v1, v0;
	v1 =	vld [tilespmem:s23+$0xC60]  }
0x5a: {  	v2 =	vadd.f32 v3, v2;
	v3 =	vld [tilespmem:s23+$0x8C70]  }
0x5b: {  	v63 =	vadd.f32 v5, v4;
	v4 =	vld [tilespmem:s23+$0xC70];
	[tilespmem:s23+$0x8000] =	vst v0  }
0x5c: {  	v61 =	vadd.f32 v7, v6;
	v5 =	vld [tilespmem:s23+$0x9000];
	[tilespmem:s23+$0x8010] =	vst v2  }
0x5d: {  	v62 =	vadd.f32 v9, v8;
	v6 =	vld [tilespmem:s23+$0x1000];
	[tilespmem:s23+$0x8020] =	vst v63  }
0x5e: {  	v7 =	vld [tilespmem:s23+$0x9010];
	v13 =	vadd.f32 v13, v12;
	[tilespmem:s23+$0x8030] =	vst v61  }
0x5f: {  	v8 =	vld [tilespmem:s23+$0x1010];
	v15 =	vadd.f32 v15, v14;
	[tilespmem:s23+$0x8040] =	vst v62  }
0x60: {  	v9 =	vld [tilespmem:s23+$0x9020];
	v17 =	vadd.f32 v17, v16;
	[tilespmem:s23+$0x8060] =	vst v13  }
0x61: {  	v19 =	vadd.f32 v19, v18;
	v12 =	vld [tilespmem:s23+$0x1030];
	[tilespmem:s23+$0x8070] =	vst v15  }
0x62: {  	v21 =	vadd.f32 v21, v20;
	v14 =	vld [tilespmem:s23+$0x1040];
	[tilespmem:s23+$0x8400] =	vst v17  }
0x63: {  	v23 =	vadd.f32 v23, v22;
	v16 =	vld [tilespmem:s23+$0x1050];
	[tilespmem:s23+$0x8410] =	vst v19  }
0x64: {  	v25 =	vadd.f32 v25, v24;
	v20 =	vld [tilespmem:s23+$0x1070];
	[tilespmem:s23+$0x8420] =	vst v21  }
0x65: {  	v27 =	vadd.f32 v27, v26;
	v22 =	vld [tilespmem:s23+$0x1400];
	[tilespmem:s23+$0x8430] =	vst v23  }
0x66: {  	v29 =	vadd.f32 v29, v28;
	v24 =	vld [tilespmem:s23+$0x1410];
	[tilespmem:s23+$0x8440] =	vst v25  }
0x67: {  	v28 =	vadd.f32 v37, v36;
	v37 =	vld [tilespmem:s23+$0x9430];
	[tilespmem:s23+$0x8450] =	vst v27  }
0x68: {  	v36 =	vadd.f32 v51, v50;
	v51 =	vld [tilespmem:s23+$0x1460];
	[tilespmem:s23+$0x8460] =	vst v29  }
0x69: {  	v63 =	vadd.f32 v11, v10;
	v10 =	vld [tilespmem:s23+$0x1020];
	[tilespmem:s23+$0x8820] =	vst v28  }
0x6a: {  	v11 =	vld [tilespmem:s23+$0x9030];
	v61 =	vadd.f32 v31, v30;
	[tilespmem:s23+$0x8C10] =	vst v36  }
0x6b: {  	v13 =	vld [tilespmem:s23+$0x9040];
	v62 =	vadd.f32 v33, v32;
	[tilespmem:s23+$0x8050] =	vst v63  }
0x6c: {  	v15 =	vld [tilespmem:s23+$0x9050];
	v27 =	vadd.f32 v35, v34;
	[tilespmem:s23+$0x8470] =	vst v61  }
0x6d: {  	v17 =	vld [tilespmem:s23+$0x9060];
	v29 =	vadd.f32 v39, v38;
	[tilespmem:s23+$0x8800] =	vst v62  }
0x6e: {  	v19 =	vld [tilespmem:s23+$0x9070];
	v30 =	vadd.f32 v41, v40;
	[tilespmem:s23+$0x8810] =	vst v27  }
0x6f: {  	v21 =	vld [tilespmem:s23+$0x9400];
	v31 =	vadd.f32 v43, v42;
	[tilespmem:s23+$0x8830] =	vst v29  }
0x70: {  	v23 =	vld [tilespmem:s23+$0x9410];
	v32 =	vadd.f32 v45, v44;
	[tilespmem:s23+$0x8840] =	vst v30  }
0x71: {  	v33 =	vadd.f32 v47, v46;
	v25 =	vld [tilespmem:s23+$0x9420];
	[tilespmem:s23+$0x8850] =	vst v31  }
0x72: {  	v34 =	vadd.f32 v49, v48;
	v35 =	vld [tilespmem:s23+$0x1420];
	[tilespmem:s23+$0x8860] =	vst v32  }
0x73: {  	v38 =	vadd.f32 v53, v52;
	v39 =	vld [tilespmem:s23+$0x1430];
	[tilespmem:s23+$0x8870] =	vst v33  }
0x74: {  	v40 =	vadd.f32 v55, v54;
	v41 =	vld [tilespmem:s23+$0x9440];
	[tilespmem:s23+$0x8C00] =	vst v34  }
0x75: {  	v42 =	vadd.f32 v57, v56;
	v43 =	vld [tilespmem:s23+$0x1440];
	[tilespmem:s23+$0x8C20] =	vst v38  }
0x76: {  	v44 =	vadd.f32 v59, v58;
	v45 =	vld [tilespmem:s23+$0x9450];
	[tilespmem:s23+$0x8C30] =	vst v40  }
0x77: {  	v47 =	vld [tilespmem:s23+$0x1450];
	[tilespmem:s23+$0x8C40] =	vst v42;
	v46 =	vadd.f32 v1, v60  }
0x78: {  	v49 =	vld [tilespmem:s23+$0x9460];
	[tilespmem:s23+$0x8C50] =	vst v44;
	v48 =	vadd.f32 v4, v3  }
0x79: {  	v53 =	vld [tilespmem:s23+$0x9470];
	v50 =	vadd.f32 v6, v5;
	[tilespmem:s23+$0x8C60] =	vst v46  }
0x7a: {  	v55 =	vld [tilespmem:s23+$0x1470];
	v52 =	vadd.f32 v8, v7;
	[tilespmem:s23+$0x8C70] =	vst v48  }
0x7b: {  	v57 =	vld [tilespmem:s23+$0x9800];
	[tilespmem:s23+$0x9000] =	vst v50;
	v54 =	vadd.f32 v10, v9  }
0x7c: {  	v59 =	vld [tilespmem:s23+$0x1800];
	[tilespmem:s23+$0x9010] =	vst v52;
	v56 =	vadd.f32 v12, v11  }
0x7d: {  	v36 =	vld [tilespmem:s23+$0x1830];
	v58 =	vadd.f32 v14, v13;
	[tilespmem:s23+$0x9020] =	vst v54  }
0x7e: {  	v63 =	vld [tilespmem:s23+$0x1060];
	v60 =	vadd.f32 v16, v15;
	[tilespmem:s23+$0x9030] =	vst v56  }
0x7f: {  	v61 =	vld [tilespmem:s23+$0x9810];
	v19 =	vadd.f32 v20, v19;
	[tilespmem:s23+$0x9040] =	vst v58  }
0x80: {  	v32 =	vld [tilespmem:s23+$0x1820];
	v22 =	vadd.f32 v22, v21;
	[tilespmem:s23+$0x9050] =	vst v60  }
0x81: {  	v34 =	vld [tilespmem:s23+$0x9830];
	v33 =	vadd.f32 v24, v23;
	[tilespmem:s23+$0x9070] =	vst v19  }
0x82: {  	v38 =	vld [tilespmem:s23+$0x9840];
	v35 =	vadd.f32 v35, v25;
	[tilespmem:s23+$0x9400] =	vst v22  }
0x83: {  	v40 =	vld [tilespmem:s23+$0x9850];
	v37 =	vadd.f32 v39, v37;
	[tilespmem:s23+$0x9410] =	vst v33  }
0x84: {  	v20 =	vld [tilespmem:s23+$0x9820];
	v39 =	vadd.f32 v43, v41;
	[tilespmem:s23+$0x9420] =	vst v35  }
0x85: {  	v1 =	vadd.f32 v47, v45;
	v41 =	vld [tilespmem:s23+$0x1850];
	[tilespmem:s23+$0x9430] =	vst v37  }
0x86: {  	v42 =	vadd.f32 v51, v49;
	v43 =	vld [tilespmem:s23+$0x9860];
	[tilespmem:s23+$0x9440] =	vst v39  }
0x87: {  	v44 =	vadd.f32 v55, v53;
	v45 =	vld [tilespmem:s23+$0x1860];
	[tilespmem:s23+$0x9450] =	vst v1  }
0x88: {  	v46 =	vadd.f32 v59, v57;
	v47 =	vld [tilespmem:s23+$0x9870];
	[tilespmem:s23+$0x9460] =	vst v42  }
0x89: {  	v49 =	vld [tilespmem:s23+$0x1870];
	v62 =	vadd.f32 v63, v17;
	[tilespmem:s23+$0x9470] =	vst v44  }
0x8a: {  	v63 =	vld [tilespmem:s23+$0x1810];
	[tilespmem:s23+$0x9800] =	vst v46;
	v52 =	vadd.f32 v36, v34  }
0x8b: {  	v51 =	vld [tilespmem:s23+$0x1840];
	[tilespmem:s23+$0x9060] =	vst v62;
	v50 =	vadd.f32 v32, v20  }
0x8c: {  	[tilespmem:s23+$0x9830] =	vst v52;
	v53 =	vadd.f32 v41, v40  }
0x8d: {  	v54 =	vadd.f32 v45, v43;
	[tilespmem:s23+$0x9820] =	vst v50  }
0x8e: {  	s30 =	sand.u32 $0x7, s18;
	v55 =	vadd.f32 v49, v47;
	[tilespmem:s23+$0x9850] =	vst v53  }
0x8f: {  	s24 =	sshll.u32 s30, $0x7;
	v48 =	vadd.f32 v63, v61;
	[tilespmem:s23+$0x9860] =	vst v54  }
0x90: {  	s24 =	sadd.s32 s24, s21;
	v56 =	vadd.f32 v51, v38;
	[tilespmem:s23+$0x9870] =	vst v55  }
0x91: {  	s25 =	sor.u32 $0x1C00, s24;
	[tilespmem:s23+$0x9810] =	vst v48  }
0x92: {  	[tilespmem:s23+$0x9840] =	vst v56;
	v0 =	vld [tilespmem:s25+$0x8000]  }
0x93: {  	v1 =	vld [tilespmem:s25+$0x0];
	_ =	sdelay $0x4  }
0x94: {  	v0 =	vadd.f32 v1, v0;
	_ =	sdelay $0x1  }
0x95: {  	s31 =	sor.u32 $0x1C10, s24;
	[tilespmem:s25+$0x8000] =	vst v0  }
0x96: {  	v0 =	vld [tilespmem:s31+$0x8000]  }
0x97: {  	v57 =	vld [tilespmem:s31+$0x0];
	_ =	sdelay $0x4  }
0x98: {  	v0 =	vadd.f32 v57, v0;
	_ =	sdelay $0x1  }
0x99: {  	s25 =	sor.u32 $0x1C20, s24;
	[tilespmem:s31+$0x8000] =	vst v0  }
0x9a: {  	v0 =	vld [tilespmem:s25+$0x8000]  }
0x9b: {  	v58 =	vld [tilespmem:s25+$0x0];
	_ =	sdelay $0x4  }
0x9c: {  	v0 =	vadd.f32 v58, v0;
	_ =	sdelay $0x1  }
0x9d: {  	s26 =	sor.u32 $0x1C30, s24;
	[tilespmem:s25+$0x8000] =	vst v0  }
0x9e: {  	v0 =	vld [tilespmem:s26+$0x8000]  }
0x9f: {  	v59 =	vld [tilespmem:s26+$0x0];
	_ =	sdelay $0x4  }
0xa0: {  	v0 =	vadd.f32 v59, v0;
	_ =	sdelay $0x1  }
0xa1: {  	s28 =	sor.u32 $0x1C40, s24;
	[tilespmem:s26+$0x8000] =	vst v0  }
0xa2: {  	v0 =	vld [tilespmem:s28+$0x8000]  }
0xa3: {  	v60 =	vld [tilespmem:s28+$0x0];
	_ =	sdelay $0x4  }
0xa4: {  	v0 =	vadd.f32 v60, v0;
	_ =	sdelay $0x1  }
0xa5: {  	s29 =	sor.u32 $0x1C50, s24;
	[tilespmem:s28+$0x8000] =	vst v0  }
0xa6: {  	v0 =	vld [tilespmem:s29+$0x8000]  }
0xa7: {  	v61 =	vld [tilespmem:s29+$0x0];
	_ =	sdelay $0x4  }
0xa8: {  	v0 =	vadd.f32 v61, v0;
	_ =	sdelay $0x1  }
0xa9: {  	s30 =	sor.u32 $0x1C60, s24;
	[tilespmem:s29+$0x8000] =	vst v0  }
0xaa: {  	v0 =	vld [tilespmem:s30+$0x8000]  }
0xab: {  	v62 =	vld [tilespmem:s30+$0x0];
	_ =	sdelay $0x4  }
0xac: {  	v0 =	vadd.f32 v62, v0;
	_ =	sdelay $0x1  }
0xad: {  	s31 =	sor.u32 $0x1C70, s24;
	[tilespmem:s30+$0x8000] =	vst v0  }
0xae: {  	v0 =	vld [tilespmem:s31+$0x8000]  }
0xaf: {  	v63 =	vld [tilespmem:s31+$0x0];
	_ =	sdelay $0x1  }
0xb0: {  	p0 =	sne.s32 s22, $0xF80  }
.Ltmp0:
0xb1: {  	_ = 	snop;
	(pc) =	sbr.rel @p0 .LBB2_3-.Ltmp0, $4  }
0xb2: {  	_ = 	snop  }
0xb3: {  	v0 =	vadd.f32 v63, v0  }
0xb4: {  	s18 =	sadd.s32 $0x1, s18  }
0xb5: {  	s20 =	sadd.s32 $0x400, s20;
	s22 =	sadd.s32 $0x80, s22;
	s21 =	sadd.s32 $0x400, s21;
	[tilespmem:s31+$0x8000] =	vst v0  }
0xb6: {  	s18 =	sadd.s32 s3, s17;
	s20 =	simm.s32 $0x0  }
0xb7: {  	[hbm4b:s18+s20] =	stream.linear.scatter [tilespmem:s9], [sflag:$0x3], $0x8000, $0x38;
	[tilespmem:$0x18000] =	vst v63  }
0xb8: {  	_ =	swait.ge [sflag:s12], $0x8000  }
0xb9: {  	s18 =	sor.u32 $0x200000, s17;
	[sflag:s12] =	ssyncset.done $0x0  }
0xba: {  	s21 =	sadd.s32 s1, s18;
	[sflag:s12] =	ssyncadd.s32 $0xFFFF8000  }
0xbb: {  	[tilespmem:s9], [sflag:$0x1] =	stream.linear.gather [hbm4b:s21+s20], $0x8000, $0x38;
	[tilespmem:$0x18000] =	vst v63  }
0xbc: {  	_ =	swait.ge [sflag:s13], $0x8000  }
0xbd: {  	s22 =	simm.s32 $0x0;
	[sflag:s13] =	ssyncset.done $0x0  }
0xbe: {  	s23 =	simm.s32 $0x0;
	s21 =	simm.s32 $0xFFFF8000;
	[sflag:s13] =	ssyncadd.s32 $0xFFFF8000  }
.LBB2_5:
0xbf: {  	s24 =	sadd.s32 $0x8000, s21  }
0xc0: {  	s25 =	sand.u32 $0x380, s23;
	s24 =	sand.u32 $0x6000, s24  }
0xc1: {  	s24 =	sor.u32 s25, s24  }
0xc2: {  	v0 =	vld [tilespmem:s24+$0x10000]  }
0xc3: {  	v1 =	vld [tilespmem:s24+$0x0]  }
0xc4: {  	v2 =	vld [tilespmem:s24+$0x10010]  }
0xc5: {  	v3 =	vld [tilespmem:s24+$0x10]  }
0xc6: {  	v4 =	vld [tilespmem:s24+$0x10020]  }
0xc7: {  	v5 =	vld [tilespmem:s24+$0x20]  }
0xc8: {  	v6 =	vld [tilespmem:s24+$0x10030]  }
0xc9: {  	v7 =	vld [tilespmem:s24+$0x30]  }
0xca: {  	v8 =	vld [tilespmem:s24+$0x10040]  }
0xcb: {  	v9 =	vld [tilespmem:s24+$0x40]  }
0xcc: {  	v10 =	vld [tilespmem:s24+$0x10050]  }
0xcd: {  	v11 =	vld [tilespmem:s24+$0x50]  }
0xce: {  	v12 =	vld [tilespmem:s24+$0x10060]  }
0xcf: {  	v13 =	vld [tilespmem:s24+$0x60]  }
0xd0: {  	v14 =	vld [tilespmem:s24+$0x10070]  }
0xd1: {  	v15 =	vld [tilespmem:s24+$0x70]  }
0xd2: {  	v16 =	vld [tilespmem:s24+$0x10400]  }
0xd3: {  	v17 =	vld [tilespmem:s24+$0x400]  }
0xd4: {  	v18 =	vld [tilespmem:s24+$0x10410]  }
0xd5: {  	v19 =	vld [tilespmem:s24+$0x410]  }
0xd6: {  	v20 =	vld [tilespmem:s24+$0x10420]  }
0xd7: {  	v21 =	vld [tilespmem:s24+$0x420]  }
0xd8: {  	v22 =	vld [tilespmem:s24+$0x10430]  }
0xd9: {  	v23 =	vld [tilespmem:s24+$0x430]  }
0xda: {  	v24 =	vld [tilespmem:s24+$0x10440]  }
0xdb: {  	v25 =	vld [tilespmem:s24+$0x440]  }
0xdc: {  	v26 =	vld [tilespmem:s24+$0x10450]  }
0xdd: {  	v27 =	vld [tilespmem:s24+$0x450]  }
0xde: {  	v28 =	vld [tilespmem:s24+$0x10460]  }
0xdf: {  	v29 =	vld [tilespmem:s24+$0x460]  }
0xe0: {  	v30 =	vld [tilespmem:s24+$0x10470]  }
0xe1: {  	v31 =	vld [tilespmem:s24+$0x470]  }
0xe2: {  	v32 =	vld [tilespmem:s24+$0x10800]  }
0xe3: {  	v33 =	vld [tilespmem:s24+$0x800]  }
0xe4: {  	v34 =	vld [tilespmem:s24+$0x10810]  }
0xe5: {  	v35 =	vld [tilespmem:s24+$0x810]  }
0xe6: {  	v36 =	vld [tilespmem:s24+$0x10820]  }
0xe7: {  	v37 =	vld [tilespmem:s24+$0x820]  }
0xe8: {  	v38 =	vld [tilespmem:s24+$0x10830]  }
0xe9: {  	v39 =	vld [tilespmem:s24+$0x830]  }
0xea: {  	v40 =	vld [tilespmem:s24+$0x10840]  }
0xeb: {  	v41 =	vld [tilespmem:s24+$0x840]  }
0xec: {  	v42 =	vld [tilespmem:s24+$0x10850]  }
0xed: {  	v43 =	vld [tilespmem:s24+$0x850]  }
0xee: {  	v44 =	vld [tilespmem:s24+$0x10860]  }
0xef: {  	v45 =	vld [tilespmem:s24+$0x860]  }
0xf0: {  	v46 =	vld [tilespmem:s24+$0x10870]  }
0xf1: {  	v47 =	vld [tilespmem:s24+$0x870]  }
0xf2: {  	v48 =	vld [tilespmem:s24+$0x10C00]  }
0xf3: {  	v49 =	vld [tilespmem:s24+$0xC00]  }
0xf4: {  	v50 =	vld [tilespmem:s24+$0x10C10]  }
0xf5: {  	v51 =	vld [tilespmem:s24+$0xC10]  }
0xf6: {  	v52 =	vld [tilespmem:s24+$0x10C20]  }
0xf7: {  	v53 =	vld [tilespmem:s24+$0xC20]  }
0xf8: {  	v54 =	vld [tilespmem:s24+$0x10C30]  }
0xf9: {  	v55 =	vld [tilespmem:s24+$0xC30]  }
0xfa: {  	v56 =	vld [tilespmem:s24+$0x10C40]  }
0xfb: {  	v57 =	vld [tilespmem:s24+$0xC40]  }
0xfc: {  	v58 =	vld [tilespmem:s24+$0x10C50]  }
0xfd: {  	v59 =	vld [tilespmem:s24+$0xC50]  }
0xfe: {  	v60 =	vld [tilespmem:s24+$0x10C60]  }
0xff: {  	v0 =	vadd.f32 v1, v0;
	v1 =	vld [tilespmem:s24+$0xC60]  }
0x100: {  	v2 =	vadd.f32 v3, v2;
	v3 =	vld [tilespmem:s24+$0x10C70]  }
0x101: {  	v63 =	vadd.f32 v5, v4;
	v4 =	vld [tilespmem:s24+$0xC70];
	[tilespmem:s24+$0x10000] =	vst v0  }
0x102: {  	v61 =	vadd.f32 v7, v6;
	v5 =	vld [tilespmem:s24+$0x11000];
	[tilespmem:s24+$0x10010] =	vst v2  }
0x103: {  	v62 =	vadd.f32 v9, v8;
	v6 =	vld [tilespmem:s24+$0x1000];
	[tilespmem:s24+$0x10020] =	vst v63  }
0x104: {  	v7 =	vld [tilespmem:s24+$0x11010];
	v13 =	vadd.f32 v13, v12;
	[tilespmem:s24+$0x10030] =	vst v61  }
0x105: {  	v8 =	vld [tilespmem:s24+$0x1010];
	v15 =	vadd.f32 v15, v14;
	[tilespmem:s24+$0x10040] =	vst v62  }
0x106: {  	v9 =	vld [tilespmem:s24+$0x11020];
	v17 =	vadd.f32 v17, v16;
	[tilespmem:s24+$0x10060] =	vst v13  }
0x107: {  	v19 =	vadd.f32 v19, v18;
	v12 =	vld [tilespmem:s24+$0x1030];
	[tilespmem:s24+$0x10070] =	vst v15  }
0x108: {  	v21 =	vadd.f32 v21, v20;
	v14 =	vld [tilespmem:s24+$0x1040];
	[tilespmem:s24+$0x10400] =	vst v17  }
0x109: {  	v23 =	vadd.f32 v23, v22;
	v16 =	vld [tilespmem:s24+$0x1050];
	[tilespmem:s24+$0x10410] =	vst v19  }
0x10a: {  	v25 =	vadd.f32 v25, v24;
	v20 =	vld [tilespmem:s24+$0x1070];
	[tilespmem:s24+$0x10420] =	vst v21  }
0x10b: {  	v27 =	vadd.f32 v27, v26;
	v22 =	vld [tilespmem:s24+$0x1400];
	[tilespmem:s24+$0x10430] =	vst v23  }
0x10c: {  	v29 =	vadd.f32 v29, v28;
	v24 =	vld [tilespmem:s24+$0x1410];
	[tilespmem:s24+$0x10440] =	vst v25  }
0x10d: {  	v28 =	vadd.f32 v37, v36;
	v37 =	vld [tilespmem:s24+$0x11430];
	[tilespmem:s24+$0x10450] =	vst v27  }
0x10e: {  	v36 =	vadd.f32 v51, v50;
	v51 =	vld [tilespmem:s24+$0x1460];
	[tilespmem:s24+$0x10460] =	vst v29  }
0x10f: {  	v63 =	vadd.f32 v11, v10;
	v10 =	vld [tilespmem:s24+$0x1020];
	[tilespmem:s24+$0x10820] =	vst v28  }
0x110: {  	v11 =	vld [tilespmem:s24+$0x11030];
	v61 =	vadd.f32 v31, v30;
	[tilespmem:s24+$0x10C10] =	vst v36  }
0x111: {  	v13 =	vld [tilespmem:s24+$0x11040];
	v62 =	vadd.f32 v33, v32;
	[tilespmem:s24+$0x10050] =	vst v63  }
0x112: {  	v15 =	vld [tilespmem:s24+$0x11050];
	v27 =	vadd.f32 v35, v34;
	[tilespmem:s24+$0x10470] =	vst v61  }
0x113: {  	v17 =	vld [tilespmem:s24+$0x11060];
	v29 =	vadd.f32 v39, v38;
	[tilespmem:s24+$0x10800] =	vst v62  }
0x114: {  	v19 =	vld [tilespmem:s24+$0x11070];
	v30 =	vadd.f32 v41, v40;
	[tilespmem:s24+$0x10810] =	vst v27  }
0x115: {  	v21 =	vld [tilespmem:s24+$0x11400];
	v31 =	vadd.f32 v43, v42;
	[tilespmem:s24+$0x10830] =	vst v29  }
0x116: {  	v23 =	vld [tilespmem:s24+$0x11410];
	v32 =	vadd.f32 v45, v44;
	[tilespmem:s24+$0x10840] =	vst v30  }
0x117: {  	v33 =	vadd.f32 v47, v46;
	v25 =	vld [tilespmem:s24+$0x11420];
	[tilespmem:s24+$0x10850] =	vst v31  }
0x118: {  	v34 =	vadd.f32 v49, v48;
	v35 =	vld [tilespmem:s24+$0x1420];
	[tilespmem:s24+$0x10860] =	vst v32  }
0x119: {  	v38 =	vadd.f32 v53, v52;
	v39 =	vld [tilespmem:s24+$0x1430];
	[tilespmem:s24+$0x10870] =	vst v33  }
0x11a: {  	v40 =	vadd.f32 v55, v54;
	v41 =	vld [tilespmem:s24+$0x11440];
	[tilespmem:s24+$0x10C00] =	vst v34  }
0x11b: {  	v42 =	vadd.f32 v57, v56;
	v43 =	vld [tilespmem:s24+$0x1440];
	[tilespmem:s24+$0x10C20] =	vst v38  }
0x11c: {  	v44 =	vadd.f32 v59, v58;
	v45 =	vld [tilespmem:s24+$0x11450];
	[tilespmem:s24+$0x10C30] =	vst v40  }
0x11d: {  	v47 =	vld [tilespmem:s24+$0x1450];
	[tilespmem:s24+$0x10C40] =	vst v42;
	v46 =	vadd.f32 v1, v60  }
0x11e: {  	v49 =	vld [tilespmem:s24+$0x11460];
	[tilespmem:s24+$0x10C50] =	vst v44;
	v48 =	vadd.f32 v4, v3  }
0x11f: {  	v53 =	vld [tilespmem:s24+$0x11470];
	v50 =	vadd.f32 v6, v5;
	[tilespmem:s24+$0x10C60] =	vst v46  }
0x120: {  	v55 =	vld [tilespmem:s24+$0x1470];
	v52 =	vadd.f32 v8, v7;
	[tilespmem:s24+$0x10C70] =	vst v48  }
0x121: {  	v57 =	vld [tilespmem:s24+$0x11800];
	[tilespmem:s24+$0x11000] =	vst v50;
	v54 =	vadd.f32 v10, v9  }
0x122: {  	v59 =	vld [tilespmem:s24+$0x1800];
	[tilespmem:s24+$0x11010] =	vst v52;
	v56 =	vadd.f32 v12, v11  }
0x123: {  	v36 =	vld [tilespmem:s24+$0x1830];
	v58 =	vadd.f32 v14, v13;
	[tilespmem:s24+$0x11020] =	vst v54  }
0x124: {  	v63 =	vld [tilespmem:s24+$0x1060];
	v60 =	vadd.f32 v16, v15;
	[tilespmem:s24+$0x11030] =	vst v56  }
0x125: {  	v61 =	vld [tilespmem:s24+$0x11810];
	v19 =	vadd.f32 v20, v19;
	[tilespmem:s24+$0x11040] =	vst v58  }
0x126: {  	v32 =	vld [tilespmem:s24+$0x1820];
	v22 =	vadd.f32 v22, v21;
	[tilespmem:s24+$0x11050] =	vst v60  }
0x127: {  	v34 =	vld [tilespmem:s24+$0x11830];
	v33 =	vadd.f32 v24, v23;
	[tilespmem:s24+$0x11070] =	vst v19  }
0x128: {  	v38 =	vld [tilespmem:s24+$0x11840];
	v35 =	vadd.f32 v35, v25;
	[tilespmem:s24+$0x11400] =	vst v22  }
0x129: {  	v40 =	vld [tilespmem:s24+$0x11850];
	v37 =	vadd.f32 v39, v37;
	[tilespmem:s24+$0x11410] =	vst v33  }
0x12a: {  	v20 =	vld [tilespmem:s24+$0x11820];
	v39 =	vadd.f32 v43, v41;
	[tilespmem:s24+$0x11420] =	vst v35  }
0x12b: {  	v1 =	vadd.f32 v47, v45;
	v41 =	vld [tilespmem:s24+$0x1850];
	[tilespmem:s24+$0x11430] =	vst v37  }
0x12c: {  	v42 =	vadd.f32 v51, v49;
	v43 =	vld [tilespmem:s24+$0x11860];
	[tilespmem:s24+$0x11440] =	vst v39  }
0x12d: {  	v44 =	vadd.f32 v55, v53;
	v45 =	vld [tilespmem:s24+$0x1860];
	[tilespmem:s24+$0x11450] =	vst v1  }
0x12e: {  	v46 =	vadd.f32 v59, v57;
	v47 =	vld [tilespmem:s24+$0x11870];
	[tilespmem:s24+$0x11460] =	vst v42  }
0x12f: {  	v49 =	vld [tilespmem:s24+$0x1870];
	v62 =	vadd.f32 v63, v17;
	[tilespmem:s24+$0x11470] =	vst v44  }
0x130: {  	v63 =	vld [tilespmem:s24+$0x1810];
	[tilespmem:s24+$0x11800] =	vst v46;
	v52 =	vadd.f32 v36, v34  }
0x131: {  	v51 =	vld [tilespmem:s24+$0x1840];
	[tilespmem:s24+$0x11060] =	vst v62;
	v50 =	vadd.f32 v32, v20  }
0x132: {  	[tilespmem:s24+$0x11830] =	vst v52;
	v53 =	vadd.f32 v41, v40  }
0x133: {  	v54 =	vadd.f32 v45, v43;
	[tilespmem:s24+$0x11820] =	vst v50  }
0x134: {  	s29 =	sand.u32 $0x7, s20;
	v55 =	vadd.f32 v49, v47;
	[tilespmem:s24+$0x11850] =	vst v53  }
0x135: {  	s25 =	sshll.u32 s29, $0x7;
	v48 =	vadd.f32 v63, v61;
	[tilespmem:s24+$0x11860] =	vst v54  }
0x136: {  	s25 =	sadd.s32 s25, s22;
	v56 =	vadd.f32 v51, v38;
	[tilespmem:s24+$0x11870] =	vst v55  }
0x137: {  	s26 =	sor.u32 $0x1C00, s25;
	[tilespmem:s24+$0x11810] =	vst v48  }
0x138: {  	[tilespmem:s24+$0x11840] =	vst v56;
	v0 =	vld [tilespmem:s26+$0x10000]  }
0x139: {  	v1 =	vld [tilespmem:s26+$0x0];
	_ =	sdelay $0x4  }
0x13a: {  	v0 =	vadd.f32 v1, v0;
	_ =	sdelay $0x1  }
0x13b: {  	s30 =	sor.u32 $0x1C10, s25;
	[tilespmem:s26+$0x10000] =	vst v0  }
0x13c: {  	v0 =	vld [tilespmem:s30+$0x10000]  }
0x13d: {  	v57 =	vld [tilespmem:s30+$0x0];
	_ =	sdelay $0x4  }
0x13e: {  	v0 =	vadd.f32 v57, v0;
	_ =	sdelay $0x1  }
0x13f: {  	s31 =	sor.u32 $0x1C20, s25;
	[tilespmem:s30+$0x10000] =	vst v0  }
0x140: {  	v0 =	vld [tilespmem:s31+$0x10000]  }
0x141: {  	v58 =	vld [tilespmem:s31+$0x0];
	_ =	sdelay $0x4  }
0x142: {  	v0 =	vadd.f32 v58, v0;
	_ =	sdelay $0x1  }
0x143: {  	s26 =	sor.u32 $0x1C30, s25;
	[tilespmem:s31+$0x10000] =	vst v0  }
0x144: {  	v0 =	vld [tilespmem:s26+$0x10000]  }
0x145: {  	v59 =	vld [tilespmem:s26+$0x0];
	_ =	sdelay $0x4  }
0x146: {  	v0 =	vadd.f32 v59, v0;
	_ =	sdelay $0x1  }
0x147: {  	s28 =	sor.u32 $0x1C40, s25;
	[tilespmem:s26+$0x10000] =	vst v0  }
0x148: {  	v0 =	vld [tilespmem:s28+$0x10000]  }
0x149: {  	v60 =	vld [tilespmem:s28+$0x0];
	_ =	sdelay $0x4  }
0x14a: {  	v0 =	vadd.f32 v60, v0;
	_ =	sdelay $0x1  }
0x14b: {  	s29 =	sor.u32 $0x1C50, s25;
	[tilespmem:s28+$0x10000] =	vst v0  }
0x14c: {  	v0 =	vld [tilespmem:s29+$0x10000]  }
0x14d: {  	v61 =	vld [tilespmem:s29+$0x0];
	_ =	sdelay $0x4  }
0x14e: {  	v0 =	vadd.f32 v61, v0;
	_ =	sdelay $0x1  }
0x14f: {  	s30 =	sor.u32 $0x1C60, s25;
	[tilespmem:s29+$0x10000] =	vst v0  }
0x150: {  	v0 =	vld [tilespmem:s30+$0x10000]  }
0x151: {  	v62 =	vld [tilespmem:s30+$0x0];
	_ =	sdelay $0x4  }
0x152: {  	v0 =	vadd.f32 v62, v0;
	_ =	sdelay $0x1  }
0x153: {  	s31 =	sor.u32 $0x1C70, s25;
	[tilespmem:s30+$0x10000] =	vst v0  }
0x154: {  	v0 =	vld [tilespmem:s31+$0x10000]  }
0x155: {  	v63 =	vld [tilespmem:s31+$0x0];
	_ =	sdelay $0x1  }
0x156: {  	p0 =	sne.s32 s23, $0xF80  }
.Ltmp1:
0x157: {  	_ = 	snop;
	(pc) =	sbr.rel @p0 .LBB2_5-.Ltmp1, $4  }
0x158: {  	_ = 	snop  }
0x159: {  	v0 =	vadd.f32 v63, v0  }
0x15a: {  	s20 =	sadd.s32 $0x1, s20  }
0x15b: {  	s21 =	sadd.s32 $0x400, s21;
	s23 =	sadd.s32 $0x80, s23;
	s22 =	sadd.s32 $0x400, s22;
	[tilespmem:s31+$0x10000] =	vst v0  }
0x15c: {  	s20 =	sadd.s32 s3, s19;
	s19 =	simm.s32 $0x0  }
0x15d: {  	[hbm4b:s20+s19] =	stream.linear.scatter [tilespmem:s10], [sflag:$0x4], $0x8000, $0x38;
	[tilespmem:$0x18000] =	vst v63  }
0x15e: {  	_ =	swait.ge [sflag:s14], $0x8000  }
0x15f: {  	s17 =	sor.u32 $0x300000, s17;
	[sflag:s14] =	ssyncset.done $0x0  }
0x160: {  	s31 =	sadd.s32 s1, s17;
	[sflag:s14] =	ssyncadd.s32 $0xFFFF8000  }
0x161: {  	[tilespmem:s10], [sflag:$0x2] =	stream.linear.gather [hbm4b:s31+s19], $0x8000, $0x38;
	[tilespmem:$0x18000] =	vst v63  }
0x162: {  	_ =	swait.ge [sflag:s11], $0x8000  }
0x163: {  	s21 =	simm.s32 $0x0;
	[sflag:s11] =	ssyncset.done $0x0  }
0x164: {  	s22 =	simm.s32 $0x0;
	s20 =	simm.s32 $0xFFFF8000;
	[sflag:s11] =	ssyncadd.s32 $0xFFFF8000  }
.LBB2_7:
0x165: {  	s23 =	sadd.s32 $0x8000, s20  }
0x166: {  	s24 =	sand.u32 $0x380, s22;
	s23 =	sand.u32 $0x6000, s23  }
0x167: {  	s23 =	sor.u32 s24, s23  }
0x168: {  	v0 =	vld [tilespmem:s23+$0x8000]  }
0x169: {  	v1 =	vld [tilespmem:s23+$0x0]  }
0x16a: {  	v2 =	vld [tilespmem:s23+$0x8010]  }
0x16b: {  	v3 =	vld [tilespmem:s23+$0x10]  }
0x16c: {  	v4 =	vld [tilespmem:s23+$0x8020]  }
0x16d: {  	v5 =	vld [tilespmem:s23+$0x20]  }
0x16e: {  	v6 =	vld [tilespmem:s23+$0x8030]  }
0x16f: {  	v7 =	vld [tilespmem:s23+$0x30]  }
0x170: {  	v8 =	vld [tilespmem:s23+$0x8040]  }
0x171: {  	v9 =	vld [tilespmem:s23+$0x40]  }
0x172: {  	v10 =	vld [tilespmem:s23+$0x8050]  }
0x173: {  	v11 =	vld [tilespmem:s23+$0x50]  }
0x174: {  	v12 =	vld [tilespmem:s23+$0x8060]  }
0x175: {  	v13 =	vld [tilespmem:s23+$0x60]  }
0x176: {  	v14 =	vld [tilespmem:s23+$0x8070]  }
0x177: {  	v15 =	vld [tilespmem:s23+$0x70]  }
0x178: {  	v16 =	vld [tilespmem:s23+$0x8400]  }
0x179: {  	v17 =	vld [tilespmem:s23+$0x400]  }
0x17a: {  	v18 =	vld [tilespmem:s23+$0x8410]  }
0x17b: {  	v19 =	vld [tilespmem:s23+$0x410]  }
0x17c: {  	v20 =	vld [tilespmem:s23+$0x8420]  }
0x17d: {  	v21 =	vld [tilespmem:s23+$0x420]  }
0x17e: {  	v22 =	vld [tilespmem:s23+$0x8430]  }
0x17f: {  	v23 =	vld [tilespmem:s23+$0x430]  }
0x180: {  	v24 =	vld [tilespmem:s23+$0x8440]  }
0x181: {  	v25 =	vld [tilespmem:s23+$0x440]  }
0x182: {  	v26 =	vld [tilespmem:s23+$0x8450]  }
0x183: {  	v27 =	vld [tilespmem:s23+$0x450]  }
0x184: {  	v28 =	vld [tilespmem:s23+$0x8460]  }
0x185: {  	v29 =	vld [tilespmem:s23+$0x460]  }
0x186: {  	v30 =	vld [tilespmem:s23+$0x8470]  }
0x187: {  	v31 =	vld [tilespmem:s23+$0x470]  }
0x188: {  	v32 =	vld [tilespmem:s23+$0x8800]  }
0x189: {  	v33 =	vld [tilespmem:s23+$0x800]  }
0x18a: {  	v34 =	vld [tilespmem:s23+$0x8810]  }
0x18b: {  	v35 =	vld [tilespmem:s23+$0x810]  }
0x18c: {  	v36 =	vld [tilespmem:s23+$0x8820]  }
0x18d: {  	v37 =	vld [tilespmem:s23+$0x820]  }
0x18e: {  	v38 =	vld [tilespmem:s23+$0x8830]  }
0x18f: {  	v39 =	vld [tilespmem:s23+$0x830]  }
0x190: {  	v40 =	vld [tilespmem:s23+$0x8840]  }
0x191: {  	v41 =	vld [tilespmem:s23+$0x840]  }
0x192: {  	v42 =	vld [tilespmem:s23+$0x8850]  }
0x193: {  	v43 =	vld [tilespmem:s23+$0x850]  }
0x194: {  	v44 =	vld [tilespmem:s23+$0x8860]  }
0x195: {  	v45 =	vld [tilespmem:s23+$0x860]  }
0x196: {  	v46 =	vld [tilespmem:s23+$0x8870]  }
0x197: {  	v47 =	vld [tilespmem:s23+$0x870]  }
0x198: {  	v48 =	vld [tilespmem:s23+$0x8C00]  }
0x199: {  	v49 =	vld [tilespmem:s23+$0xC00]  }
0x19a: {  	v50 =	vld [tilespmem:s23+$0x8C10]  }
0x19b: {  	v51 =	vld [tilespmem:s23+$0xC10]  }
0x19c: {  	v52 =	vld [tilespmem:s23+$0x8C20]  }
0x19d: {  	v53 =	vld [tilespmem:s23+$0xC20]  }
0x19e: {  	v54 =	vld [tilespmem:s23+$0x8C30]  }
0x19f: {  	v55 =	vld [tilespmem:s23+$0xC30]  }
0x1a0: {  	v56 =	vld [tilespmem:s23+$0x8C40]  }
0x1a1: {  	v57 =	vld [tilespmem:s23+$0xC40]  }
0x1a2: {  	v58 =	vld [tilespmem:s23+$0x8C50]  }
0x1a3: {  	v59 =	vld [tilespmem:s23+$0xC50]  }
0x1a4: {  	v60 =	vld [tilespmem:s23+$0x8C60]  }
0x1a5: {  	v0 =	vadd.f32 v1, v0;
	v1 =	vld [tilespmem:s23+$0xC60]  }
0x1a6: {  	v2 =	vadd.f32 v3, v2;
	v3 =	vld [tilespmem:s23+$0x8C70]  }
0x1a7: {  	v63 =	vadd.f32 v5, v4;
	v4 =	vld [tilespmem:s23+$0xC70];
	[tilespmem:s23+$0x8000] =	vst v0  }
0x1a8: {  	v61 =	vadd.f32 v7, v6;
	v5 =	vld [tilespmem:s23+$0x9000];
	[tilespmem:s23+$0x8010] =	vst v2  }
0x1a9: {  	v62 =	vadd.f32 v9, v8;
	v6 =	vld [tilespmem:s23+$0x1000];
	[tilespmem:s23+$0x8020] =	vst v63  }
0x1aa: {  	v7 =	vld [tilespmem:s23+$0x9010];
	v13 =	vadd.f32 v13, v12;
	[tilespmem:s23+$0x8030] =	vst v61  }
0x1ab: {  	v8 =	vld [tilespmem:s23+$0x1010];
	v15 =	vadd.f32 v15, v14;
	[tilespmem:s23+$0x8040] =	vst v62  }
0x1ac: {  	v9 =	vld [tilespmem:s23+$0x9020];
	v17 =	vadd.f32 v17, v16;
	[tilespmem:s23+$0x8060] =	vst v13  }
0x1ad: {  	v19 =	vadd.f32 v19, v18;
	v12 =	vld [tilespmem:s23+$0x1030];
	[tilespmem:s23+$0x8070] =	vst v15  }
0x1ae: {  	v21 =	vadd.f32 v21, v20;
	v14 =	vld [tilespmem:s23+$0x1040];
	[tilespmem:s23+$0x8400] =	vst v17  }
0x1af: {  	v23 =	vadd.f32 v23, v22;
	v16 =	vld [tilespmem:s23+$0x1050];
	[tilespmem:s23+$0x8410] =	vst v19  }
0x1b0: {  	v25 =	vadd.f32 v25, v24;
	v20 =	vld [tilespmem:s23+$0x1070];
	[tilespmem:s23+$0x8420] =	vst v21  }
0x1b1: {  	v27 =	vadd.f32 v27, v26;
	v22 =	vld [tilespmem:s23+$0x1400];
	[tilespmem:s23+$0x8430] =	vst v23  }
0x1b2: {  	v29 =	vadd.f32 v29, v28;
	v24 =	vld [tilespmem:s23+$0x1410];
	[tilespmem:s23+$0x8440] =	vst v25  }
0x1b3: {  	v28 =	vadd.f32 v37, v36;
	v37 =	vld [tilespmem:s23+$0x9430];
	[tilespmem:s23+$0x8450] =	vst v27  }
0x1b4: {  	v36 =	vadd.f32 v51, v50;
	v51 =	vld [tilespmem:s23+$0x1460];
	[tilespmem:s23+$0x8460] =	vst v29  }
0x1b5: {  	v63 =	vadd.f32 v11, v10;
	v10 =	vld [tilespmem:s23+$0x1020];
	[tilespmem:s23+$0x8820] =	vst v28  }
0x1b6: {  	v11 =	vld [tilespmem:s23+$0x9030];
	v61 =	vadd.f32 v31, v30;
	[tilespmem:s23+$0x8C10] =	vst v36  }
0x1b7: {  	v13 =	vld [tilespmem:s23+$0x9040];
	v62 =	vadd.f32 v33, v32;
	[tilespmem:s23+$0x8050] =	vst v63  }
0x1b8: {  	v15 =	vld [tilespmem:s23+$0x9050];
	v27 =	vadd.f32 v35, v34;
	[tilespmem:s23+$0x8470] =	vst v61  }
0x1b9: {  	v17 =	vld [tilespmem:s23+$0x9060];
	v29 =	vadd.f32 v39, v38;
	[tilespmem:s23+$0x8800] =	vst v62  }
0x1ba: {  	v19 =	vld [tilespmem:s23+$0x9070];
	v30 =	vadd.f32 v41, v40;
	[tilespmem:s23+$0x8810] =	vst v27  }
0x1bb: {  	v21 =	vld [tilespmem:s23+$0x9400];
	v31 =	vadd.f32 v43, v42;
	[tilespmem:s23+$0x8830] =	vst v29  }
0x1bc: {  	v23 =	vld [tilespmem:s23+$0x9410];
	v32 =	vadd.f32 v45, v44;
	[tilespmem:s23+$0x8840] =	vst v30  }
0x1bd: {  	v33 =	vadd.f32 v47, v46;
	v25 =	vld [tilespmem:s23+$0x9420];
	[tilespmem:s23+$0x8850] =	vst v31  }
0x1be: {  	v34 =	vadd.f32 v49, v48;
	v35 =	vld [tilespmem:s23+$0x1420];
	[tilespmem:s23+$0x8860] =	vst v32  }
0x1bf: {  	v38 =	vadd.f32 v53, v52;
	v39 =	vld [tilespmem:s23+$0x1430];
	[tilespmem:s23+$0x8870] =	vst v33  }
0x1c0: {  	v40 =	vadd.f32 v55, v54;
	v41 =	vld [tilespmem:s23+$0x9440];
	[tilespmem:s23+$0x8C00] =	vst v34  }
0x1c1: {  	v42 =	vadd.f32 v57, v56;
	v43 =	vld [tilespmem:s23+$0x1440];
	[tilespmem:s23+$0x8C20] =	vst v38  }
0x1c2: {  	v44 =	vadd.f32 v59, v58;
	v45 =	vld [tilespmem:s23+$0x9450];
	[tilespmem:s23+$0x8C30] =	vst v40  }
0x1c3: {  	v47 =	vld [tilespmem:s23+$0x1450];
	[tilespmem:s23+$0x8C40] =	vst v42;
	v46 =	vadd.f32 v1, v60  }
0x1c4: {  	v49 =	vld [tilespmem:s23+$0x9460];
	[tilespmem:s23+$0x8C50] =	vst v44;
	v48 =	vadd.f32 v4, v3  }
0x1c5: {  	v53 =	vld [tilespmem:s23+$0x9470];
	v50 =	vadd.f32 v6, v5;
	[tilespmem:s23+$0x8C60] =	vst v46  }
0x1c6: {  	v55 =	vld [tilespmem:s23+$0x1470];
	v52 =	vadd.f32 v8, v7;
	[tilespmem:s23+$0x8C70] =	vst v48  }
0x1c7: {  	v57 =	vld [tilespmem:s23+$0x9800];
	[tilespmem:s23+$0x9000] =	vst v50;
	v54 =	vadd.f32 v10, v9  }
0x1c8: {  	v59 =	vld [tilespmem:s23+$0x1800];
	[tilespmem:s23+$0x9010] =	vst v52;
	v56 =	vadd.f32 v12, v11  }
0x1c9: {  	v36 =	vld [tilespmem:s23+$0x1830];
	v58 =	vadd.f32 v14, v13;
	[tilespmem:s23+$0x9020] =	vst v54  }
0x1ca: {  	v63 =	vld [tilespmem:s23+$0x1060];
	v60 =	vadd.f32 v16, v15;
	[tilespmem:s23+$0x9030] =	vst v56  }
0x1cb: {  	v61 =	vld [tilespmem:s23+$0x9810];
	v19 =	vadd.f32 v20, v19;
	[tilespmem:s23+$0x9040] =	vst v58  }
0x1cc: {  	v32 =	vld [tilespmem:s23+$0x1820];
	v22 =	vadd.f32 v22, v21;
	[tilespmem:s23+$0x9050] =	vst v60  }
0x1cd: {  	v34 =	vld [tilespmem:s23+$0x9830];
	v33 =	vadd.f32 v24, v23;
	[tilespmem:s23+$0x9070] =	vst v19  }
0x1ce: {  	v38 =	vld [tilespmem:s23+$0x9840];
	v35 =	vadd.f32 v35, v25;
	[tilespmem:s23+$0x9400] =	vst v22  }
0x1cf: {  	v40 =	vld [tilespmem:s23+$0x9850];
	v37 =	vadd.f32 v39, v37;
	[tilespmem:s23+$0x9410] =	vst v33  }
0x1d0: {  	v20 =	vld [tilespmem:s23+$0x9820];
	v39 =	vadd.f32 v43, v41;
	[tilespmem:s23+$0x9420] =	vst v35  }
0x1d1: {  	v1 =	vadd.f32 v47, v45;
	v41 =	vld [tilespmem:s23+$0x1850];
	[tilespmem:s23+$0x9430] =	vst v37  }
0x1d2: {  	v42 =	vadd.f32 v51, v49;
	v43 =	vld [tilespmem:s23+$0x9860];
	[tilespmem:s23+$0x9440] =	vst v39  }
0x1d3: {  	v44 =	vadd.f32 v55, v53;
	v45 =	vld [tilespmem:s23+$0x1860];
	[tilespmem:s23+$0x9450] =	vst v1  }
0x1d4: {  	v46 =	vadd.f32 v59, v57;
	v47 =	vld [tilespmem:s23+$0x9870];
	[tilespmem:s23+$0x9460] =	vst v42  }
0x1d5: {  	v49 =	vld [tilespmem:s23+$0x1870];
	v62 =	vadd.f32 v63, v17;
	[tilespmem:s23+$0x9470] =	vst v44  }
0x1d6: {  	v63 =	vld [tilespmem:s23+$0x1810];
	[tilespmem:s23+$0x9800] =	vst v46;
	v52 =	vadd.f32 v36, v34  }
0x1d7: {  	v51 =	vld [tilespmem:s23+$0x1840];
	[tilespmem:s23+$0x9060] =	vst v62;
	v50 =	vadd.f32 v32, v20  }
0x1d8: {  	[tilespmem:s23+$0x9830] =	vst v52;
	v53 =	vadd.f32 v41, v40  }
0x1d9: {  	v54 =	vadd.f32 v45, v43;
	[tilespmem:s23+$0x9820] =	vst v50  }
0x1da: {  	s30 =	sand.u32 $0x7, s19;
	v55 =	vadd.f32 v49, v47;
	[tilespmem:s23+$0x9850] =	vst v53  }
0x1db: {  	s24 =	sshll.u32 s30, $0x7;
	v48 =	vadd.f32 v63, v61;
	[tilespmem:s23+$0x9860] =	vst v54  }
0x1dc: {  	s24 =	sadd.s32 s24, s21;
	v56 =	vadd.f32 v51, v38;
	[tilespmem:s23+$0x9870] =	vst v55  }
0x1dd: {  	s25 =	sor.u32 $0x1C00, s24;
	[tilespmem:s23+$0x9810] =	vst v48  }
0x1de: {  	[tilespmem:s23+$0x9840] =	vst v56;
	v0 =	vld [tilespmem:s25+$0x8000]  }
0x1df: {  	v1 =	vld [tilespmem:s25+$0x0];
	_ =	sdelay $0x4  }
0x1e0: {  	v0 =	vadd.f32 v1, v0;
	_ =	sdelay $0x1  }
0x1e1: {  	s31 =	sor.u32 $0x1C10, s24;
	[tilespmem:s25+$0x8000] =	vst v0  }
0x1e2: {  	v0 =	vld [tilespmem:s31+$0x8000]  }
0x1e3: {  	v57 =	vld [tilespmem:s31+$0x0];
	_ =	sdelay $0x4  }
0x1e4: {  	v0 =	vadd.f32 v57, v0;
	_ =	sdelay $0x1  }
0x1e5: {  	s25 =	sor.u32 $0x1C20, s24;
	[tilespmem:s31+$0x8000] =	vst v0  }
0x1e6: {  	v0 =	vld [tilespmem:s25+$0x8000]  }
0x1e7: {  	v58 =	vld [tilespmem:s25+$0x0];
	_ =	sdelay $0x4  }
0x1e8: {  	v0 =	vadd.f32 v58, v0;
	_ =	sdelay $0x1  }
0x1e9: {  	s26 =	sor.u32 $0x1C30, s24;
	[tilespmem:s25+$0x8000] =	vst v0  }
0x1ea: {  	v0 =	vld [tilespmem:s26+$0x8000]  }
0x1eb: {  	v59 =	vld [tilespmem:s26+$0x0];
	_ =	sdelay $0x4  }
0x1ec: {  	v0 =	vadd.f32 v59, v0;
	_ =	sdelay $0x1  }
0x1ed: {  	s28 =	sor.u32 $0x1C40, s24;
	[tilespmem:s26+$0x8000] =	vst v0  }
0x1ee: {  	v0 =	vld [tilespmem:s28+$0x8000]  }
0x1ef: {  	v60 =	vld [tilespmem:s28+$0x0];
	_ =	sdelay $0x4  }
0x1f0: {  	v0 =	vadd.f32 v60, v0;
	_ =	sdelay $0x1  }
0x1f1: {  	s29 =	sor.u32 $0x1C50, s24;
	[tilespmem:s28+$0x8000] =	vst v0  }
0x1f2: {  	v0 =	vld [tilespmem:s29+$0x8000]  }
0x1f3: {  	v61 =	vld [tilespmem:s29+$0x0];
	_ =	sdelay $0x4  }
0x1f4: {  	v0 =	vadd.f32 v61, v0;
	_ =	sdelay $0x1  }
0x1f5: {  	s30 =	sor.u32 $0x1C60, s24;
	[tilespmem:s29+$0x8000] =	vst v0  }
0x1f6: {  	v0 =	vld [tilespmem:s30+$0x8000]  }
0x1f7: {  	v62 =	vld [tilespmem:s30+$0x0];
	_ =	sdelay $0x4  }
0x1f8: {  	v0 =	vadd.f32 v62, v0;
	_ =	sdelay $0x1  }
0x1f9: {  	s31 =	sor.u32 $0x1C70, s24;
	[tilespmem:s30+$0x8000] =	vst v0  }
0x1fa: {  	v0 =	vld [tilespmem:s31+$0x8000]  }
0x1fb: {  	v63 =	vld [tilespmem:s31+$0x0];
	_ =	sdelay $0x1  }
0x1fc: {  	p0 =	sne.s32 s22, $0xF80  }
.Ltmp2:
0x1fd: {  	_ = 	snop;
	(pc) =	sbr.rel @p0 .LBB2_7-.Ltmp2, $4  }
0x1fe: {  	_ = 	snop  }
0x1ff: {  	v0 =	vadd.f32 v63, v0  }
0x200: {  	s19 =	sadd.s32 $0x1, s19  }
0x201: {  	s20 =	sadd.s32 $0x400, s20;
	s22 =	sadd.s32 $0x80, s22;
	s21 =	sadd.s32 $0x400, s21;
	[tilespmem:s31+$0x8000] =	vst v0  }
0x202: {  	s19 =	sadd.s32 s3, s18;
	s18 =	simm.s32 $0x0  }
0x203: {  	[hbm4b:s19+s18] =	stream.linear.scatter [tilespmem:s9], [sflag:$0x3], $0x8000, $0x38;
	[tilespmem:$0x18000] =	vst v63  }
0x204: {  	_ =	swait.ge [sflag:s13], $0x8000  }
0x205: {  	s20 =	simm.s32 $0x0;
	[sflag:s13] =	ssyncset.done $0x0  }
0x206: {  	s21 =	simm.s32 $0x0;
	s19 =	simm.s32 $0xFFFF8000;
	[sflag:s13] =	ssyncadd.s32 $0xFFFF8000  }
.LBB2_9:
0x207: {  	s22 =	sadd.s32 $0x8000, s19  }
0x208: {  	s23 =	sand.u32 $0x380, s21;
	s22 =	sand.u32 $0x6000, s22  }
0x209: {  	s22 =	sor.u32 s23, s22  }
0x20a: {  	v0 =	vld [tilespmem:s22+$0x10000]  }
0x20b: {  	v1 =	vld [tilespmem:s22+$0x0]  }
0x20c: {  	v2 =	vld [tilespmem:s22+$0x10010]  }
0x20d: {  	v3 =	vld [tilespmem:s22+$0x10]  }
0x20e: {  	v4 =	vld [tilespmem:s22+$0x10020]  }
0x20f: {  	v5 =	vld [tilespmem:s22+$0x20]  }
0x210: {  	v6 =	vld [tilespmem:s22+$0x10030]  }
0x211: {  	v7 =	vld [tilespmem:s22+$0x30]  }
0x212: {  	v8 =	vld [tilespmem:s22+$0x10040]  }
0x213: {  	v9 =	vld [tilespmem:s22+$0x40]  }
0x214: {  	v10 =	vld [tilespmem:s22+$0x10050]  }
0x215: {  	v11 =	vld [tilespmem:s22+$0x50]  }
0x216: {  	v12 =	vld [tilespmem:s22+$0x10060]  }
0x217: {  	v13 =	vld [tilespmem:s22+$0x60]  }
0x218: {  	v14 =	vld [tilespmem:s22+$0x10070]  }
0x219: {  	v15 =	vld [tilespmem:s22+$0x70]  }
0x21a: {  	v16 =	vld [tilespmem:s22+$0x10400]  }
0x21b: {  	v17 =	vld [tilespmem:s22+$0x400]  }
0x21c: {  	v18 =	vld [tilespmem:s22+$0x10410]  }
0x21d: {  	v19 =	vld [tilespmem:s22+$0x410]  }
0x21e: {  	v20 =	vld [tilespmem:s22+$0x10420]  }
0x21f: {  	v21 =	vld [tilespmem:s22+$0x420]  }
0x220: {  	v22 =	vld [tilespmem:s22+$0x10430]  }
0x221: {  	v23 =	vld [tilespmem:s22+$0x430]  }
0x222: {  	v24 =	vld [tilespmem:s22+$0x10440]  }
0x223: {  	v25 =	vld [tilespmem:s22+$0x440]  }
0x224: {  	v26 =	vld [tilespmem:s22+$0x10450]  }
0x225: {  	v27 =	vld [tilespmem:s22+$0x450]  }
0x226: {  	v28 =	vld [tilespmem:s22+$0x10460]  }
0x227: {  	v29 =	vld [tilespmem:s22+$0x460]  }
0x228: {  	v30 =	vld [tilespmem:s22+$0x10470]  }
0x229: {  	v31 =	vld [tilespmem:s22+$0x470]  }
0x22a: {  	v32 =	vld [tilespmem:s22+$0x10800]  }
0x22b: {  	v33 =	vld [tilespmem:s22+$0x800]  }
0x22c: {  	v34 =	vld [tilespmem:s22+$0x10810]  }
0x22d: {  	v35 =	vld [tilespmem:s22+$0x810]  }
0x22e: {  	v36 =	vld [tilespmem:s22+$0x10820]  }
0x22f: {  	v37 =	vld [tilespmem:s22+$0x820]  }
0x230: {  	v38 =	vld [tilespmem:s22+$0x10830]  }
0x231: {  	v39 =	vld [tilespmem:s22+$0x830]  }
0x232: {  	v40 =	vld [tilespmem:s22+$0x10840]  }
0x233: {  	v41 =	vld [tilespmem:s22+$0x840]  }
0x234: {  	v42 =	vld [tilespmem:s22+$0x10850]  }
0x235: {  	v43 =	vld [tilespmem:s22+$0x850]  }
0x236: {  	v44 =	vld [tilespmem:s22+$0x10860]  }
0x237: {  	v45 =	vld [tilespmem:s22+$0x860]  }
0x238: {  	v46 =	vld [tilespmem:s22+$0x10870]  }
0x239: {  	v47 =	vld [tilespmem:s22+$0x870]  }
0x23a: {  	v48 =	vld [tilespmem:s22+$0x10C00]  }
0x23b: {  	v49 =	vld [tilespmem:s22+$0xC00]  }
0x23c: {  	v50 =	vld [tilespmem:s22+$0x10C10]  }
0x23d: {  	v51 =	vld [tilespmem:s22+$0xC10]  }
0x23e: {  	v52 =	vld [tilespmem:s22+$0x10C20]  }
0x23f: {  	v53 =	vld [tilespmem:s22+$0xC20]  }
0x240: {  	v54 =	vld [tilespmem:s22+$0x10C30]  }
0x241: {  	v55 =	vld [tilespmem:s22+$0xC30]  }
0x242: {  	v56 =	vld [tilespmem:s22+$0x10C40]  }
0x243: {  	v57 =	vld [tilespmem:s22+$0xC40]  }
0x244: {  	v58 =	vld [tilespmem:s22+$0x10C50]  }
0x245: {  	v59 =	vld [tilespmem:s22+$0xC50]  }
0x246: {  	v60 =	vld [tilespmem:s22+$0x10C60]  }
0x247: {  	v0 =	vadd.f32 v1, v0;
	v1 =	vld [tilespmem:s22+$0xC60]  }
0x248: {  	v2 =	vadd.f32 v3, v2;
	v3 =	vld [tilespmem:s22+$0x10C70]  }
0x249: {  	v63 =	vadd.f32 v5, v4;
	v4 =	vld [tilespmem:s22+$0xC70];
	[tilespmem:s22+$0x10000] =	vst v0  }
0x24a: {  	v61 =	vadd.f32 v7, v6;
	v5 =	vld [tilespmem:s22+$0x11000];
	[tilespmem:s22+$0x10010] =	vst v2  }
0x24b: {  	v62 =	vadd.f32 v9, v8;
	v6 =	vld [tilespmem:s22+$0x1000];
	[tilespmem:s22+$0x10020] =	vst v63  }
0x24c: {  	v7 =	vld [tilespmem:s22+$0x11010];
	v13 =	vadd.f32 v13, v12;
	[tilespmem:s22+$0x10030] =	vst v61  }
0x24d: {  	v8 =	vld [tilespmem:s22+$0x1010];
	v15 =	vadd.f32 v15, v14;
	[tilespmem:s22+$0x10040] =	vst v62  }
0x24e: {  	v9 =	vld [tilespmem:s22+$0x11020];
	v17 =	vadd.f32 v17, v16;
	[tilespmem:s22+$0x10060] =	vst v13  }
0x24f: {  	v19 =	vadd.f32 v19, v18;
	v12 =	vld [tilespmem:s22+$0x1030];
	[tilespmem:s22+$0x10070] =	vst v15  }
0x250: {  	v21 =	vadd.f32 v21, v20;
	v14 =	vld [tilespmem:s22+$0x1040];
	[tilespmem:s22+$0x10400] =	vst v17  }
0x251: {  	v23 =	vadd.f32 v23, v22;
	v16 =	vld [tilespmem:s22+$0x1050];
	[tilespmem:s22+$0x10410] =	vst v19  }
0x252: {  	v25 =	vadd.f32 v25, v24;
	v20 =	vld [tilespmem:s22+$0x1070];
	[tilespmem:s22+$0x10420] =	vst v21  }
0x253: {  	v27 =	vadd.f32 v27, v26;
	v22 =	vld [tilespmem:s22+$0x1400];
	[tilespmem:s22+$0x10430] =	vst v23  }
0x254: {  	v29 =	vadd.f32 v29, v28;
	v24 =	vld [tilespmem:s22+$0x1410];
	[tilespmem:s22+$0x10440] =	vst v25  }
0x255: {  	v28 =	vadd.f32 v37, v36;
	v37 =	vld [tilespmem:s22+$0x11430];
	[tilespmem:s22+$0x10450] =	vst v27  }
0x256: {  	v36 =	vadd.f32 v51, v50;
	v51 =	vld [tilespmem:s22+$0x1460];
	[tilespmem:s22+$0x10460] =	vst v29  }
0x257: {  	v63 =	vadd.f32 v11, v10;
	v10 =	vld [tilespmem:s22+$0x1020];
	[tilespmem:s22+$0x10820] =	vst v28  }
0x258: {  	v11 =	vld [tilespmem:s22+$0x11030];
	v61 =	vadd.f32 v31, v30;
	[tilespmem:s22+$0x10C10] =	vst v36  }
0x259: {  	v13 =	vld [tilespmem:s22+$0x11040];
	v62 =	vadd.f32 v33, v32;
	[tilespmem:s22+$0x10050] =	vst v63  }
0x25a: {  	v15 =	vld [tilespmem:s22+$0x11050];
	v27 =	vadd.f32 v35, v34;
	[tilespmem:s22+$0x10470] =	vst v61  }
0x25b: {  	v17 =	vld [tilespmem:s22+$0x11060];
	v29 =	vadd.f32 v39, v38;
	[tilespmem:s22+$0x10800] =	vst v62  }
0x25c: {  	v19 =	vld [tilespmem:s22+$0x11070];
	v30 =	vadd.f32 v41, v40;
	[tilespmem:s22+$0x10810] =	vst v27  }
0x25d: {  	v21 =	vld [tilespmem:s22+$0x11400];
	v31 =	vadd.f32 v43, v42;
	[tilespmem:s22+$0x10830] =	vst v29  }
0x25e: {  	v23 =	vld [tilespmem:s22+$0x11410];
	v32 =	vadd.f32 v45, v44;
	[tilespmem:s22+$0x10840] =	vst v30  }
0x25f: {  	v33 =	vadd.f32 v47, v46;
	v25 =	vld [tilespmem:s22+$0x11420];
	[tilespmem:s22+$0x10850] =	vst v31  }
0x260: {  	v34 =	vadd.f32 v49, v48;
	v35 =	vld [tilespmem:s22+$0x1420];
	[tilespmem:s22+$0x10860] =	vst v32  }
0x261: {  	v38 =	vadd.f32 v53, v52;
	v39 =	vld [tilespmem:s22+$0x1430];
	[tilespmem:s22+$0x10870] =	vst v33  }
0x262: {  	v40 =	vadd.f32 v55, v54;
	v41 =	vld [tilespmem:s22+$0x11440];
	[tilespmem:s22+$0x10C00] =	vst v34  }
0x263: {  	v42 =	vadd.f32 v57, v56;
	v43 =	vld [tilespmem:s22+$0x1440];
	[tilespmem:s22+$0x10C20] =	vst v38  }
0x264: {  	v44 =	vadd.f32 v59, v58;
	v45 =	vld [tilespmem:s22+$0x11450];
	[tilespmem:s22+$0x10C30] =	vst v40  }
0x265: {  	v47 =	vld [tilespmem:s22+$0x1450];
	[tilespmem:s22+$0x10C40] =	vst v42;
	v46 =	vadd.f32 v1, v60  }
0x266: {  	v49 =	vld [tilespmem:s22+$0x11460];
	[tilespmem:s22+$0x10C50] =	vst v44;
	v48 =	vadd.f32 v4, v3  }
0x267: {  	v53 =	vld [tilespmem:s22+$0x11470];
	v50 =	vadd.f32 v6, v5;
	[tilespmem:s22+$0x10C60] =	vst v46  }
0x268: {  	v55 =	vld [tilespmem:s22+$0x1470];
	v52 =	vadd.f32 v8, v7;
	[tilespmem:s22+$0x10C70] =	vst v48  }
0x269: {  	v57 =	vld [tilespmem:s22+$0x11800];
	[tilespmem:s22+$0x11000] =	vst v50;
	v54 =	vadd.f32 v10, v9  }
0x26a: {  	v59 =	vld [tilespmem:s22+$0x1800];
	[tilespmem:s22+$0x11010] =	vst v52;
	v56 =	vadd.f32 v12, v11  }
0x26b: {  	v36 =	vld [tilespmem:s22+$0x1830];
	v58 =	vadd.f32 v14, v13;
	[tilespmem:s22+$0x11020] =	vst v54  }
0x26c: {  	v63 =	vld [tilespmem:s22+$0x1060];
	v60 =	vadd.f32 v16, v15;
	[tilespmem:s22+$0x11030] =	vst v56  }
0x26d: {  	v61 =	vld [tilespmem:s22+$0x11810];
	v19 =	vadd.f32 v20, v19;
	[tilespmem:s22+$0x11040] =	vst v58  }
0x26e: {  	v32 =	vld [tilespmem:s22+$0x1820];
	v22 =	vadd.f32 v22, v21;
	[tilespmem:s22+$0x11050] =	vst v60  }
0x26f: {  	v34 =	vld [tilespmem:s22+$0x11830];
	v33 =	vadd.f32 v24, v23;
	[tilespmem:s22+$0x11070] =	vst v19  }
0x270: {  	v38 =	vld [tilespmem:s22+$0x11840];
	v35 =	vadd.f32 v35, v25;
	[tilespmem:s22+$0x11400] =	vst v22  }
0x271: {  	v40 =	vld [tilespmem:s22+$0x11850];
	v37 =	vadd.f32 v39, v37;
	[tilespmem:s22+$0x11410] =	vst v33  }
0x272: {  	v20 =	vld [tilespmem:s22+$0x11820];
	v39 =	vadd.f32 v43, v41;
	[tilespmem:s22+$0x11420] =	vst v35  }
0x273: {  	v1 =	vadd.f32 v47, v45;
	v41 =	vld [tilespmem:s22+$0x1850];
	[tilespmem:s22+$0x11430] =	vst v37  }
0x274: {  	v42 =	vadd.f32 v51, v49;
	v43 =	vld [tilespmem:s22+$0x11860];
	[tilespmem:s22+$0x11440] =	vst v39  }
0x275: {  	v44 =	vadd.f32 v55, v53;
	v45 =	vld [tilespmem:s22+$0x1860];
	[tilespmem:s22+$0x11450] =	vst v1  }
0x276: {  	v46 =	vadd.f32 v59, v57;
	v47 =	vld [tilespmem:s22+$0x11870];
	[tilespmem:s22+$0x11460] =	vst v42  }
0x277: {  	v49 =	vld [tilespmem:s22+$0x1870];
	v62 =	vadd.f32 v63, v17;
	[tilespmem:s22+$0x11470] =	vst v44  }
0x278: {  	v63 =	vld [tilespmem:s22+$0x1810];
	[tilespmem:s22+$0x11800] =	vst v46;
	v52 =	vadd.f32 v36, v34  }
0x279: {  	v51 =	vld [tilespmem:s22+$0x1840];
	[tilespmem:s22+$0x11060] =	vst v62;
	v50 =	vadd.f32 v32, v20  }
0x27a: {  	[tilespmem:s22+$0x11830] =	vst v52;
	v53 =	vadd.f32 v41, v40  }
0x27b: {  	v54 =	vadd.f32 v45, v43;
	[tilespmem:s22+$0x11820] =	vst v50  }
0x27c: {  	s31 =	sand.u32 $0x7, s18;
	v55 =	vadd.f32 v49, v47;
	[tilespmem:s22+$0x11850] =	vst v53  }
0x27d: {  	s23 =	sshll.u32 s31, $0x7;
	v48 =	vadd.f32 v63, v61;
	[tilespmem:s22+$0x11860] =	vst v54  }
0x27e: {  	s23 =	sadd.s32 s23, s20;
	v56 =	vadd.f32 v51, v38;
	[tilespmem:s22+$0x11870] =	vst v55  }
0x27f: {  	s24 =	sor.u32 $0x1C00, s23;
	[tilespmem:s22+$0x11810] =	vst v48  }
0x280: {  	[tilespmem:s22+$0x11840] =	vst v56;
	v0 =	vld [tilespmem:s24+$0x10000]  }
0x281: {  	v1 =	vld [tilespmem:s24+$0x0];
	_ =	sdelay $0x4  }
0x282: {  	v0 =	vadd.f32 v1, v0;
	_ =	sdelay $0x1  }
0x283: {  	[tilespmem:s24+$0x10000] =	vst v0;
	s24 =	sor.u32 $0x1C10, s23  }
0x284: {  	v0 =	vld [tilespmem:s24+$0x10000]  }
0x285: {  	v57 =	vld [tilespmem:s24+$0x0];
	_ =	sdelay $0x4  }
0x286: {  	v0 =	vadd.f32 v57, v0;
	_ =	sdelay $0x1  }
0x287: {  	s25 =	sor.u32 $0x1C20, s23;
	[tilespmem:s24+$0x10000] =	vst v0  }
0x288: {  	v0 =	vld [tilespmem:s25+$0x10000]  }
0x289: {  	v58 =	vld [tilespmem:s25+$0x0];
	_ =	sdelay $0x4  }
0x28a: {  	v0 =	vadd.f32 v58, v0;
	_ =	sdelay $0x1  }
0x28b: {  	s26 =	sor.u32 $0x1C30, s23;
	[tilespmem:s25+$0x10000] =	vst v0  }
0x28c: {  	v0 =	vld [tilespmem:s26+$0x10000]  }
0x28d: {  	v59 =	vld [tilespmem:s26+$0x0];
	_ =	sdelay $0x4  }
0x28e: {  	v0 =	vadd.f32 v59, v0;
	_ =	sdelay $0x1  }
0x28f: {  	s28 =	sor.u32 $0x1C40, s23;
	[tilespmem:s26+$0x10000] =	vst v0  }
0x290: {  	v0 =	vld [tilespmem:s28+$0x10000]  }
0x291: {  	v60 =	vld [tilespmem:s28+$0x0];
	_ =	sdelay $0x4  }
0x292: {  	v0 =	vadd.f32 v60, v0;
	_ =	sdelay $0x1  }
0x293: {  	s29 =	sor.u32 $0x1C50, s23;
	[tilespmem:s28+$0x10000] =	vst v0  }
0x294: {  	v0 =	vld [tilespmem:s29+$0x10000]  }
0x295: {  	v61 =	vld [tilespmem:s29+$0x0];
	_ =	sdelay $0x4  }
0x296: {  	v0 =	vadd.f32 v61, v0;
	_ =	sdelay $0x1  }
0x297: {  	s30 =	sor.u32 $0x1C60, s23;
	[tilespmem:s29+$0x10000] =	vst v0  }
0x298: {  	v0 =	vld [tilespmem:s30+$0x10000]  }
0x299: {  	v62 =	vld [tilespmem:s30+$0x0];
	_ =	sdelay $0x4  }
0x29a: {  	v0 =	vadd.f32 v62, v0;
	_ =	sdelay $0x1  }
0x29b: {  	s31 =	sor.u32 $0x1C70, s23;
	[tilespmem:s30+$0x10000] =	vst v0  }
0x29c: {  	v0 =	vld [tilespmem:s31+$0x10000]  }
0x29d: {  	v63 =	vld [tilespmem:s31+$0x0];
	_ =	sdelay $0x1  }
0x29e: {  	p0 =	sne.s32 s21, $0xF80  }
.Ltmp3:
0x29f: {  	_ = 	snop;
	(pc) =	sbr.rel @p0 .LBB2_9-.Ltmp3, $4  }
0x2a0: {  	_ = 	snop  }
0x2a1: {  	v0 =	vadd.f32 v63, v0  }
0x2a2: {  	s18 =	sadd.s32 $0x1, s18  }
0x2a3: {  	s19 =	sadd.s32 $0x400, s19;
	s21 =	sadd.s32 $0x80, s21;
	s20 =	sadd.s32 $0x400, s20;
	[tilespmem:s31+$0x10000] =	vst v0  }
0x2a4: {  	s17 =	sadd.s32 s3, s17;
	s16 =	sadd.s32 $0x1, s16  }
0x2a5: {  	[hbm4b:s17+s5] =	stream.linear.scatter [tilespmem:s10], [sflag:$0x4], $0x8000, $0x38;
	[tilespmem:$0x18000] =	vst v63  }
0x2a6: {  	p0 =	sne.s32 s16, $0x8;
	_ =	swait.ge [sflag:s12], $0x8000  }
.Ltmp4:
0x2a7: {  	[sflag:s12] =	ssyncset.done $0x0;
	(pc) =	sbr.rel @p0 .LBB2_2-.Ltmp4, $4  }
0x2a8: {  	[sflag:s12] =	ssyncadd.s32 $0xFFFF8000  }
0x2a9: {  	_ =	swait.ge [sflag:s14], $0x8000  }
0x2aa: {  	[sflag:s14] =	ssyncset.done $0x0  }
0x2ab: {  	[sflag:s14] =	ssyncadd.s32 $0xFFFF8000  }
0x2ac: {  	s15 =	sadd.s32 $0x1, s15  }
0x2ad: {  	p0 =	sne.s32 s15, s7  }
.Ltmp5:
0x2ae: {  	_ = 	snop;
	(pc) =	sbr.rel @p0 .LBB2_1-.Ltmp5, $1  }
0x2af: {  	_ =	sdelay $0x3  }
0x2b0: {  	_ =	sfence.sel $0x180000  }
0x2b1: {  	[bflag:$0x0] =	sbarrier.arrive $0xFFFF  }
0x2b2: {  	p0 =	sne.s32 s4, $0x0;
	_ =	strace $0x90000047  }
0x2b3: {  	s0 =	sadd.s32 @!p0 $0x100000, s0;
	[bflag:$0x2] =	sbarrier.arrive $0xFFFF  }
0x2b4: {  	[sflag:s0] =	ssyncadd.tile.s32 @!p0 $0x1;
	_ =	shalt  }
.Lfunc_end2:
_tile_overlayer_lowered:
.L_overlay_start_2:
0x2b5: {  	(tag) =	ssettag $0x2  }
0x2b6: {  	s0 =	rddreg [dreg:$0x0];
	s2 =	stileid.u32  }
0x2b7: {  	s1 =	rddreg [dreg:$0x1];
	p0 =	sne.s32 s2, $0x0  }
0x2b8: {  	s3 =	rddreg [dreg:$0x2];
	[bflag:$0x3] =	sbarrier.arrive $0xFFFF;
	s2 =	simm.s32 @!p0 $0x1C05  }
0x2b9: {  	[timem:s3], [sflag:s2] =	dma.local @!p0 [hbm:s0], s1  }
0x2ba: {  	s0 =	simm.s32 @!p0 $0x5  }
0x2bb: {  	_ =	swait.ge @!p0 [sflag:s0], s1  }
0x2bc: {  	s1 =	ssub.s32 @!p0 $0x0, s1;
	[sflag:s0] =	ssyncset.done @!p0 $0x0  }
0x2bd: {  	[sflag:s0] =	ssyncadd.s32 @!p0 s1  }
0x2be: {  	[bflag:$0x3] =	sbarrier.arrive $0xFFFF  }
0x2bf: {  	_ =	shalt  }

</sc_bundles>
